<compile_context>
chip_gen: v7x
topology: tpu7x:2x2x1
jax: 0.10.2.dev20260603
libtpu: 0.0.44.dev20260713+nightly
codegen_flags: <defaults>
</compile_context>

<pallas_src>
import functools

import jax
import jax.numpy as jnp
from jax import lax
from jax.experimental import pallas as pl
from jax.experimental.pallas import tpu as pltpu
from jax.experimental.pallas import tpu_sc as plsc

M = 8192
D = 8192
B = 1024
L = 16
NC = 2
NS = 16
NW = NC * NS
RPW = B // NW
GROUP = 4
NGROUP = RPW // GROUP
NBUF = 3

_mesh = plsc.VectorSubcoreMesh(core_axis_name="c", subcore_axis_name="s")


def _dyn_gather(x, idx):
    dnums = lax.GatherDimensionNumbers(
        offset_dims=(), collapsed_slice_dims=(0,), start_index_map=(0,))
    return lax.gather(x, idx[:, None], dnums, slice_sizes=(1,),
                      mode=lax.GatherScatterMode.PROMISE_IN_BOUNDS)


@functools.partial(
    pl.kernel,
    mesh=_mesh,
    out_type=jax.ShapeDtypeStruct((B, D), jnp.float32),
    scratch_types=[
        pltpu.VMEM((RPW,), jnp.int32),
        pltpu.VMEM((B,), jnp.int32),
        pltpu.VMEM((M,), jnp.int32),
        pltpu.VMEM((GROUP, D), jnp.float32),
        pltpu.VMEM((GROUP, D), jnp.float32),
        pltpu.VMEM((GROUP, D), jnp.float32),
        pltpu.SemaphoreType.DMA,
        pltpu.SemaphoreType.DMA,
        pltpu.SemaphoreType.DMA,
        pltpu.SemaphoreType.DMA,
        pltpu.SemaphoreType.DMA,
        pltpu.SemaphoreType.DMA,
    ],
    compiler_params=pltpu.CompilerParams(needs_layout_passes=False),
)
def _blind_memory_sc(mem_hbm, wval_hbm, widx_hbm, ridx_hbm, out_hbm,
                     ridx_v, widx_v, slot_v, buf0, buf1, buf2,
                     ldsem0, ldsem1, ldsem2, wbsem0, wbsem1, wbsem2):
    wid = lax.axis_index("s") * NC + lax.axis_index("c")
    base = wid * RPW

    pltpu.sync_copy(ridx_hbm.at[pl.ds(base, RPW)], ridx_v)
    pltpu.sync_copy(widx_hbm, widx_v)

    iota = lax.iota(jnp.int32, L)
    neg1 = jnp.full((L,), -1, jnp.int32)

    def init_body(i, carry):
        for u in range(4):
            slot_v[pl.ds(i * (4 * L) + u * L, L)] = neg1
        return carry

    lax.fori_loop(0, M // (4 * L), init_body, 0)

    def scat_body(w, carry):
        wvec = widx_v[pl.ds(w * L, L)]
        jv = iota + w * L
        maxj = jv
        for s in (1, 2, 4, 8):
            ridx = jnp.bitwise_and(iota + s, L - 1)
            rot_w = _dyn_gather(wvec, ridx)
            rot_m = _dyn_gather(maxj, ridx)
            maxj = jnp.where(rot_w == wvec, jnp.maximum(maxj, rot_m), maxj)
        keep = jv == maxj
        plsc.store_scatter(slot_v, [wvec], jv, mask=keep)
        return carry

    lax.fori_loop(0, B // L, scat_body, 0)

    rvec0 = ridx_v[pl.ds(0, L)]
    rvec1 = ridx_v[pl.ds(L, L)]
    jst0 = plsc.load_gather(slot_v, [rvec0])
    jst1 = plsc.load_gather(slot_v, [rvec1])

    NEG = jnp.int32(-(2 ** 31))

    def lane_scalar(vec, lane):
        return jnp.max(jnp.where(iota == lane, vec, NEG))

    bufs = (buf0, buf1, buf2)
    ldsems = (ldsem0, ldsem1, ldsem2)
    wbsems = (wbsem0, wbsem1, wbsem2)

    def fire_loads(g):
        buf, sem = bufs[g % NBUF], ldsems[g % NBUF]
        for r in range(GROUP):
            i = g * GROUP + r
            vj = jst0 if i < L else jst1
            vr = rvec0 if i < L else rvec1
            lane = i % L
            sj = lane_scalar(vj, lane)
            sr = lane_scalar(vr, lane)

            @pl.when(sj >= 0)
            def _():
                pltpu.async_copy(wval_hbm.at[pl.ds(sj, 1)],
                                 buf.at[pl.ds(r, 1)], sem)

            @pl.when(sj < 0)
            def _():
                pltpu.async_copy(mem_hbm.at[pl.ds(sr, 1)],
                                 buf.at[pl.ds(r, 1)], sem)

    for g in range(NBUF - 1):
        fire_loads(g)
    for g in range(NGROUP):
        nbuf = g % NBUF
        buf = bufs[nbuf]
        if g + NBUF - 1 < NGROUP:
            nxt = (g + NBUF - 1) % NBUF
            if g >= 1:
                pltpu.make_async_copy(out_hbm.at[pl.ds(0, GROUP)],
                                      bufs[nxt], wbsems[nxt]).wait()
            fire_loads(g + NBUF - 1)
        pltpu.make_async_copy(mem_hbm.at[pl.ds(0, GROUP)], buf,
                              ldsems[nbuf]).wait()
        pltpu.async_copy(buf, out_hbm.at[pl.ds(base + g * GROUP, GROUP)],
                         wbsems[nbuf])

    for k in range(min(NBUF, NGROUP)):
        nbuf = (NGROUP - 1 - k) % NBUF
        pltpu.make_async_copy(out_hbm.at[pl.ds(0, GROUP)], bufs[nbuf],
                              wbsems[nbuf]).wait()


def kernel(memory, write_val, write_idx, read_idx):
    return _blind_memory_sc(memory, write_val, write_idx, read_idx)

# --- scband reference (transcript-rebuilt; emitter-appended) ---
"""Pipeline reference for scband-blind-memory-60911226192212 (READ-ONLY COPY).

The authoritative reference and input builder live on the scoring server;
editing this copy changes nothing except your own understanding.
"""

import jax, jax.numpy as jnp
import numpy as np

M = 8192  # memory_size[0]: number of slots
D = 8192  # memory_size[1]: slot width == number of binary keys
B = 1024  # number of keys read/written per call


def setup_inputs(seed: int = 0) -> dict:
    key = jax.random.key(seed)
    k1, k2, k3 = jax.random.split(key, 3)
    # initial_state = torch.ones(memory_size) * 1e-06; dict maps binary keys -> rows.
    # We model the dict-of-binary-string-keys as an index-addressed [M, D] array.
    memory = jnp.ones((M, D), dtype=jnp.float32) * 1e-06
    write_idx = jax.random.randint(k1, (B,), 0, M, dtype=jnp.int32)
    write_val = jax.random.normal(k2, (B, D), dtype=jnp.float32)
    read_idx = jax.random.randint(k3, (B,), 0, M, dtype=jnp.int32)
    return {"memory": memory, "write_val": write_val, "write_idx": write_idx, "read_idx": read_idx}


def reference(memory, write_val, write_idx, read_idx):
    # write(key, value): memory[k] = value[i]  -> scatter-overwrite
    mem = memory.at[write_idx].set(write_val)
    # read(key): stack([memory[k] for k in key]) -> gather rows
    read_value = jnp.take(mem, read_idx, axis=0)
    return read_value

if __name__ == "__main__":
    import jax
    _d = setup_inputs()
    print(jax.jit(kernel)(*tuple(_d.values())))

</pallas_src>

<mosaic_0001>
#map = affine_map<(d0, d1) -> (0, 0)>
#map1 = affine_map<(d0, d1) -> (0)>
module attributes {stable_mosaic.version = 14 : i64} {
  func.func @_blind_memory_sc(%arg0: i32, %arg1: i32, %arg2: memref<8192x8192xf32, #tpu.memory_space<hbm>>, %arg3: memref<1024x8192xf32, #tpu.memory_space<hbm>>, %arg4: memref<1024xi32, #tpu.memory_space<hbm>>, %arg5: memref<1024xi32, #tpu.memory_space<hbm>>, %arg6: memref<1024x8192xf32, #tpu.memory_space<hbm>>, %arg7: memref<32xi32, #tpu.memory_space<vmem>>, %arg8: memref<1024xi32, #tpu.memory_space<vmem>>, %arg9: memref<8192xi32, #tpu.memory_space<vmem>>, %arg10: memref<4x8192xf32, #tpu.memory_space<vmem>>, %arg11: memref<4x8192xf32, #tpu.memory_space<vmem>>, %arg12: memref<4x8192xf32, #tpu.memory_space<vmem>>, %arg13: memref<!tpu.dma_semaphore, #tpu.memory_space<semaphore_mem>>, %arg14: memref<!tpu.dma_semaphore, #tpu.memory_space<semaphore_mem>>, %arg15: memref<!tpu.dma_semaphore, #tpu.memory_space<semaphore_mem>>, %arg16: memref<!tpu.dma_semaphore, #tpu.memory_space<semaphore_mem>>, %arg17: memref<!tpu.dma_semaphore, #tpu.memory_space<semaphore_mem>>, %arg18: memref<!tpu.dma_semaphore, #tpu.memory_space<semaphore_mem>>) attributes {dimension_semantics = [#tpu.dimension_semantics<core_parallel>, #tpu.dimension_semantics<subcore_parallel>], iteration_bounds = array<i64: 2, 16>, scalar_prefetch = 0 : i64, scratch_operands = 12 : i64, tpu.core_type = #tpu.core_type<sc_vector_subcore>, window_params = [{transform_indices = #map}, {transform_indices = #map}, {transform_indices = #map1}, {transform_indices = #map1}, {transform_indices = #map}]} {
    %mul3A = arith.constant 2 : i32
    %mul3A_0 = arith.muli %arg1, %mul3A : i32
    %add3A = arith.addi %mul3A_0, %arg0 : i32
    %mul3A_1 = arith.constant 32 : i32
    %mul3A_2 = arith.muli %add3A, %mul3A_1 : i32
    "tpu.region"() ({
      %run_scoped3A = tpu.sem_alloc : memref<!tpu.dma_semaphore, #tpu.memory_space<semaphore_mem>>
      %dma_start3A_1369 = tpu.memref_slice %arg5[%mul3A_2] : memref<1024xi32, #tpu.memory_space<hbm>> -> memref<32xi32, #tpu.memory_space<hbm>>
      %dma_start3A_1370 = tpu.memref_slice %arg5[%mul3A_2] : memref<1024xi32, #tpu.memory_space<hbm>> -> memref<32xi32, #tpu.memory_space<hbm>>
      tpu.enqueue_dma source(%dma_start3A_1370 : memref<32xi32, #tpu.memory_space<hbm>>) target(%arg7 : memref<32xi32, #tpu.memory_space<vmem>>) target_semaphore(%run_scoped3A : memref<!tpu.dma_semaphore, #tpu.memory_space<semaphore_mem>>)
      %dma_wait3A_1371 = tpu.memref_slice %arg5[%mul3A_2] : memref<1024xi32, #tpu.memory_space<hbm>> -> memref<32xi32, #tpu.memory_space<hbm>>
      %dma_wait3A_1372 = tpu.memref_slice %arg5[%mul3A_2] : memref<1024xi32, #tpu.memory_space<hbm>> -> memref<32xi32, #tpu.memory_space<hbm>>
      tpu.wait_dma2 semaphore(%run_scoped3A : memref<!tpu.dma_semaphore, #tpu.memory_space<semaphore_mem>>) src(%dma_wait3A_1372 : memref<32xi32, #tpu.memory_space<hbm>>) dst(%arg7 : memref<32xi32, #tpu.memory_space<vmem>>)
      tpu.yield
    }) : () -> ()
    "tpu.region"() ({
      %run_scoped3A = tpu.sem_alloc : memref<!tpu.dma_semaphore, #tpu.memory_space<semaphore_mem>>
      tpu.enqueue_dma source(%arg4 : memref<1024xi32, #tpu.memory_space<hbm>>) target(%arg8 : memref<1024xi32, #tpu.memory_space<vmem>>) target_semaphore(%run_scoped3A : memref<!tpu.dma_semaphore, #tpu.memory_space<semaphore_mem>>)
      tpu.wait_dma2 semaphore(%run_scoped3A : memref<!tpu.dma_semaphore, #tpu.memory_space<semaphore_mem>>) src(%arg4 : memref<1024xi32, #tpu.memory_space<hbm>>) dst(%arg8 : memref<1024xi32, #tpu.memory_space<vmem>>)
      tpu.yield
    }) : () -> ()
    %iota3A = tpu.iota {dimensions = array<i32: 0>} : vector<16xi32>
    %broadcast_in_dim3A = arith.constant -1 : i32
    %broadcast_in_dim3A_3 = vector.broadcast %broadcast_in_dim3A : i32 to vector<16xi32>
    %scan3A = arith.constant 0 : i32
    %scan3A_4 = arith.constant 0 : i32
    %scan3A_5 = arith.constant 128 : i32
    %scan3A_6 = arith.addi %scan3A_4, %scan3A_5 : i32
    %scan3A_7 = arith.constant 1 : i32
    scf.for %scan3A_1369 = %scan3A_4 to %scan3A_6 step %scan3A_7  : i32 {
      %mul3A_1370 = arith.constant 64 : i32
      %mul3A_1371 = arith.muli %scan3A_1369, %mul3A_1370 : i32
      %add3A_1372 = arith.constant 0 : i32
      %add3A_1373 = arith.addi %mul3A_1371, %add3A_1372 : i32
      %swap3A = arith.index_cast %add3A_1373 : i32 to index
      %swap3A_1374 = tpu.vector_load %arg9[%swap3A] {strides = array<i32>} : memref<8192xi32, #tpu.memory_space<vmem>>, vector<16xi32>,
      tpu.vector_store %arg9[%swap3A], %broadcast_in_dim3A_3 {strides = array<i32>} : memref<8192xi32, #tpu.memory_space<vmem>>, vector<16xi32>,
      %mul3A_1375 = arith.constant 64 : i32
      %mul3A_1376 = arith.muli %scan3A_1369, %mul3A_1375 : i32
      %add3A_1377 = arith.constant 16 : i32
      %add3A_1378 = arith.addi %mul3A_1376, %add3A_1377 : i32
      %swap3A_1379 = arith.index_cast %add3A_1378 : i32 to index
      %swap3A_1380 = tpu.vector_load %arg9[%swap3A_1379] {strides = array<i32>} : memref<8192xi32, #tpu.memory_space<vmem>>, vector<16xi32>,
      tpu.vector_store %arg9[%swap3A_1379], %broadcast_in_dim3A_3 {strides = array<i32>} : memref<8192xi32, #tpu.memory_space<vmem>>, vector<16xi32>,
      %mul3A_1381 = arith.constant 64 : i32
      %mul3A_1382 = arith.muli %scan3A_1369, %mul3A_1381 : i32
      %add3A_1383 = arith.constant 32 : i32
      %add3A_1384 = arith.addi %mul3A_1382, %add3A_1383 : i32
      %swap3A_1385 = arith.index_cast %add3A_1384 : i32 to index
      %swap3A_1386 = tpu.vector_load %arg9[%swap3A_1385] {strides = array<i32>} : memref<8192xi32, #tpu.memory_space<vmem>>, vector<16xi32>,
      tpu.vector_store %arg9[%swap3A_1385], %broadcast_in_dim3A_3 {strides = array<i32>} : memref<8192xi32, #tpu.memory_space<vmem>>, vector<16xi32>,
      %mul3A_1387 = arith.constant 64 : i32
      %mul3A_1388 = arith.muli %scan3A_1369, %mul3A_1387 : i32
      %add3A_1389 = arith.constant 48 : i32
      %add3A_1390 = arith.addi %mul3A_1388, %add3A_1389 : i32
      %swap3A_1391 = arith.index_cast %add3A_1390 : i32 to index
      %swap3A_1392 = tpu.vector_load %arg9[%swap3A_1391] {strides = array<i32>} : memref<8192xi32, #tpu.memory_space<vmem>>, vector<16xi32>,
      tpu.vector_store %arg9[%swap3A_1391], %broadcast_in_dim3A_3 {strides = array<i32>} : memref<8192xi32, #tpu.memory_space<vmem>>, vector<16xi32>,
    }
    %scan3A_8 = arith.constant 128 : i32
    %scan3A_9 = arith.constant 0 : i32
    %scan3A_10 = arith.constant 0 : i32
    %scan3A_11 = arith.constant 64 : i32
    %scan3A_12 = arith.addi %scan3A_10, %scan3A_11 : i32
    %scan3A_13 = arith.constant 1 : i32
    scf.for %scan3A_1369 = %scan3A_10 to %scan3A_12 step %scan3A_13  : i32 {
      %mul3A_1370 = arith.constant 16 : i32
      %mul3A_1371 = arith.muli %scan3A_1369, %mul3A_1370 : i32
      %get3A_1372 = arith.index_cast %mul3A_1371 : i32 to index
      %get3A_1373 = tpu.vector_load %arg8[%get3A_1372] {strides = array<i32>} : memref<1024xi32, #tpu.memory_space<vmem>>, vector<16xi32>,
      %mul3A_1374 = arith.constant 16 : i32
      %mul3A_1375 = arith.muli %scan3A_1369, %mul3A_1374 : i32
      %add3A_1376 = vector.broadcast %mul3A_1375 : i32 to vector<16xi32>
      %add3A_1377 = arith.addi %iota3A, %add3A_1376 : vector<16xi32>
      %add3A_1378 = arith.constant 1 : i32
      %add3A_1379 = vector.broadcast %add3A_1378 : i32 to vector<16xi32>
      %add3A_1380 = arith.addi %iota3A, %add3A_1379 : vector<16xi32>
      %and3A = arith.constant 15 : i32
      %and3A_1381 = vector.broadcast %and3A : i32 to vector<16xi32>
      %and3A_1382 = arith.andi %add3A_1380, %and3A_1381 : vector<16xi32>
      %broadcast_in_dim3A_1383 = vector.shape_cast %and3A_1382 : vector<16xi32> to vector<16x1xi32>
      %gather3A_1384 = vector.shape_cast %broadcast_in_dim3A_1383 : vector<16x1xi32> to vector<16xi32>
      %gather3A_1385 = tpu.dynamic_gather %get3A_1373[%gather3A_1384] in [0] : vector<16xi32>, vector<16xi32> -> vector<16xi32>
      %broadcast_in_dim3A_1386 = vector.shape_cast %and3A_1382 : vector<16xi32> to vector<16x1xi32>
      %gather3A_1387 = vector.shape_cast %broadcast_in_dim3A_1386 : vector<16x1xi32> to vector<16xi32>
      %gather3A_1388 = tpu.dynamic_gather %add3A_1377[%gather3A_1387] in [0] : vector<16xi32>, vector<16xi32> -> vector<16xi32>
      %eq3A_1389 = arith.cmpi eq, %gather3A_1385, %get3A_1373 : vector<16xi32>
      %max3A = arith.maxsi %add3A_1377, %gather3A_1388 : vector<16xi32>
      %select_n3A_1390 = arith.select %eq3A_1389, %max3A, %add3A_1377 : vector<16xi1>, vector<16xi32>
      %add3A_1391 = arith.constant 2 : i32
      %add3A_1392 = vector.broadcast %add3A_1391 : i32 to vector<16xi32>
      %add3A_1393 = arith.addi %iota3A, %add3A_1392 : vector<16xi32>
      %and3A_1394 = arith.constant 15 : i32
      %and3A_1395 = vector.broadcast %and3A_1394 : i32 to vector<16xi32>
      %and3A_1396 = arith.andi %add3A_1393, %and3A_1395 : vector<16xi32>
      %broadcast_in_dim3A_1397 = vector.shape_cast %and3A_1396 : vector<16xi32> to vector<16x1xi32>
      %gather3A_1398 = vector.shape_cast %broadcast_in_dim3A_1397 : vector<16x1xi32> to vector<16xi32>
      %gather3A_1399 = tpu.dynamic_gather %get3A_1373[%gather3A_1398] in [0] : vector<16xi32>, vector<16xi32> -> vector<16xi32>
      %broadcast_in_dim3A_1400 = vector.shape_cast %and3A_1396 : vector<16xi32> to vector<16x1xi32>
      %gather3A_1401 = vector.shape_cast %broadcast_in_dim3A_1400 : vector<16x1xi32> to vector<16xi32>
      %gather3A_1402 = tpu.dynamic_gather %select_n3A_1390[%gather3A_1401] in [0] : vector<16xi32>, vector<16xi32> -> vector<16xi32>
      %eq3A_1403 = arith.cmpi eq, %gather3A_1399, %get3A_1373 : vector<16xi32>
      %max3A_1404 = arith.maxsi %select_n3A_1390, %gather3A_1402 : vector<16xi32>
      %select_n3A_1405 = arith.select %eq3A_1403, %max3A_1404, %select_n3A_1390 : vector<16xi1>, vector<16xi32>
      %add3A_1406 = arith.constant 4 : i32
      %add3A_1407 = vector.broadcast %add3A_1406 : i32 to vector<16xi32>
      %add3A_1408 = arith.addi %iota3A, %add3A_1407 : vector<16xi32>
      %and3A_1409 = arith.constant 15 : i32
      %and3A_1410 = vector.broadcast %and3A_1409 : i32 to vector<16xi32>
      %and3A_1411 = arith.andi %add3A_1408, %and3A_1410 : vector<16xi32>
      %broadcast_in_dim3A_1412 = vector.shape_cast %and3A_1411 : vector<16xi32> to vector<16x1xi32>
      %gather3A_1413 = vector.shape_cast %broadcast_in_dim3A_1412 : vector<16x1xi32> to vector<16xi32>
      %gather3A_1414 = tpu.dynamic_gather %get3A_1373[%gather3A_1413] in [0] : vector<16xi32>, vector<16xi32> -> vector<16xi32>
      %broadcast_in_dim3A_1415 = vector.shape_cast %and3A_1411 : vector<16xi32> to vector<16x1xi32>
      %gather3A_1416 = vector.shape_cast %broadcast_in_dim3A_1415 : vector<16x1xi32> to vector<16xi32>
      %gather3A_1417 = tpu.dynamic_gather %select_n3A_1405[%gather3A_1416] in [0] : vector<16xi32>, vector<16xi32> -> vector<16xi32>
      %eq3A_1418 = arith.cmpi eq, %gather3A_1414, %get3A_1373 : vector<16xi32>
      %max3A_1419 = arith.maxsi %select_n3A_1405, %gather3A_1417 : vector<16xi32>
      %select_n3A_1420 = arith.select %eq3A_1418, %max3A_1419, %select_n3A_1405 : vector<16xi1>, vector<16xi32>
      %add3A_1421 = arith.constant 8 : i32
      %add3A_1422 = vector.broadcast %add3A_1421 : i32 to vector<16xi32>
      %add3A_1423 = arith.addi %iota3A, %add3A_1422 : vector<16xi32>
      %and3A_1424 = arith.constant 15 : i32
      %and3A_1425 = vector.broadcast %and3A_1424 : i32 to vector<16xi32>
      %and3A_1426 = arith.andi %add3A_1423, %and3A_1425 : vector<16xi32>
      %broadcast_in_dim3A_1427 = vector.shape_cast %and3A_1426 : vector<16xi32> to vector<16x1xi32>
      %gather3A_1428 = vector.shape_cast %broadcast_in_dim3A_1427 : vector<16x1xi32> to vector<16xi32>
      %gather3A_1429 = tpu.dynamic_gather %get3A_1373[%gather3A_1428] in [0] : vector<16xi32>, vector<16xi32> -> vector<16xi32>
      %broadcast_in_dim3A_1430 = vector.shape_cast %and3A_1426 : vector<16xi32> to vector<16x1xi32>
      %gather3A_1431 = vector.shape_cast %broadcast_in_dim3A_1430 : vector<16x1xi32> to vector<16xi32>
      %gather3A_1432 = tpu.dynamic_gather %select_n3A_1420[%gather3A_1431] in [0] : vector<16xi32>, vector<16xi32> -> vector<16xi32>
      %eq3A_1433 = arith.cmpi eq, %gather3A_1429, %get3A_1373 : vector<16xi32>
      %max3A_1434 = arith.maxsi %select_n3A_1420, %gather3A_1432 : vector<16xi32>
      %select_n3A_1435 = arith.select %eq3A_1433, %max3A_1434, %select_n3A_1420 : vector<16xi1>, vector<16xi32>
      %eq3A_1436 = arith.cmpi eq, %add3A_1377, %select_n3A_1435 : vector<16xi32>
      tpu.vector_store_idx %arg9[%get3A_1373], %add3A_1377 masked %eq3A_1436 : memref<8192xi32, #tpu.memory_space<vmem>>[vector<16xi32>], vector<16xi32>, vector<16xi1>
    }
    %scan3A_14 = arith.constant 64 : i32
    %get3A = arith.constant 0 : index
    %get3A_15 = tpu.vector_load %arg7[%get3A] {strides = array<i32>} : memref<32xi32, #tpu.memory_space<vmem>>, vector<16xi32>,
    %get3A_16 = arith.constant 16 : index
    %get3A_17 = tpu.vector_load %arg7[%get3A_16] {strides = array<i32>} : memref<32xi32, #tpu.memory_space<vmem>>, vector<16xi32>,
    %gather3A = tpu.vector_load_idx %arg9[%get3A_15] : memref<8192xi32, #tpu.memory_space<vmem>>[vector<16xi32>], vector<16xi32>,
    %gather3A_18 = tpu.vector_load_idx %arg9[%get3A_17] : memref<8192xi32, #tpu.memory_space<vmem>>[vector<16xi32>], vector<16xi32>,
    %eq3A = arith.constant 0 : i32
    %eq3A_19 = vector.broadcast %eq3A : i32 to vector<16xi32>
    %eq3A_20 = arith.cmpi eq, %iota3A, %eq3A_19 : vector<16xi32>
    %jit3A = arith.constant -2147483648 : i32
    %broadcast_in_dim3A_21 = vector.broadcast %jit3A : i32 to vector<16xi32>
    %select_n3A = arith.select %eq3A_20, %gather3A, %broadcast_in_dim3A_21 : vector<16xi1>, vector<16xi32>
    %reduce_max3A = arith.constant true
    %reduce_max3A_22 = vector.broadcast %reduce_max3A : i1 to vector<16xi1>
    %reduce_max3A_23 = arith.constant -2147483648 : i32
    %reduce_max3A_24 = vector.broadcast %reduce_max3A_23 : i32 to vector<16xi32>
    %reduce_max3A_25 = arith.xori %select_n3A, %reduce_max3A_24 : vector<16xi32>
    %reduce_max3A_26 = tpu.scan <max>, %reduce_max3A_25 masked %reduce_max3A_22 : vector<16xi32>, vector<16xi1> -> vector<16xi32>
    %reduce_max3A_27 = arith.xori %reduce_max3A_26, %reduce_max3A_24 : vector<16xi32>
    %reduce_max3A_28 = vector.extract %reduce_max3A_27[15] : i32 from vector<16xi32>
    %eq3A_29 = arith.constant 0 : i32
    %eq3A_30 = vector.broadcast %eq3A_29 : i32 to vector<16xi32>
    %eq3A_31 = arith.cmpi eq, %iota3A, %eq3A_30 : vector<16xi32>
    %jit3A_32 = arith.constant -2147483648 : i32
    %broadcast_in_dim3A_33 = vector.broadcast %jit3A_32 : i32 to vector<16xi32>
    %select_n3A_34 = arith.select %eq3A_31, %get3A_15, %broadcast_in_dim3A_33 : vector<16xi1>, vector<16xi32>
    %reduce_max3A_35 = arith.constant true
    %reduce_max3A_36 = vector.broadcast %reduce_max3A_35 : i1 to vector<16xi1>
    %reduce_max3A_37 = arith.constant -2147483648 : i32
    %reduce_max3A_38 = vector.broadcast %reduce_max3A_37 : i32 to vector<16xi32>
    %reduce_max3A_39 = arith.xori %select_n3A_34, %reduce_max3A_38 : vector<16xi32>
    %reduce_max3A_40 = tpu.scan <max>, %reduce_max3A_39 masked %reduce_max3A_36 : vector<16xi32>, vector<16xi1> -> vector<16xi32>
    %reduce_max3A_41 = arith.xori %reduce_max3A_40, %reduce_max3A_38 : vector<16xi32>
    %reduce_max3A_42 = vector.extract %reduce_max3A_41[15] : i32 from vector<16xi32>
    %ge3A = arith.constant 0 : i32
    %ge3A_43 = arith.cmpi sge, %reduce_max3A_28, %ge3A : i32
    %convert_element_type3A = arith.extui %ge3A_43 : i1 to i32
    %cond3A = arith.constant 0 : i32
    %cond3A_44 = arith.cmpi ne, %convert_element_type3A, %cond3A : i32
    scf.if %cond3A_44 {
      %dma_start3A_1369 = arith.constant 0 : i32
      %dma_start3A_1370 = arith.constant 0 : i32
      %dma_start3A_1371 = tpu.memref_slice %arg10[%dma_start3A_1369, %dma_start3A_1370] : memref<4x8192xf32, #tpu.memory_space<vmem>> -> memref<1x8192xf32, #tpu.memory_space<vmem>>
      %dma_start3A_1372 = arith.constant 0 : i32
      %dma_start3A_1373 = tpu.memref_slice %arg3[%reduce_max3A_28, %dma_start3A_1372] : memref<1024x8192xf32, #tpu.memory_space<hbm>> -> memref<1x8192xf32, #tpu.memory_space<hbm>>
      %dma_start3A_1374 = arith.constant 0 : i32
      %dma_start3A_1375 = arith.constant 0 : i32
      %dma_start3A_1376 = tpu.memref_slice %arg10[%dma_start3A_1374, %dma_start3A_1375] : memref<4x8192xf32, #tpu.memory_space<vmem>> -> memref<1x8192xf32, #tpu.memory_space<vmem>>
      %dma_start3A_1377 = arith.constant 0 : i32
      %dma_start3A_1378 = tpu.memref_slice %arg3[%reduce_max3A_28, %dma_start3A_1377] : memref<1024x8192xf32, #tpu.memory_space<hbm>> -> memref<1x8192xf32, #tpu.memory_space<hbm>>
      tpu.enqueue_dma source(%dma_start3A_1378 : memref<1x8192xf32, #tpu.memory_space<hbm>>) target(%dma_start3A_1376 : memref<1x8192xf32, #tpu.memory_space<vmem>>) target_semaphore(%arg13 : memref<!tpu.dma_semaphore, #tpu.memory_space<semaphore_mem>>)
    } else {
    }
    %lt3A = arith.constant 0 : i32
    %lt3A_45 = arith.cmpi slt, %reduce_max3A_28, %lt3A : i32
    %convert_element_type3A_46 = arith.extui %lt3A_45 : i1 to i32
    %cond3A_47 = arith.constant 0 : i32
    %cond3A_48 = arith.cmpi ne, %convert_element_type3A_46, %cond3A_47 : i32
    scf.if %cond3A_48 {
      %dma_start3A_1369 = arith.constant 0 : i32
      %dma_start3A_1370 = arith.constant 0 : i32
      %dma_start3A_1371 = tpu.memref_slice %arg10[%dma_start3A_1369, %dma_start3A_1370] : memref<4x8192xf32, #tpu.memory_space<vmem>> -> memref<1x8192xf32, #tpu.memory_space<vmem>>
      %dma_start3A_1372 = arith.constant 0 : i32
      %dma_start3A_1373 = tpu.memref_slice %arg2[%reduce_max3A_42, %dma_start3A_1372] : memref<8192x8192xf32, #tpu.memory_space<hbm>> -> memref<1x8192xf32, #tpu.memory_space<hbm>>
      %dma_start3A_1374 = arith.constant 0 : i32
      %dma_start3A_1375 = arith.constant 0 : i32
      %dma_start3A_1376 = tpu.memref_slice %arg10[%dma_start3A_1374, %dma_start3A_1375] : memref<4x8192xf32, #tpu.memory_space<vmem>> -> memref<1x8192xf32, #tpu.memory_space<vmem>>
      %dma_start3A_1377 = arith.constant 0 : i32
      %dma_start3A_1378 = tpu.memref_slice %arg2[%reduce_max3A_42, %dma_start3A_1377] : memref<8192x8192xf32, #tpu.memory_space<hbm>> -> memref<1x8192xf32, #tpu.memory_space<hbm>>
      tpu.enqueue_dma source(%dma_start3A_1378 : memref<1x8192xf32, #tpu.memory_space<hbm>>) target(%dma_start3A_1376 : memref<1x8192xf32, #tpu.memory_space<vmem>>) target_semaphore(%arg13 : memref<!tpu.dma_semaphore, #tpu.memory_space<semaphore_mem>>)
    } else {
    }
    %eq3A_49 = arith.constant 1 : i32
    %eq3A_50 = vector.broadcast %eq3A_49 : i32 to vector<16xi32>
    %eq3A_51 = arith.cmpi eq, %iota3A, %eq3A_50 : vector<16xi32>
    %jit3A_52 = arith.constant -2147483648 : i32
    %broadcast_in_dim3A_53 = vector.broadcast %jit3A_52 : i32 to vector<16xi32>
    %select_n3A_54 = arith.select %eq3A_51, %gather3A, %broadcast_in_dim3A_53 : vector<16xi1>, vector<16xi32>
    %reduce_max3A_55 = arith.constant true
    %reduce_max3A_56 = vector.broadcast %reduce_max3A_55 : i1 to vector<16xi1>
    %reduce_max3A_57 = arith.constant -2147483648 : i32
    %reduce_max3A_58 = vector.broadcast %reduce_max3A_57 : i32 to vector<16xi32>
    %reduce_max3A_59 = arith.xori %select_n3A_54, %reduce_max3A_58 : vector<16xi32>
    %reduce_max3A_60 = tpu.scan <max>, %reduce_max3A_59 masked %reduce_max3A_56 : vector<16xi32>, vector<16xi1> -> vector<16xi32>
    %reduce_max3A_61 = arith.xori %reduce_max3A_60, %reduce_max3A_58 : vector<16xi32>
    %reduce_max3A_62 = vector.extract %reduce_max3A_61[15] : i32 from vector<16xi32>
    %eq3A_63 = arith.constant 1 : i32
    %eq3A_64 = vector.broadcast %eq3A_63 : i32 to vector<16xi32>
    %eq3A_65 = arith.cmpi eq, %iota3A, %eq3A_64 : vector<16xi32>
    %jit3A_66 = arith.constant -2147483648 : i32
    %broadcast_in_dim3A_67 = vector.broadcast %jit3A_66 : i32 to vector<16xi32>
    %select_n3A_68 = arith.select %eq3A_65, %get3A_15, %broadcast_in_dim3A_67 : vector<16xi1>, vector<16xi32>
    %reduce_max3A_69 = arith.constant true
    %reduce_max3A_70 = vector.broadcast %reduce_max3A_69 : i1 to vector<16xi1>
    %reduce_max3A_71 = arith.constant -2147483648 : i32
    %reduce_max3A_72 = vector.broadcast %reduce_max3A_71 : i32 to vector<16xi32>
    %reduce_max3A_73 = arith.xori %select_n3A_68, %reduce_max3A_72 : vector<16xi32>
    %reduce_max3A_74 = tpu.scan <max>, %reduce_max3A_73 masked %reduce_max3A_70 : vector<16xi32>, vector<16xi1> -> vector<16xi32>
    %reduce_max3A_75 = arith.xori %reduce_max3A_74, %reduce_max3A_72 : vector<16xi32>
    %reduce_max3A_76 = vector.extract %reduce_max3A_75[15] : i32 from vector<16xi32>
    %ge3A_77 = arith.constant 0 : i32
    %ge3A_78 = arith.cmpi sge, %reduce_max3A_62, %ge3A_77 : i32
    %convert_element_type3A_79 = arith.extui %ge3A_78 : i1 to i32
    %cond3A_80 = arith.constant 0 : i32
    %cond3A_81 = arith.cmpi ne, %convert_element_type3A_79, %cond3A_80 : i32
    scf.if %cond3A_81 {
      %dma_start3A_1369 = arith.constant 1 : i32
      %dma_start3A_1370 = arith.constant 0 : i32
      %dma_start3A_1371 = tpu.memref_slice %arg10[%dma_start3A_1369, %dma_start3A_1370] : memref<4x8192xf32, #tpu.memory_space<vmem>> -> memref<1x8192xf32, #tpu.memory_space<vmem>>
      %dma_start3A_1372 = arith.constant 0 : i32
      %dma_start3A_1373 = tpu.memref_slice %arg3[%reduce_max3A_62, %dma_start3A_1372] : memref<1024x8192xf32, #tpu.memory_space<hbm>> -> memref<1x8192xf32, #tpu.memory_space<hbm>>
      %dma_start3A_1374 = arith.constant 1 : i32
      %dma_start3A_1375 = arith.constant 0 : i32
      %dma_start3A_1376 = tpu.memref_slice %arg10[%dma_start3A_1374, %dma_start3A_1375] : memref<4x8192xf32, #tpu.memory_space<vmem>> -> memref<1x8192xf32, #tpu.memory_space<vmem>>
      %dma_start3A_1377 = arith.constant 0 : i32
      %dma_start3A_1378 = tpu.memref_slice %arg3[%reduce_max3A_62, %dma_start3A_1377] : memref<1024x8192xf32, #tpu.memory_space<hbm>> -> memref<1x8192xf32, #tpu.memory_space<hbm>>
      tpu.enqueue_dma source(%dma_start3A_1378 : memref<1x8192xf32, #tpu.memory_space<hbm>>) target(%dma_start3A_1376 : memref<1x8192xf32, #tpu.memory_space<vmem>>) target_semaphore(%arg13 : memref<!tpu.dma_semaphore, #tpu.memory_space<semaphore_mem>>)
    } else {
    }
    %lt3A_82 = arith.constant 0 : i32
    %lt3A_83 = arith.cmpi slt, %reduce_max3A_62, %lt3A_82 : i32
    %convert_element_type3A_84 = arith.extui %lt3A_83 : i1 to i32
    %cond3A_85 = arith.constant 0 : i32
    %cond3A_86 = arith.cmpi ne, %convert_element_type3A_84, %cond3A_85 : i32
    scf.if %cond3A_86 {
      %dma_start3A_1369 = arith.constant 1 : i32
      %dma_start3A_1370 = arith.constant 0 : i32
      %dma_start3A_1371 = tpu.memref_slice %arg10[%dma_start3A_1369, %dma_start3A_1370] : memref<4x8192xf32, #tpu.memory_space<vmem>> -> memref<1x8192xf32, #tpu.memory_space<vmem>>
      %dma_start3A_1372 = arith.constant 0 : i32
      %dma_start3A_1373 = tpu.memref_slice %arg2[%reduce_max3A_76, %dma_start3A_1372] : memref<8192x8192xf32, #tpu.memory_space<hbm>> -> memref<1x8192xf32, #tpu.memory_space<hbm>>
      %dma_start3A_1374 = arith.constant 1 : i32
      %dma_start3A_1375 = arith.constant 0 : i32
      %dma_start3A_1376 = tpu.memref_slice %arg10[%dma_start3A_1374, %dma_start3A_1375] : memref<4x8192xf32, #tpu.memory_space<vmem>> -> memref<1x8192xf32, #tpu.memory_space<vmem>>
      %dma_start3A_1377 = arith.constant 0 : i32
      %dma_start3A_1378 = tpu.memref_slice %arg2[%reduce_max3A_76, %dma_start3A_1377] : memref<8192x8192xf32, #tpu.memory_space<hbm>> -> memref<1x8192xf32, #tpu.memory_space<hbm>>
      tpu.enqueue_dma source(%dma_start3A_1378 : memref<1x8192xf32, #tpu.memory_space<hbm>>) target(%dma_start3A_1376 : memref<1x8192xf32, #tpu.memory_space<vmem>>) target_semaphore(%arg13 : memref<!tpu.dma_semaphore, #tpu.memory_space<semaphore_mem>>)
    } else {
    }
    %eq3A_87 = arith.constant 2 : i32
    %eq3A_88 = vector.broadcast %eq3A_87 : i32 to vector<16xi32>
    %eq3A_89 = arith.cmpi eq, %iota3A, %eq3A_88 : vector<16xi32>
    %jit3A_90 = arith.constant -2147483648 : i32
    %broadcast_in_dim3A_91 = vector.broadcast %jit3A_90 : i32 to vector<16xi32>
    %select_n3A_92 = arith.select %eq3A_89, %gather3A, %broadcast_in_dim3A_91 : vector<16xi1>, vector<16xi32>
    %reduce_max3A_93 = arith.constant true
    %reduce_max3A_94 = vector.broadcast %reduce_max3A_93 : i1 to vector<16xi1>
    %reduce_max3A_95 = arith.constant -2147483648 : i32
    %reduce_max3A_96 = vector.broadcast %reduce_max3A_95 : i32 to vector<16xi32>
    %reduce_max3A_97 = arith.xori %select_n3A_92, %reduce_max3A_96 : vector<16xi32>
    %reduce_max3A_98 = tpu.scan <max>, %reduce_max3A_97 masked %reduce_max3A_94 : vector<16xi32>, vector<16xi1> -> vector<16xi32>
    %reduce_max3A_99 = arith.xori %reduce_max3A_98, %reduce_max3A_96 : vector<16xi32>
    %reduce_max3A_100 = vector.extract %reduce_max3A_99[15] : i32 from vector<16xi32>
    %eq3A_101 = arith.constant 2 : i32
    %eq3A_102 = vector.broadcast %eq3A_101 : i32 to vector<16xi32>
    %eq3A_103 = arith.cmpi eq, %iota3A, %eq3A_102 : vector<16xi32>
    %jit3A_104 = arith.constant -2147483648 : i32
    %broadcast_in_dim3A_105 = vector.broadcast %jit3A_104 : i32 to vector<16xi32>
    %select_n3A_106 = arith.select %eq3A_103, %get3A_15, %broadcast_in_dim3A_105 : vector<16xi1>, vector<16xi32>
    %reduce_max3A_107 = arith.constant true
    %reduce_max3A_108 = vector.broadcast %reduce_max3A_107 : i1 to vector<16xi1>
    %reduce_max3A_109 = arith.constant -2147483648 : i32
    %reduce_max3A_110 = vector.broadcast %reduce_max3A_109 : i32 to vector<16xi32>
    %reduce_max3A_111 = arith.xori %select_n3A_106, %reduce_max3A_110 : vector<16xi32>
    %reduce_max3A_112 = tpu.scan <max>, %reduce_max3A_111 masked %reduce_max3A_108 : vector<16xi32>, vector<16xi1> -> vector<16xi32>
    %reduce_max3A_113 = arith.xori %reduce_max3A_112, %reduce_max3A_110 : vector<16xi32>
    %reduce_max3A_114 = vector.extract %reduce_max3A_113[15] : i32 from vector<16xi32>
    %ge3A_115 = arith.constant 0 : i32
    %ge3A_116 = arith.cmpi sge, %reduce_max3A_100, %ge3A_115 : i32
    %convert_element_type3A_117 = arith.extui %ge3A_116 : i1 to i32
    %cond3A_118 = arith.constant 0 : i32
    %cond3A_119 = arith.cmpi ne, %convert_element_type3A_117, %cond3A_118 : i32
    scf.if %cond3A_119 {
      %dma_start3A_1369 = arith.constant 2 : i32
      %dma_start3A_1370 = arith.constant 0 : i32
      %dma_start3A_1371 = tpu.memref_slice %arg10[%dma_start3A_1369, %dma_start3A_1370] : memref<4x8192xf32, #tpu.memory_space<vmem>> -> memref<1x8192xf32, #tpu.memory_space<vmem>>
      %dma_start3A_1372 = arith.constant 0 : i32
      %dma_start3A_1373 = tpu.memref_slice %arg3[%reduce_max3A_100, %dma_start3A_1372] : memref<1024x8192xf32, #tpu.memory_space<hbm>> -> memref<1x8192xf32, #tpu.memory_space<hbm>>
      %dma_start3A_1374 = arith.constant 2 : i32
      %dma_start3A_1375 = arith.constant 0 : i32
      %dma_start3A_1376 = tpu.memref_slice %arg10[%dma_start3A_1374, %dma_start3A_1375] : memref<4x8192xf32, #tpu.memory_space<vmem>> -> memref<1x8192xf32, #tpu.memory_space<vmem>>
      %dma_start3A_1377 = arith.constant 0 : i32
      %dma_start3A_1378 = tpu.memref_slice %arg3[%reduce_max3A_100, %dma_start3A_1377] : memref<1024x8192xf32, #tpu.memory_space<hbm>> -> memref<1x8192xf32, #tpu.memory_space<hbm>>
      tpu.enqueue_dma source(%dma_start3A_1378 : memref<1x8192xf32, #tpu.memory_space<hbm>>) target(%dma_start3A_1376 : memref<1x8192xf32, #tpu.memory_space<vmem>>) target_semaphore(%arg13 : memref<!tpu.dma_semaphore, #tpu.memory_space<semaphore_mem>>)
    } else {
    }
    %lt3A_120 = arith.constant 0 : i32
    %lt3A_121 = arith.cmpi slt, %reduce_max3A_100, %lt3A_120 : i32
    %convert_element_type3A_122 = arith.extui %lt3A_121 : i1 to i32
    %cond3A_123 = arith.constant 0 : i32
    %cond3A_124 = arith.cmpi ne, %convert_element_type3A_122, %cond3A_123 : i32
    scf.if %cond3A_124 {
      %dma_start3A_1369 = arith.constant 2 : i32
      %dma_start3A_1370 = arith.constant 0 : i32
      %dma_start3A_1371 = tpu.memref_slice %arg10[%dma_start3A_1369, %dma_start3A_1370] : memref<4x8192xf32, #tpu.memory_space<vmem>> -> memref<1x8192xf32, #tpu.memory_space<vmem>>
      %dma_start3A_1372 = arith.constant 0 : i32
      %dma_start3A_1373 = tpu.memref_slice %arg2[%reduce_max3A_114, %dma_start3A_1372] : memref<8192x8192xf32, #tpu.memory_space<hbm>> -> memref<1x8192xf32, #tpu.memory_space<hbm>>
      %dma_start3A_1374 = arith.constant 2 : i32
      %dma_start3A_1375 = arith.constant 0 : i32
      %dma_start3A_1376 = tpu.memref_slice %arg10[%dma_start3A_1374, %dma_start3A_1375] : memref<4x8192xf32, #tpu.memory_space<vmem>> -> memref<1x8192xf32, #tpu.memory_space<vmem>>
      %dma_start3A_1377 = arith.constant 0 : i32
      %dma_start3A_1378 = tpu.memref_slice %arg2[%reduce_max3A_114, %dma_start3A_1377] : memref<8192x8192xf32, #tpu.memory_space<hbm>> -> memref<1x8192xf32, #tpu.memory_space<hbm>>
      tpu.enqueue_dma source(%dma_start3A_1378 : memref<1x8192xf32, #tpu.memory_space<hbm>>) target(%dma_start3A_1376 : memref<1x8192xf32, #tpu.memory_space<vmem>>) target_semaphore(%arg13 : memref<!tpu.dma_semaphore, #tpu.memory_space<semaphore_mem>>)
    } else {
    }
    %eq3A_125 = arith.constant 3 : i32
    %eq3A_126 = vector.broadcast %eq3A_125 : i32 to vector<16xi32>
    %eq3A_127 = arith.cmpi eq, %iota3A, %eq3A_126 : vector<16xi32>
    %jit3A_128 = arith.constant -2147483648 : i32
    %broadcast_in_dim3A_129 = vector.broadcast %jit3A_128 : i32 to vector<16xi32>
    %select_n3A_130 = arith.select %eq3A_127, %gather3A, %broadcast_in_dim3A_129 : vector<16xi1>, vector<16xi32>
    %reduce_max3A_131 = arith.constant true
    %reduce_max3A_132 = vector.broadcast %reduce_max3A_131 : i1 to vector<16xi1>
    %reduce_max3A_133 = arith.constant -2147483648 : i32
    %reduce_max3A_134 = vector.broadcast %reduce_max3A_133 : i32 to vector<16xi32>
    %reduce_max3A_135 = arith.xori %select_n3A_130, %reduce_max3A_134 : vector<16xi32>
    %reduce_max3A_136 = tpu.scan <max>, %reduce_max3A_135 masked %reduce_max3A_132 : vector<16xi32>, vector<16xi1> -> vector<16xi32>
    %reduce_max3A_137 = arith.xori %reduce_max3A_136, %reduce_max3A_134 : vector<16xi32>
    %reduce_max3A_138 = vector.extract %reduce_max3A_137[15] : i32 from vector<16xi32>
    %eq3A_139 = arith.constant 3 : i32
    %eq3A_140 = vector.broadcast %eq3A_139 : i32 to vector<16xi32>
    %eq3A_141 = arith.cmpi eq, %iota3A, %eq3A_140 : vector<16xi32>
    %jit3A_142 = arith.constant -2147483648 : i32
    %broadcast_in_dim3A_143 = vector.broadcast %jit3A_142 : i32 to vector<16xi32>
    %select_n3A_144 = arith.select %eq3A_141, %get3A_15, %broadcast_in_dim3A_143 : vector<16xi1>, vector<16xi32>
    %reduce_max3A_145 = arith.constant true
    %reduce_max3A_146 = vector.broadcast %reduce_max3A_145 : i1 to vector<16xi1>
    %reduce_max3A_147 = arith.constant -2147483648 : i32
    %reduce_max3A_148 = vector.broadcast %reduce_max3A_147 : i32 to vector<16xi32>
    %reduce_max3A_149 = arith.xori %select_n3A_144, %reduce_max3A_148 : vector<16xi32>
    %reduce_max3A_150 = tpu.scan <max>, %reduce_max3A_149 masked %reduce_max3A_146 : vector<16xi32>, vector<16xi1> -> vector<16xi32>
    %reduce_max3A_151 = arith.xori %reduce_max3A_150, %reduce_max3A_148 : vector<16xi32>
    %reduce_max3A_152 = vector.extract %reduce_max3A_151[15] : i32 from vector<16xi32>
    %ge3A_153 = arith.constant 0 : i32
    %ge3A_154 = arith.cmpi sge, %reduce_max3A_138, %ge3A_153 : i32
    %convert_element_type3A_155 = arith.extui %ge3A_154 : i1 to i32
    %cond3A_156 = arith.constant 0 : i32
    %cond3A_157 = arith.cmpi ne, %convert_element_type3A_155, %cond3A_156 : i32
    scf.if %cond3A_157 {
      %dma_start3A_1369 = arith.constant 3 : i32
      %dma_start3A_1370 = arith.constant 0 : i32
      %dma_start3A_1371 = tpu.memref_slice %arg10[%dma_start3A_1369, %dma_start3A_1370] : memref<4x8192xf32, #tpu.memory_space<vmem>> -> memref<1x8192xf32, #tpu.memory_space<vmem>>
      %dma_start3A_1372 = arith.constant 0 : i32
      %dma_start3A_1373 = tpu.memref_slice %arg3[%reduce_max3A_138, %dma_start3A_1372] : memref<1024x8192xf32, #tpu.memory_space<hbm>> -> memref<1x8192xf32, #tpu.memory_space<hbm>>
      %dma_start3A_1374 = arith.constant 3 : i32
      %dma_start3A_1375 = arith.constant 0 : i32
      %dma_start3A_1376 = tpu.memref_slice %arg10[%dma_start3A_1374, %dma_start3A_1375] : memref<4x8192xf32, #tpu.memory_space<vmem>> -> memref<1x8192xf32, #tpu.memory_space<vmem>>
      %dma_start3A_1377 = arith.constant 0 : i32
      %dma_start3A_1378 = tpu.memref_slice %arg3[%reduce_max3A_138, %dma_start3A_1377] : memref<1024x8192xf32, #tpu.memory_space<hbm>> -> memref<1x8192xf32, #tpu.memory_space<hbm>>
      tpu.enqueue_dma source(%dma_start3A_1378 : memref<1x8192xf32, #tpu.memory_space<hbm>>) target(%dma_start3A_1376 : memref<1x8192xf32, #tpu.memory_space<vmem>>) target_semaphore(%arg13 : memref<!tpu.dma_semaphore, #tpu.memory_space<semaphore_mem>>)
    } else {
    }
    %lt3A_158 = arith.constant 0 : i32
    %lt3A_159 = arith.cmpi slt, %reduce_max3A_138, %lt3A_158 : i32
    %convert_element_type3A_160 = arith.extui %lt3A_159 : i1 to i32
    %cond3A_161 = arith.constant 0 : i32
    %cond3A_162 = arith.cmpi ne, %convert_element_type3A_160, %cond3A_161 : i32
    scf.if %cond3A_162 {
      %dma_start3A_1369 = arith.constant 3 : i32
      %dma_start3A_1370 = arith.constant 0 : i32
      %dma_start3A_1371 = tpu.memref_slice %arg10[%dma_start3A_1369, %dma_start3A_1370] : memref<4x8192xf32, #tpu.memory_space<vmem>> -> memref<1x8192xf32, #tpu.memory_space<vmem>>
      %dma_start3A_1372 = arith.constant 0 : i32
      %dma_start3A_1373 = tpu.memref_slice %arg2[%reduce_max3A_152, %dma_start3A_1372] : memref<8192x8192xf32, #tpu.memory_space<hbm>> -> memref<1x8192xf32, #tpu.memory_space<hbm>>
      %dma_start3A_1374 = arith.constant 3 : i32
      %dma_start3A_1375 = arith.constant 0 : i32
      %dma_start3A_1376 = tpu.memref_slice %arg10[%dma_start3A_1374, %dma_start3A_1375] : memref<4x8192xf32, #tpu.memory_space<vmem>> -> memref<1x8192xf32, #tpu.memory_space<vmem>>
      %dma_start3A_1377 = arith.constant 0 : i32
      %dma_start3A_1378 = tpu.memref_slice %arg2[%reduce_max3A_152, %dma_start3A_1377] : memref<8192x8192xf32, #tpu.memory_space<hbm>> -> memref<1x8192xf32, #tpu.memory_space<hbm>>
      tpu.enqueue_dma source(%dma_start3A_1378 : memref<1x8192xf32, #tpu.memory_space<hbm>>) target(%dma_start3A_1376 : memref<1x8192xf32, #tpu.memory_space<vmem>>) target_semaphore(%arg13 : memref<!tpu.dma_semaphore, #tpu.memory_space<semaphore_mem>>)
    } else {
    }
    %eq3A_163 = arith.constant 4 : i32
    %eq3A_164 = vector.broadcast %eq3A_163 : i32 to vector<16xi32>
    %eq3A_165 = arith.cmpi eq, %iota3A, %eq3A_164 : vector<16xi32>
    %jit3A_166 = arith.constant -2147483648 : i32
    %broadcast_in_dim3A_167 = vector.broadcast %jit3A_166 : i32 to vector<16xi32>
    %select_n3A_168 = arith.select %eq3A_165, %gather3A, %broadcast_in_dim3A_167 : vector<16xi1>, vector<16xi32>
    %reduce_max3A_169 = arith.constant true
    %reduce_max3A_170 = vector.broadcast %reduce_max3A_169 : i1 to vector<16xi1>
    %reduce_max3A_171 = arith.constant -2147483648 : i32
    %reduce_max3A_172 = vector.broadcast %reduce_max3A_171 : i32 to vector<16xi32>
    %reduce_max3A_173 = arith.xori %select_n3A_168, %reduce_max3A_172 : vector<16xi32>
    %reduce_max3A_174 = tpu.scan <max>, %reduce_max3A_173 masked %reduce_max3A_170 : vector<16xi32>, vector<16xi1> -> vector<16xi32>
    %reduce_max3A_175 = arith.xori %reduce_max3A_174, %reduce_max3A_172 : vector<16xi32>
    %reduce_max3A_176 = vector.extract %reduce_max3A_175[15] : i32 from vector<16xi32>
    %eq3A_177 = arith.constant 4 : i32
    %eq3A_178 = vector.broadcast %eq3A_177 : i32 to vector<16xi32>
    %eq3A_179 = arith.cmpi eq, %iota3A, %eq3A_178 : vector<16xi32>
    %jit3A_180 = arith.constant -2147483648 : i32
    %broadcast_in_dim3A_181 = vector.broadcast %jit3A_180 : i32 to vector<16xi32>
    %select_n3A_182 = arith.select %eq3A_179, %get3A_15, %broadcast_in_dim3A_181 : vector<16xi1>, vector<16xi32>
    %reduce_max3A_183 = arith.constant true
    %reduce_max3A_184 = vector.broadcast %reduce_max3A_183 : i1 to vector<16xi1>
    %reduce_max3A_185 = arith.constant -2147483648 : i32
    %reduce_max3A_186 = vector.broadcast %reduce_max3A_185 : i32 to vector<16xi32>
    %reduce_max3A_187 = arith.xori %select_n3A_182, %reduce_max3A_186 : vector<16xi32>
    %reduce_max3A_188 = tpu.scan <max>, %reduce_max3A_187 masked %reduce_max3A_184 : vector<16xi32>, vector<16xi1> -> vector<16xi32>
    %reduce_max3A_189 = arith.xori %reduce_max3A_188, %reduce_max3A_186 : vector<16xi32>
    %reduce_max3A_190 = vector.extract %reduce_max3A_189[15] : i32 from vector<16xi32>
    %ge3A_191 = arith.constant 0 : i32
    %ge3A_192 = arith.cmpi sge, %reduce_max3A_176, %ge3A_191 : i32
    %convert_element_type3A_193 = arith.extui %ge3A_192 : i1 to i32
    %cond3A_194 = arith.constant 0 : i32
    %cond3A_195 = arith.cmpi ne, %convert_element_type3A_193, %cond3A_194 : i32
    scf.if %cond3A_195 {
      %dma_start3A_1369 = arith.constant 0 : i32
      %dma_start3A_1370 = arith.constant 0 : i32
      %dma_start3A_1371 = tpu.memref_slice %arg11[%dma_start3A_1369, %dma_start3A_1370] : memref<4x8192xf32, #tpu.memory_space<vmem>> -> memref<1x8192xf32, #tpu.memory_space<vmem>>
      %dma_start3A_1372 = arith.constant 0 : i32
      %dma_start3A_1373 = tpu.memref_slice %arg3[%reduce_max3A_176, %dma_start3A_1372] : memref<1024x8192xf32, #tpu.memory_space<hbm>> -> memref<1x8192xf32, #tpu.memory_space<hbm>>
      %dma_start3A_1374 = arith.constant 0 : i32
      %dma_start3A_1375 = arith.constant 0 : i32
      %dma_start3A_1376 = tpu.memref_slice %arg11[%dma_start3A_1374, %dma_start3A_1375] : memref<4x8192xf32, #tpu.memory_space<vmem>> -> memref<1x8192xf32, #tpu.memory_space<vmem>>
      %dma_start3A_1377 = arith.constant 0 : i32
      %dma_start3A_1378 = tpu.memref_slice %arg3[%reduce_max3A_176, %dma_start3A_1377] : memref<1024x8192xf32, #tpu.memory_space<hbm>> -> memref<1x8192xf32, #tpu.memory_space<hbm>>
      tpu.enqueue_dma source(%dma_start3A_1378 : memref<1x8192xf32, #tpu.memory_space<hbm>>) target(%dma_start3A_1376 : memref<1x8192xf32, #tpu.memory_space<vmem>>) target_semaphore(%arg14 : memref<!tpu.dma_semaphore, #tpu.memory_space<semaphore_mem>>)
    } else {
    }
    %lt3A_196 = arith.constant 0 : i32
    %lt3A_197 = arith.cmpi slt, %reduce_max3A_176, %lt3A_196 : i32
    %convert_element_type3A_198 = arith.extui %lt3A_197 : i1 to i32
    %cond3A_199 = arith.constant 0 : i32
    %cond3A_200 = arith.cmpi ne, %convert_element_type3A_198, %cond3A_199 : i32
    scf.if %cond3A_200 {
      %dma_start3A_1369 = arith.constant 0 : i32
      %dma_start3A_1370 = arith.constant 0 : i32
      %dma_start3A_1371 = tpu.memref_slice %arg11[%dma_start3A_1369, %dma_start3A_1370] : memref<4x8192xf32, #tpu.memory_space<vmem>> -> memref<1x8192xf32, #tpu.memory_space<vmem>>
      %dma_start3A_1372 = arith.constant 0 : i32
      %dma_start3A_1373 = tpu.memref_slice %arg2[%reduce_max3A_190, %dma_start3A_1372] : memref<8192x8192xf32, #tpu.memory_space<hbm>> -> memref<1x8192xf32, #tpu.memory_space<hbm>>
      %dma_start3A_1374 = arith.constant 0 : i32
      %dma_start3A_1375 = arith.constant 0 : i32
      %dma_start3A_1376 = tpu.memref_slice %arg11[%dma_start3A_1374, %dma_start3A_1375] : memref<4x8192xf32, #tpu.memory_space<vmem>> -> memref<1x8192xf32, #tpu.memory_space<vmem>>
      %dma_start3A_1377 = arith.constant 0 : i32
      %dma_start3A_1378 = tpu.memref_slice %arg2[%reduce_max3A_190, %dma_start3A_1377] : memref<8192x8192xf32, #tpu.memory_space<hbm>> -> memref<1x8192xf32, #tpu.memory_space<hbm>>
      tpu.enqueue_dma source(%dma_start3A_1378 : memref<1x8192xf32, #tpu.memory_space<hbm>>) target(%dma_start3A_1376 : memref<1x8192xf32, #tpu.memory_space<vmem>>) target_semaphore(%arg14 : memref<!tpu.dma_semaphore, #tpu.memory_space<semaphore_mem>>)
    } else {
    }
    %eq3A_201 = arith.constant 5 : i32
    %eq3A_202 = vector.broadcast %eq3A_201 : i32 to vector<16xi32>
    %eq3A_203 = arith.cmpi eq, %iota3A, %eq3A_202 : vector<16xi32>
    %jit3A_204 = arith.constant -2147483648 : i32
    %broadcast_in_dim3A_205 = vector.broadcast %jit3A_204 : i32 to vector<16xi32>
    %select_n3A_206 = arith.select %eq3A_203, %gather3A, %broadcast_in_dim3A_205 : vector<16xi1>, vector<16xi32>
    %reduce_max3A_207 = arith.constant true
    %reduce_max3A_208 = vector.broadcast %reduce_max3A_207 : i1 to vector<16xi1>
    %reduce_max3A_209 = arith.constant -2147483648 : i32
    %reduce_max3A_210 = vector.broadcast %reduce_max3A_209 : i32 to vector<16xi32>
    %reduce_max3A_211 = arith.xori %select_n3A_206, %reduce_max3A_210 : vector<16xi32>
    %reduce_max3A_212 = tpu.scan <max>, %reduce_max3A_211 masked %reduce_max3A_208 : vector<16xi32>, vector<16xi1> -> vector<16xi32>
    %reduce_max3A_213 = arith.xori %reduce_max3A_212, %reduce_max3A_210 : vector<16xi32>
    %reduce_max3A_214 = vector.extract %reduce_max3A_213[15] : i32 from vector<16xi32>
    %eq3A_215 = arith.constant 5 : i32
    %eq3A_216 = vector.broadcast %eq3A_215 : i32 to vector<16xi32>
    %eq3A_217 = arith.cmpi eq, %iota3A, %eq3A_216 : vector<16xi32>
    %jit3A_218 = arith.constant -2147483648 : i32
    %broadcast_in_dim3A_219 = vector.broadcast %jit3A_218 : i32 to vector<16xi32>
    %select_n3A_220 = arith.select %eq3A_217, %get3A_15, %broadcast_in_dim3A_219 : vector<16xi1>, vector<16xi32>
    %reduce_max3A_221 = arith.constant true
    %reduce_max3A_222 = vector.broadcast %reduce_max3A_221 : i1 to vector<16xi1>
    %reduce_max3A_223 = arith.constant -2147483648 : i32
    %reduce_max3A_224 = vector.broadcast %reduce_max3A_223 : i32 to vector<16xi32>
    %reduce_max3A_225 = arith.xori %select_n3A_220, %reduce_max3A_224 : vector<16xi32>
    %reduce_max3A_226 = tpu.scan <max>, %reduce_max3A_225 masked %reduce_max3A_222 : vector<16xi32>, vector<16xi1> -> vector<16xi32>
    %reduce_max3A_227 = arith.xori %reduce_max3A_226, %reduce_max3A_224 : vector<16xi32>
    %reduce_max3A_228 = vector.extract %reduce_max3A_227[15] : i32 from vector<16xi32>
    %ge3A_229 = arith.constant 0 : i32
    %ge3A_230 = arith.cmpi sge, %reduce_max3A_214, %ge3A_229 : i32
    %convert_element_type3A_231 = arith.extui %ge3A_230 : i1 to i32
    %cond3A_232 = arith.constant 0 : i32
    %cond3A_233 = arith.cmpi ne, %convert_element_type3A_231, %cond3A_232 : i32
    scf.if %cond3A_233 {
      %dma_start3A_1369 = arith.constant 1 : i32
      %dma_start3A_1370 = arith.constant 0 : i32
      %dma_start3A_1371 = tpu.memref_slice %arg11[%dma_start3A_1369, %dma_start3A_1370] : memref<4x8192xf32, #tpu.memory_space<vmem>> -> memref<1x8192xf32, #tpu.memory_space<vmem>>
      %dma_start3A_1372 = arith.constant 0 : i32
      %dma_start3A_1373 = tpu.memref_slice %arg3[%reduce_max3A_214, %dma_start3A_1372] : memref<1024x8192xf32, #tpu.memory_space<hbm>> -> memref<1x8192xf32, #tpu.memory_space<hbm>>
      %dma_start3A_1374 = arith.constant 1 : i32
      %dma_start3A_1375 = arith.constant 0 : i32
      %dma_start3A_1376 = tpu.memref_slice %arg11[%dma_start3A_1374, %dma_start3A_1375] : memref<4x8192xf32, #tpu.memory_space<vmem>> -> memref<1x8192xf32, #tpu.memory_space<vmem>>
      %dma_start3A_1377 = arith.constant 0 : i32
      %dma_start3A_1378 = tpu.memref_slice %arg3[%reduce_max3A_214, %dma_start3A_1377] : memref<1024x8192xf32, #tpu.memory_space<hbm>> -> memref<1x8192xf32, #tpu.memory_space<hbm>>
      tpu.enqueue_dma source(%dma_start3A_1378 : memref<1x8192xf32, #tpu.memory_space<hbm>>) target(%dma_start3A_1376 : memref<1x8192xf32, #tpu.memory_space<vmem>>) target_semaphore(%arg14 : memref<!tpu.dma_semaphore, #tpu.memory_space<semaphore_mem>>)
    } else {
    }
    %lt3A_234 = arith.constant 0 : i32
    %lt3A_235 = arith.cmpi slt, %reduce_max3A_214, %lt3A_234 : i32
    %convert_element_type3A_236 = arith.extui %lt3A_235 : i1 to i32
    %cond3A_237 = arith.constant 0 : i32
    %cond3A_238 = arith.cmpi ne, %convert_element_type3A_236, %cond3A_237 : i32
    scf.if %cond3A_238 {
      %dma_start3A_1369 = arith.constant 1 : i32
      %dma_start3A_1370 = arith.constant 0 : i32
      %dma_start3A_1371 = tpu.memref_slice %arg11[%dma_start3A_1369, %dma_start3A_1370] : memref<4x8192xf32, #tpu.memory_space<vmem>> -> memref<1x8192xf32, #tpu.memory_space<vmem>>
      %dma_start3A_1372 = arith.constant 0 : i32
      %dma_start3A_1373 = tpu.memref_slice %arg2[%reduce_max3A_228, %dma_start3A_1372] : memref<8192x8192xf32, #tpu.memory_space<hbm>> -> memref<1x8192xf32, #tpu.memory_space<hbm>>
      %dma_start3A_1374 = arith.constant 1 : i32
      %dma_start3A_1375 = arith.constant 0 : i32
      %dma_start3A_1376 = tpu.memref_slice %arg11[%dma_start3A_1374, %dma_start3A_1375] : memref<4x8192xf32, #tpu.memory_space<vmem>> -> memref<1x8192xf32, #tpu.memory_space<vmem>>
      %dma_start3A_1377 = arith.constant 0 : i32
      %dma_start3A_1378 = tpu.memref_slice %arg2[%reduce_max3A_228, %dma_start3A_1377] : memref<8192x8192xf32, #tpu.memory_space<hbm>> -> memref<1x8192xf32, #tpu.memory_space<hbm>>
      tpu.enqueue_dma source(%dma_start3A_1378 : memref<1x8192xf32, #tpu.memory_space<hbm>>) target(%dma_start3A_1376 : memref<1x8192xf32, #tpu.memory_space<vmem>>) target_semaphore(%arg14 : memref<!tpu.dma_semaphore, #tpu.memory_space<semaphore_mem>>)
    } else {
    }
    %eq3A_239 = arith.constant 6 : i32
    %eq3A_240 = vector.broadcast %eq3A_239 : i32 to vector<16xi32>
    %eq3A_241 = arith.cmpi eq, %iota3A, %eq3A_240 : vector<16xi32>
    %jit3A_242 = arith.constant -2147483648 : i32
    %broadcast_in_dim3A_243 = vector.broadcast %jit3A_242 : i32 to vector<16xi32>
    %select_n3A_244 = arith.select %eq3A_241, %gather3A, %broadcast_in_dim3A_243 : vector<16xi1>, vector<16xi32>
    %reduce_max3A_245 = arith.constant true
    %reduce_max3A_246 = vector.broadcast %reduce_max3A_245 : i1 to vector<16xi1>
    %reduce_max3A_247 = arith.constant -2147483648 : i32
    %reduce_max3A_248 = vector.broadcast %reduce_max3A_247 : i32 to vector<16xi32>
    %reduce_max3A_249 = arith.xori %select_n3A_244, %reduce_max3A_248 : vector<16xi32>
    %reduce_max3A_250 = tpu.scan <max>, %reduce_max3A_249 masked %reduce_max3A_246 : vector<16xi32>, vector<16xi1> -> vector<16xi32>
    %reduce_max3A_251 = arith.xori %reduce_max3A_250, %reduce_max3A_248 : vector<16xi32>
    %reduce_max3A_252 = vector.extract %reduce_max3A_251[15] : i32 from vector<16xi32>
    %eq3A_253 = arith.constant 6 : i32
    %eq3A_254 = vector.broadcast %eq3A_253 : i32 to vector<16xi32>
    %eq3A_255 = arith.cmpi eq, %iota3A, %eq3A_254 : vector<16xi32>
    %jit3A_256 = arith.constant -2147483648 : i32
    %broadcast_in_dim3A_257 = vector.broadcast %jit3A_256 : i32 to vector<16xi32>
    %select_n3A_258 = arith.select %eq3A_255, %get3A_15, %broadcast_in_dim3A_257 : vector<16xi1>, vector<16xi32>
    %reduce_max3A_259 = arith.constant true
    %reduce_max3A_260 = vector.broadcast %reduce_max3A_259 : i1 to vector<16xi1>
    %reduce_max3A_261 = arith.constant -2147483648 : i32
    %reduce_max3A_262 = vector.broadcast %reduce_max3A_261 : i32 to vector<16xi32>
    %reduce_max3A_263 = arith.xori %select_n3A_258, %reduce_max3A_262 : vector<16xi32>
    %reduce_max3A_264 = tpu.scan <max>, %reduce_max3A_263 masked %reduce_max3A_260 : vector<16xi32>, vector<16xi1> -> vector<16xi32>
    %reduce_max3A_265 = arith.xori %reduce_max3A_264, %reduce_max3A_262 : vector<16xi32>
    %reduce_max3A_266 = vector.extract %reduce_max3A_265[15] : i32 from vector<16xi32>
    %ge3A_267 = arith.constant 0 : i32
    %ge3A_268 = arith.cmpi sge, %reduce_max3A_252, %ge3A_267 : i32
    %convert_element_type3A_269 = arith.extui %ge3A_268 : i1 to i32
    %cond3A_270 = arith.constant 0 : i32
    %cond3A_271 = arith.cmpi ne, %convert_element_type3A_269, %cond3A_270 : i32
    scf.if %cond3A_271 {
      %dma_start3A_1369 = arith.constant 2 : i32
      %dma_start3A_1370 = arith.constant 0 : i32
      %dma_start3A_1371 = tpu.memref_slice %arg11[%dma_start3A_1369, %dma_start3A_1370] : memref<4x8192xf32, #tpu.memory_space<vmem>> -> memref<1x8192xf32, #tpu.memory_space<vmem>>
      %dma_start3A_1372 = arith.constant 0 : i32
      %dma_start3A_1373 = tpu.memref_slice %arg3[%reduce_max3A_252, %dma_start3A_1372] : memref<1024x8192xf32, #tpu.memory_space<hbm>> -> memref<1x8192xf32, #tpu.memory_space<hbm>>
      %dma_start3A_1374 = arith.constant 2 : i32
      %dma_start3A_1375 = arith.constant 0 : i32
      %dma_start3A_1376 = tpu.memref_slice %arg11[%dma_start3A_1374, %dma_start3A_1375] : memref<4x8192xf32, #tpu.memory_space<vmem>> -> memref<1x8192xf32, #tpu.memory_space<vmem>>
      %dma_start3A_1377 = arith.constant 0 : i32
      %dma_start3A_1378 = tpu.memref_slice %arg3[%reduce_max3A_252, %dma_start3A_1377] : memref<1024x8192xf32, #tpu.memory_space<hbm>> -> memref<1x8192xf32, #tpu.memory_space<hbm>>
      tpu.enqueue_dma source(%dma_start3A_1378 : memref<1x8192xf32, #tpu.memory_space<hbm>>) target(%dma_start3A_1376 : memref<1x8192xf32, #tpu.memory_space<vmem>>) target_semaphore(%arg14 : memref<!tpu.dma_semaphore, #tpu.memory_space<semaphore_mem>>)
    } else {
    }
    %lt3A_272 = arith.constant 0 : i32
    %lt3A_273 = arith.cmpi slt, %reduce_max3A_252, %lt3A_272 : i32
    %convert_element_type3A_274 = arith.extui %lt3A_273 : i1 to i32
    %cond3A_275 = arith.constant 0 : i32
    %cond3A_276 = arith.cmpi ne, %convert_element_type3A_274, %cond3A_275 : i32
    scf.if %cond3A_276 {
      %dma_start3A_1369 = arith.constant 2 : i32
      %dma_start3A_1370 = arith.constant 0 : i32
      %dma_start3A_1371 = tpu.memref_slice %arg11[%dma_start3A_1369, %dma_start3A_1370] : memref<4x8192xf32, #tpu.memory_space<vmem>> -> memref<1x8192xf32, #tpu.memory_space<vmem>>
      %dma_start3A_1372 = arith.constant 0 : i32
      %dma_start3A_1373 = tpu.memref_slice %arg2[%reduce_max3A_266, %dma_start3A_1372] : memref<8192x8192xf32, #tpu.memory_space<hbm>> -> memref<1x8192xf32, #tpu.memory_space<hbm>>
      %dma_start3A_1374 = arith.constant 2 : i32
      %dma_start3A_1375 = arith.constant 0 : i32
      %dma_start3A_1376 = tpu.memref_slice %arg11[%dma_start3A_1374, %dma_start3A_1375] : memref<4x8192xf32, #tpu.memory_space<vmem>> -> memref<1x8192xf32, #tpu.memory_space<vmem>>
      %dma_start3A_1377 = arith.constant 0 : i32
      %dma_start3A_1378 = tpu.memref_slice %arg2[%reduce_max3A_266, %dma_start3A_1377] : memref<8192x8192xf32, #tpu.memory_space<hbm>> -> memref<1x8192xf32, #tpu.memory_space<hbm>>
      tpu.enqueue_dma source(%dma_start3A_1378 : memref<1x8192xf32, #tpu.memory_space<hbm>>) target(%dma_start3A_1376 : memref<1x8192xf32, #tpu.memory_space<vmem>>) target_semaphore(%arg14 : memref<!tpu.dma_semaphore, #tpu.memory_space<semaphore_mem>>)
    } else {
    }
    %eq3A_277 = arith.constant 7 : i32
    %eq3A_278 = vector.broadcast %eq3A_277 : i32 to vector<16xi32>
    %eq3A_279 = arith.cmpi eq, %iota3A, %eq3A_278 : vector<16xi32>
    %jit3A_280 = arith.constant -2147483648 : i32
    %broadcast_in_dim3A_281 = vector.broadcast %jit3A_280 : i32 to vector<16xi32>
    %select_n3A_282 = arith.select %eq3A_279, %gather3A, %broadcast_in_dim3A_281 : vector<16xi1>, vector<16xi32>
    %reduce_max3A_283 = arith.constant true
    %reduce_max3A_284 = vector.broadcast %reduce_max3A_283 : i1 to vector<16xi1>
    %reduce_max3A_285 = arith.constant -2147483648 : i32
    %reduce_max3A_286 = vector.broadcast %reduce_max3A_285 : i32 to vector<16xi32>
    %reduce_max3A_287 = arith.xori %select_n3A_282, %reduce_max3A_286 : vector<16xi32>
    %reduce_max3A_288 = tpu.scan <max>, %reduce_max3A_287 masked %reduce_max3A_284 : vector<16xi32>, vector<16xi1> -> vector<16xi32>
    %reduce_max3A_289 = arith.xori %reduce_max3A_288, %reduce_max3A_286 : vector<16xi32>
    %reduce_max3A_290 = vector.extract %reduce_max3A_289[15] : i32 from vector<16xi32>
    %eq3A_291 = arith.constant 7 : i32
    %eq3A_292 = vector.broadcast %eq3A_291 : i32 to vector<16xi32>
    %eq3A_293 = arith.cmpi eq, %iota3A, %eq3A_292 : vector<16xi32>
    %jit3A_294 = arith.constant -2147483648 : i32
    %broadcast_in_dim3A_295 = vector.broadcast %jit3A_294 : i32 to vector<16xi32>
    %select_n3A_296 = arith.select %eq3A_293, %get3A_15, %broadcast_in_dim3A_295 : vector<16xi1>, vector<16xi32>
    %reduce_max3A_297 = arith.constant true
    %reduce_max3A_298 = vector.broadcast %reduce_max3A_297 : i1 to vector<16xi1>
    %reduce_max3A_299 = arith.constant -2147483648 : i32
    %reduce_max3A_300 = vector.broadcast %reduce_max3A_299 : i32 to vector<16xi32>
    %reduce_max3A_301 = arith.xori %select_n3A_296, %reduce_max3A_300 : vector<16xi32>
    %reduce_max3A_302 = tpu.scan <max>, %reduce_max3A_301 masked %reduce_max3A_298 : vector<16xi32>, vector<16xi1> -> vector<16xi32>
    %reduce_max3A_303 = arith.xori %reduce_max3A_302, %reduce_max3A_300 : vector<16xi32>
    %reduce_max3A_304 = vector.extract %reduce_max3A_303[15] : i32 from vector<16xi32>
    %ge3A_305 = arith.constant 0 : i32
    %ge3A_306 = arith.cmpi sge, %reduce_max3A_290, %ge3A_305 : i32
    %convert_element_type3A_307 = arith.extui %ge3A_306 : i1 to i32
    %cond3A_308 = arith.constant 0 : i32
    %cond3A_309 = arith.cmpi ne, %convert_element_type3A_307, %cond3A_308 : i32
    scf.if %cond3A_309 {
      %dma_start3A_1369 = arith.constant 3 : i32
      %dma_start3A_1370 = arith.constant 0 : i32
      %dma_start3A_1371 = tpu.memref_slice %arg11[%dma_start3A_1369, %dma_start3A_1370] : memref<4x8192xf32, #tpu.memory_space<vmem>> -> memref<1x8192xf32, #tpu.memory_space<vmem>>
      %dma_start3A_1372 = arith.constant 0 : i32
      %dma_start3A_1373 = tpu.memref_slice %arg3[%reduce_max3A_290, %dma_start3A_1372] : memref<1024x8192xf32, #tpu.memory_space<hbm>> -> memref<1x8192xf32, #tpu.memory_space<hbm>>
      %dma_start3A_1374 = arith.constant 3 : i32
      %dma_start3A_1375 = arith.constant 0 : i32
      %dma_start3A_1376 = tpu.memref_slice %arg11[%dma_start3A_1374, %dma_start3A_1375] : memref<4x8192xf32, #tpu.memory_space<vmem>> -> memref<1x8192xf32, #tpu.memory_space<vmem>>
      %dma_start3A_1377 = arith.constant 0 : i32
      %dma_start3A_1378 = tpu.memref_slice %arg3[%reduce_max3A_290, %dma_start3A_1377] : memref<1024x8192xf32, #tpu.memory_space<hbm>> -> memref<1x8192xf32, #tpu.memory_space<hbm>>
      tpu.enqueue_dma source(%dma_start3A_1378 : memref<1x8192xf32, #tpu.memory_space<hbm>>) target(%dma_start3A_1376 : memref<1x8192xf32, #tpu.memory_space<vmem>>) target_semaphore(%arg14 : memref<!tpu.dma_semaphore, #tpu.memory_space<semaphore_mem>>)
    } else {
    }
    %lt3A_310 = arith.constant 0 : i32
    %lt3A_311 = arith.cmpi slt, %reduce_max3A_290, %lt3A_310 : i32
    %convert_element_type3A_312 = arith.extui %lt3A_311 : i1 to i32
    %cond3A_313 = arith.constant 0 : i32
    %cond3A_314 = arith.cmpi ne, %convert_element_type3A_312, %cond3A_313 : i32
    scf.if %cond3A_314 {
      %dma_start3A_1369 = arith.constant 3 : i32
      %dma_start3A_1370 = arith.constant 0 : i32
      %dma_start3A_1371 = tpu.memref_slice %arg11[%dma_start3A_1369, %dma_start3A_1370] : memref<4x8192xf32, #tpu.memory_space<vmem>> -> memref<1x8192xf32, #tpu.memory_space<vmem>>
      %dma_start3A_1372 = arith.constant 0 : i32
      %dma_start3A_1373 = tpu.memref_slice %arg2[%reduce_max3A_304, %dma_start3A_1372] : memref<8192x8192xf32, #tpu.memory_space<hbm>> -> memref<1x8192xf32, #tpu.memory_space<hbm>>
      %dma_start3A_1374 = arith.constant 3 : i32
      %dma_start3A_1375 = arith.constant 0 : i32
      %dma_start3A_1376 = tpu.memref_slice %arg11[%dma_start3A_1374, %dma_start3A_1375] : memref<4x8192xf32, #tpu.memory_space<vmem>> -> memref<1x8192xf32, #tpu.memory_space<vmem>>
      %dma_start3A_1377 = arith.constant 0 : i32
      %dma_start3A_1378 = tpu.memref_slice %arg2[%reduce_max3A_304, %dma_start3A_1377] : memref<8192x8192xf32, #tpu.memory_space<hbm>> -> memref<1x8192xf32, #tpu.memory_space<hbm>>
      tpu.enqueue_dma source(%dma_start3A_1378 : memref<1x8192xf32, #tpu.memory_space<hbm>>) target(%dma_start3A_1376 : memref<1x8192xf32, #tpu.memory_space<vmem>>) target_semaphore(%arg14 : memref<!tpu.dma_semaphore, #tpu.memory_space<semaphore_mem>>)
    } else {
    }
    %eq3A_315 = arith.constant 8 : i32
    %eq3A_316 = vector.broadcast %eq3A_315 : i32 to vector<16xi32>
    %eq3A_317 = arith.cmpi eq, %iota3A, %eq3A_316 : vector<16xi32>
    %jit3A_318 = arith.constant -2147483648 : i32
    %broadcast_in_dim3A_319 = vector.broadcast %jit3A_318 : i32 to vector<16xi32>
    %select_n3A_320 = arith.select %eq3A_317, %gather3A, %broadcast_in_dim3A_319 : vector<16xi1>, vector<16xi32>
    %reduce_max3A_321 = arith.constant true
    %reduce_max3A_322 = vector.broadcast %reduce_max3A_321 : i1 to vector<16xi1>
    %reduce_max3A_323 = arith.constant -2147483648 : i32
    %reduce_max3A_324 = vector.broadcast %reduce_max3A_323 : i32 to vector<16xi32>
    %reduce_max3A_325 = arith.xori %select_n3A_320, %reduce_max3A_324 : vector<16xi32>
    %reduce_max3A_326 = tpu.scan <max>, %reduce_max3A_325 masked %reduce_max3A_322 : vector<16xi32>, vector<16xi1> -> vector<16xi32>
    %reduce_max3A_327 = arith.xori %reduce_max3A_326, %reduce_max3A_324 : vector<16xi32>
    %reduce_max3A_328 = vector.extract %reduce_max3A_327[15] : i32 from vector<16xi32>
    %eq3A_329 = arith.constant 8 : i32
    %eq3A_330 = vector.broadcast %eq3A_329 : i32 to vector<16xi32>
    %eq3A_331 = arith.cmpi eq, %iota3A, %eq3A_330 : vector<16xi32>
    %jit3A_332 = arith.constant -2147483648 : i32
    %broadcast_in_dim3A_333 = vector.broadcast %jit3A_332 : i32 to vector<16xi32>
    %select_n3A_334 = arith.select %eq3A_331, %get3A_15, %broadcast_in_dim3A_333 : vector<16xi1>, vector<16xi32>
    %reduce_max3A_335 = arith.constant true
    %reduce_max3A_336 = vector.broadcast %reduce_max3A_335 : i1 to vector<16xi1>
    %reduce_max3A_337 = arith.constant -2147483648 : i32
    %reduce_max3A_338 = vector.broadcast %reduce_max3A_337 : i32 to vector<16xi32>
    %reduce_max3A_339 = arith.xori %select_n3A_334, %reduce_max3A_338 : vector<16xi32>
    %reduce_max3A_340 = tpu.scan <max>, %reduce_max3A_339 masked %reduce_max3A_336 : vector<16xi32>, vector<16xi1> -> vector<16xi32>
    %reduce_max3A_341 = arith.xori %reduce_max3A_340, %reduce_max3A_338 : vector<16xi32>
    %reduce_max3A_342 = vector.extract %reduce_max3A_341[15] : i32 from vector<16xi32>
    %ge3A_343 = arith.constant 0 : i32
    %ge3A_344 = arith.cmpi sge, %reduce_max3A_328, %ge3A_343 : i32
    %convert_element_type3A_345 = arith.extui %ge3A_344 : i1 to i32
    %cond3A_346 = arith.constant 0 : i32
    %cond3A_347 = arith.cmpi ne, %convert_element_type3A_345, %cond3A_346 : i32
    scf.if %cond3A_347 {
      %dma_start3A_1369 = arith.constant 0 : i32
      %dma_start3A_1370 = arith.constant 0 : i32
      %dma_start3A_1371 = tpu.memref_slice %arg12[%dma_start3A_1369, %dma_start3A_1370] : memref<4x8192xf32, #tpu.memory_space<vmem>> -> memref<1x8192xf32, #tpu.memory_space<vmem>>
      %dma_start3A_1372 = arith.constant 0 : i32
      %dma_start3A_1373 = tpu.memref_slice %arg3[%reduce_max3A_328, %dma_start3A_1372] : memref<1024x8192xf32, #tpu.memory_space<hbm>> -> memref<1x8192xf32, #tpu.memory_space<hbm>>
      %dma_start3A_1374 = arith.constant 0 : i32
      %dma_start3A_1375 = arith.constant 0 : i32
      %dma_start3A_1376 = tpu.memref_slice %arg12[%dma_start3A_1374, %dma_start3A_1375] : memref<4x8192xf32, #tpu.memory_space<vmem>> -> memref<1x8192xf32, #tpu.memory_space<vmem>>
      %dma_start3A_1377 = arith.constant 0 : i32
      %dma_start3A_1378 = tpu.memref_slice %arg3[%reduce_max3A_328, %dma_start3A_1377] : memref<1024x8192xf32, #tpu.memory_space<hbm>> -> memref<1x8192xf32, #tpu.memory_space<hbm>>
      tpu.enqueue_dma source(%dma_start3A_1378 : memref<1x8192xf32, #tpu.memory_space<hbm>>) target(%dma_start3A_1376 : memref<1x8192xf32, #tpu.memory_space<vmem>>) target_semaphore(%arg15 : memref<!tpu.dma_semaphore, #tpu.memory_space<semaphore_mem>>)
    } else {
    }
    %lt3A_348 = arith.constant 0 : i32
    %lt3A_349 = arith.cmpi slt, %reduce_max3A_328, %lt3A_348 : i32
    %convert_element_type3A_350 = arith.extui %lt3A_349 : i1 to i32
    %cond3A_351 = arith.constant 0 : i32
    %cond3A_352 = arith.cmpi ne, %convert_element_type3A_350, %cond3A_351 : i32
    scf.if %cond3A_352 {
      %dma_start3A_1369 = arith.constant 0 : i32
      %dma_start3A_1370 = arith.constant 0 : i32
      %dma_start3A_1371 = tpu.memref_slice %arg12[%dma_start3A_1369, %dma_start3A_1370] : memref<4x8192xf32, #tpu.memory_space<vmem>> -> memref<1x8192xf32, #tpu.memory_space<vmem>>
      %dma_start3A_1372 = arith.constant 0 : i32
      %dma_start3A_1373 = tpu.memref_slice %arg2[%reduce_max3A_342, %dma_start3A_1372] : memref<8192x8192xf32, #tpu.memory_space<hbm>> -> memref<1x8192xf32, #tpu.memory_space<hbm>>
      %dma_start3A_1374 = arith.constant 0 : i32
      %dma_start3A_1375 = arith.constant 0 : i32
      %dma_start3A_1376 = tpu.memref_slice %arg12[%dma_start3A_1374, %dma_start3A_1375] : memref<4x8192xf32, #tpu.memory_space<vmem>> -> memref<1x8192xf32, #tpu.memory_space<vmem>>
      %dma_start3A_1377 = arith.constant 0 : i32
      %dma_start3A_1378 = tpu.memref_slice %arg2[%reduce_max3A_342, %dma_start3A_1377] : memref<8192x8192xf32, #tpu.memory_space<hbm>> -> memref<1x8192xf32, #tpu.memory_space<hbm>>
      tpu.enqueue_dma source(%dma_start3A_1378 : memref<1x8192xf32, #tpu.memory_space<hbm>>) target(%dma_start3A_1376 : memref<1x8192xf32, #tpu.memory_space<vmem>>) target_semaphore(%arg15 : memref<!tpu.dma_semaphore, #tpu.memory_space<semaphore_mem>>)
    } else {
    }
    %eq3A_353 = arith.constant 9 : i32
    %eq3A_354 = vector.broadcast %eq3A_353 : i32 to vector<16xi32>
    %eq3A_355 = arith.cmpi eq, %iota3A, %eq3A_354 : vector<16xi32>
    %jit3A_356 = arith.constant -2147483648 : i32
    %broadcast_in_dim3A_357 = vector.broadcast %jit3A_356 : i32 to vector<16xi32>
    %select_n3A_358 = arith.select %eq3A_355, %gather3A, %broadcast_in_dim3A_357 : vector<16xi1>, vector<16xi32>
    %reduce_max3A_359 = arith.constant true
    %reduce_max3A_360 = vector.broadcast %reduce_max3A_359 : i1 to vector<16xi1>
    %reduce_max3A_361 = arith.constant -2147483648 : i32
    %reduce_max3A_362 = vector.broadcast %reduce_max3A_361 : i32 to vector<16xi32>
    %reduce_max3A_363 = arith.xori %select_n3A_358, %reduce_max3A_362 : vector<16xi32>
    %reduce_max3A_364 = tpu.scan <max>, %reduce_max3A_363 masked %reduce_max3A_360 : vector<16xi32>, vector<16xi1> -> vector<16xi32>
    %reduce_max3A_365 = arith.xori %reduce_max3A_364, %reduce_max3A_362 : vector<16xi32>
    %reduce_max3A_366 = vector.extract %reduce_max3A_365[15] : i32 from vector<16xi32>
    %eq3A_367 = arith.constant 9 : i32
    %eq3A_368 = vector.broadcast %eq3A_367 : i32 to vector<16xi32>
    %eq3A_369 = arith.cmpi eq, %iota3A, %eq3A_368 : vector<16xi32>
    %jit3A_370 = arith.constant -2147483648 : i32
    %broadcast_in_dim3A_371 = vector.broadcast %jit3A_370 : i32 to vector<16xi32>
    %select_n3A_372 = arith.select %eq3A_369, %get3A_15, %broadcast_in_dim3A_371 : vector<16xi1>, vector<16xi32>
    %reduce_max3A_373 = arith.constant true
    %reduce_max3A_374 = vector.broadcast %reduce_max3A_373 : i1 to vector<16xi1>
    %reduce_max3A_375 = arith.constant -2147483648 : i32
    %reduce_max3A_376 = vector.broadcast %reduce_max3A_375 : i32 to vector<16xi32>
    %reduce_max3A_377 = arith.xori %select_n3A_372, %reduce_max3A_376 : vector<16xi32>
    %reduce_max3A_378 = tpu.scan <max>, %reduce_max3A_377 masked %reduce_max3A_374 : vector<16xi32>, vector<16xi1> -> vector<16xi32>
    %reduce_max3A_379 = arith.xori %reduce_max3A_378, %reduce_max3A_376 : vector<16xi32>
    %reduce_max3A_380 = vector.extract %reduce_max3A_379[15] : i32 from vector<16xi32>
    %ge3A_381 = arith.constant 0 : i32
    %ge3A_382 = arith.cmpi sge, %reduce_max3A_366, %ge3A_381 : i32
    %convert_element_type3A_383 = arith.extui %ge3A_382 : i1 to i32
    %cond3A_384 = arith.constant 0 : i32
    %cond3A_385 = arith.cmpi ne, %convert_element_type3A_383, %cond3A_384 : i32
    scf.if %cond3A_385 {
      %dma_start3A_1369 = arith.constant 1 : i32
      %dma_start3A_1370 = arith.constant 0 : i32
      %dma_start3A_1371 = tpu.memref_slice %arg12[%dma_start3A_1369, %dma_start3A_1370] : memref<4x8192xf32, #tpu.memory_space<vmem>> -> memref<1x8192xf32, #tpu.memory_space<vmem>>
      %dma_start3A_1372 = arith.constant 0 : i32
      %dma_start3A_1373 = tpu.memref_slice %arg3[%reduce_max3A_366, %dma_start3A_1372] : memref<1024x8192xf32, #tpu.memory_space<hbm>> -> memref<1x8192xf32, #tpu.memory_space<hbm>>
      %dma_start3A_1374 = arith.constant 1 : i32
      %dma_start3A_1375 = arith.constant 0 : i32
      %dma_start3A_1376 = tpu.memref_slice %arg12[%dma_start3A_1374, %dma_start3A_1375] : memref<4x8192xf32, #tpu.memory_space<vmem>> -> memref<1x8192xf32, #tpu.memory_space<vmem>>
      %dma_start3A_1377 = arith.constant 0 : i32
      %dma_start3A_1378 = tpu.memref_slice %arg3[%reduce_max3A_366, %dma_start3A_1377] : memref<1024x8192xf32, #tpu.memory_space<hbm>> -> memref<1x8192xf32, #tpu.memory_space<hbm>>
      tpu.enqueue_dma source(%dma_start3A_1378 : memref<1x8192xf32, #tpu.memory_space<hbm>>) target(%dma_start3A_1376 : memref<1x8192xf32, #tpu.memory_space<vmem>>) target_semaphore(%arg15 : memref<!tpu.dma_semaphore, #tpu.memory_space<semaphore_mem>>)
    } else {
    }
    %lt3A_386 = arith.constant 0 : i32
    %lt3A_387 = arith.cmpi slt, %reduce_max3A_366, %lt3A_386 : i32
    %convert_element_type3A_388 = arith.extui %lt3A_387 : i1 to i32
    %cond3A_389 = arith.constant 0 : i32
    %cond3A_390 = arith.cmpi ne, %convert_element_type3A_388, %cond3A_389 : i32
    scf.if %cond3A_390 {
      %dma_start3A_1369 = arith.constant 1 : i32
      %dma_start3A_1370 = arith.constant 0 : i32
      %dma_start3A_1371 = tpu.memref_slice %arg12[%dma_start3A_1369, %dma_start3A_1370] : memref<4x8192xf32, #tpu.memory_space<vmem>> -> memref<1x8192xf32, #tpu.memory_space<vmem>>
      %dma_start3A_1372 = arith.constant 0 : i32
      %dma_start3A_1373 = tpu.memref_slice %arg2[%reduce_max3A_380, %dma_start3A_1372] : memref<8192x8192xf32, #tpu.memory_space<hbm>> -> memref<1x8192xf32, #tpu.memory_space<hbm>>
      %dma_start3A_1374 = arith.constant 1 : i32
      %dma_start3A_1375 = arith.constant 0 : i32
      %dma_start3A_1376 = tpu.memref_slice %arg12[%dma_start3A_1374, %dma_start3A_1375] : memref<4x8192xf32, #tpu.memory_space<vmem>> -> memref<1x8192xf32, #tpu.memory_space<vmem>>
      %dma_start3A_1377 = arith.constant 0 : i32
      %dma_start3A_1378 = tpu.memref_slice %arg2[%reduce_max3A_380, %dma_start3A_1377] : memref<8192x8192xf32, #tpu.memory_space<hbm>> -> memref<1x8192xf32, #tpu.memory_space<hbm>>
      tpu.enqueue_dma source(%dma_start3A_1378 : memref<1x8192xf32, #tpu.memory_space<hbm>>) target(%dma_start3A_1376 : memref<1x8192xf32, #tpu.memory_space<vmem>>) target_semaphore(%arg15 : memref<!tpu.dma_semaphore, #tpu.memory_space<semaphore_mem>>)
    } else {
    }
    %eq3A_391 = arith.constant 10 : i32
    %eq3A_392 = vector.broadcast %eq3A_391 : i32 to vector<16xi32>
    %eq3A_393 = arith.cmpi eq, %iota3A, %eq3A_392 : vector<16xi32>
    %jit3A_394 = arith.constant -2147483648 : i32
    %broadcast_in_dim3A_395 = vector.broadcast %jit3A_394 : i32 to vector<16xi32>
    %select_n3A_396 = arith.select %eq3A_393, %gather3A, %broadcast_in_dim3A_395 : vector<16xi1>, vector<16xi32>
    %reduce_max3A_397 = arith.constant true
    %reduce_max3A_398 = vector.broadcast %reduce_max3A_397 : i1 to vector<16xi1>
    %reduce_max3A_399 = arith.constant -2147483648 : i32
    %reduce_max3A_400 = vector.broadcast %reduce_max3A_399 : i32 to vector<16xi32>
    %reduce_max3A_401 = arith.xori %select_n3A_396, %reduce_max3A_400 : vector<16xi32>
    %reduce_max3A_402 = tpu.scan <max>, %reduce_max3A_401 masked %reduce_max3A_398 : vector<16xi32>, vector<16xi1> -> vector<16xi32>
    %reduce_max3A_403 = arith.xori %reduce_max3A_402, %reduce_max3A_400 : vector<16xi32>
    %reduce_max3A_404 = vector.extract %reduce_max3A_403[15] : i32 from vector<16xi32>
    %eq3A_405 = arith.constant 10 : i32
    %eq3A_406 = vector.broadcast %eq3A_405 : i32 to vector<16xi32>
    %eq3A_407 = arith.cmpi eq, %iota3A, %eq3A_406 : vector<16xi32>
    %jit3A_408 = arith.constant -2147483648 : i32
    %broadcast_in_dim3A_409 = vector.broadcast %jit3A_408 : i32 to vector<16xi32>
    %select_n3A_410 = arith.select %eq3A_407, %get3A_15, %broadcast_in_dim3A_409 : vector<16xi1>, vector<16xi32>
    %reduce_max3A_411 = arith.constant true
    %reduce_max3A_412 = vector.broadcast %reduce_max3A_411 : i1 to vector<16xi1>
    %reduce_max3A_413 = arith.constant -2147483648 : i32
    %reduce_max3A_414 = vector.broadcast %reduce_max3A_413 : i32 to vector<16xi32>
    %reduce_max3A_415 = arith.xori %select_n3A_410, %reduce_max3A_414 : vector<16xi32>
    %reduce_max3A_416 = tpu.scan <max>, %reduce_max3A_415 masked %reduce_max3A_412 : vector<16xi32>, vector<16xi1> -> vector<16xi32>
    %reduce_max3A_417 = arith.xori %reduce_max3A_416, %reduce_max3A_414 : vector<16xi32>
    %reduce_max3A_418 = vector.extract %reduce_max3A_417[15] : i32 from vector<16xi32>
    %ge3A_419 = arith.constant 0 : i32
    %ge3A_420 = arith.cmpi sge, %reduce_max3A_404, %ge3A_419 : i32
    %convert_element_type3A_421 = arith.extui %ge3A_420 : i1 to i32
    %cond3A_422 = arith.constant 0 : i32
    %cond3A_423 = arith.cmpi ne, %convert_element_type3A_421, %cond3A_422 : i32
    scf.if %cond3A_423 {
      %dma_start3A_1369 = arith.constant 2 : i32
      %dma_start3A_1370 = arith.constant 0 : i32
      %dma_start3A_1371 = tpu.memref_slice %arg12[%dma_start3A_1369, %dma_start3A_1370] : memref<4x8192xf32, #tpu.memory_space<vmem>> -> memref<1x8192xf32, #tpu.memory_space<vmem>>
      %dma_start3A_1372 = arith.constant 0 : i32
      %dma_start3A_1373 = tpu.memref_slice %arg3[%reduce_max3A_404, %dma_start3A_1372] : memref<1024x8192xf32, #tpu.memory_space<hbm>> -> memref<1x8192xf32, #tpu.memory_space<hbm>>
      %dma_start3A_1374 = arith.constant 2 : i32
      %dma_start3A_1375 = arith.constant 0 : i32
      %dma_start3A_1376 = tpu.memref_slice %arg12[%dma_start3A_1374, %dma_start3A_1375] : memref<4x8192xf32, #tpu.memory_space<vmem>> -> memref<1x8192xf32, #tpu.memory_space<vmem>>
      %dma_start3A_1377 = arith.constant 0 : i32
      %dma_start3A_1378 = tpu.memref_slice %arg3[%reduce_max3A_404, %dma_start3A_1377] : memref<1024x8192xf32, #tpu.memory_space<hbm>> -> memref<1x8192xf32, #tpu.memory_space<hbm>>
      tpu.enqueue_dma source(%dma_start3A_1378 : memref<1x8192xf32, #tpu.memory_space<hbm>>) target(%dma_start3A_1376 : memref<1x8192xf32, #tpu.memory_space<vmem>>) target_semaphore(%arg15 : memref<!tpu.dma_semaphore, #tpu.memory_space<semaphore_mem>>)
    } else {
    }
    %lt3A_424 = arith.constant 0 : i32
    %lt3A_425 = arith.cmpi slt, %reduce_max3A_404, %lt3A_424 : i32
    %convert_element_type3A_426 = arith.extui %lt3A_425 : i1 to i32
    %cond3A_427 = arith.constant 0 : i32
    %cond3A_428 = arith.cmpi ne, %convert_element_type3A_426, %cond3A_427 : i32
    scf.if %cond3A_428 {
      %dma_start3A_1369 = arith.constant 2 : i32
      %dma_start3A_1370 = arith.constant 0 : i32
      %dma_start3A_1371 = tpu.memref_slice %arg12[%dma_start3A_1369, %dma_start3A_1370] : memref<4x8192xf32, #tpu.memory_space<vmem>> -> memref<1x8192xf32, #tpu.memory_space<vmem>>
      %dma_start3A_1372 = arith.constant 0 : i32
      %dma_start3A_1373 = tpu.memref_slice %arg2[%reduce_max3A_418, %dma_start3A_1372] : memref<8192x8192xf32, #tpu.memory_space<hbm>> -> memref<1x8192xf32, #tpu.memory_space<hbm>>
      %dma_start3A_1374 = arith.constant 2 : i32
      %dma_start3A_1375 = arith.constant 0 : i32
      %dma_start3A_1376 = tpu.memref_slice %arg12[%dma_start3A_1374, %dma_start3A_1375] : memref<4x8192xf32, #tpu.memory_space<vmem>> -> memref<1x8192xf32, #tpu.memory_space<vmem>>
      %dma_start3A_1377 = arith.constant 0 : i32
      %dma_start3A_1378 = tpu.memref_slice %arg2[%reduce_max3A_418, %dma_start3A_1377] : memref<8192x8192xf32, #tpu.memory_space<hbm>> -> memref<1x8192xf32, #tpu.memory_space<hbm>>
      tpu.enqueue_dma source(%dma_start3A_1378 : memref<1x8192xf32, #tpu.memory_space<hbm>>) target(%dma_start3A_1376 : memref<1x8192xf32, #tpu.memory_space<vmem>>) target_semaphore(%arg15 : memref<!tpu.dma_semaphore, #tpu.memory_space<semaphore_mem>>)
    } else {
    }
    %eq3A_429 = arith.constant 11 : i32
    %eq3A_430 = vector.broadcast %eq3A_429 : i32 to vector<16xi32>
    %eq3A_431 = arith.cmpi eq, %iota3A, %eq3A_430 : vector<16xi32>
    %jit3A_432 = arith.constant -2147483648 : i32
    %broadcast_in_dim3A_433 = vector.broadcast %jit3A_432 : i32 to vector<16xi32>
    %select_n3A_434 = arith.select %eq3A_431, %gather3A, %broadcast_in_dim3A_433 : vector<16xi1>, vector<16xi32>
    %reduce_max3A_435 = arith.constant true
    %reduce_max3A_436 = vector.broadcast %reduce_max3A_435 : i1 to vector<16xi1>
    %reduce_max3A_437 = arith.constant -2147483648 : i32
    %reduce_max3A_438 = vector.broadcast %reduce_max3A_437 : i32 to vector<16xi32>
    %reduce_max3A_439 = arith.xori %select_n3A_434, %reduce_max3A_438 : vector<16xi32>
    %reduce_max3A_440 = tpu.scan <max>, %reduce_max3A_439 masked %reduce_max3A_436 : vector<16xi32>, vector<16xi1> -> vector<16xi32>
    %reduce_max3A_441 = arith.xori %reduce_max3A_440, %reduce_max3A_438 : vector<16xi32>
    %reduce_max3A_442 = vector.extract %reduce_max3A_441[15] : i32 from vector<16xi32>
    %eq3A_443 = arith.constant 11 : i32
    %eq3A_444 = vector.broadcast %eq3A_443 : i32 to vector<16xi32>
    %eq3A_445 = arith.cmpi eq, %iota3A, %eq3A_444 : vector<16xi32>
    %jit3A_446 = arith.constant -2147483648 : i32
    %broadcast_in_dim3A_447 = vector.broadcast %jit3A_446 : i32 to vector<16xi32>
    %select_n3A_448 = arith.select %eq3A_445, %get3A_15, %broadcast_in_dim3A_447 : vector<16xi1>, vector<16xi32>
    %reduce_max3A_449 = arith.constant true
    %reduce_max3A_450 = vector.broadcast %reduce_max3A_449 : i1 to vector<16xi1>
    %reduce_max3A_451 = arith.constant -2147483648 : i32
    %reduce_max3A_452 = vector.broadcast %reduce_max3A_451 : i32 to vector<16xi32>
    %reduce_max3A_453 = arith.xori %select_n3A_448, %reduce_max3A_452 : vector<16xi32>
    %reduce_max3A_454 = tpu.scan <max>, %reduce_max3A_453 masked %reduce_max3A_450 : vector<16xi32>, vector<16xi1> -> vector<16xi32>
    %reduce_max3A_455 = arith.xori %reduce_max3A_454, %reduce_max3A_452 : vector<16xi32>
    %reduce_max3A_456 = vector.extract %reduce_max3A_455[15] : i32 from vector<16xi32>
    %ge3A_457 = arith.constant 0 : i32
    %ge3A_458 = arith.cmpi sge, %reduce_max3A_442, %ge3A_457 : i32
    %convert_element_type3A_459 = arith.extui %ge3A_458 : i1 to i32
    %cond3A_460 = arith.constant 0 : i32
    %cond3A_461 = arith.cmpi ne, %convert_element_type3A_459, %cond3A_460 : i32
    scf.if %cond3A_461 {
      %dma_start3A_1369 = arith.constant 3 : i32
      %dma_start3A_1370 = arith.constant 0 : i32
      %dma_start3A_1371 = tpu.memref_slice %arg12[%dma_start3A_1369, %dma_start3A_1370] : memref<4x8192xf32, #tpu.memory_space<vmem>> -> memref<1x8192xf32, #tpu.memory_space<vmem>>
      %dma_start3A_1372 = arith.constant 0 : i32
      %dma_start3A_1373 = tpu.memref_slice %arg3[%reduce_max3A_442, %dma_start3A_1372] : memref<1024x8192xf32, #tpu.memory_space<hbm>> -> memref<1x8192xf32, #tpu.memory_space<hbm>>
      %dma_start3A_1374 = arith.constant 3 : i32
      %dma_start3A_1375 = arith.constant 0 : i32
      %dma_start3A_1376 = tpu.memref_slice %arg12[%dma_start3A_1374, %dma_start3A_1375] : memref<4x8192xf32, #tpu.memory_space<vmem>> -> memref<1x8192xf32, #tpu.memory_space<vmem>>
      %dma_start3A_1377 = arith.constant 0 : i32
      %dma_start3A_1378 = tpu.memref_slice %arg3[%reduce_max3A_442, %dma_start3A_1377] : memref<1024x8192xf32, #tpu.memory_space<hbm>> -> memref<1x8192xf32, #tpu.memory_space<hbm>>
      tpu.enqueue_dma source(%dma_start3A_1378 : memref<1x8192xf32, #tpu.memory_space<hbm>>) target(%dma_start3A_1376 : memref<1x8192xf32, #tpu.memory_space<vmem>>) target_semaphore(%arg15 : memref<!tpu.dma_semaphore, #tpu.memory_space<semaphore_mem>>)
    } else {
    }
    %lt3A_462 = arith.constant 0 : i32
    %lt3A_463 = arith.cmpi slt, %reduce_max3A_442, %lt3A_462 : i32
    %convert_element_type3A_464 = arith.extui %lt3A_463 : i1 to i32
    %cond3A_465 = arith.constant 0 : i32
    %cond3A_466 = arith.cmpi ne, %convert_element_type3A_464, %cond3A_465 : i32
    scf.if %cond3A_466 {
      %dma_start3A_1369 = arith.constant 3 : i32
      %dma_start3A_1370 = arith.constant 0 : i32
      %dma_start3A_1371 = tpu.memref_slice %arg12[%dma_start3A_1369, %dma_start3A_1370] : memref<4x8192xf32, #tpu.memory_space<vmem>> -> memref<1x8192xf32, #tpu.memory_space<vmem>>
      %dma_start3A_1372 = arith.constant 0 : i32
      %dma_start3A_1373 = tpu.memref_slice %arg2[%reduce_max3A_456, %dma_start3A_1372] : memref<8192x8192xf32, #tpu.memory_space<hbm>> -> memref<1x8192xf32, #tpu.memory_space<hbm>>
      %dma_start3A_1374 = arith.constant 3 : i32
      %dma_start3A_1375 = arith.constant 0 : i32
      %dma_start3A_1376 = tpu.memref_slice %arg12[%dma_start3A_1374, %dma_start3A_1375] : memref<4x8192xf32, #tpu.memory_space<vmem>> -> memref<1x8192xf32, #tpu.memory_space<vmem>>
      %dma_start3A_1377 = arith.constant 0 : i32
      %dma_start3A_1378 = tpu.memref_slice %arg2[%reduce_max3A_456, %dma_start3A_1377] : memref<8192x8192xf32, #tpu.memory_space<hbm>> -> memref<1x8192xf32, #tpu.memory_space<hbm>>
      tpu.enqueue_dma source(%dma_start3A_1378 : memref<1x8192xf32, #tpu.memory_space<hbm>>) target(%dma_start3A_1376 : memref<1x8192xf32, #tpu.memory_space<vmem>>) target_semaphore(%arg15 : memref<!tpu.dma_semaphore, #tpu.memory_space<semaphore_mem>>)
    } else {
    }
    %dma_wait3A = arith.constant 0 : i32
    %dma_wait3A_467 = arith.constant 0 : i32
    %dma_wait3A_468 = tpu.memref_slice %arg2[%dma_wait3A, %dma_wait3A_467] : memref<8192x8192xf32, #tpu.memory_space<hbm>> -> memref<4x8192xf32, #tpu.memory_space<hbm>>
    %dma_wait3A_469 = arith.constant 0 : i32
    %dma_wait3A_470 = arith.constant 0 : i32
    %dma_wait3A_471 = tpu.memref_slice %arg2[%dma_wait3A_469, %dma_wait3A_470] : memref<8192x8192xf32, #tpu.memory_space<hbm>> -> memref<4x8192xf32, #tpu.memory_space<hbm>>
    tpu.wait_dma2 semaphore(%arg13 : memref<!tpu.dma_semaphore, #tpu.memory_space<semaphore_mem>>) src(%dma_wait3A_471 : memref<4x8192xf32, #tpu.memory_space<hbm>>) dst(%arg10 : memref<4x8192xf32, #tpu.memory_space<vmem>>)
    %add3A_472 = arith.constant 0 : i32
    %add3A_473 = arith.addi %mul3A_2, %add3A_472 : i32
    %dma_start3A = arith.constant 0 : i32
    %dma_start3A_474 = tpu.memref_slice %arg6[%add3A_473, %dma_start3A] : memref<1024x8192xf32, #tpu.memory_space<hbm>> -> memref<4x8192xf32, #tpu.memory_space<hbm>>
    %dma_start3A_475 = arith.constant 0 : i32
    %dma_start3A_476 = tpu.memref_slice %arg6[%add3A_473, %dma_start3A_475] : memref<1024x8192xf32, #tpu.memory_space<hbm>> -> memref<4x8192xf32, #tpu.memory_space<hbm>>
    tpu.enqueue_dma source(%arg10 : memref<4x8192xf32, #tpu.memory_space<vmem>>) target(%dma_start3A_476 : memref<4x8192xf32, #tpu.memory_space<hbm>>) target_semaphore(%arg16 : memref<!tpu.dma_semaphore, #tpu.memory_space<semaphore_mem>>)
    %dma_wait3A_477 = arith.constant 0 : i32
    %dma_wait3A_478 = arith.constant 0 : i32
    %dma_wait3A_479 = tpu.memref_slice %arg6[%dma_wait3A_477, %dma_wait3A_478] : memref<1024x8192xf32, #tpu.memory_space<hbm>> -> memref<4x8192xf32, #tpu.memory_space<hbm>>
    %dma_wait3A_480 = arith.constant 0 : i32
    %dma_wait3A_481 = arith.constant 0 : i32
    %dma_wait3A_482 = tpu.memref_slice %arg6[%dma_wait3A_480, %dma_wait3A_481] : memref<1024x8192xf32, #tpu.memory_space<hbm>> -> memref<4x8192xf32, #tpu.memory_space<hbm>>
    tpu.wait_dma2 semaphore(%arg16 : memref<!tpu.dma_semaphore, #tpu.memory_space<semaphore_mem>>) src(%dma_wait3A_482 : memref<4x8192xf32, #tpu.memory_space<hbm>>) dst(%arg10 : memref<4x8192xf32, #tpu.memory_space<vmem>>)
    %eq3A_483 = arith.constant 12 : i32
    %eq3A_484 = vector.broadcast %eq3A_483 : i32 to vector<16xi32>
    %eq3A_485 = arith.cmpi eq, %iota3A, %eq3A_484 : vector<16xi32>
    %jit3A_486 = arith.constant -2147483648 : i32
    %broadcast_in_dim3A_487 = vector.broadcast %jit3A_486 : i32 to vector<16xi32>
    %select_n3A_488 = arith.select %eq3A_485, %gather3A, %broadcast_in_dim3A_487 : vector<16xi1>, vector<16xi32>
    %reduce_max3A_489 = arith.constant true
    %reduce_max3A_490 = vector.broadcast %reduce_max3A_489 : i1 to vector<16xi1>
    %reduce_max3A_491 = arith.constant -2147483648 : i32
    %reduce_max3A_492 = vector.broadcast %reduce_max3A_491 : i32 to vector<16xi32>
    %reduce_max3A_493 = arith.xori %select_n3A_488, %reduce_max3A_492 : vector<16xi32>
    %reduce_max3A_494 = tpu.scan <max>, %reduce_max3A_493 masked %reduce_max3A_490 : vector<16xi32>, vector<16xi1> -> vector<16xi32>
    %reduce_max3A_495 = arith.xori %reduce_max3A_494, %reduce_max3A_492 : vector<16xi32>
    %reduce_max3A_496 = vector.extract %reduce_max3A_495[15] : i32 from vector<16xi32>
    %eq3A_497 = arith.constant 12 : i32
    %eq3A_498 = vector.broadcast %eq3A_497 : i32 to vector<16xi32>
    %eq3A_499 = arith.cmpi eq, %iota3A, %eq3A_498 : vector<16xi32>
    %jit3A_500 = arith.constant -2147483648 : i32
    %broadcast_in_dim3A_501 = vector.broadcast %jit3A_500 : i32 to vector<16xi32>
    %select_n3A_502 = arith.select %eq3A_499, %get3A_15, %broadcast_in_dim3A_501 : vector<16xi1>, vector<16xi32>
    %reduce_max3A_503 = arith.constant true
    %reduce_max3A_504 = vector.broadcast %reduce_max3A_503 : i1 to vector<16xi1>
    %reduce_max3A_505 = arith.constant -2147483648 : i32
    %reduce_max3A_506 = vector.broadcast %reduce_max3A_505 : i32 to vector<16xi32>
    %reduce_max3A_507 = arith.xori %select_n3A_502, %reduce_max3A_506 : vector<16xi32>
    %reduce_max3A_508 = tpu.scan <max>, %reduce_max3A_507 masked %reduce_max3A_504 : vector<16xi32>, vector<16xi1> -> vector<16xi32>
    %reduce_max3A_509 = arith.xori %reduce_max3A_508, %reduce_max3A_506 : vector<16xi32>
    %reduce_max3A_510 = vector.extract %reduce_max3A_509[15] : i32 from vector<16xi32>
    %ge3A_511 = arith.constant 0 : i32
    %ge3A_512 = arith.cmpi sge, %reduce_max3A_496, %ge3A_511 : i32
    %convert_element_type3A_513 = arith.extui %ge3A_512 : i1 to i32
    %cond3A_514 = arith.constant 0 : i32
    %cond3A_515 = arith.cmpi ne, %convert_element_type3A_513, %cond3A_514 : i32
    scf.if %cond3A_515 {
      %dma_start3A_1369 = arith.constant 0 : i32
      %dma_start3A_1370 = arith.constant 0 : i32
      %dma_start3A_1371 = tpu.memref_slice %arg10[%dma_start3A_1369, %dma_start3A_1370] : memref<4x8192xf32, #tpu.memory_space<vmem>> -> memref<1x8192xf32, #tpu.memory_space<vmem>>
      %dma_start3A_1372 = arith.constant 0 : i32
      %dma_start3A_1373 = tpu.memref_slice %arg3[%reduce_max3A_496, %dma_start3A_1372] : memref<1024x8192xf32, #tpu.memory_space<hbm>> -> memref<1x8192xf32, #tpu.memory_space<hbm>>
      %dma_start3A_1374 = arith.constant 0 : i32
      %dma_start3A_1375 = arith.constant 0 : i32
      %dma_start3A_1376 = tpu.memref_slice %arg10[%dma_start3A_1374, %dma_start3A_1375] : memref<4x8192xf32, #tpu.memory_space<vmem>> -> memref<1x8192xf32, #tpu.memory_space<vmem>>
      %dma_start3A_1377 = arith.constant 0 : i32
      %dma_start3A_1378 = tpu.memref_slice %arg3[%reduce_max3A_496, %dma_start3A_1377] : memref<1024x8192xf32, #tpu.memory_space<hbm>> -> memref<1x8192xf32, #tpu.memory_space<hbm>>
      tpu.enqueue_dma source(%dma_start3A_1378 : memref<1x8192xf32, #tpu.memory_space<hbm>>) target(%dma_start3A_1376 : memref<1x8192xf32, #tpu.memory_space<vmem>>) target_semaphore(%arg13 : memref<!tpu.dma_semaphore, #tpu.memory_space<semaphore_mem>>)
    } else {
    }
    %lt3A_516 = arith.constant 0 : i32
    %lt3A_517 = arith.cmpi slt, %reduce_max3A_496, %lt3A_516 : i32
    %convert_element_type3A_518 = arith.extui %lt3A_517 : i1 to i32
    %cond3A_519 = arith.constant 0 : i32
    %cond3A_520 = arith.cmpi ne, %convert_element_type3A_518, %cond3A_519 : i32
    scf.if %cond3A_520 {
      %dma_start3A_1369 = arith.constant 0 : i32
      %dma_start3A_1370 = arith.constant 0 : i32
      %dma_start3A_1371 = tpu.memref_slice %arg10[%dma_start3A_1369, %dma_start3A_1370] : memref<4x8192xf32, #tpu.memory_space<vmem>> -> memref<1x8192xf32, #tpu.memory_space<vmem>>
      %dma_start3A_1372 = arith.constant 0 : i32
      %dma_start3A_1373 = tpu.memref_slice %arg2[%reduce_max3A_510, %dma_start3A_1372] : memref<8192x8192xf32, #tpu.memory_space<hbm>> -> memref<1x8192xf32, #tpu.memory_space<hbm>>
      %dma_start3A_1374 = arith.constant 0 : i32
      %dma_start3A_1375 = arith.constant 0 : i32
      %dma_start3A_1376 = tpu.memref_slice %arg10[%dma_start3A_1374, %dma_start3A_1375] : memref<4x8192xf32, #tpu.memory_space<vmem>> -> memref<1x8192xf32, #tpu.memory_space<vmem>>
      %dma_start3A_1377 = arith.constant 0 : i32
      %dma_start3A_1378 = tpu.memref_slice %arg2[%reduce_max3A_510, %dma_start3A_1377] : memref<8192x8192xf32, #tpu.memory_space<hbm>> -> memref<1x8192xf32, #tpu.memory_space<hbm>>
      tpu.enqueue_dma source(%dma_start3A_1378 : memref<1x8192xf32, #tpu.memory_space<hbm>>) target(%dma_start3A_1376 : memref<1x8192xf32, #tpu.memory_space<vmem>>) target_semaphore(%arg13 : memref<!tpu.dma_semaphore, #tpu.memory_space<semaphore_mem>>)
    } else {
    }
    %eq3A_521 = arith.constant 13 : i32
    %eq3A_522 = vector.broadcast %eq3A_521 : i32 to vector<16xi32>
    %eq3A_523 = arith.cmpi eq, %iota3A, %eq3A_522 : vector<16xi32>
    %jit3A_524 = arith.constant -2147483648 : i32
    %broadcast_in_dim3A_525 = vector.broadcast %jit3A_524 : i32 to vector<16xi32>
    %select_n3A_526 = arith.select %eq3A_523, %gather3A, %broadcast_in_dim3A_525 : vector<16xi1>, vector<16xi32>
    %reduce_max3A_527 = arith.constant true
    %reduce_max3A_528 = vector.broadcast %reduce_max3A_527 : i1 to vector<16xi1>
    %reduce_max3A_529 = arith.constant -2147483648 : i32
    %reduce_max3A_530 = vector.broadcast %reduce_max3A_529 : i32 to vector<16xi32>
    %reduce_max3A_531 = arith.xori %select_n3A_526, %reduce_max3A_530 : vector<16xi32>
    %reduce_max3A_532 = tpu.scan <max>, %reduce_max3A_531 masked %reduce_max3A_528 : vector<16xi32>, vector<16xi1> -> vector<16xi32>
    %reduce_max3A_533 = arith.xori %reduce_max3A_532, %reduce_max3A_530 : vector<16xi32>
    %reduce_max3A_534 = vector.extract %reduce_max3A_533[15] : i32 from vector<16xi32>
    %eq3A_535 = arith.constant 13 : i32
    %eq3A_536 = vector.broadcast %eq3A_535 : i32 to vector<16xi32>
    %eq3A_537 = arith.cmpi eq, %iota3A, %eq3A_536 : vector<16xi32>
    %jit3A_538 = arith.constant -2147483648 : i32
    %broadcast_in_dim3A_539 = vector.broadcast %jit3A_538 : i32 to vector<16xi32>
    %select_n3A_540 = arith.select %eq3A_537, %get3A_15, %broadcast_in_dim3A_539 : vector<16xi1>, vector<16xi32>
    %reduce_max3A_541 = arith.constant true
    %reduce_max3A_542 = vector.broadcast %reduce_max3A_541 : i1 to vector<16xi1>
    %reduce_max3A_543 = arith.constant -2147483648 : i32
    %reduce_max3A_544 = vector.broadcast %reduce_max3A_543 : i32 to vector<16xi32>
    %reduce_max3A_545 = arith.xori %select_n3A_540, %reduce_max3A_544 : vector<16xi32>
    %reduce_max3A_546 = tpu.scan <max>, %reduce_max3A_545 masked %reduce_max3A_542 : vector<16xi32>, vector<16xi1> -> vector<16xi32>
    %reduce_max3A_547 = arith.xori %reduce_max3A_546, %reduce_max3A_544 : vector<16xi32>
    %reduce_max3A_548 = vector.extract %reduce_max3A_547[15] : i32 from vector<16xi32>
    %ge3A_549 = arith.constant 0 : i32
    %ge3A_550 = arith.cmpi sge, %reduce_max3A_534, %ge3A_549 : i32
    %convert_element_type3A_551 = arith.extui %ge3A_550 : i1 to i32
    %cond3A_552 = arith.constant 0 : i32
    %cond3A_553 = arith.cmpi ne, %convert_element_type3A_551, %cond3A_552 : i32
    scf.if %cond3A_553 {
      %dma_start3A_1369 = arith.constant 1 : i32
      %dma_start3A_1370 = arith.constant 0 : i32
      %dma_start3A_1371 = tpu.memref_slice %arg10[%dma_start3A_1369, %dma_start3A_1370] : memref<4x8192xf32, #tpu.memory_space<vmem>> -> memref<1x8192xf32, #tpu.memory_space<vmem>>
      %dma_start3A_1372 = arith.constant 0 : i32
      %dma_start3A_1373 = tpu.memref_slice %arg3[%reduce_max3A_534, %dma_start3A_1372] : memref<1024x8192xf32, #tpu.memory_space<hbm>> -> memref<1x8192xf32, #tpu.memory_space<hbm>>
      %dma_start3A_1374 = arith.constant 1 : i32
      %dma_start3A_1375 = arith.constant 0 : i32
      %dma_start3A_1376 = tpu.memref_slice %arg10[%dma_start3A_1374, %dma_start3A_1375] : memref<4x8192xf32, #tpu.memory_space<vmem>> -> memref<1x8192xf32, #tpu.memory_space<vmem>>
      %dma_start3A_1377 = arith.constant 0 : i32
      %dma_start3A_1378 = tpu.memref_slice %arg3[%reduce_max3A_534, %dma_start3A_1377] : memref<1024x8192xf32, #tpu.memory_space<hbm>> -> memref<1x8192xf32, #tpu.memory_space<hbm>>
      tpu.enqueue_dma source(%dma_start3A_1378 : memref<1x8192xf32, #tpu.memory_space<hbm>>) target(%dma_start3A_1376 : memref<1x8192xf32, #tpu.memory_space<vmem>>) target_semaphore(%arg13 : memref<!tpu.dma_semaphore, #tpu.memory_space<semaphore_mem>>)
    } else {
    }
    %lt3A_554 = arith.constant 0 : i32
    %lt3A_555 = arith.cmpi slt, %reduce_max3A_534, %lt3A_554 : i32
    %convert_element_type3A_556 = arith.extui %lt3A_555 : i1 to i32
    %cond3A_557 = arith.constant 0 : i32
    %cond3A_558 = arith.cmpi ne, %convert_element_type3A_556, %cond3A_557 : i32
    scf.if %cond3A_558 {
      %dma_start3A_1369 = arith.constant 1 : i32
      %dma_start3A_1370 = arith.constant 0 : i32
      %dma_start3A_1371 = tpu.memref_slice %arg10[%dma_start3A_1369, %dma_start3A_1370] : memref<4x8192xf32, #tpu.memory_space<vmem>> -> memref<1x8192xf32, #tpu.memory_space<vmem>>
      %dma_start3A_1372 = arith.constant 0 : i32
      %dma_start3A_1373 = tpu.memref_slice %arg2[%reduce_max3A_548, %dma_start3A_1372] : memref<8192x8192xf32, #tpu.memory_space<hbm>> -> memref<1x8192xf32, #tpu.memory_space<hbm>>
      %dma_start3A_1374 = arith.constant 1 : i32
      %dma_start3A_1375 = arith.constant 0 : i32
      %dma_start3A_1376 = tpu.memref_slice %arg10[%dma_start3A_1374, %dma_start3A_1375] : memref<4x8192xf32, #tpu.memory_space<vmem>> -> memref<1x8192xf32, #tpu.memory_space<vmem>>
      %dma_start3A_1377 = arith.constant 0 : i32
      %dma_start3A_1378 = tpu.memref_slice %arg2[%reduce_max3A_548, %dma_start3A_1377] : memref<8192x8192xf32, #tpu.memory_space<hbm>> -> memref<1x8192xf32, #tpu.memory_space<hbm>>
      tpu.enqueue_dma source(%dma_start3A_1378 : memref<1x8192xf32, #tpu.memory_space<hbm>>) target(%dma_start3A_1376 : memref<1x8192xf32, #tpu.memory_space<vmem>>) target_semaphore(%arg13 : memref<!tpu.dma_semaphore, #tpu.memory_space<semaphore_mem>>)
    } else {
    }
    %eq3A_559 = arith.constant 14 : i32
    %eq3A_560 = vector.broadcast %eq3A_559 : i32 to vector<16xi32>
    %eq3A_561 = arith.cmpi eq, %iota3A, %eq3A_560 : vector<16xi32>
    %jit3A_562 = arith.constant -2147483648 : i32
    %broadcast_in_dim3A_563 = vector.broadcast %jit3A_562 : i32 to vector<16xi32>
    %select_n3A_564 = arith.select %eq3A_561, %gather3A, %broadcast_in_dim3A_563 : vector<16xi1>, vector<16xi32>
    %reduce_max3A_565 = arith.constant true
    %reduce_max3A_566 = vector.broadcast %reduce_max3A_565 : i1 to vector<16xi1>
    %reduce_max3A_567 = arith.constant -2147483648 : i32
    %reduce_max3A_568 = vector.broadcast %reduce_max3A_567 : i32 to vector<16xi32>
    %reduce_max3A_569 = arith.xori %select_n3A_564, %reduce_max3A_568 : vector<16xi32>
    %reduce_max3A_570 = tpu.scan <max>, %reduce_max3A_569 masked %reduce_max3A_566 : vector<16xi32>, vector<16xi1> -> vector<16xi32>
    %reduce_max3A_571 = arith.xori %reduce_max3A_570, %reduce_max3A_568 : vector<16xi32>
    %reduce_max3A_572 = vector.extract %reduce_max3A_571[15] : i32 from vector<16xi32>
    %eq3A_573 = arith.constant 14 : i32
    %eq3A_574 = vector.broadcast %eq3A_573 : i32 to vector<16xi32>
    %eq3A_575 = arith.cmpi eq, %iota3A, %eq3A_574 : vector<16xi32>
    %jit3A_576 = arith.constant -2147483648 : i32
    %broadcast_in_dim3A_577 = vector.broadcast %jit3A_576 : i32 to vector<16xi32>
    %select_n3A_578 = arith.select %eq3A_575, %get3A_15, %broadcast_in_dim3A_577 : vector<16xi1>, vector<16xi32>
    %reduce_max3A_579 = arith.constant true
    %reduce_max3A_580 = vector.broadcast %reduce_max3A_579 : i1 to vector<16xi1>
    %reduce_max3A_581 = arith.constant -2147483648 : i32
    %reduce_max3A_582 = vector.broadcast %reduce_max3A_581 : i32 to vector<16xi32>
    %reduce_max3A_583 = arith.xori %select_n3A_578, %reduce_max3A_582 : vector<16xi32>
    %reduce_max3A_584 = tpu.scan <max>, %reduce_max3A_583 masked %reduce_max3A_580 : vector<16xi32>, vector<16xi1> -> vector<16xi32>
    %reduce_max3A_585 = arith.xori %reduce_max3A_584, %reduce_max3A_582 : vector<16xi32>
    %reduce_max3A_586 = vector.extract %reduce_max3A_585[15] : i32 from vector<16xi32>
    %ge3A_587 = arith.constant 0 : i32
    %ge3A_588 = arith.cmpi sge, %reduce_max3A_572, %ge3A_587 : i32
    %convert_element_type3A_589 = arith.extui %ge3A_588 : i1 to i32
    %cond3A_590 = arith.constant 0 : i32
    %cond3A_591 = arith.cmpi ne, %convert_element_type3A_589, %cond3A_590 : i32
    scf.if %cond3A_591 {
      %dma_start3A_1369 = arith.constant 2 : i32
      %dma_start3A_1370 = arith.constant 0 : i32
      %dma_start3A_1371 = tpu.memref_slice %arg10[%dma_start3A_1369, %dma_start3A_1370] : memref<4x8192xf32, #tpu.memory_space<vmem>> -> memref<1x8192xf32, #tpu.memory_space<vmem>>
      %dma_start3A_1372 = arith.constant 0 : i32
      %dma_start3A_1373 = tpu.memref_slice %arg3[%reduce_max3A_572, %dma_start3A_1372] : memref<1024x8192xf32, #tpu.memory_space<hbm>> -> memref<1x8192xf32, #tpu.memory_space<hbm>>
      %dma_start3A_1374 = arith.constant 2 : i32
      %dma_start3A_1375 = arith.constant 0 : i32
      %dma_start3A_1376 = tpu.memref_slice %arg10[%dma_start3A_1374, %dma_start3A_1375] : memref<4x8192xf32, #tpu.memory_space<vmem>> -> memref<1x8192xf32, #tpu.memory_space<vmem>>
      %dma_start3A_1377 = arith.constant 0 : i32
      %dma_start3A_1378 = tpu.memref_slice %arg3[%reduce_max3A_572, %dma_start3A_1377] : memref<1024x8192xf32, #tpu.memory_space<hbm>> -> memref<1x8192xf32, #tpu.memory_space<hbm>>
      tpu.enqueue_dma source(%dma_start3A_1378 : memref<1x8192xf32, #tpu.memory_space<hbm>>) target(%dma_start3A_1376 : memref<1x8192xf32, #tpu.memory_space<vmem>>) target_semaphore(%arg13 : memref<!tpu.dma_semaphore, #tpu.memory_space<semaphore_mem>>)
    } else {
    }
    %lt3A_592 = arith.constant 0 : i32
    %lt3A_593 = arith.cmpi slt, %reduce_max3A_572, %lt3A_592 : i32
    %convert_element_type3A_594 = arith.extui %lt3A_593 : i1 to i32
    %cond3A_595 = arith.constant 0 : i32
    %cond3A_596 = arith.cmpi ne, %convert_element_type3A_594, %cond3A_595 : i32
    scf.if %cond3A_596 {
      %dma_start3A_1369 = arith.constant 2 : i32
      %dma_start3A_1370 = arith.constant 0 : i32
      %dma_start3A_1371 = tpu.memref_slice %arg10[%dma_start3A_1369, %dma_start3A_1370] : memref<4x8192xf32, #tpu.memory_space<vmem>> -> memref<1x8192xf32, #tpu.memory_space<vmem>>
      %dma_start3A_1372 = arith.constant 0 : i32
      %dma_start3A_1373 = tpu.memref_slice %arg2[%reduce_max3A_586, %dma_start3A_1372] : memref<8192x8192xf32, #tpu.memory_space<hbm>> -> memref<1x8192xf32, #tpu.memory_space<hbm>>
      %dma_start3A_1374 = arith.constant 2 : i32
      %dma_start3A_1375 = arith.constant 0 : i32
      %dma_start3A_1376 = tpu.memref_slice %arg10[%dma_start3A_1374, %dma_start3A_1375] : memref<4x8192xf32, #tpu.memory_space<vmem>> -> memref<1x8192xf32, #tpu.memory_space<vmem>>
      %dma_start3A_1377 = arith.constant 0 : i32
      %dma_start3A_1378 = tpu.memref_slice %arg2[%reduce_max3A_586, %dma_start3A_1377] : memref<8192x8192xf32, #tpu.memory_space<hbm>> -> memref<1x8192xf32, #tpu.memory_space<hbm>>
      tpu.enqueue_dma source(%dma_start3A_1378 : memref<1x8192xf32, #tpu.memory_space<hbm>>) target(%dma_start3A_1376 : memref<1x8192xf32, #tpu.memory_space<vmem>>) target_semaphore(%arg13 : memref<!tpu.dma_semaphore, #tpu.memory_space<semaphore_mem>>)
    } else {
    }
    %eq3A_597 = arith.constant 15 : i32
    %eq3A_598 = vector.broadcast %eq3A_597 : i32 to vector<16xi32>
    %eq3A_599 = arith.cmpi eq, %iota3A, %eq3A_598 : vector<16xi32>
    %jit3A_600 = arith.constant -2147483648 : i32
    %broadcast_in_dim3A_601 = vector.broadcast %jit3A_600 : i32 to vector<16xi32>
    %select_n3A_602 = arith.select %eq3A_599, %gather3A, %broadcast_in_dim3A_601 : vector<16xi1>, vector<16xi32>
    %reduce_max3A_603 = arith.constant true
    %reduce_max3A_604 = vector.broadcast %reduce_max3A_603 : i1 to vector<16xi1>
    %reduce_max3A_605 = arith.constant -2147483648 : i32
    %reduce_max3A_606 = vector.broadcast %reduce_max3A_605 : i32 to vector<16xi32>
    %reduce_max3A_607 = arith.xori %select_n3A_602, %reduce_max3A_606 : vector<16xi32>
    %reduce_max3A_608 = tpu.scan <max>, %reduce_max3A_607 masked %reduce_max3A_604 : vector<16xi32>, vector<16xi1> -> vector<16xi32>
    %reduce_max3A_609 = arith.xori %reduce_max3A_608, %reduce_max3A_606 : vector<16xi32>
    %reduce_max3A_610 = vector.extract %reduce_max3A_609[15] : i32 from vector<16xi32>
    %eq3A_611 = arith.constant 15 : i32
    %eq3A_612 = vector.broadcast %eq3A_611 : i32 to vector<16xi32>
    %eq3A_613 = arith.cmpi eq, %iota3A, %eq3A_612 : vector<16xi32>
    %jit3A_614 = arith.constant -2147483648 : i32
    %broadcast_in_dim3A_615 = vector.broadcast %jit3A_614 : i32 to vector<16xi32>
    %select_n3A_616 = arith.select %eq3A_613, %get3A_15, %broadcast_in_dim3A_615 : vector<16xi1>, vector<16xi32>
    %reduce_max3A_617 = arith.constant true
    %reduce_max3A_618 = vector.broadcast %reduce_max3A_617 : i1 to vector<16xi1>
    %reduce_max3A_619 = arith.constant -2147483648 : i32
    %reduce_max3A_620 = vector.broadcast %reduce_max3A_619 : i32 to vector<16xi32>
    %reduce_max3A_621 = arith.xori %select_n3A_616, %reduce_max3A_620 : vector<16xi32>
    %reduce_max3A_622 = tpu.scan <max>, %reduce_max3A_621 masked %reduce_max3A_618 : vector<16xi32>, vector<16xi1> -> vector<16xi32>
    %reduce_max3A_623 = arith.xori %reduce_max3A_622, %reduce_max3A_620 : vector<16xi32>
    %reduce_max3A_624 = vector.extract %reduce_max3A_623[15] : i32 from vector<16xi32>
    %ge3A_625 = arith.constant 0 : i32
    %ge3A_626 = arith.cmpi sge, %reduce_max3A_610, %ge3A_625 : i32
    %convert_element_type3A_627 = arith.extui %ge3A_626 : i1 to i32
    %cond3A_628 = arith.constant 0 : i32
    %cond3A_629 = arith.cmpi ne, %convert_element_type3A_627, %cond3A_628 : i32
    scf.if %cond3A_629 {
      %dma_start3A_1369 = arith.constant 3 : i32
      %dma_start3A_1370 = arith.constant 0 : i32
      %dma_start3A_1371 = tpu.memref_slice %arg10[%dma_start3A_1369, %dma_start3A_1370] : memref<4x8192xf32, #tpu.memory_space<vmem>> -> memref<1x8192xf32, #tpu.memory_space<vmem>>
      %dma_start3A_1372 = arith.constant 0 : i32
      %dma_start3A_1373 = tpu.memref_slice %arg3[%reduce_max3A_610, %dma_start3A_1372] : memref<1024x8192xf32, #tpu.memory_space<hbm>> -> memref<1x8192xf32, #tpu.memory_space<hbm>>
      %dma_start3A_1374 = arith.constant 3 : i32
      %dma_start3A_1375 = arith.constant 0 : i32
      %dma_start3A_1376 = tpu.memref_slice %arg10[%dma_start3A_1374, %dma_start3A_1375] : memref<4x8192xf32, #tpu.memory_space<vmem>> -> memref<1x8192xf32, #tpu.memory_space<vmem>>
      %dma_start3A_1377 = arith.constant 0 : i32
      %dma_start3A_1378 = tpu.memref_slice %arg3[%reduce_max3A_610, %dma_start3A_1377] : memref<1024x8192xf32, #tpu.memory_space<hbm>> -> memref<1x8192xf32, #tpu.memory_space<hbm>>
      tpu.enqueue_dma source(%dma_start3A_1378 : memref<1x8192xf32, #tpu.memory_space<hbm>>) target(%dma_start3A_1376 : memref<1x8192xf32, #tpu.memory_space<vmem>>) target_semaphore(%arg13 : memref<!tpu.dma_semaphore, #tpu.memory_space<semaphore_mem>>)
    } else {
    }
    %lt3A_630 = arith.constant 0 : i32
    %lt3A_631 = arith.cmpi slt, %reduce_max3A_610, %lt3A_630 : i32
    %convert_element_type3A_632 = arith.extui %lt3A_631 : i1 to i32
    %cond3A_633 = arith.constant 0 : i32
    %cond3A_634 = arith.cmpi ne, %convert_element_type3A_632, %cond3A_633 : i32
    scf.if %cond3A_634 {
      %dma_start3A_1369 = arith.constant 3 : i32
      %dma_start3A_1370 = arith.constant 0 : i32
      %dma_start3A_1371 = tpu.memref_slice %arg10[%dma_start3A_1369, %dma_start3A_1370] : memref<4x8192xf32, #tpu.memory_space<vmem>> -> memref<1x8192xf32, #tpu.memory_space<vmem>>
      %dma_start3A_1372 = arith.constant 0 : i32
      %dma_start3A_1373 = tpu.memref_slice %arg2[%reduce_max3A_624, %dma_start3A_1372] : memref<8192x8192xf32, #tpu.memory_space<hbm>> -> memref<1x8192xf32, #tpu.memory_space<hbm>>
      %dma_start3A_1374 = arith.constant 3 : i32
      %dma_start3A_1375 = arith.constant 0 : i32
      %dma_start3A_1376 = tpu.memref_slice %arg10[%dma_start3A_1374, %dma_start3A_1375] : memref<4x8192xf32, #tpu.memory_space<vmem>> -> memref<1x8192xf32, #tpu.memory_space<vmem>>
      %dma_start3A_1377 = arith.constant 0 : i32
      %dma_start3A_1378 = tpu.memref_slice %arg2[%reduce_max3A_624, %dma_start3A_1377] : memref<8192x8192xf32, #tpu.memory_space<hbm>> -> memref<1x8192xf32, #tpu.memory_space<hbm>>
      tpu.enqueue_dma source(%dma_start3A_1378 : memref<1x8192xf32, #tpu.memory_space<hbm>>) target(%dma_start3A_1376 : memref<1x8192xf32, #tpu.memory_space<vmem>>) target_semaphore(%arg13 : memref<!tpu.dma_semaphore, #tpu.memory_space<semaphore_mem>>)
    } else {
    }
    %dma_wait3A_635 = arith.constant 0 : i32
    %dma_wait3A_636 = arith.constant 0 : i32
    %dma_wait3A_637 = tpu.memref_slice %arg2[%dma_wait3A_635, %dma_wait3A_636] : memref<8192x8192xf32, #tpu.memory_space<hbm>> -> memref<4x8192xf32, #tpu.memory_space<hbm>>
    %dma_wait3A_638 = arith.constant 0 : i32
    %dma_wait3A_639 = arith.constant 0 : i32
    %dma_wait3A_640 = tpu.memref_slice %arg2[%dma_wait3A_638, %dma_wait3A_639] : memref<8192x8192xf32, #tpu.memory_space<hbm>> -> memref<4x8192xf32, #tpu.memory_space<hbm>>
    tpu.wait_dma2 semaphore(%arg14 : memref<!tpu.dma_semaphore, #tpu.memory_space<semaphore_mem>>) src(%dma_wait3A_640 : memref<4x8192xf32, #tpu.memory_space<hbm>>) dst(%arg11 : memref<4x8192xf32, #tpu.memory_space<vmem>>)
    %add3A_641 = arith.constant 4 : i32
    %add3A_642 = arith.addi %mul3A_2, %add3A_641 : i32
    %dma_start3A_643 = arith.constant 0 : i32
    %dma_start3A_644 = tpu.memref_slice %arg6[%add3A_642, %dma_start3A_643] : memref<1024x8192xf32, #tpu.memory_space<hbm>> -> memref<4x8192xf32, #tpu.memory_space<hbm>>
    %dma_start3A_645 = arith.constant 0 : i32
    %dma_start3A_646 = tpu.memref_slice %arg6[%add3A_642, %dma_start3A_645] : memref<1024x8192xf32, #tpu.memory_space<hbm>> -> memref<4x8192xf32, #tpu.memory_space<hbm>>
    tpu.enqueue_dma source(%arg11 : memref<4x8192xf32, #tpu.memory_space<vmem>>) target(%dma_start3A_646 : memref<4x8192xf32, #tpu.memory_space<hbm>>) target_semaphore(%arg17 : memref<!tpu.dma_semaphore, #tpu.memory_space<semaphore_mem>>)
    %dma_wait3A_647 = arith.constant 0 : i32
    %dma_wait3A_648 = arith.constant 0 : i32
    %dma_wait3A_649 = tpu.memref_slice %arg6[%dma_wait3A_647, %dma_wait3A_648] : memref<1024x8192xf32, #tpu.memory_space<hbm>> -> memref<4x8192xf32, #tpu.memory_space<hbm>>
    %dma_wait3A_650 = arith.constant 0 : i32
    %dma_wait3A_651 = arith.constant 0 : i32
    %dma_wait3A_652 = tpu.memref_slice %arg6[%dma_wait3A_650, %dma_wait3A_651] : memref<1024x8192xf32, #tpu.memory_space<hbm>> -> memref<4x8192xf32, #tpu.memory_space<hbm>>
    tpu.wait_dma2 semaphore(%arg17 : memref<!tpu.dma_semaphore, #tpu.memory_space<semaphore_mem>>) src(%dma_wait3A_652 : memref<4x8192xf32, #tpu.memory_space<hbm>>) dst(%arg11 : memref<4x8192xf32, #tpu.memory_space<vmem>>)
    %eq3A_653 = arith.constant 0 : i32
    %eq3A_654 = vector.broadcast %eq3A_653 : i32 to vector<16xi32>
    %eq3A_655 = arith.cmpi eq, %iota3A, %eq3A_654 : vector<16xi32>
    %jit3A_656 = arith.constant -2147483648 : i32
    %broadcast_in_dim3A_657 = vector.broadcast %jit3A_656 : i32 to vector<16xi32>
    %select_n3A_658 = arith.select %eq3A_655, %gather3A_18, %broadcast_in_dim3A_657 : vector<16xi1>, vector<16xi32>
    %reduce_max3A_659 = arith.constant true
    %reduce_max3A_660 = vector.broadcast %reduce_max3A_659 : i1 to vector<16xi1>
    %reduce_max3A_661 = arith.constant -2147483648 : i32
    %reduce_max3A_662 = vector.broadcast %reduce_max3A_661 : i32 to vector<16xi32>
    %reduce_max3A_663 = arith.xori %select_n3A_658, %reduce_max3A_662 : vector<16xi32>
    %reduce_max3A_664 = tpu.scan <max>, %reduce_max3A_663 masked %reduce_max3A_660 : vector<16xi32>, vector<16xi1> -> vector<16xi32>
    %reduce_max3A_665 = arith.xori %reduce_max3A_664, %reduce_max3A_662 : vector<16xi32>
    %reduce_max3A_666 = vector.extract %reduce_max3A_665[15] : i32 from vector<16xi32>
    %eq3A_667 = arith.constant 0 : i32
    %eq3A_668 = vector.broadcast %eq3A_667 : i32 to vector<16xi32>
    %eq3A_669 = arith.cmpi eq, %iota3A, %eq3A_668 : vector<16xi32>
    %jit3A_670 = arith.constant -2147483648 : i32
    %broadcast_in_dim3A_671 = vector.broadcast %jit3A_670 : i32 to vector<16xi32>
    %select_n3A_672 = arith.select %eq3A_669, %get3A_17, %broadcast_in_dim3A_671 : vector<16xi1>, vector<16xi32>
    %reduce_max3A_673 = arith.constant true
    %reduce_max3A_674 = vector.broadcast %reduce_max3A_673 : i1 to vector<16xi1>
    %reduce_max3A_675 = arith.constant -2147483648 : i32
    %reduce_max3A_676 = vector.broadcast %reduce_max3A_675 : i32 to vector<16xi32>
    %reduce_max3A_677 = arith.xori %select_n3A_672, %reduce_max3A_676 : vector<16xi32>
    %reduce_max3A_678 = tpu.scan <max>, %reduce_max3A_677 masked %reduce_max3A_674 : vector<16xi32>, vector<16xi1> -> vector<16xi32>
    %reduce_max3A_679 = arith.xori %reduce_max3A_678, %reduce_max3A_676 : vector<16xi32>
    %reduce_max3A_680 = vector.extract %reduce_max3A_679[15] : i32 from vector<16xi32>
    %ge3A_681 = arith.constant 0 : i32
    %ge3A_682 = arith.cmpi sge, %reduce_max3A_666, %ge3A_681 : i32
    %convert_element_type3A_683 = arith.extui %ge3A_682 : i1 to i32
    %cond3A_684 = arith.constant 0 : i32
    %cond3A_685 = arith.cmpi ne, %convert_element_type3A_683, %cond3A_684 : i32
    scf.if %cond3A_685 {
      %dma_start3A_1369 = arith.constant 0 : i32
      %dma_start3A_1370 = arith.constant 0 : i32
      %dma_start3A_1371 = tpu.memref_slice %arg11[%dma_start3A_1369, %dma_start3A_1370] : memref<4x8192xf32, #tpu.memory_space<vmem>> -> memref<1x8192xf32, #tpu.memory_space<vmem>>
      %dma_start3A_1372 = arith.constant 0 : i32
      %dma_start3A_1373 = tpu.memref_slice %arg3[%reduce_max3A_666, %dma_start3A_1372] : memref<1024x8192xf32, #tpu.memory_space<hbm>> -> memref<1x8192xf32, #tpu.memory_space<hbm>>
      %dma_start3A_1374 = arith.constant 0 : i32
      %dma_start3A_1375 = arith.constant 0 : i32
      %dma_start3A_1376 = tpu.memref_slice %arg11[%dma_start3A_1374, %dma_start3A_1375] : memref<4x8192xf32, #tpu.memory_space<vmem>> -> memref<1x8192xf32, #tpu.memory_space<vmem>>
      %dma_start3A_1377 = arith.constant 0 : i32
      %dma_start3A_1378 = tpu.memref_slice %arg3[%reduce_max3A_666, %dma_start3A_1377] : memref<1024x8192xf32, #tpu.memory_space<hbm>> -> memref<1x8192xf32, #tpu.memory_space<hbm>>
      tpu.enqueue_dma source(%dma_start3A_1378 : memref<1x8192xf32, #tpu.memory_space<hbm>>) target(%dma_start3A_1376 : memref<1x8192xf32, #tpu.memory_space<vmem>>) target_semaphore(%arg14 : memref<!tpu.dma_semaphore, #tpu.memory_space<semaphore_mem>>)
    } else {
    }
    %lt3A_686 = arith.constant 0 : i32
    %lt3A_687 = arith.cmpi slt, %reduce_max3A_666, %lt3A_686 : i32
    %convert_element_type3A_688 = arith.extui %lt3A_687 : i1 to i32
    %cond3A_689 = arith.constant 0 : i32
    %cond3A_690 = arith.cmpi ne, %convert_element_type3A_688, %cond3A_689 : i32
    scf.if %cond3A_690 {
      %dma_start3A_1369 = arith.constant 0 : i32
      %dma_start3A_1370 = arith.constant 0 : i32
      %dma_start3A_1371 = tpu.memref_slice %arg11[%dma_start3A_1369, %dma_start3A_1370] : memref<4x8192xf32, #tpu.memory_space<vmem>> -> memref<1x8192xf32, #tpu.memory_space<vmem>>
      %dma_start3A_1372 = arith.constant 0 : i32
      %dma_start3A_1373 = tpu.memref_slice %arg2[%reduce_max3A_680, %dma_start3A_1372] : memref<8192x8192xf32, #tpu.memory_space<hbm>> -> memref<1x8192xf32, #tpu.memory_space<hbm>>
      %dma_start3A_1374 = arith.constant 0 : i32
      %dma_start3A_1375 = arith.constant 0 : i32
      %dma_start3A_1376 = tpu.memref_slice %arg11[%dma_start3A_1374, %dma_start3A_1375] : memref<4x8192xf32, #tpu.memory_space<vmem>> -> memref<1x8192xf32, #tpu.memory_space<vmem>>
      %dma_start3A_1377 = arith.constant 0 : i32
      %dma_start3A_1378 = tpu.memref_slice %arg2[%reduce_max3A_680, %dma_start3A_1377] : memref<8192x8192xf32, #tpu.memory_space<hbm>> -> memref<1x8192xf32, #tpu.memory_space<hbm>>
      tpu.enqueue_dma source(%dma_start3A_1378 : memref<1x8192xf32, #tpu.memory_space<hbm>>) target(%dma_start3A_1376 : memref<1x8192xf32, #tpu.memory_space<vmem>>) target_semaphore(%arg14 : memref<!tpu.dma_semaphore, #tpu.memory_space<semaphore_mem>>)
    } else {
    }
    %eq3A_691 = arith.constant 1 : i32
    %eq3A_692 = vector.broadcast %eq3A_691 : i32 to vector<16xi32>
    %eq3A_693 = arith.cmpi eq, %iota3A, %eq3A_692 : vector<16xi32>
    %jit3A_694 = arith.constant -2147483648 : i32
    %broadcast_in_dim3A_695 = vector.broadcast %jit3A_694 : i32 to vector<16xi32>
    %select_n3A_696 = arith.select %eq3A_693, %gather3A_18, %broadcast_in_dim3A_695 : vector<16xi1>, vector<16xi32>
    %reduce_max3A_697 = arith.constant true
    %reduce_max3A_698 = vector.broadcast %reduce_max3A_697 : i1 to vector<16xi1>
    %reduce_max3A_699 = arith.constant -2147483648 : i32
    %reduce_max3A_700 = vector.broadcast %reduce_max3A_699 : i32 to vector<16xi32>
    %reduce_max3A_701 = arith.xori %select_n3A_696, %reduce_max3A_700 : vector<16xi32>
    %reduce_max3A_702 = tpu.scan <max>, %reduce_max3A_701 masked %reduce_max3A_698 : vector<16xi32>, vector<16xi1> -> vector<16xi32>
    %reduce_max3A_703 = arith.xori %reduce_max3A_702, %reduce_max3A_700 : vector<16xi32>
    %reduce_max3A_704 = vector.extract %reduce_max3A_703[15] : i32 from vector<16xi32>
    %eq3A_705 = arith.constant 1 : i32
    %eq3A_706 = vector.broadcast %eq3A_705 : i32 to vector<16xi32>
    %eq3A_707 = arith.cmpi eq, %iota3A, %eq3A_706 : vector<16xi32>
    %jit3A_708 = arith.constant -2147483648 : i32
    %broadcast_in_dim3A_709 = vector.broadcast %jit3A_708 : i32 to vector<16xi32>
    %select_n3A_710 = arith.select %eq3A_707, %get3A_17, %broadcast_in_dim3A_709 : vector<16xi1>, vector<16xi32>
    %reduce_max3A_711 = arith.constant true
    %reduce_max3A_712 = vector.broadcast %reduce_max3A_711 : i1 to vector<16xi1>
    %reduce_max3A_713 = arith.constant -2147483648 : i32
    %reduce_max3A_714 = vector.broadcast %reduce_max3A_713 : i32 to vector<16xi32>
    %reduce_max3A_715 = arith.xori %select_n3A_710, %reduce_max3A_714 : vector<16xi32>
    %reduce_max3A_716 = tpu.scan <max>, %reduce_max3A_715 masked %reduce_max3A_712 : vector<16xi32>, vector<16xi1> -> vector<16xi32>
    %reduce_max3A_717 = arith.xori %reduce_max3A_716, %reduce_max3A_714 : vector<16xi32>
    %reduce_max3A_718 = vector.extract %reduce_max3A_717[15] : i32 from vector<16xi32>
    %ge3A_719 = arith.constant 0 : i32
    %ge3A_720 = arith.cmpi sge, %reduce_max3A_704, %ge3A_719 : i32
    %convert_element_type3A_721 = arith.extui %ge3A_720 : i1 to i32
    %cond3A_722 = arith.constant 0 : i32
    %cond3A_723 = arith.cmpi ne, %convert_element_type3A_721, %cond3A_722 : i32
    scf.if %cond3A_723 {
      %dma_start3A_1369 = arith.constant 1 : i32
      %dma_start3A_1370 = arith.constant 0 : i32
      %dma_start3A_1371 = tpu.memref_slice %arg11[%dma_start3A_1369, %dma_start3A_1370] : memref<4x8192xf32, #tpu.memory_space<vmem>> -> memref<1x8192xf32, #tpu.memory_space<vmem>>
      %dma_start3A_1372 = arith.constant 0 : i32
      %dma_start3A_1373 = tpu.memref_slice %arg3[%reduce_max3A_704, %dma_start3A_1372] : memref<1024x8192xf32, #tpu.memory_space<hbm>> -> memref<1x8192xf32, #tpu.memory_space<hbm>>
      %dma_start3A_1374 = arith.constant 1 : i32
      %dma_start3A_1375 = arith.constant 0 : i32
      %dma_start3A_1376 = tpu.memref_slice %arg11[%dma_start3A_1374, %dma_start3A_1375] : memref<4x8192xf32, #tpu.memory_space<vmem>> -> memref<1x8192xf32, #tpu.memory_space<vmem>>
      %dma_start3A_1377 = arith.constant 0 : i32
      %dma_start3A_1378 = tpu.memref_slice %arg3[%reduce_max3A_704, %dma_start3A_1377] : memref<1024x8192xf32, #tpu.memory_space<hbm>> -> memref<1x8192xf32, #tpu.memory_space<hbm>>
      tpu.enqueue_dma source(%dma_start3A_1378 : memref<1x8192xf32, #tpu.memory_space<hbm>>) target(%dma_start3A_1376 : memref<1x8192xf32, #tpu.memory_space<vmem>>) target_semaphore(%arg14 : memref<!tpu.dma_semaphore, #tpu.memory_space<semaphore_mem>>)
    } else {
    }
    %lt3A_724 = arith.constant 0 : i32
    %lt3A_725 = arith.cmpi slt, %reduce_max3A_704, %lt3A_724 : i32
    %convert_element_type3A_726 = arith.extui %lt3A_725 : i1 to i32
    %cond3A_727 = arith.constant 0 : i32
    %cond3A_728 = arith.cmpi ne, %convert_element_type3A_726, %cond3A_727 : i32
    scf.if %cond3A_728 {
      %dma_start3A_1369 = arith.constant 1 : i32
      %dma_start3A_1370 = arith.constant 0 : i32
      %dma_start3A_1371 = tpu.memref_slice %arg11[%dma_start3A_1369, %dma_start3A_1370] : memref<4x8192xf32, #tpu.memory_space<vmem>> -> memref<1x8192xf32, #tpu.memory_space<vmem>>
      %dma_start3A_1372 = arith.constant 0 : i32
      %dma_start3A_1373 = tpu.memref_slice %arg2[%reduce_max3A_718, %dma_start3A_1372] : memref<8192x8192xf32, #tpu.memory_space<hbm>> -> memref<1x8192xf32, #tpu.memory_space<hbm>>
      %dma_start3A_1374 = arith.constant 1 : i32
      %dma_start3A_1375 = arith.constant 0 : i32
      %dma_start3A_1376 = tpu.memref_slice %arg11[%dma_start3A_1374, %dma_start3A_1375] : memref<4x8192xf32, #tpu.memory_space<vmem>> -> memref<1x8192xf32, #tpu.memory_space<vmem>>
      %dma_start3A_1377 = arith.constant 0 : i32
      %dma_start3A_1378 = tpu.memref_slice %arg2[%reduce_max3A_718, %dma_start3A_1377] : memref<8192x8192xf32, #tpu.memory_space<hbm>> -> memref<1x8192xf32, #tpu.memory_space<hbm>>
      tpu.enqueue_dma source(%dma_start3A_1378 : memref<1x8192xf32, #tpu.memory_space<hbm>>) target(%dma_start3A_1376 : memref<1x8192xf32, #tpu.memory_space<vmem>>) target_semaphore(%arg14 : memref<!tpu.dma_semaphore, #tpu.memory_space<semaphore_mem>>)
    } else {
    }
    %eq3A_729 = arith.constant 2 : i32
    %eq3A_730 = vector.broadcast %eq3A_729 : i32 to vector<16xi32>
    %eq3A_731 = arith.cmpi eq, %iota3A, %eq3A_730 : vector<16xi32>
    %jit3A_732 = arith.constant -2147483648 : i32
    %broadcast_in_dim3A_733 = vector.broadcast %jit3A_732 : i32 to vector<16xi32>
    %select_n3A_734 = arith.select %eq3A_731, %gather3A_18, %broadcast_in_dim3A_733 : vector<16xi1>, vector<16xi32>
    %reduce_max3A_735 = arith.constant true
    %reduce_max3A_736 = vector.broadcast %reduce_max3A_735 : i1 to vector<16xi1>
    %reduce_max3A_737 = arith.constant -2147483648 : i32
    %reduce_max3A_738 = vector.broadcast %reduce_max3A_737 : i32 to vector<16xi32>
    %reduce_max3A_739 = arith.xori %select_n3A_734, %reduce_max3A_738 : vector<16xi32>
    %reduce_max3A_740 = tpu.scan <max>, %reduce_max3A_739 masked %reduce_max3A_736 : vector<16xi32>, vector<16xi1> -> vector<16xi32>
    %reduce_max3A_741 = arith.xori %reduce_max3A_740, %reduce_max3A_738 : vector<16xi32>
    %reduce_max3A_742 = vector.extract %reduce_max3A_741[15] : i32 from vector<16xi32>
    %eq3A_743 = arith.constant 2 : i32
    %eq3A_744 = vector.broadcast %eq3A_743 : i32 to vector<16xi32>
    %eq3A_745 = arith.cmpi eq, %iota3A, %eq3A_744 : vector<16xi32>
    %jit3A_746 = arith.constant -2147483648 : i32
    %broadcast_in_dim3A_747 = vector.broadcast %jit3A_746 : i32 to vector<16xi32>
    %select_n3A_748 = arith.select %eq3A_745, %get3A_17, %broadcast_in_dim3A_747 : vector<16xi1>, vector<16xi32>
    %reduce_max3A_749 = arith.constant true
    %reduce_max3A_750 = vector.broadcast %reduce_max3A_749 : i1 to vector<16xi1>
    %reduce_max3A_751 = arith.constant -2147483648 : i32
    %reduce_max3A_752 = vector.broadcast %reduce_max3A_751 : i32 to vector<16xi32>
    %reduce_max3A_753 = arith.xori %select_n3A_748, %reduce_max3A_752 : vector<16xi32>
    %reduce_max3A_754 = tpu.scan <max>, %reduce_max3A_753 masked %reduce_max3A_750 : vector<16xi32>, vector<16xi1> -> vector<16xi32>
    %reduce_max3A_755 = arith.xori %reduce_max3A_754, %reduce_max3A_752 : vector<16xi32>
    %reduce_max3A_756 = vector.extract %reduce_max3A_755[15] : i32 from vector<16xi32>
    %ge3A_757 = arith.constant 0 : i32
    %ge3A_758 = arith.cmpi sge, %reduce_max3A_742, %ge3A_757 : i32
    %convert_element_type3A_759 = arith.extui %ge3A_758 : i1 to i32
    %cond3A_760 = arith.constant 0 : i32
    %cond3A_761 = arith.cmpi ne, %convert_element_type3A_759, %cond3A_760 : i32
    scf.if %cond3A_761 {
      %dma_start3A_1369 = arith.constant 2 : i32
      %dma_start3A_1370 = arith.constant 0 : i32
      %dma_start3A_1371 = tpu.memref_slice %arg11[%dma_start3A_1369, %dma_start3A_1370] : memref<4x8192xf32, #tpu.memory_space<vmem>> -> memref<1x8192xf32, #tpu.memory_space<vmem>>
      %dma_start3A_1372 = arith.constant 0 : i32
      %dma_start3A_1373 = tpu.memref_slice %arg3[%reduce_max3A_742, %dma_start3A_1372] : memref<1024x8192xf32, #tpu.memory_space<hbm>> -> memref<1x8192xf32, #tpu.memory_space<hbm>>
      %dma_start3A_1374 = arith.constant 2 : i32
      %dma_start3A_1375 = arith.constant 0 : i32
      %dma_start3A_1376 = tpu.memref_slice %arg11[%dma_start3A_1374, %dma_start3A_1375] : memref<4x8192xf32, #tpu.memory_space<vmem>> -> memref<1x8192xf32, #tpu.memory_space<vmem>>
      %dma_start3A_1377 = arith.constant 0 : i32
      %dma_start3A_1378 = tpu.memref_slice %arg3[%reduce_max3A_742, %dma_start3A_1377] : memref<1024x8192xf32, #tpu.memory_space<hbm>> -> memref<1x8192xf32, #tpu.memory_space<hbm>>
      tpu.enqueue_dma source(%dma_start3A_1378 : memref<1x8192xf32, #tpu.memory_space<hbm>>) target(%dma_start3A_1376 : memref<1x8192xf32, #tpu.memory_space<vmem>>) target_semaphore(%arg14 : memref<!tpu.dma_semaphore, #tpu.memory_space<semaphore_mem>>)
    } else {
    }
    %lt3A_762 = arith.constant 0 : i32
    %lt3A_763 = arith.cmpi slt, %reduce_max3A_742, %lt3A_762 : i32
    %convert_element_type3A_764 = arith.extui %lt3A_763 : i1 to i32
    %cond3A_765 = arith.constant 0 : i32
    %cond3A_766 = arith.cmpi ne, %convert_element_type3A_764, %cond3A_765 : i32
    scf.if %cond3A_766 {
      %dma_start3A_1369 = arith.constant 2 : i32
      %dma_start3A_1370 = arith.constant 0 : i32
      %dma_start3A_1371 = tpu.memref_slice %arg11[%dma_start3A_1369, %dma_start3A_1370] : memref<4x8192xf32, #tpu.memory_space<vmem>> -> memref<1x8192xf32, #tpu.memory_space<vmem>>
      %dma_start3A_1372 = arith.constant 0 : i32
      %dma_start3A_1373 = tpu.memref_slice %arg2[%reduce_max3A_756, %dma_start3A_1372] : memref<8192x8192xf32, #tpu.memory_space<hbm>> -> memref<1x8192xf32, #tpu.memory_space<hbm>>
      %dma_start3A_1374 = arith.constant 2 : i32
      %dma_start3A_1375 = arith.constant 0 : i32
      %dma_start3A_1376 = tpu.memref_slice %arg11[%dma_start3A_1374, %dma_start3A_1375] : memref<4x8192xf32, #tpu.memory_space<vmem>> -> memref<1x8192xf32, #tpu.memory_space<vmem>>
      %dma_start3A_1377 = arith.constant 0 : i32
      %dma_start3A_1378 = tpu.memref_slice %arg2[%reduce_max3A_756, %dma_start3A_1377] : memref<8192x8192xf32, #tpu.memory_space<hbm>> -> memref<1x8192xf32, #tpu.memory_space<hbm>>
      tpu.enqueue_dma source(%dma_start3A_1378 : memref<1x8192xf32, #tpu.memory_space<hbm>>) target(%dma_start3A_1376 : memref<1x8192xf32, #tpu.memory_space<vmem>>) target_semaphore(%arg14 : memref<!tpu.dma_semaphore, #tpu.memory_space<semaphore_mem>>)
    } else {
    }
    %eq3A_767 = arith.constant 3 : i32
    %eq3A_768 = vector.broadcast %eq3A_767 : i32 to vector<16xi32>
    %eq3A_769 = arith.cmpi eq, %iota3A, %eq3A_768 : vector<16xi32>
    %jit3A_770 = arith.constant -2147483648 : i32
    %broadcast_in_dim3A_771 = vector.broadcast %jit3A_770 : i32 to vector<16xi32>
    %select_n3A_772 = arith.select %eq3A_769, %gather3A_18, %broadcast_in_dim3A_771 : vector<16xi1>, vector<16xi32>
    %reduce_max3A_773 = arith.constant true
    %reduce_max3A_774 = vector.broadcast %reduce_max3A_773 : i1 to vector<16xi1>
    %reduce_max3A_775 = arith.constant -2147483648 : i32
    %reduce_max3A_776 = vector.broadcast %reduce_max3A_775 : i32 to vector<16xi32>
    %reduce_max3A_777 = arith.xori %select_n3A_772, %reduce_max3A_776 : vector<16xi32>
    %reduce_max3A_778 = tpu.scan <max>, %reduce_max3A_777 masked %reduce_max3A_774 : vector<16xi32>, vector<16xi1> -> vector<16xi32>
    %reduce_max3A_779 = arith.xori %reduce_max3A_778, %reduce_max3A_776 : vector<16xi32>
    %reduce_max3A_780 = vector.extract %reduce_max3A_779[15] : i32 from vector<16xi32>
    %eq3A_781 = arith.constant 3 : i32
    %eq3A_782 = vector.broadcast %eq3A_781 : i32 to vector<16xi32>
    %eq3A_783 = arith.cmpi eq, %iota3A, %eq3A_782 : vector<16xi32>
    %jit3A_784 = arith.constant -2147483648 : i32
    %broadcast_in_dim3A_785 = vector.broadcast %jit3A_784 : i32 to vector<16xi32>
    %select_n3A_786 = arith.select %eq3A_783, %get3A_17, %broadcast_in_dim3A_785 : vector<16xi1>, vector<16xi32>
    %reduce_max3A_787 = arith.constant true
    %reduce_max3A_788 = vector.broadcast %reduce_max3A_787 : i1 to vector<16xi1>
    %reduce_max3A_789 = arith.constant -2147483648 : i32
    %reduce_max3A_790 = vector.broadcast %reduce_max3A_789 : i32 to vector<16xi32>
    %reduce_max3A_791 = arith.xori %select_n3A_786, %reduce_max3A_790 : vector<16xi32>
    %reduce_max3A_792 = tpu.scan <max>, %reduce_max3A_791 masked %reduce_max3A_788 : vector<16xi32>, vector<16xi1> -> vector<16xi32>
    %reduce_max3A_793 = arith.xori %reduce_max3A_792, %reduce_max3A_790 : vector<16xi32>
    %reduce_max3A_794 = vector.extract %reduce_max3A_793[15] : i32 from vector<16xi32>
    %ge3A_795 = arith.constant 0 : i32
    %ge3A_796 = arith.cmpi sge, %reduce_max3A_780, %ge3A_795 : i32
    %convert_element_type3A_797 = arith.extui %ge3A_796 : i1 to i32
    %cond3A_798 = arith.constant 0 : i32
    %cond3A_799 = arith.cmpi ne, %convert_element_type3A_797, %cond3A_798 : i32
    scf.if %cond3A_799 {
      %dma_start3A_1369 = arith.constant 3 : i32
      %dma_start3A_1370 = arith.constant 0 : i32
      %dma_start3A_1371 = tpu.memref_slice %arg11[%dma_start3A_1369, %dma_start3A_1370] : memref<4x8192xf32, #tpu.memory_space<vmem>> -> memref<1x8192xf32, #tpu.memory_space<vmem>>
      %dma_start3A_1372 = arith.constant 0 : i32
      %dma_start3A_1373 = tpu.memref_slice %arg3[%reduce_max3A_780, %dma_start3A_1372] : memref<1024x8192xf32, #tpu.memory_space<hbm>> -> memref<1x8192xf32, #tpu.memory_space<hbm>>
      %dma_start3A_1374 = arith.constant 3 : i32
      %dma_start3A_1375 = arith.constant 0 : i32
      %dma_start3A_1376 = tpu.memref_slice %arg11[%dma_start3A_1374, %dma_start3A_1375] : memref<4x8192xf32, #tpu.memory_space<vmem>> -> memref<1x8192xf32, #tpu.memory_space<vmem>>
      %dma_start3A_1377 = arith.constant 0 : i32
      %dma_start3A_1378 = tpu.memref_slice %arg3[%reduce_max3A_780, %dma_start3A_1377] : memref<1024x8192xf32, #tpu.memory_space<hbm>> -> memref<1x8192xf32, #tpu.memory_space<hbm>>
      tpu.enqueue_dma source(%dma_start3A_1378 : memref<1x8192xf32, #tpu.memory_space<hbm>>) target(%dma_start3A_1376 : memref<1x8192xf32, #tpu.memory_space<vmem>>) target_semaphore(%arg14 : memref<!tpu.dma_semaphore, #tpu.memory_space<semaphore_mem>>)
    } else {
    }
    %lt3A_800 = arith.constant 0 : i32
    %lt3A_801 = arith.cmpi slt, %reduce_max3A_780, %lt3A_800 : i32
    %convert_element_type3A_802 = arith.extui %lt3A_801 : i1 to i32
    %cond3A_803 = arith.constant 0 : i32
    %cond3A_804 = arith.cmpi ne, %convert_element_type3A_802, %cond3A_803 : i32
    scf.if %cond3A_804 {
      %dma_start3A_1369 = arith.constant 3 : i32
      %dma_start3A_1370 = arith.constant 0 : i32
      %dma_start3A_1371 = tpu.memref_slice %arg11[%dma_start3A_1369, %dma_start3A_1370] : memref<4x8192xf32, #tpu.memory_space<vmem>> -> memref<1x8192xf32, #tpu.memory_space<vmem>>
      %dma_start3A_1372 = arith.constant 0 : i32
      %dma_start3A_1373 = tpu.memref_slice %arg2[%reduce_max3A_794, %dma_start3A_1372] : memref<8192x8192xf32, #tpu.memory_space<hbm>> -> memref<1x8192xf32, #tpu.memory_space<hbm>>
      %dma_start3A_1374 = arith.constant 3 : i32
      %dma_start3A_1375 = arith.constant 0 : i32
      %dma_start3A_1376 = tpu.memref_slice %arg11[%dma_start3A_1374, %dma_start3A_1375] : memref<4x8192xf32, #tpu.memory_space<vmem>> -> memref<1x8192xf32, #tpu.memory_space<vmem>>
      %dma_start3A_1377 = arith.constant 0 : i32
      %dma_start3A_1378 = tpu.memref_slice %arg2[%reduce_max3A_794, %dma_start3A_1377] : memref<8192x8192xf32, #tpu.memory_space<hbm>> -> memref<1x8192xf32, #tpu.memory_space<hbm>>
      tpu.enqueue_dma source(%dma_start3A_1378 : memref<1x8192xf32, #tpu.memory_space<hbm>>) target(%dma_start3A_1376 : memref<1x8192xf32, #tpu.memory_space<vmem>>) target_semaphore(%arg14 : memref<!tpu.dma_semaphore, #tpu.memory_space<semaphore_mem>>)
    } else {
    }
    %dma_wait3A_805 = arith.constant 0 : i32
    %dma_wait3A_806 = arith.constant 0 : i32
    %dma_wait3A_807 = tpu.memref_slice %arg2[%dma_wait3A_805, %dma_wait3A_806] : memref<8192x8192xf32, #tpu.memory_space<hbm>> -> memref<4x8192xf32, #tpu.memory_space<hbm>>
    %dma_wait3A_808 = arith.constant 0 : i32
    %dma_wait3A_809 = arith.constant 0 : i32
    %dma_wait3A_810 = tpu.memref_slice %arg2[%dma_wait3A_808, %dma_wait3A_809] : memref<8192x8192xf32, #tpu.memory_space<hbm>> -> memref<4x8192xf32, #tpu.memory_space<hbm>>
    tpu.wait_dma2 semaphore(%arg15 : memref<!tpu.dma_semaphore, #tpu.memory_space<semaphore_mem>>) src(%dma_wait3A_810 : memref<4x8192xf32, #tpu.memory_space<hbm>>) dst(%arg12 : memref<4x8192xf32, #tpu.memory_space<vmem>>)
    %add3A_811 = arith.constant 8 : i32
    %add3A_812 = arith.addi %mul3A_2, %add3A_811 : i32
    %dma_start3A_813 = arith.constant 0 : i32
    %dma_start3A_814 = tpu.memref_slice %arg6[%add3A_812, %dma_start3A_813] : memref<1024x8192xf32, #tpu.memory_space<hbm>> -> memref<4x8192xf32, #tpu.memory_space<hbm>>
    %dma_start3A_815 = arith.constant 0 : i32
    %dma_start3A_816 = tpu.memref_slice %arg6[%add3A_812, %dma_start3A_815] : memref<1024x8192xf32, #tpu.memory_space<hbm>> -> memref<4x8192xf32, #tpu.memory_space<hbm>>
    tpu.enqueue_dma source(%arg12 : memref<4x8192xf32, #tpu.memory_space<vmem>>) target(%dma_start3A_816 : memref<4x8192xf32, #tpu.memory_space<hbm>>) target_semaphore(%arg18 : memref<!tpu.dma_semaphore, #tpu.memory_space<semaphore_mem>>)
    %dma_wait3A_817 = arith.constant 0 : i32
    %dma_wait3A_818 = arith.constant 0 : i32
    %dma_wait3A_819 = tpu.memref_slice %arg6[%dma_wait3A_817, %dma_wait3A_818] : memref<1024x8192xf32, #tpu.memory_space<hbm>> -> memref<4x8192xf32, #tpu.memory_space<hbm>>
    %dma_wait3A_820 = arith.constant 0 : i32
    %dma_wait3A_821 = arith.constant 0 : i32
    %dma_wait3A_822 = tpu.memref_slice %arg6[%dma_wait3A_820, %dma_wait3A_821] : memref<1024x8192xf32, #tpu.memory_space<hbm>> -> memref<4x8192xf32, #tpu.memory_space<hbm>>
    tpu.wait_dma2 semaphore(%arg18 : memref<!tpu.dma_semaphore, #tpu.memory_space<semaphore_mem>>) src(%dma_wait3A_822 : memref<4x8192xf32, #tpu.memory_space<hbm>>) dst(%arg12 : memref<4x8192xf32, #tpu.memory_space<vmem>>)
    %eq3A_823 = arith.constant 4 : i32
    %eq3A_824 = vector.broadcast %eq3A_823 : i32 to vector<16xi32>
    %eq3A_825 = arith.cmpi eq, %iota3A, %eq3A_824 : vector<16xi32>
    %jit3A_826 = arith.constant -2147483648 : i32
    %broadcast_in_dim3A_827 = vector.broadcast %jit3A_826 : i32 to vector<16xi32>
    %select_n3A_828 = arith.select %eq3A_825, %gather3A_18, %broadcast_in_dim3A_827 : vector<16xi1>, vector<16xi32>
    %reduce_max3A_829 = arith.constant true
    %reduce_max3A_830 = vector.broadcast %reduce_max3A_829 : i1 to vector<16xi1>
    %reduce_max3A_831 = arith.constant -2147483648 : i32
    %reduce_max3A_832 = vector.broadcast %reduce_max3A_831 : i32 to vector<16xi32>
    %reduce_max3A_833 = arith.xori %select_n3A_828, %reduce_max3A_832 : vector<16xi32>
    %reduce_max3A_834 = tpu.scan <max>, %reduce_max3A_833 masked %reduce_max3A_830 : vector<16xi32>, vector<16xi1> -> vector<16xi32>
    %reduce_max3A_835 = arith.xori %reduce_max3A_834, %reduce_max3A_832 : vector<16xi32>
    %reduce_max3A_836 = vector.extract %reduce_max3A_835[15] : i32 from vector<16xi32>
    %eq3A_837 = arith.constant 4 : i32
    %eq3A_838 = vector.broadcast %eq3A_837 : i32 to vector<16xi32>
    %eq3A_839 = arith.cmpi eq, %iota3A, %eq3A_838 : vector<16xi32>
    %jit3A_840 = arith.constant -2147483648 : i32
    %broadcast_in_dim3A_841 = vector.broadcast %jit3A_840 : i32 to vector<16xi32>
    %select_n3A_842 = arith.select %eq3A_839, %get3A_17, %broadcast_in_dim3A_841 : vector<16xi1>, vector<16xi32>
    %reduce_max3A_843 = arith.constant true
    %reduce_max3A_844 = vector.broadcast %reduce_max3A_843 : i1 to vector<16xi1>
    %reduce_max3A_845 = arith.constant -2147483648 : i32
    %reduce_max3A_846 = vector.broadcast %reduce_max3A_845 : i32 to vector<16xi32>
    %reduce_max3A_847 = arith.xori %select_n3A_842, %reduce_max3A_846 : vector<16xi32>
    %reduce_max3A_848 = tpu.scan <max>, %reduce_max3A_847 masked %reduce_max3A_844 : vector<16xi32>, vector<16xi1> -> vector<16xi32>
    %reduce_max3A_849 = arith.xori %reduce_max3A_848, %reduce_max3A_846 : vector<16xi32>
    %reduce_max3A_850 = vector.extract %reduce_max3A_849[15] : i32 from vector<16xi32>
    %ge3A_851 = arith.constant 0 : i32
    %ge3A_852 = arith.cmpi sge, %reduce_max3A_836, %ge3A_851 : i32
    %convert_element_type3A_853 = arith.extui %ge3A_852 : i1 to i32
    %cond3A_854 = arith.constant 0 : i32
    %cond3A_855 = arith.cmpi ne, %convert_element_type3A_853, %cond3A_854 : i32
    scf.if %cond3A_855 {
      %dma_start3A_1369 = arith.constant 0 : i32
      %dma_start3A_1370 = arith.constant 0 : i32
      %dma_start3A_1371 = tpu.memref_slice %arg12[%dma_start3A_1369, %dma_start3A_1370] : memref<4x8192xf32, #tpu.memory_space<vmem>> -> memref<1x8192xf32, #tpu.memory_space<vmem>>
      %dma_start3A_1372 = arith.constant 0 : i32
      %dma_start3A_1373 = tpu.memref_slice %arg3[%reduce_max3A_836, %dma_start3A_1372] : memref<1024x8192xf32, #tpu.memory_space<hbm>> -> memref<1x8192xf32, #tpu.memory_space<hbm>>
      %dma_start3A_1374 = arith.constant 0 : i32
      %dma_start3A_1375 = arith.constant 0 : i32
      %dma_start3A_1376 = tpu.memref_slice %arg12[%dma_start3A_1374, %dma_start3A_1375] : memref<4x8192xf32, #tpu.memory_space<vmem>> -> memref<1x8192xf32, #tpu.memory_space<vmem>>
      %dma_start3A_1377 = arith.constant 0 : i32
      %dma_start3A_1378 = tpu.memref_slice %arg3[%reduce_max3A_836, %dma_start3A_1377] : memref<1024x8192xf32, #tpu.memory_space<hbm>> -> memref<1x8192xf32, #tpu.memory_space<hbm>>
      tpu.enqueue_dma source(%dma_start3A_1378 : memref<1x8192xf32, #tpu.memory_space<hbm>>) target(%dma_start3A_1376 : memref<1x8192xf32, #tpu.memory_space<vmem>>) target_semaphore(%arg15 : memref<!tpu.dma_semaphore, #tpu.memory_space<semaphore_mem>>)
    } else {
    }
    %lt3A_856 = arith.constant 0 : i32
    %lt3A_857 = arith.cmpi slt, %reduce_max3A_836, %lt3A_856 : i32
    %convert_element_type3A_858 = arith.extui %lt3A_857 : i1 to i32
    %cond3A_859 = arith.constant 0 : i32
    %cond3A_860 = arith.cmpi ne, %convert_element_type3A_858, %cond3A_859 : i32
    scf.if %cond3A_860 {
      %dma_start3A_1369 = arith.constant 0 : i32
      %dma_start3A_1370 = arith.constant 0 : i32
      %dma_start3A_1371 = tpu.memref_slice %arg12[%dma_start3A_1369, %dma_start3A_1370] : memref<4x8192xf32, #tpu.memory_space<vmem>> -> memref<1x8192xf32, #tpu.memory_space<vmem>>
      %dma_start3A_1372 = arith.constant 0 : i32
      %dma_start3A_1373 = tpu.memref_slice %arg2[%reduce_max3A_850, %dma_start3A_1372] : memref<8192x8192xf32, #tpu.memory_space<hbm>> -> memref<1x8192xf32, #tpu.memory_space<hbm>>
      %dma_start3A_1374 = arith.constant 0 : i32
      %dma_start3A_1375 = arith.constant 0 : i32
      %dma_start3A_1376 = tpu.memref_slice %arg12[%dma_start3A_1374, %dma_start3A_1375] : memref<4x8192xf32, #tpu.memory_space<vmem>> -> memref<1x8192xf32, #tpu.memory_space<vmem>>
      %dma_start3A_1377 = arith.constant 0 : i32
      %dma_start3A_1378 = tpu.memref_slice %arg2[%reduce_max3A_850, %dma_start3A_1377] : memref<8192x8192xf32, #tpu.memory_space<hbm>> -> memref<1x8192xf32, #tpu.memory_space<hbm>>
      tpu.enqueue_dma source(%dma_start3A_1378 : memref<1x8192xf32, #tpu.memory_space<hbm>>) target(%dma_start3A_1376 : memref<1x8192xf32, #tpu.memory_space<vmem>>) target_semaphore(%arg15 : memref<!tpu.dma_semaphore, #tpu.memory_space<semaphore_mem>>)
    } else {
    }
    %eq3A_861 = arith.constant 5 : i32
    %eq3A_862 = vector.broadcast %eq3A_861 : i32 to vector<16xi32>
    %eq3A_863 = arith.cmpi eq, %iota3A, %eq3A_862 : vector<16xi32>
    %jit3A_864 = arith.constant -2147483648 : i32
    %broadcast_in_dim3A_865 = vector.broadcast %jit3A_864 : i32 to vector<16xi32>
    %select_n3A_866 = arith.select %eq3A_863, %gather3A_18, %broadcast_in_dim3A_865 : vector<16xi1>, vector<16xi32>
    %reduce_max3A_867 = arith.constant true
    %reduce_max3A_868 = vector.broadcast %reduce_max3A_867 : i1 to vector<16xi1>
    %reduce_max3A_869 = arith.constant -2147483648 : i32
    %reduce_max3A_870 = vector.broadcast %reduce_max3A_869 : i32 to vector<16xi32>
    %reduce_max3A_871 = arith.xori %select_n3A_866, %reduce_max3A_870 : vector<16xi32>
    %reduce_max3A_872 = tpu.scan <max>, %reduce_max3A_871 masked %reduce_max3A_868 : vector<16xi32>, vector<16xi1> -> vector<16xi32>
    %reduce_max3A_873 = arith.xori %reduce_max3A_872, %reduce_max3A_870 : vector<16xi32>
    %reduce_max3A_874 = vector.extract %reduce_max3A_873[15] : i32 from vector<16xi32>
    %eq3A_875 = arith.constant 5 : i32
    %eq3A_876 = vector.broadcast %eq3A_875 : i32 to vector<16xi32>
    %eq3A_877 = arith.cmpi eq, %iota3A, %eq3A_876 : vector<16xi32>
    %jit3A_878 = arith.constant -2147483648 : i32
    %broadcast_in_dim3A_879 = vector.broadcast %jit3A_878 : i32 to vector<16xi32>
    %select_n3A_880 = arith.select %eq3A_877, %get3A_17, %broadcast_in_dim3A_879 : vector<16xi1>, vector<16xi32>
    %reduce_max3A_881 = arith.constant true
    %reduce_max3A_882 = vector.broadcast %reduce_max3A_881 : i1 to vector<16xi1>
    %reduce_max3A_883 = arith.constant -2147483648 : i32
    %reduce_max3A_884 = vector.broadcast %reduce_max3A_883 : i32 to vector<16xi32>
    %reduce_max3A_885 = arith.xori %select_n3A_880, %reduce_max3A_884 : vector<16xi32>
    %reduce_max3A_886 = tpu.scan <max>, %reduce_max3A_885 masked %reduce_max3A_882 : vector<16xi32>, vector<16xi1> -> vector<16xi32>
    %reduce_max3A_887 = arith.xori %reduce_max3A_886, %reduce_max3A_884 : vector<16xi32>
    %reduce_max3A_888 = vector.extract %reduce_max3A_887[15] : i32 from vector<16xi32>
    %ge3A_889 = arith.constant 0 : i32
    %ge3A_890 = arith.cmpi sge, %reduce_max3A_874, %ge3A_889 : i32
    %convert_element_type3A_891 = arith.extui %ge3A_890 : i1 to i32
    %cond3A_892 = arith.constant 0 : i32
    %cond3A_893 = arith.cmpi ne, %convert_element_type3A_891, %cond3A_892 : i32
    scf.if %cond3A_893 {
      %dma_start3A_1369 = arith.constant 1 : i32
      %dma_start3A_1370 = arith.constant 0 : i32
      %dma_start3A_1371 = tpu.memref_slice %arg12[%dma_start3A_1369, %dma_start3A_1370] : memref<4x8192xf32, #tpu.memory_space<vmem>> -> memref<1x8192xf32, #tpu.memory_space<vmem>>
      %dma_start3A_1372 = arith.constant 0 : i32
      %dma_start3A_1373 = tpu.memref_slice %arg3[%reduce_max3A_874, %dma_start3A_1372] : memref<1024x8192xf32, #tpu.memory_space<hbm>> -> memref<1x8192xf32, #tpu.memory_space<hbm>>
      %dma_start3A_1374 = arith.constant 1 : i32
      %dma_start3A_1375 = arith.constant 0 : i32
      %dma_start3A_1376 = tpu.memref_slice %arg12[%dma_start3A_1374, %dma_start3A_1375] : memref<4x8192xf32, #tpu.memory_space<vmem>> -> memref<1x8192xf32, #tpu.memory_space<vmem>>
      %dma_start3A_1377 = arith.constant 0 : i32
      %dma_start3A_1378 = tpu.memref_slice %arg3[%reduce_max3A_874, %dma_start3A_1377] : memref<1024x8192xf32, #tpu.memory_space<hbm>> -> memref<1x8192xf32, #tpu.memory_space<hbm>>
      tpu.enqueue_dma source(%dma_start3A_1378 : memref<1x8192xf32, #tpu.memory_space<hbm>>) target(%dma_start3A_1376 : memref<1x8192xf32, #tpu.memory_space<vmem>>) target_semaphore(%arg15 : memref<!tpu.dma_semaphore, #tpu.memory_space<semaphore_mem>>)
    } else {
    }
    %lt3A_894 = arith.constant 0 : i32
    %lt3A_895 = arith.cmpi slt, %reduce_max3A_874, %lt3A_894 : i32
    %convert_element_type3A_896 = arith.extui %lt3A_895 : i1 to i32
    %cond3A_897 = arith.constant 0 : i32
    %cond3A_898 = arith.cmpi ne, %convert_element_type3A_896, %cond3A_897 : i32
    scf.if %cond3A_898 {
      %dma_start3A_1369 = arith.constant 1 : i32
      %dma_start3A_1370 = arith.constant 0 : i32
      %dma_start3A_1371 = tpu.memref_slice %arg12[%dma_start3A_1369, %dma_start3A_1370] : memref<4x8192xf32, #tpu.memory_space<vmem>> -> memref<1x8192xf32, #tpu.memory_space<vmem>>
      %dma_start3A_1372 = arith.constant 0 : i32
      %dma_start3A_1373 = tpu.memref_slice %arg2[%reduce_max3A_888, %dma_start3A_1372] : memref<8192x8192xf32, #tpu.memory_space<hbm>> -> memref<1x8192xf32, #tpu.memory_space<hbm>>
      %dma_start3A_1374 = arith.constant 1 : i32
      %dma_start3A_1375 = arith.constant 0 : i32
      %dma_start3A_1376 = tpu.memref_slice %arg12[%dma_start3A_1374, %dma_start3A_1375] : memref<4x8192xf32, #tpu.memory_space<vmem>> -> memref<1x8192xf32, #tpu.memory_space<vmem>>
      %dma_start3A_1377 = arith.constant 0 : i32
      %dma_start3A_1378 = tpu.memref_slice %arg2[%reduce_max3A_888, %dma_start3A_1377] : memref<8192x8192xf32, #tpu.memory_space<hbm>> -> memref<1x8192xf32, #tpu.memory_space<hbm>>
      tpu.enqueue_dma source(%dma_start3A_1378 : memref<1x8192xf32, #tpu.memory_space<hbm>>) target(%dma_start3A_1376 : memref<1x8192xf32, #tpu.memory_space<vmem>>) target_semaphore(%arg15 : memref<!tpu.dma_semaphore, #tpu.memory_space<semaphore_mem>>)
    } else {
    }
    %eq3A_899 = arith.constant 6 : i32
    %eq3A_900 = vector.broadcast %eq3A_899 : i32 to vector<16xi32>
    %eq3A_901 = arith.cmpi eq, %iota3A, %eq3A_900 : vector<16xi32>
    %jit3A_902 = arith.constant -2147483648 : i32
    %broadcast_in_dim3A_903 = vector.broadcast %jit3A_902 : i32 to vector<16xi32>
    %select_n3A_904 = arith.select %eq3A_901, %gather3A_18, %broadcast_in_dim3A_903 : vector<16xi1>, vector<16xi32>
    %reduce_max3A_905 = arith.constant true
    %reduce_max3A_906 = vector.broadcast %reduce_max3A_905 : i1 to vector<16xi1>
    %reduce_max3A_907 = arith.constant -2147483648 : i32
    %reduce_max3A_908 = vector.broadcast %reduce_max3A_907 : i32 to vector<16xi32>
    %reduce_max3A_909 = arith.xori %select_n3A_904, %reduce_max3A_908 : vector<16xi32>
    %reduce_max3A_910 = tpu.scan <max>, %reduce_max3A_909 masked %reduce_max3A_906 : vector<16xi32>, vector<16xi1> -> vector<16xi32>
    %reduce_max3A_911 = arith.xori %reduce_max3A_910, %reduce_max3A_908 : vector<16xi32>
    %reduce_max3A_912 = vector.extract %reduce_max3A_911[15] : i32 from vector<16xi32>
    %eq3A_913 = arith.constant 6 : i32
    %eq3A_914 = vector.broadcast %eq3A_913 : i32 to vector<16xi32>
    %eq3A_915 = arith.cmpi eq, %iota3A, %eq3A_914 : vector<16xi32>
    %jit3A_916 = arith.constant -2147483648 : i32
    %broadcast_in_dim3A_917 = vector.broadcast %jit3A_916 : i32 to vector<16xi32>
    %select_n3A_918 = arith.select %eq3A_915, %get3A_17, %broadcast_in_dim3A_917 : vector<16xi1>, vector<16xi32>
    %reduce_max3A_919 = arith.constant true
    %reduce_max3A_920 = vector.broadcast %reduce_max3A_919 : i1 to vector<16xi1>
    %reduce_max3A_921 = arith.constant -2147483648 : i32
    %reduce_max3A_922 = vector.broadcast %reduce_max3A_921 : i32 to vector<16xi32>
    %reduce_max3A_923 = arith.xori %select_n3A_918, %reduce_max3A_922 : vector<16xi32>
    %reduce_max3A_924 = tpu.scan <max>, %reduce_max3A_923 masked %reduce_max3A_920 : vector<16xi32>, vector<16xi1> -> vector<16xi32>
    %reduce_max3A_925 = arith.xori %reduce_max3A_924, %reduce_max3A_922 : vector<16xi32>
    %reduce_max3A_926 = vector.extract %reduce_max3A_925[15] : i32 from vector<16xi32>
    %ge3A_927 = arith.constant 0 : i32
    %ge3A_928 = arith.cmpi sge, %reduce_max3A_912, %ge3A_927 : i32
    %convert_element_type3A_929 = arith.extui %ge3A_928 : i1 to i32
    %cond3A_930 = arith.constant 0 : i32
    %cond3A_931 = arith.cmpi ne, %convert_element_type3A_929, %cond3A_930 : i32
    scf.if %cond3A_931 {
      %dma_start3A_1369 = arith.constant 2 : i32
      %dma_start3A_1370 = arith.constant 0 : i32
      %dma_start3A_1371 = tpu.memref_slice %arg12[%dma_start3A_1369, %dma_start3A_1370] : memref<4x8192xf32, #tpu.memory_space<vmem>> -> memref<1x8192xf32, #tpu.memory_space<vmem>>
      %dma_start3A_1372 = arith.constant 0 : i32
      %dma_start3A_1373 = tpu.memref_slice %arg3[%reduce_max3A_912, %dma_start3A_1372] : memref<1024x8192xf32, #tpu.memory_space<hbm>> -> memref<1x8192xf32, #tpu.memory_space<hbm>>
      %dma_start3A_1374 = arith.constant 2 : i32
      %dma_start3A_1375 = arith.constant 0 : i32
      %dma_start3A_1376 = tpu.memref_slice %arg12[%dma_start3A_1374, %dma_start3A_1375] : memref<4x8192xf32, #tpu.memory_space<vmem>> -> memref<1x8192xf32, #tpu.memory_space<vmem>>
      %dma_start3A_1377 = arith.constant 0 : i32
      %dma_start3A_1378 = tpu.memref_slice %arg3[%reduce_max3A_912, %dma_start3A_1377] : memref<1024x8192xf32, #tpu.memory_space<hbm>> -> memref<1x8192xf32, #tpu.memory_space<hbm>>
      tpu.enqueue_dma source(%dma_start3A_1378 : memref<1x8192xf32, #tpu.memory_space<hbm>>) target(%dma_start3A_1376 : memref<1x8192xf32, #tpu.memory_space<vmem>>) target_semaphore(%arg15 : memref<!tpu.dma_semaphore, #tpu.memory_space<semaphore_mem>>)
    } else {
    }
    %lt3A_932 = arith.constant 0 : i32
    %lt3A_933 = arith.cmpi slt, %reduce_max3A_912, %lt3A_932 : i32
    %convert_element_type3A_934 = arith.extui %lt3A_933 : i1 to i32
    %cond3A_935 = arith.constant 0 : i32
    %cond3A_936 = arith.cmpi ne, %convert_element_type3A_934, %cond3A_935 : i32
    scf.if %cond3A_936 {
      %dma_start3A_1369 = arith.constant 2 : i32
      %dma_start3A_1370 = arith.constant 0 : i32
      %dma_start3A_1371 = tpu.memref_slice %arg12[%dma_start3A_1369, %dma_start3A_1370] : memref<4x8192xf32, #tpu.memory_space<vmem>> -> memref<1x8192xf32, #tpu.memory_space<vmem>>
      %dma_start3A_1372 = arith.constant 0 : i32
      %dma_start3A_1373 = tpu.memref_slice %arg2[%reduce_max3A_926, %dma_start3A_1372] : memref<8192x8192xf32, #tpu.memory_space<hbm>> -> memref<1x8192xf32, #tpu.memory_space<hbm>>
      %dma_start3A_1374 = arith.constant 2 : i32
      %dma_start3A_1375 = arith.constant 0 : i32
      %dma_start3A_1376 = tpu.memref_slice %arg12[%dma_start3A_1374, %dma_start3A_1375] : memref<4x8192xf32, #tpu.memory_space<vmem>> -> memref<1x8192xf32, #tpu.memory_space<vmem>>
      %dma_start3A_1377 = arith.constant 0 : i32
      %dma_start3A_1378 = tpu.memref_slice %arg2[%reduce_max3A_926, %dma_start3A_1377] : memref<8192x8192xf32, #tpu.memory_space<hbm>> -> memref<1x8192xf32, #tpu.memory_space<hbm>>
      tpu.enqueue_dma source(%dma_start3A_1378 : memref<1x8192xf32, #tpu.memory_space<hbm>>) target(%dma_start3A_1376 : memref<1x8192xf32, #tpu.memory_space<vmem>>) target_semaphore(%arg15 : memref<!tpu.dma_semaphore, #tpu.memory_space<semaphore_mem>>)
    } else {
    }
    %eq3A_937 = arith.constant 7 : i32
    %eq3A_938 = vector.broadcast %eq3A_937 : i32 to vector<16xi32>
    %eq3A_939 = arith.cmpi eq, %iota3A, %eq3A_938 : vector<16xi32>
    %jit3A_940 = arith.constant -2147483648 : i32
    %broadcast_in_dim3A_941 = vector.broadcast %jit3A_940 : i32 to vector<16xi32>
    %select_n3A_942 = arith.select %eq3A_939, %gather3A_18, %broadcast_in_dim3A_941 : vector<16xi1>, vector<16xi32>
    %reduce_max3A_943 = arith.constant true
    %reduce_max3A_944 = vector.broadcast %reduce_max3A_943 : i1 to vector<16xi1>
    %reduce_max3A_945 = arith.constant -2147483648 : i32
    %reduce_max3A_946 = vector.broadcast %reduce_max3A_945 : i32 to vector<16xi32>
    %reduce_max3A_947 = arith.xori %select_n3A_942, %reduce_max3A_946 : vector<16xi32>
    %reduce_max3A_948 = tpu.scan <max>, %reduce_max3A_947 masked %reduce_max3A_944 : vector<16xi32>, vector<16xi1> -> vector<16xi32>
    %reduce_max3A_949 = arith.xori %reduce_max3A_948, %reduce_max3A_946 : vector<16xi32>
    %reduce_max3A_950 = vector.extract %reduce_max3A_949[15] : i32 from vector<16xi32>
    %eq3A_951 = arith.constant 7 : i32
    %eq3A_952 = vector.broadcast %eq3A_951 : i32 to vector<16xi32>
    %eq3A_953 = arith.cmpi eq, %iota3A, %eq3A_952 : vector<16xi32>
    %jit3A_954 = arith.constant -2147483648 : i32
    %broadcast_in_dim3A_955 = vector.broadcast %jit3A_954 : i32 to vector<16xi32>
    %select_n3A_956 = arith.select %eq3A_953, %get3A_17, %broadcast_in_dim3A_955 : vector<16xi1>, vector<16xi32>
    %reduce_max3A_957 = arith.constant true
    %reduce_max3A_958 = vector.broadcast %reduce_max3A_957 : i1 to vector<16xi1>
    %reduce_max3A_959 = arith.constant -2147483648 : i32
    %reduce_max3A_960 = vector.broadcast %reduce_max3A_959 : i32 to vector<16xi32>
    %reduce_max3A_961 = arith.xori %select_n3A_956, %reduce_max3A_960 : vector<16xi32>
    %reduce_max3A_962 = tpu.scan <max>, %reduce_max3A_961 masked %reduce_max3A_958 : vector<16xi32>, vector<16xi1> -> vector<16xi32>
    %reduce_max3A_963 = arith.xori %reduce_max3A_962, %reduce_max3A_960 : vector<16xi32>
    %reduce_max3A_964 = vector.extract %reduce_max3A_963[15] : i32 from vector<16xi32>
    %ge3A_965 = arith.constant 0 : i32
    %ge3A_966 = arith.cmpi sge, %reduce_max3A_950, %ge3A_965 : i32
    %convert_element_type3A_967 = arith.extui %ge3A_966 : i1 to i32
    %cond3A_968 = arith.constant 0 : i32
    %cond3A_969 = arith.cmpi ne, %convert_element_type3A_967, %cond3A_968 : i32
    scf.if %cond3A_969 {
      %dma_start3A_1369 = arith.constant 3 : i32
      %dma_start3A_1370 = arith.constant 0 : i32
      %dma_start3A_1371 = tpu.memref_slice %arg12[%dma_start3A_1369, %dma_start3A_1370] : memref<4x8192xf32, #tpu.memory_space<vmem>> -> memref<1x8192xf32, #tpu.memory_space<vmem>>
      %dma_start3A_1372 = arith.constant 0 : i32
      %dma_start3A_1373 = tpu.memref_slice %arg3[%reduce_max3A_950, %dma_start3A_1372] : memref<1024x8192xf32, #tpu.memory_space<hbm>> -> memref<1x8192xf32, #tpu.memory_space<hbm>>
      %dma_start3A_1374 = arith.constant 3 : i32
      %dma_start3A_1375 = arith.constant 0 : i32
      %dma_start3A_1376 = tpu.memref_slice %arg12[%dma_start3A_1374, %dma_start3A_1375] : memref<4x8192xf32, #tpu.memory_space<vmem>> -> memref<1x8192xf32, #tpu.memory_space<vmem>>
      %dma_start3A_1377 = arith.constant 0 : i32
      %dma_start3A_1378 = tpu.memref_slice %arg3[%reduce_max3A_950, %dma_start3A_1377] : memref<1024x8192xf32, #tpu.memory_space<hbm>> -> memref<1x8192xf32, #tpu.memory_space<hbm>>
      tpu.enqueue_dma source(%dma_start3A_1378 : memref<1x8192xf32, #tpu.memory_space<hbm>>) target(%dma_start3A_1376 : memref<1x8192xf32, #tpu.memory_space<vmem>>) target_semaphore(%arg15 : memref<!tpu.dma_semaphore, #tpu.memory_space<semaphore_mem>>)
    } else {
    }
    %lt3A_970 = arith.constant 0 : i32
    %lt3A_971 = arith.cmpi slt, %reduce_max3A_950, %lt3A_970 : i32
    %convert_element_type3A_972 = arith.extui %lt3A_971 : i1 to i32
    %cond3A_973 = arith.constant 0 : i32
    %cond3A_974 = arith.cmpi ne, %convert_element_type3A_972, %cond3A_973 : i32
    scf.if %cond3A_974 {
      %dma_start3A_1369 = arith.constant 3 : i32
      %dma_start3A_1370 = arith.constant 0 : i32
      %dma_start3A_1371 = tpu.memref_slice %arg12[%dma_start3A_1369, %dma_start3A_1370] : memref<4x8192xf32, #tpu.memory_space<vmem>> -> memref<1x8192xf32, #tpu.memory_space<vmem>>
      %dma_start3A_1372 = arith.constant 0 : i32
      %dma_start3A_1373 = tpu.memref_slice %arg2[%reduce_max3A_964, %dma_start3A_1372] : memref<8192x8192xf32, #tpu.memory_space<hbm>> -> memref<1x8192xf32, #tpu.memory_space<hbm>>
      %dma_start3A_1374 = arith.constant 3 : i32
      %dma_start3A_1375 = arith.constant 0 : i32
      %dma_start3A_1376 = tpu.memref_slice %arg12[%dma_start3A_1374, %dma_start3A_1375] : memref<4x8192xf32, #tpu.memory_space<vmem>> -> memref<1x8192xf32, #tpu.memory_space<vmem>>
      %dma_start3A_1377 = arith.constant 0 : i32
      %dma_start3A_1378 = tpu.memref_slice %arg2[%reduce_max3A_964, %dma_start3A_1377] : memref<8192x8192xf32, #tpu.memory_space<hbm>> -> memref<1x8192xf32, #tpu.memory_space<hbm>>
      tpu.enqueue_dma source(%dma_start3A_1378 : memref<1x8192xf32, #tpu.memory_space<hbm>>) target(%dma_start3A_1376 : memref<1x8192xf32, #tpu.memory_space<vmem>>) target_semaphore(%arg15 : memref<!tpu.dma_semaphore, #tpu.memory_space<semaphore_mem>>)
    } else {
    }
    %dma_wait3A_975 = arith.constant 0 : i32
    %dma_wait3A_976 = arith.constant 0 : i32
    %dma_wait3A_977 = tpu.memref_slice %arg2[%dma_wait3A_975, %dma_wait3A_976] : memref<8192x8192xf32, #tpu.memory_space<hbm>> -> memref<4x8192xf32, #tpu.memory_space<hbm>>
    %dma_wait3A_978 = arith.constant 0 : i32
    %dma_wait3A_979 = arith.constant 0 : i32
    %dma_wait3A_980 = tpu.memref_slice %arg2[%dma_wait3A_978, %dma_wait3A_979] : memref<8192x8192xf32, #tpu.memory_space<hbm>> -> memref<4x8192xf32, #tpu.memory_space<hbm>>
    tpu.wait_dma2 semaphore(%arg13 : memref<!tpu.dma_semaphore, #tpu.memory_space<semaphore_mem>>) src(%dma_wait3A_980 : memref<4x8192xf32, #tpu.memory_space<hbm>>) dst(%arg10 : memref<4x8192xf32, #tpu.memory_space<vmem>>)
    %add3A_981 = arith.constant 12 : i32
    %add3A_982 = arith.addi %mul3A_2, %add3A_981 : i32
    %dma_start3A_983 = arith.constant 0 : i32
    %dma_start3A_984 = tpu.memref_slice %arg6[%add3A_982, %dma_start3A_983] : memref<1024x8192xf32, #tpu.memory_space<hbm>> -> memref<4x8192xf32, #tpu.memory_space<hbm>>
    %dma_start3A_985 = arith.constant 0 : i32
    %dma_start3A_986 = tpu.memref_slice %arg6[%add3A_982, %dma_start3A_985] : memref<1024x8192xf32, #tpu.memory_space<hbm>> -> memref<4x8192xf32, #tpu.memory_space<hbm>>
    tpu.enqueue_dma source(%arg10 : memref<4x8192xf32, #tpu.memory_space<vmem>>) target(%dma_start3A_986 : memref<4x8192xf32, #tpu.memory_space<hbm>>) target_semaphore(%arg16 : memref<!tpu.dma_semaphore, #tpu.memory_space<semaphore_mem>>)
    %dma_wait3A_987 = arith.constant 0 : i32
    %dma_wait3A_988 = arith.constant 0 : i32
    %dma_wait3A_989 = tpu.memref_slice %arg6[%dma_wait3A_987, %dma_wait3A_988] : memref<1024x8192xf32, #tpu.memory_space<hbm>> -> memref<4x8192xf32, #tpu.memory_space<hbm>>
    %dma_wait3A_990 = arith.constant 0 : i32
    %dma_wait3A_991 = arith.constant 0 : i32
    %dma_wait3A_992 = tpu.memref_slice %arg6[%dma_wait3A_990, %dma_wait3A_991] : memref<1024x8192xf32, #tpu.memory_space<hbm>> -> memref<4x8192xf32, #tpu.memory_space<hbm>>
    tpu.wait_dma2 semaphore(%arg16 : memref<!tpu.dma_semaphore, #tpu.memory_space<semaphore_mem>>) src(%dma_wait3A_992 : memref<4x8192xf32, #tpu.memory_space<hbm>>) dst(%arg10 : memref<4x8192xf32, #tpu.memory_space<vmem>>)
    %eq3A_993 = arith.constant 8 : i32
    %eq3A_994 = vector.broadcast %eq3A_993 : i32 to vector<16xi32>
    %eq3A_995 = arith.cmpi eq, %iota3A, %eq3A_994 : vector<16xi32>
    %jit3A_996 = arith.constant -2147483648 : i32
    %broadcast_in_dim3A_997 = vector.broadcast %jit3A_996 : i32 to vector<16xi32>
    %select_n3A_998 = arith.select %eq3A_995, %gather3A_18, %broadcast_in_dim3A_997 : vector<16xi1>, vector<16xi32>
    %reduce_max3A_999 = arith.constant true
    %reduce_max3A_1000 = vector.broadcast %reduce_max3A_999 : i1 to vector<16xi1>
    %reduce_max3A_1001 = arith.constant -2147483648 : i32
    %reduce_max3A_1002 = vector.broadcast %reduce_max3A_1001 : i32 to vector<16xi32>
    %reduce_max3A_1003 = arith.xori %select_n3A_998, %reduce_max3A_1002 : vector<16xi32>
    %reduce_max3A_1004 = tpu.scan <max>, %reduce_max3A_1003 masked %reduce_max3A_1000 : vector<16xi32>, vector<16xi1> -> vector<16xi32>
    %reduce_max3A_1005 = arith.xori %reduce_max3A_1004, %reduce_max3A_1002 : vector<16xi32>
    %reduce_max3A_1006 = vector.extract %reduce_max3A_1005[15] : i32 from vector<16xi32>
    %eq3A_1007 = arith.constant 8 : i32
    %eq3A_1008 = vector.broadcast %eq3A_1007 : i32 to vector<16xi32>
    %eq3A_1009 = arith.cmpi eq, %iota3A, %eq3A_1008 : vector<16xi32>
    %jit3A_1010 = arith.constant -2147483648 : i32
    %broadcast_in_dim3A_1011 = vector.broadcast %jit3A_1010 : i32 to vector<16xi32>
    %select_n3A_1012 = arith.select %eq3A_1009, %get3A_17, %broadcast_in_dim3A_1011 : vector<16xi1>, vector<16xi32>
    %reduce_max3A_1013 = arith.constant true
    %reduce_max3A_1014 = vector.broadcast %reduce_max3A_1013 : i1 to vector<16xi1>
    %reduce_max3A_1015 = arith.constant -2147483648 : i32
    %reduce_max3A_1016 = vector.broadcast %reduce_max3A_1015 : i32 to vector<16xi32>
    %reduce_max3A_1017 = arith.xori %select_n3A_1012, %reduce_max3A_1016 : vector<16xi32>
    %reduce_max3A_1018 = tpu.scan <max>, %reduce_max3A_1017 masked %reduce_max3A_1014 : vector<16xi32>, vector<16xi1> -> vector<16xi32>
    %reduce_max3A_1019 = arith.xori %reduce_max3A_1018, %reduce_max3A_1016 : vector<16xi32>
    %reduce_max3A_1020 = vector.extract %reduce_max3A_1019[15] : i32 from vector<16xi32>
    %ge3A_1021 = arith.constant 0 : i32
    %ge3A_1022 = arith.cmpi sge, %reduce_max3A_1006, %ge3A_1021 : i32
    %convert_element_type3A_1023 = arith.extui %ge3A_1022 : i1 to i32
    %cond3A_1024 = arith.constant 0 : i32
    %cond3A_1025 = arith.cmpi ne, %convert_element_type3A_1023, %cond3A_1024 : i32
    scf.if %cond3A_1025 {
      %dma_start3A_1369 = arith.constant 0 : i32
      %dma_start3A_1370 = arith.constant 0 : i32
      %dma_start3A_1371 = tpu.memref_slice %arg10[%dma_start3A_1369, %dma_start3A_1370] : memref<4x8192xf32, #tpu.memory_space<vmem>> -> memref<1x8192xf32, #tpu.memory_space<vmem>>
      %dma_start3A_1372 = arith.constant 0 : i32
      %dma_start3A_1373 = tpu.memref_slice %arg3[%reduce_max3A_1006, %dma_start3A_1372] : memref<1024x8192xf32, #tpu.memory_space<hbm>> -> memref<1x8192xf32, #tpu.memory_space<hbm>>
      %dma_start3A_1374 = arith.constant 0 : i32
      %dma_start3A_1375 = arith.constant 0 : i32
      %dma_start3A_1376 = tpu.memref_slice %arg10[%dma_start3A_1374, %dma_start3A_1375] : memref<4x8192xf32, #tpu.memory_space<vmem>> -> memref<1x8192xf32, #tpu.memory_space<vmem>>
      %dma_start3A_1377 = arith.constant 0 : i32
      %dma_start3A_1378 = tpu.memref_slice %arg3[%reduce_max3A_1006, %dma_start3A_1377] : memref<1024x8192xf32, #tpu.memory_space<hbm>> -> memref<1x8192xf32, #tpu.memory_space<hbm>>
      tpu.enqueue_dma source(%dma_start3A_1378 : memref<1x8192xf32, #tpu.memory_space<hbm>>) target(%dma_start3A_1376 : memref<1x8192xf32, #tpu.memory_space<vmem>>) target_semaphore(%arg13 : memref<!tpu.dma_semaphore, #tpu.memory_space<semaphore_mem>>)
    } else {
    }
    %lt3A_1026 = arith.constant 0 : i32
    %lt3A_1027 = arith.cmpi slt, %reduce_max3A_1006, %lt3A_1026 : i32
    %convert_element_type3A_1028 = arith.extui %lt3A_1027 : i1 to i32
    %cond3A_1029 = arith.constant 0 : i32
    %cond3A_1030 = arith.cmpi ne, %convert_element_type3A_1028, %cond3A_1029 : i32
    scf.if %cond3A_1030 {
      %dma_start3A_1369 = arith.constant 0 : i32
      %dma_start3A_1370 = arith.constant 0 : i32
      %dma_start3A_1371 = tpu.memref_slice %arg10[%dma_start3A_1369, %dma_start3A_1370] : memref<4x8192xf32, #tpu.memory_space<vmem>> -> memref<1x8192xf32, #tpu.memory_space<vmem>>
      %dma_start3A_1372 = arith.constant 0 : i32
      %dma_start3A_1373 = tpu.memref_slice %arg2[%reduce_max3A_1020, %dma_start3A_1372] : memref<8192x8192xf32, #tpu.memory_space<hbm>> -> memref<1x8192xf32, #tpu.memory_space<hbm>>
      %dma_start3A_1374 = arith.constant 0 : i32
      %dma_start3A_1375 = arith.constant 0 : i32
      %dma_start3A_1376 = tpu.memref_slice %arg10[%dma_start3A_1374, %dma_start3A_1375] : memref<4x8192xf32, #tpu.memory_space<vmem>> -> memref<1x8192xf32, #tpu.memory_space<vmem>>
      %dma_start3A_1377 = arith.constant 0 : i32
      %dma_start3A_1378 = tpu.memref_slice %arg2[%reduce_max3A_1020, %dma_start3A_1377] : memref<8192x8192xf32, #tpu.memory_space<hbm>> -> memref<1x8192xf32, #tpu.memory_space<hbm>>
      tpu.enqueue_dma source(%dma_start3A_1378 : memref<1x8192xf32, #tpu.memory_space<hbm>>) target(%dma_start3A_1376 : memref<1x8192xf32, #tpu.memory_space<vmem>>) target_semaphore(%arg13 : memref<!tpu.dma_semaphore, #tpu.memory_space<semaphore_mem>>)
    } else {
    }
    %eq3A_1031 = arith.constant 9 : i32
    %eq3A_1032 = vector.broadcast %eq3A_1031 : i32 to vector<16xi32>
    %eq3A_1033 = arith.cmpi eq, %iota3A, %eq3A_1032 : vector<16xi32>
    %jit3A_1034 = arith.constant -2147483648 : i32
    %broadcast_in_dim3A_1035 = vector.broadcast %jit3A_1034 : i32 to vector<16xi32>
    %select_n3A_1036 = arith.select %eq3A_1033, %gather3A_18, %broadcast_in_dim3A_1035 : vector<16xi1>, vector<16xi32>
    %reduce_max3A_1037 = arith.constant true
    %reduce_max3A_1038 = vector.broadcast %reduce_max3A_1037 : i1 to vector<16xi1>
    %reduce_max3A_1039 = arith.constant -2147483648 : i32
    %reduce_max3A_1040 = vector.broadcast %reduce_max3A_1039 : i32 to vector<16xi32>
    %reduce_max3A_1041 = arith.xori %select_n3A_1036, %reduce_max3A_1040 : vector<16xi32>
    %reduce_max3A_1042 = tpu.scan <max>, %reduce_max3A_1041 masked %reduce_max3A_1038 : vector<16xi32>, vector<16xi1> -> vector<16xi32>
    %reduce_max3A_1043 = arith.xori %reduce_max3A_1042, %reduce_max3A_1040 : vector<16xi32>
    %reduce_max3A_1044 = vector.extract %reduce_max3A_1043[15] : i32 from vector<16xi32>
    %eq3A_1045 = arith.constant 9 : i32
    %eq3A_1046 = vector.broadcast %eq3A_1045 : i32 to vector<16xi32>
    %eq3A_1047 = arith.cmpi eq, %iota3A, %eq3A_1046 : vector<16xi32>
    %jit3A_1048 = arith.constant -2147483648 : i32
    %broadcast_in_dim3A_1049 = vector.broadcast %jit3A_1048 : i32 to vector<16xi32>
    %select_n3A_1050 = arith.select %eq3A_1047, %get3A_17, %broadcast_in_dim3A_1049 : vector<16xi1>, vector<16xi32>
    %reduce_max3A_1051 = arith.constant true
    %reduce_max3A_1052 = vector.broadcast %reduce_max3A_1051 : i1 to vector<16xi1>
    %reduce_max3A_1053 = arith.constant -2147483648 : i32
    %reduce_max3A_1054 = vector.broadcast %reduce_max3A_1053 : i32 to vector<16xi32>
    %reduce_max3A_1055 = arith.xori %select_n3A_1050, %reduce_max3A_1054 : vector<16xi32>
    %reduce_max3A_1056 = tpu.scan <max>, %reduce_max3A_1055 masked %reduce_max3A_1052 : vector<16xi32>, vector<16xi1> -> vector<16xi32>
    %reduce_max3A_1057 = arith.xori %reduce_max3A_1056, %reduce_max3A_1054 : vector<16xi32>
    %reduce_max3A_1058 = vector.extract %reduce_max3A_1057[15] : i32 from vector<16xi32>
    %ge3A_1059 = arith.constant 0 : i32
    %ge3A_1060 = arith.cmpi sge, %reduce_max3A_1044, %ge3A_1059 : i32
    %convert_element_type3A_1061 = arith.extui %ge3A_1060 : i1 to i32
    %cond3A_1062 = arith.constant 0 : i32
    %cond3A_1063 = arith.cmpi ne, %convert_element_type3A_1061, %cond3A_1062 : i32
    scf.if %cond3A_1063 {
      %dma_start3A_1369 = arith.constant 1 : i32
      %dma_start3A_1370 = arith.constant 0 : i32
      %dma_start3A_1371 = tpu.memref_slice %arg10[%dma_start3A_1369, %dma_start3A_1370] : memref<4x8192xf32, #tpu.memory_space<vmem>> -> memref<1x8192xf32, #tpu.memory_space<vmem>>
      %dma_start3A_1372 = arith.constant 0 : i32
      %dma_start3A_1373 = tpu.memref_slice %arg3[%reduce_max3A_1044, %dma_start3A_1372] : memref<1024x8192xf32, #tpu.memory_space<hbm>> -> memref<1x8192xf32, #tpu.memory_space<hbm>>
      %dma_start3A_1374 = arith.constant 1 : i32
      %dma_start3A_1375 = arith.constant 0 : i32
      %dma_start3A_1376 = tpu.memref_slice %arg10[%dma_start3A_1374, %dma_start3A_1375] : memref<4x8192xf32, #tpu.memory_space<vmem>> -> memref<1x8192xf32, #tpu.memory_space<vmem>>
      %dma_start3A_1377 = arith.constant 0 : i32
      %dma_start3A_1378 = tpu.memref_slice %arg3[%reduce_max3A_1044, %dma_start3A_1377] : memref<1024x8192xf32, #tpu.memory_space<hbm>> -> memref<1x8192xf32, #tpu.memory_space<hbm>>
      tpu.enqueue_dma source(%dma_start3A_1378 : memref<1x8192xf32, #tpu.memory_space<hbm>>) target(%dma_start3A_1376 : memref<1x8192xf32, #tpu.memory_space<vmem>>) target_semaphore(%arg13 : memref<!tpu.dma_semaphore, #tpu.memory_space<semaphore_mem>>)
    } else {
    }
    %lt3A_1064 = arith.constant 0 : i32
    %lt3A_1065 = arith.cmpi slt, %reduce_max3A_1044, %lt3A_1064 : i32
    %convert_element_type3A_1066 = arith.extui %lt3A_1065 : i1 to i32
    %cond3A_1067 = arith.constant 0 : i32
    %cond3A_1068 = arith.cmpi ne, %convert_element_type3A_1066, %cond3A_1067 : i32
    scf.if %cond3A_1068 {
      %dma_start3A_1369 = arith.constant 1 : i32
      %dma_start3A_1370 = arith.constant 0 : i32
      %dma_start3A_1371 = tpu.memref_slice %arg10[%dma_start3A_1369, %dma_start3A_1370] : memref<4x8192xf32, #tpu.memory_space<vmem>> -> memref<1x8192xf32, #tpu.memory_space<vmem>>
      %dma_start3A_1372 = arith.constant 0 : i32
      %dma_start3A_1373 = tpu.memref_slice %arg2[%reduce_max3A_1058, %dma_start3A_1372] : memref<8192x8192xf32, #tpu.memory_space<hbm>> -> memref<1x8192xf32, #tpu.memory_space<hbm>>
      %dma_start3A_1374 = arith.constant 1 : i32
      %dma_start3A_1375 = arith.constant 0 : i32
      %dma_start3A_1376 = tpu.memref_slice %arg10[%dma_start3A_1374, %dma_start3A_1375] : memref<4x8192xf32, #tpu.memory_space<vmem>> -> memref<1x8192xf32, #tpu.memory_space<vmem>>
      %dma_start3A_1377 = arith.constant 0 : i32
      %dma_start3A_1378 = tpu.memref_slice %arg2[%reduce_max3A_1058, %dma_start3A_1377] : memref<8192x8192xf32, #tpu.memory_space<hbm>> -> memref<1x8192xf32, #tpu.memory_space<hbm>>
      tpu.enqueue_dma source(%dma_start3A_1378 : memref<1x8192xf32, #tpu.memory_space<hbm>>) target(%dma_start3A_1376 : memref<1x8192xf32, #tpu.memory_space<vmem>>) target_semaphore(%arg13 : memref<!tpu.dma_semaphore, #tpu.memory_space<semaphore_mem>>)
    } else {
    }
    %eq3A_1069 = arith.constant 10 : i32
    %eq3A_1070 = vector.broadcast %eq3A_1069 : i32 to vector<16xi32>
    %eq3A_1071 = arith.cmpi eq, %iota3A, %eq3A_1070 : vector<16xi32>
    %jit3A_1072 = arith.constant -2147483648 : i32
    %broadcast_in_dim3A_1073 = vector.broadcast %jit3A_1072 : i32 to vector<16xi32>
    %select_n3A_1074 = arith.select %eq3A_1071, %gather3A_18, %broadcast_in_dim3A_1073 : vector<16xi1>, vector<16xi32>
    %reduce_max3A_1075 = arith.constant true
    %reduce_max3A_1076 = vector.broadcast %reduce_max3A_1075 : i1 to vector<16xi1>
    %reduce_max3A_1077 = arith.constant -2147483648 : i32
    %reduce_max3A_1078 = vector.broadcast %reduce_max3A_1077 : i32 to vector<16xi32>
    %reduce_max3A_1079 = arith.xori %select_n3A_1074, %reduce_max3A_1078 : vector<16xi32>
    %reduce_max3A_1080 = tpu.scan <max>, %reduce_max3A_1079 masked %reduce_max3A_1076 : vector<16xi32>, vector<16xi1> -> vector<16xi32>
    %reduce_max3A_1081 = arith.xori %reduce_max3A_1080, %reduce_max3A_1078 : vector<16xi32>
    %reduce_max3A_1082 = vector.extract %reduce_max3A_1081[15] : i32 from vector<16xi32>
    %eq3A_1083 = arith.constant 10 : i32
    %eq3A_1084 = vector.broadcast %eq3A_1083 : i32 to vector<16xi32>
    %eq3A_1085 = arith.cmpi eq, %iota3A, %eq3A_1084 : vector<16xi32>
    %jit3A_1086 = arith.constant -2147483648 : i32
    %broadcast_in_dim3A_1087 = vector.broadcast %jit3A_1086 : i32 to vector<16xi32>
    %select_n3A_1088 = arith.select %eq3A_1085, %get3A_17, %broadcast_in_dim3A_1087 : vector<16xi1>, vector<16xi32>
    %reduce_max3A_1089 = arith.constant true
    %reduce_max3A_1090 = vector.broadcast %reduce_max3A_1089 : i1 to vector<16xi1>
    %reduce_max3A_1091 = arith.constant -2147483648 : i32
    %reduce_max3A_1092 = vector.broadcast %reduce_max3A_1091 : i32 to vector<16xi32>
    %reduce_max3A_1093 = arith.xori %select_n3A_1088, %reduce_max3A_1092 : vector<16xi32>
    %reduce_max3A_1094 = tpu.scan <max>, %reduce_max3A_1093 masked %reduce_max3A_1090 : vector<16xi32>, vector<16xi1> -> vector<16xi32>
    %reduce_max3A_1095 = arith.xori %reduce_max3A_1094, %reduce_max3A_1092 : vector<16xi32>
    %reduce_max3A_1096 = vector.extract %reduce_max3A_1095[15] : i32 from vector<16xi32>
    %ge3A_1097 = arith.constant 0 : i32
    %ge3A_1098 = arith.cmpi sge, %reduce_max3A_1082, %ge3A_1097 : i32
    %convert_element_type3A_1099 = arith.extui %ge3A_1098 : i1 to i32
    %cond3A_1100 = arith.constant 0 : i32
    %cond3A_1101 = arith.cmpi ne, %convert_element_type3A_1099, %cond3A_1100 : i32
    scf.if %cond3A_1101 {
      %dma_start3A_1369 = arith.constant 2 : i32
      %dma_start3A_1370 = arith.constant 0 : i32
      %dma_start3A_1371 = tpu.memref_slice %arg10[%dma_start3A_1369, %dma_start3A_1370] : memref<4x8192xf32, #tpu.memory_space<vmem>> -> memref<1x8192xf32, #tpu.memory_space<vmem>>
      %dma_start3A_1372 = arith.constant 0 : i32
      %dma_start3A_1373 = tpu.memref_slice %arg3[%reduce_max3A_1082, %dma_start3A_1372] : memref<1024x8192xf32, #tpu.memory_space<hbm>> -> memref<1x8192xf32, #tpu.memory_space<hbm>>
      %dma_start3A_1374 = arith.constant 2 : i32
      %dma_start3A_1375 = arith.constant 0 : i32
      %dma_start3A_1376 = tpu.memref_slice %arg10[%dma_start3A_1374, %dma_start3A_1375] : memref<4x8192xf32, #tpu.memory_space<vmem>> -> memref<1x8192xf32, #tpu.memory_space<vmem>>
      %dma_start3A_1377 = arith.constant 0 : i32
      %dma_start3A_1378 = tpu.memref_slice %arg3[%reduce_max3A_1082, %dma_start3A_1377] : memref<1024x8192xf32, #tpu.memory_space<hbm>> -> memref<1x8192xf32, #tpu.memory_space<hbm>>
      tpu.enqueue_dma source(%dma_start3A_1378 : memref<1x8192xf32, #tpu.memory_space<hbm>>) target(%dma_start3A_1376 : memref<1x8192xf32, #tpu.memory_space<vmem>>) target_semaphore(%arg13 : memref<!tpu.dma_semaphore, #tpu.memory_space<semaphore_mem>>)
    } else {
    }
    %lt3A_1102 = arith.constant 0 : i32
    %lt3A_1103 = arith.cmpi slt, %reduce_max3A_1082, %lt3A_1102 : i32
    %convert_element_type3A_1104 = arith.extui %lt3A_1103 : i1 to i32
    %cond3A_1105 = arith.constant 0 : i32
    %cond3A_1106 = arith.cmpi ne, %convert_element_type3A_1104, %cond3A_1105 : i32
    scf.if %cond3A_1106 {
      %dma_start3A_1369 = arith.constant 2 : i32
      %dma_start3A_1370 = arith.constant 0 : i32
      %dma_start3A_1371 = tpu.memref_slice %arg10[%dma_start3A_1369, %dma_start3A_1370] : memref<4x8192xf32, #tpu.memory_space<vmem>> -> memref<1x8192xf32, #tpu.memory_space<vmem>>
      %dma_start3A_1372 = arith.constant 0 : i32
      %dma_start3A_1373 = tpu.memref_slice %arg2[%reduce_max3A_1096, %dma_start3A_1372] : memref<8192x8192xf32, #tpu.memory_space<hbm>> -> memref<1x8192xf32, #tpu.memory_space<hbm>>
      %dma_start3A_1374 = arith.constant 2 : i32
      %dma_start3A_1375 = arith.constant 0 : i32
      %dma_start3A_1376 = tpu.memref_slice %arg10[%dma_start3A_1374, %dma_start3A_1375] : memref<4x8192xf32, #tpu.memory_space<vmem>> -> memref<1x8192xf32, #tpu.memory_space<vmem>>
      %dma_start3A_1377 = arith.constant 0 : i32
      %dma_start3A_1378 = tpu.memref_slice %arg2[%reduce_max3A_1096, %dma_start3A_1377] : memref<8192x8192xf32, #tpu.memory_space<hbm>> -> memref<1x8192xf32, #tpu.memory_space<hbm>>
      tpu.enqueue_dma source(%dma_start3A_1378 : memref<1x8192xf32, #tpu.memory_space<hbm>>) target(%dma_start3A_1376 : memref<1x8192xf32, #tpu.memory_space<vmem>>) target_semaphore(%arg13 : memref<!tpu.dma_semaphore, #tpu.memory_space<semaphore_mem>>)
    } else {
    }
    %eq3A_1107 = arith.constant 11 : i32
    %eq3A_1108 = vector.broadcast %eq3A_1107 : i32 to vector<16xi32>
    %eq3A_1109 = arith.cmpi eq, %iota3A, %eq3A_1108 : vector<16xi32>
    %jit3A_1110 = arith.constant -2147483648 : i32
    %broadcast_in_dim3A_1111 = vector.broadcast %jit3A_1110 : i32 to vector<16xi32>
    %select_n3A_1112 = arith.select %eq3A_1109, %gather3A_18, %broadcast_in_dim3A_1111 : vector<16xi1>, vector<16xi32>
    %reduce_max3A_1113 = arith.constant true
    %reduce_max3A_1114 = vector.broadcast %reduce_max3A_1113 : i1 to vector<16xi1>
    %reduce_max3A_1115 = arith.constant -2147483648 : i32
    %reduce_max3A_1116 = vector.broadcast %reduce_max3A_1115 : i32 to vector<16xi32>
    %reduce_max3A_1117 = arith.xori %select_n3A_1112, %reduce_max3A_1116 : vector<16xi32>
    %reduce_max3A_1118 = tpu.scan <max>, %reduce_max3A_1117 masked %reduce_max3A_1114 : vector<16xi32>, vector<16xi1> -> vector<16xi32>
    %reduce_max3A_1119 = arith.xori %reduce_max3A_1118, %reduce_max3A_1116 : vector<16xi32>
    %reduce_max3A_1120 = vector.extract %reduce_max3A_1119[15] : i32 from vector<16xi32>
    %eq3A_1121 = arith.constant 11 : i32
    %eq3A_1122 = vector.broadcast %eq3A_1121 : i32 to vector<16xi32>
    %eq3A_1123 = arith.cmpi eq, %iota3A, %eq3A_1122 : vector<16xi32>
    %jit3A_1124 = arith.constant -2147483648 : i32
    %broadcast_in_dim3A_1125 = vector.broadcast %jit3A_1124 : i32 to vector<16xi32>
    %select_n3A_1126 = arith.select %eq3A_1123, %get3A_17, %broadcast_in_dim3A_1125 : vector<16xi1>, vector<16xi32>
    %reduce_max3A_1127 = arith.constant true
    %reduce_max3A_1128 = vector.broadcast %reduce_max3A_1127 : i1 to vector<16xi1>
    %reduce_max3A_1129 = arith.constant -2147483648 : i32
    %reduce_max3A_1130 = vector.broadcast %reduce_max3A_1129 : i32 to vector<16xi32>
    %reduce_max3A_1131 = arith.xori %select_n3A_1126, %reduce_max3A_1130 : vector<16xi32>
    %reduce_max3A_1132 = tpu.scan <max>, %reduce_max3A_1131 masked %reduce_max3A_1128 : vector<16xi32>, vector<16xi1> -> vector<16xi32>
    %reduce_max3A_1133 = arith.xori %reduce_max3A_1132, %reduce_max3A_1130 : vector<16xi32>
    %reduce_max3A_1134 = vector.extract %reduce_max3A_1133[15] : i32 from vector<16xi32>
    %ge3A_1135 = arith.constant 0 : i32
    %ge3A_1136 = arith.cmpi sge, %reduce_max3A_1120, %ge3A_1135 : i32
    %convert_element_type3A_1137 = arith.extui %ge3A_1136 : i1 to i32
    %cond3A_1138 = arith.constant 0 : i32
    %cond3A_1139 = arith.cmpi ne, %convert_element_type3A_1137, %cond3A_1138 : i32
    scf.if %cond3A_1139 {
      %dma_start3A_1369 = arith.constant 3 : i32
      %dma_start3A_1370 = arith.constant 0 : i32
      %dma_start3A_1371 = tpu.memref_slice %arg10[%dma_start3A_1369, %dma_start3A_1370] : memref<4x8192xf32, #tpu.memory_space<vmem>> -> memref<1x8192xf32, #tpu.memory_space<vmem>>
      %dma_start3A_1372 = arith.constant 0 : i32
      %dma_start3A_1373 = tpu.memref_slice %arg3[%reduce_max3A_1120, %dma_start3A_1372] : memref<1024x8192xf32, #tpu.memory_space<hbm>> -> memref<1x8192xf32, #tpu.memory_space<hbm>>
      %dma_start3A_1374 = arith.constant 3 : i32
      %dma_start3A_1375 = arith.constant 0 : i32
      %dma_start3A_1376 = tpu.memref_slice %arg10[%dma_start3A_1374, %dma_start3A_1375] : memref<4x8192xf32, #tpu.memory_space<vmem>> -> memref<1x8192xf32, #tpu.memory_space<vmem>>
      %dma_start3A_1377 = arith.constant 0 : i32
      %dma_start3A_1378 = tpu.memref_slice %arg3[%reduce_max3A_1120, %dma_start3A_1377] : memref<1024x8192xf32, #tpu.memory_space<hbm>> -> memref<1x8192xf32, #tpu.memory_space<hbm>>
      tpu.enqueue_dma source(%dma_start3A_1378 : memref<1x8192xf32, #tpu.memory_space<hbm>>) target(%dma_start3A_1376 : memref<1x8192xf32, #tpu.memory_space<vmem>>) target_semaphore(%arg13 : memref<!tpu.dma_semaphore, #tpu.memory_space<semaphore_mem>>)
    } else {
    }
    %lt3A_1140 = arith.constant 0 : i32
    %lt3A_1141 = arith.cmpi slt, %reduce_max3A_1120, %lt3A_1140 : i32
    %convert_element_type3A_1142 = arith.extui %lt3A_1141 : i1 to i32
    %cond3A_1143 = arith.constant 0 : i32
    %cond3A_1144 = arith.cmpi ne, %convert_element_type3A_1142, %cond3A_1143 : i32
    scf.if %cond3A_1144 {
      %dma_start3A_1369 = arith.constant 3 : i32
      %dma_start3A_1370 = arith.constant 0 : i32
      %dma_start3A_1371 = tpu.memref_slice %arg10[%dma_start3A_1369, %dma_start3A_1370] : memref<4x8192xf32, #tpu.memory_space<vmem>> -> memref<1x8192xf32, #tpu.memory_space<vmem>>
      %dma_start3A_1372 = arith.constant 0 : i32
      %dma_start3A_1373 = tpu.memref_slice %arg2[%reduce_max3A_1134, %dma_start3A_1372] : memref<8192x8192xf32, #tpu.memory_space<hbm>> -> memref<1x8192xf32, #tpu.memory_space<hbm>>
      %dma_start3A_1374 = arith.constant 3 : i32
      %dma_start3A_1375 = arith.constant 0 : i32
      %dma_start3A_1376 = tpu.memref_slice %arg10[%dma_start3A_1374, %dma_start3A_1375] : memref<4x8192xf32, #tpu.memory_space<vmem>> -> memref<1x8192xf32, #tpu.memory_space<vmem>>
      %dma_start3A_1377 = arith.constant 0 : i32
      %dma_start3A_1378 = tpu.memref_slice %arg2[%reduce_max3A_1134, %dma_start3A_1377] : memref<8192x8192xf32, #tpu.memory_space<hbm>> -> memref<1x8192xf32, #tpu.memory_space<hbm>>
      tpu.enqueue_dma source(%dma_start3A_1378 : memref<1x8192xf32, #tpu.memory_space<hbm>>) target(%dma_start3A_1376 : memref<1x8192xf32, #tpu.memory_space<vmem>>) target_semaphore(%arg13 : memref<!tpu.dma_semaphore, #tpu.memory_space<semaphore_mem>>)
    } else {
    }
    %dma_wait3A_1145 = arith.constant 0 : i32
    %dma_wait3A_1146 = arith.constant 0 : i32
    %dma_wait3A_1147 = tpu.memref_slice %arg2[%dma_wait3A_1145, %dma_wait3A_1146] : memref<8192x8192xf32, #tpu.memory_space<hbm>> -> memref<4x8192xf32, #tpu.memory_space<hbm>>
    %dma_wait3A_1148 = arith.constant 0 : i32
    %dma_wait3A_1149 = arith.constant 0 : i32
    %dma_wait3A_1150 = tpu.memref_slice %arg2[%dma_wait3A_1148, %dma_wait3A_1149] : memref<8192x8192xf32, #tpu.memory_space<hbm>> -> memref<4x8192xf32, #tpu.memory_space<hbm>>
    tpu.wait_dma2 semaphore(%arg14 : memref<!tpu.dma_semaphore, #tpu.memory_space<semaphore_mem>>) src(%dma_wait3A_1150 : memref<4x8192xf32, #tpu.memory_space<hbm>>) dst(%arg11 : memref<4x8192xf32, #tpu.memory_space<vmem>>)
    %add3A_1151 = arith.constant 16 : i32
    %add3A_1152 = arith.addi %mul3A_2, %add3A_1151 : i32
    %dma_start3A_1153 = arith.constant 0 : i32
    %dma_start3A_1154 = tpu.memref_slice %arg6[%add3A_1152, %dma_start3A_1153] : memref<1024x8192xf32, #tpu.memory_space<hbm>> -> memref<4x8192xf32, #tpu.memory_space<hbm>>
    %dma_start3A_1155 = arith.constant 0 : i32
    %dma_start3A_1156 = tpu.memref_slice %arg6[%add3A_1152, %dma_start3A_1155] : memref<1024x8192xf32, #tpu.memory_space<hbm>> -> memref<4x8192xf32, #tpu.memory_space<hbm>>
    tpu.enqueue_dma source(%arg11 : memref<4x8192xf32, #tpu.memory_space<vmem>>) target(%dma_start3A_1156 : memref<4x8192xf32, #tpu.memory_space<hbm>>) target_semaphore(%arg17 : memref<!tpu.dma_semaphore, #tpu.memory_space<semaphore_mem>>)
    %dma_wait3A_1157 = arith.constant 0 : i32
    %dma_wait3A_1158 = arith.constant 0 : i32
    %dma_wait3A_1159 = tpu.memref_slice %arg6[%dma_wait3A_1157, %dma_wait3A_1158] : memref<1024x8192xf32, #tpu.memory_space<hbm>> -> memref<4x8192xf32, #tpu.memory_space<hbm>>
    %dma_wait3A_1160 = arith.constant 0 : i32
    %dma_wait3A_1161 = arith.constant 0 : i32
    %dma_wait3A_1162 = tpu.memref_slice %arg6[%dma_wait3A_1160, %dma_wait3A_1161] : memref<1024x8192xf32, #tpu.memory_space<hbm>> -> memref<4x8192xf32, #tpu.memory_space<hbm>>
    tpu.wait_dma2 semaphore(%arg17 : memref<!tpu.dma_semaphore, #tpu.memory_space<semaphore_mem>>) src(%dma_wait3A_1162 : memref<4x8192xf32, #tpu.memory_space<hbm>>) dst(%arg11 : memref<4x8192xf32, #tpu.memory_space<vmem>>)
    %eq3A_1163 = arith.constant 12 : i32
    %eq3A_1164 = vector.broadcast %eq3A_1163 : i32 to vector<16xi32>
    %eq3A_1165 = arith.cmpi eq, %iota3A, %eq3A_1164 : vector<16xi32>
    %jit3A_1166 = arith.constant -2147483648 : i32
    %broadcast_in_dim3A_1167 = vector.broadcast %jit3A_1166 : i32 to vector<16xi32>
    %select_n3A_1168 = arith.select %eq3A_1165, %gather3A_18, %broadcast_in_dim3A_1167 : vector<16xi1>, vector<16xi32>
    %reduce_max3A_1169 = arith.constant true
    %reduce_max3A_1170 = vector.broadcast %reduce_max3A_1169 : i1 to vector<16xi1>
    %reduce_max3A_1171 = arith.constant -2147483648 : i32
    %reduce_max3A_1172 = vector.broadcast %reduce_max3A_1171 : i32 to vector<16xi32>
    %reduce_max3A_1173 = arith.xori %select_n3A_1168, %reduce_max3A_1172 : vector<16xi32>
    %reduce_max3A_1174 = tpu.scan <max>, %reduce_max3A_1173 masked %reduce_max3A_1170 : vector<16xi32>, vector<16xi1> -> vector<16xi32>
    %reduce_max3A_1175 = arith.xori %reduce_max3A_1174, %reduce_max3A_1172 : vector<16xi32>
    %reduce_max3A_1176 = vector.extract %reduce_max3A_1175[15] : i32 from vector<16xi32>
    %eq3A_1177 = arith.constant 12 : i32
    %eq3A_1178 = vector.broadcast %eq3A_1177 : i32 to vector<16xi32>
    %eq3A_1179 = arith.cmpi eq, %iota3A, %eq3A_1178 : vector<16xi32>
    %jit3A_1180 = arith.constant -2147483648 : i32
    %broadcast_in_dim3A_1181 = vector.broadcast %jit3A_1180 : i32 to vector<16xi32>
    %select_n3A_1182 = arith.select %eq3A_1179, %get3A_17, %broadcast_in_dim3A_1181 : vector<16xi1>, vector<16xi32>
    %reduce_max3A_1183 = arith.constant true
    %reduce_max3A_1184 = vector.broadcast %reduce_max3A_1183 : i1 to vector<16xi1>
    %reduce_max3A_1185 = arith.constant -2147483648 : i32
    %reduce_max3A_1186 = vector.broadcast %reduce_max3A_1185 : i32 to vector<16xi32>
    %reduce_max3A_1187 = arith.xori %select_n3A_1182, %reduce_max3A_1186 : vector<16xi32>
    %reduce_max3A_1188 = tpu.scan <max>, %reduce_max3A_1187 masked %reduce_max3A_1184 : vector<16xi32>, vector<16xi1> -> vector<16xi32>
    %reduce_max3A_1189 = arith.xori %reduce_max3A_1188, %reduce_max3A_1186 : vector<16xi32>
    %reduce_max3A_1190 = vector.extract %reduce_max3A_1189[15] : i32 from vector<16xi32>
    %ge3A_1191 = arith.constant 0 : i32
    %ge3A_1192 = arith.cmpi sge, %reduce_max3A_1176, %ge3A_1191 : i32
    %convert_element_type3A_1193 = arith.extui %ge3A_1192 : i1 to i32
    %cond3A_1194 = arith.constant 0 : i32
    %cond3A_1195 = arith.cmpi ne, %convert_element_type3A_1193, %cond3A_1194 : i32
    scf.if %cond3A_1195 {
      %dma_start3A_1369 = arith.constant 0 : i32
      %dma_start3A_1370 = arith.constant 0 : i32
      %dma_start3A_1371 = tpu.memref_slice %arg11[%dma_start3A_1369, %dma_start3A_1370] : memref<4x8192xf32, #tpu.memory_space<vmem>> -> memref<1x8192xf32, #tpu.memory_space<vmem>>
      %dma_start3A_1372 = arith.constant 0 : i32
      %dma_start3A_1373 = tpu.memref_slice %arg3[%reduce_max3A_1176, %dma_start3A_1372] : memref<1024x8192xf32, #tpu.memory_space<hbm>> -> memref<1x8192xf32, #tpu.memory_space<hbm>>
      %dma_start3A_1374 = arith.constant 0 : i32
      %dma_start3A_1375 = arith.constant 0 : i32
      %dma_start3A_1376 = tpu.memref_slice %arg11[%dma_start3A_1374, %dma_start3A_1375] : memref<4x8192xf32, #tpu.memory_space<vmem>> -> memref<1x8192xf32, #tpu.memory_space<vmem>>
      %dma_start3A_1377 = arith.constant 0 : i32
      %dma_start3A_1378 = tpu.memref_slice %arg3[%reduce_max3A_1176, %dma_start3A_1377] : memref<1024x8192xf32, #tpu.memory_space<hbm>> -> memref<1x8192xf32, #tpu.memory_space<hbm>>
      tpu.enqueue_dma source(%dma_start3A_1378 : memref<1x8192xf32, #tpu.memory_space<hbm>>) target(%dma_start3A_1376 : memref<1x8192xf32, #tpu.memory_space<vmem>>) target_semaphore(%arg14 : memref<!tpu.dma_semaphore, #tpu.memory_space<semaphore_mem>>)
    } else {
    }
    %lt3A_1196 = arith.constant 0 : i32
    %lt3A_1197 = arith.cmpi slt, %reduce_max3A_1176, %lt3A_1196 : i32
    %convert_element_type3A_1198 = arith.extui %lt3A_1197 : i1 to i32
    %cond3A_1199 = arith.constant 0 : i32
    %cond3A_1200 = arith.cmpi ne, %convert_element_type3A_1198, %cond3A_1199 : i32
    scf.if %cond3A_1200 {
      %dma_start3A_1369 = arith.constant 0 : i32
      %dma_start3A_1370 = arith.constant 0 : i32
      %dma_start3A_1371 = tpu.memref_slice %arg11[%dma_start3A_1369, %dma_start3A_1370] : memref<4x8192xf32, #tpu.memory_space<vmem>> -> memref<1x8192xf32, #tpu.memory_space<vmem>>
      %dma_start3A_1372 = arith.constant 0 : i32
      %dma_start3A_1373 = tpu.memref_slice %arg2[%reduce_max3A_1190, %dma_start3A_1372] : memref<8192x8192xf32, #tpu.memory_space<hbm>> -> memref<1x8192xf32, #tpu.memory_space<hbm>>
      %dma_start3A_1374 = arith.constant 0 : i32
      %dma_start3A_1375 = arith.constant 0 : i32
      %dma_start3A_1376 = tpu.memref_slice %arg11[%dma_start3A_1374, %dma_start3A_1375] : memref<4x8192xf32, #tpu.memory_space<vmem>> -> memref<1x8192xf32, #tpu.memory_space<vmem>>
      %dma_start3A_1377 = arith.constant 0 : i32
      %dma_start3A_1378 = tpu.memref_slice %arg2[%reduce_max3A_1190, %dma_start3A_1377] : memref<8192x8192xf32, #tpu.memory_space<hbm>> -> memref<1x8192xf32, #tpu.memory_space<hbm>>
      tpu.enqueue_dma source(%dma_start3A_1378 : memref<1x8192xf32, #tpu.memory_space<hbm>>) target(%dma_start3A_1376 : memref<1x8192xf32, #tpu.memory_space<vmem>>) target_semaphore(%arg14 : memref<!tpu.dma_semaphore, #tpu.memory_space<semaphore_mem>>)
    } else {
    }
    %eq3A_1201 = arith.constant 13 : i32
    %eq3A_1202 = vector.broadcast %eq3A_1201 : i32 to vector<16xi32>
    %eq3A_1203 = arith.cmpi eq, %iota3A, %eq3A_1202 : vector<16xi32>
    %jit3A_1204 = arith.constant -2147483648 : i32
    %broadcast_in_dim3A_1205 = vector.broadcast %jit3A_1204 : i32 to vector<16xi32>
    %select_n3A_1206 = arith.select %eq3A_1203, %gather3A_18, %broadcast_in_dim3A_1205 : vector<16xi1>, vector<16xi32>
    %reduce_max3A_1207 = arith.constant true
    %reduce_max3A_1208 = vector.broadcast %reduce_max3A_1207 : i1 to vector<16xi1>
    %reduce_max3A_1209 = arith.constant -2147483648 : i32
    %reduce_max3A_1210 = vector.broadcast %reduce_max3A_1209 : i32 to vector<16xi32>
    %reduce_max3A_1211 = arith.xori %select_n3A_1206, %reduce_max3A_1210 : vector<16xi32>
    %reduce_max3A_1212 = tpu.scan <max>, %reduce_max3A_1211 masked %reduce_max3A_1208 : vector<16xi32>, vector<16xi1> -> vector<16xi32>
    %reduce_max3A_1213 = arith.xori %reduce_max3A_1212, %reduce_max3A_1210 : vector<16xi32>
    %reduce_max3A_1214 = vector.extract %reduce_max3A_1213[15] : i32 from vector<16xi32>
    %eq3A_1215 = arith.constant 13 : i32
    %eq3A_1216 = vector.broadcast %eq3A_1215 : i32 to vector<16xi32>
    %eq3A_1217 = arith.cmpi eq, %iota3A, %eq3A_1216 : vector<16xi32>
    %jit3A_1218 = arith.constant -2147483648 : i32
    %broadcast_in_dim3A_1219 = vector.broadcast %jit3A_1218 : i32 to vector<16xi32>
    %select_n3A_1220 = arith.select %eq3A_1217, %get3A_17, %broadcast_in_dim3A_1219 : vector<16xi1>, vector<16xi32>
    %reduce_max3A_1221 = arith.constant true
    %reduce_max3A_1222 = vector.broadcast %reduce_max3A_1221 : i1 to vector<16xi1>
    %reduce_max3A_1223 = arith.constant -2147483648 : i32
    %reduce_max3A_1224 = vector.broadcast %reduce_max3A_1223 : i32 to vector<16xi32>
    %reduce_max3A_1225 = arith.xori %select_n3A_1220, %reduce_max3A_1224 : vector<16xi32>
    %reduce_max3A_1226 = tpu.scan <max>, %reduce_max3A_1225 masked %reduce_max3A_1222 : vector<16xi32>, vector<16xi1> -> vector<16xi32>
    %reduce_max3A_1227 = arith.xori %reduce_max3A_1226, %reduce_max3A_1224 : vector<16xi32>
    %reduce_max3A_1228 = vector.extract %reduce_max3A_1227[15] : i32 from vector<16xi32>
    %ge3A_1229 = arith.constant 0 : i32
    %ge3A_1230 = arith.cmpi sge, %reduce_max3A_1214, %ge3A_1229 : i32
    %convert_element_type3A_1231 = arith.extui %ge3A_1230 : i1 to i32
    %cond3A_1232 = arith.constant 0 : i32
    %cond3A_1233 = arith.cmpi ne, %convert_element_type3A_1231, %cond3A_1232 : i32
    scf.if %cond3A_1233 {
      %dma_start3A_1369 = arith.constant 1 : i32
      %dma_start3A_1370 = arith.constant 0 : i32
      %dma_start3A_1371 = tpu.memref_slice %arg11[%dma_start3A_1369, %dma_start3A_1370] : memref<4x8192xf32, #tpu.memory_space<vmem>> -> memref<1x8192xf32, #tpu.memory_space<vmem>>
      %dma_start3A_1372 = arith.constant 0 : i32
      %dma_start3A_1373 = tpu.memref_slice %arg3[%reduce_max3A_1214, %dma_start3A_1372] : memref<1024x8192xf32, #tpu.memory_space<hbm>> -> memref<1x8192xf32, #tpu.memory_space<hbm>>
      %dma_start3A_1374 = arith.constant 1 : i32
      %dma_start3A_1375 = arith.constant 0 : i32
      %dma_start3A_1376 = tpu.memref_slice %arg11[%dma_start3A_1374, %dma_start3A_1375] : memref<4x8192xf32, #tpu.memory_space<vmem>> -> memref<1x8192xf32, #tpu.memory_space<vmem>>
      %dma_start3A_1377 = arith.constant 0 : i32
      %dma_start3A_1378 = tpu.memref_slice %arg3[%reduce_max3A_1214, %dma_start3A_1377] : memref<1024x8192xf32, #tpu.memory_space<hbm>> -> memref<1x8192xf32, #tpu.memory_space<hbm>>
      tpu.enqueue_dma source(%dma_start3A_1378 : memref<1x8192xf32, #tpu.memory_space<hbm>>) target(%dma_start3A_1376 : memref<1x8192xf32, #tpu.memory_space<vmem>>) target_semaphore(%arg14 : memref<!tpu.dma_semaphore, #tpu.memory_space<semaphore_mem>>)
    } else {
    }
    %lt3A_1234 = arith.constant 0 : i32
    %lt3A_1235 = arith.cmpi slt, %reduce_max3A_1214, %lt3A_1234 : i32
    %convert_element_type3A_1236 = arith.extui %lt3A_1235 : i1 to i32
    %cond3A_1237 = arith.constant 0 : i32
    %cond3A_1238 = arith.cmpi ne, %convert_element_type3A_1236, %cond3A_1237 : i32
    scf.if %cond3A_1238 {
      %dma_start3A_1369 = arith.constant 1 : i32
      %dma_start3A_1370 = arith.constant 0 : i32
      %dma_start3A_1371 = tpu.memref_slice %arg11[%dma_start3A_1369, %dma_start3A_1370] : memref<4x8192xf32, #tpu.memory_space<vmem>> -> memref<1x8192xf32, #tpu.memory_space<vmem>>
      %dma_start3A_1372 = arith.constant 0 : i32
      %dma_start3A_1373 = tpu.memref_slice %arg2[%reduce_max3A_1228, %dma_start3A_1372] : memref<8192x8192xf32, #tpu.memory_space<hbm>> -> memref<1x8192xf32, #tpu.memory_space<hbm>>
      %dma_start3A_1374 = arith.constant 1 : i32
      %dma_start3A_1375 = arith.constant 0 : i32
      %dma_start3A_1376 = tpu.memref_slice %arg11[%dma_start3A_1374, %dma_start3A_1375] : memref<4x8192xf32, #tpu.memory_space<vmem>> -> memref<1x8192xf32, #tpu.memory_space<vmem>>
      %dma_start3A_1377 = arith.constant 0 : i32
      %dma_start3A_1378 = tpu.memref_slice %arg2[%reduce_max3A_1228, %dma_start3A_1377] : memref<8192x8192xf32, #tpu.memory_space<hbm>> -> memref<1x8192xf32, #tpu.memory_space<hbm>>
      tpu.enqueue_dma source(%dma_start3A_1378 : memref<1x8192xf32, #tpu.memory_space<hbm>>) target(%dma_start3A_1376 : memref<1x8192xf32, #tpu.memory_space<vmem>>) target_semaphore(%arg14 : memref<!tpu.dma_semaphore, #tpu.memory_space<semaphore_mem>>)
    } else {
    }
    %eq3A_1239 = arith.constant 14 : i32
    %eq3A_1240 = vector.broadcast %eq3A_1239 : i32 to vector<16xi32>
    %eq3A_1241 = arith.cmpi eq, %iota3A, %eq3A_1240 : vector<16xi32>
    %jit3A_1242 = arith.constant -2147483648 : i32
    %broadcast_in_dim3A_1243 = vector.broadcast %jit3A_1242 : i32 to vector<16xi32>
    %select_n3A_1244 = arith.select %eq3A_1241, %gather3A_18, %broadcast_in_dim3A_1243 : vector<16xi1>, vector<16xi32>
    %reduce_max3A_1245 = arith.constant true
    %reduce_max3A_1246 = vector.broadcast %reduce_max3A_1245 : i1 to vector<16xi1>
    %reduce_max3A_1247 = arith.constant -2147483648 : i32
    %reduce_max3A_1248 = vector.broadcast %reduce_max3A_1247 : i32 to vector<16xi32>
    %reduce_max3A_1249 = arith.xori %select_n3A_1244, %reduce_max3A_1248 : vector<16xi32>
    %reduce_max3A_1250 = tpu.scan <max>, %reduce_max3A_1249 masked %reduce_max3A_1246 : vector<16xi32>, vector<16xi1> -> vector<16xi32>
    %reduce_max3A_1251 = arith.xori %reduce_max3A_1250, %reduce_max3A_1248 : vector<16xi32>
    %reduce_max3A_1252 = vector.extract %reduce_max3A_1251[15] : i32 from vector<16xi32>
    %eq3A_1253 = arith.constant 14 : i32
    %eq3A_1254 = vector.broadcast %eq3A_1253 : i32 to vector<16xi32>
    %eq3A_1255 = arith.cmpi eq, %iota3A, %eq3A_1254 : vector<16xi32>
    %jit3A_1256 = arith.constant -2147483648 : i32
    %broadcast_in_dim3A_1257 = vector.broadcast %jit3A_1256 : i32 to vector<16xi32>
    %select_n3A_1258 = arith.select %eq3A_1255, %get3A_17, %broadcast_in_dim3A_1257 : vector<16xi1>, vector<16xi32>
    %reduce_max3A_1259 = arith.constant true
    %reduce_max3A_1260 = vector.broadcast %reduce_max3A_1259 : i1 to vector<16xi1>
    %reduce_max3A_1261 = arith.constant -2147483648 : i32
    %reduce_max3A_1262 = vector.broadcast %reduce_max3A_1261 : i32 to vector<16xi32>
    %reduce_max3A_1263 = arith.xori %select_n3A_1258, %reduce_max3A_1262 : vector<16xi32>
    %reduce_max3A_1264 = tpu.scan <max>, %reduce_max3A_1263 masked %reduce_max3A_1260 : vector<16xi32>, vector<16xi1> -> vector<16xi32>
    %reduce_max3A_1265 = arith.xori %reduce_max3A_1264, %reduce_max3A_1262 : vector<16xi32>
    %reduce_max3A_1266 = vector.extract %reduce_max3A_1265[15] : i32 from vector<16xi32>
    %ge3A_1267 = arith.constant 0 : i32
    %ge3A_1268 = arith.cmpi sge, %reduce_max3A_1252, %ge3A_1267 : i32
    %convert_element_type3A_1269 = arith.extui %ge3A_1268 : i1 to i32
    %cond3A_1270 = arith.constant 0 : i32
    %cond3A_1271 = arith.cmpi ne, %convert_element_type3A_1269, %cond3A_1270 : i32
    scf.if %cond3A_1271 {
      %dma_start3A_1369 = arith.constant 2 : i32
      %dma_start3A_1370 = arith.constant 0 : i32
      %dma_start3A_1371 = tpu.memref_slice %arg11[%dma_start3A_1369, %dma_start3A_1370] : memref<4x8192xf32, #tpu.memory_space<vmem>> -> memref<1x8192xf32, #tpu.memory_space<vmem>>
      %dma_start3A_1372 = arith.constant 0 : i32
      %dma_start3A_1373 = tpu.memref_slice %arg3[%reduce_max3A_1252, %dma_start3A_1372] : memref<1024x8192xf32, #tpu.memory_space<hbm>> -> memref<1x8192xf32, #tpu.memory_space<hbm>>
      %dma_start3A_1374 = arith.constant 2 : i32
      %dma_start3A_1375 = arith.constant 0 : i32
      %dma_start3A_1376 = tpu.memref_slice %arg11[%dma_start3A_1374, %dma_start3A_1375] : memref<4x8192xf32, #tpu.memory_space<vmem>> -> memref<1x8192xf32, #tpu.memory_space<vmem>>
      %dma_start3A_1377 = arith.constant 0 : i32
      %dma_start3A_1378 = tpu.memref_slice %arg3[%reduce_max3A_1252, %dma_start3A_1377] : memref<1024x8192xf32, #tpu.memory_space<hbm>> -> memref<1x8192xf32, #tpu.memory_space<hbm>>
      tpu.enqueue_dma source(%dma_start3A_1378 : memref<1x8192xf32, #tpu.memory_space<hbm>>) target(%dma_start3A_1376 : memref<1x8192xf32, #tpu.memory_space<vmem>>) target_semaphore(%arg14 : memref<!tpu.dma_semaphore, #tpu.memory_space<semaphore_mem>>)
    } else {
    }
    %lt3A_1272 = arith.constant 0 : i32
    %lt3A_1273 = arith.cmpi slt, %reduce_max3A_1252, %lt3A_1272 : i32
    %convert_element_type3A_1274 = arith.extui %lt3A_1273 : i1 to i32
    %cond3A_1275 = arith.constant 0 : i32
    %cond3A_1276 = arith.cmpi ne, %convert_element_type3A_1274, %cond3A_1275 : i32
    scf.if %cond3A_1276 {
      %dma_start3A_1369 = arith.constant 2 : i32
      %dma_start3A_1370 = arith.constant 0 : i32
      %dma_start3A_1371 = tpu.memref_slice %arg11[%dma_start3A_1369, %dma_start3A_1370] : memref<4x8192xf32, #tpu.memory_space<vmem>> -> memref<1x8192xf32, #tpu.memory_space<vmem>>
      %dma_start3A_1372 = arith.constant 0 : i32
      %dma_start3A_1373 = tpu.memref_slice %arg2[%reduce_max3A_1266, %dma_start3A_1372] : memref<8192x8192xf32, #tpu.memory_space<hbm>> -> memref<1x8192xf32, #tpu.memory_space<hbm>>
      %dma_start3A_1374 = arith.constant 2 : i32
      %dma_start3A_1375 = arith.constant 0 : i32
      %dma_start3A_1376 = tpu.memref_slice %arg11[%dma_start3A_1374, %dma_start3A_1375] : memref<4x8192xf32, #tpu.memory_space<vmem>> -> memref<1x8192xf32, #tpu.memory_space<vmem>>
      %dma_start3A_1377 = arith.constant 0 : i32
      %dma_start3A_1378 = tpu.memref_slice %arg2[%reduce_max3A_1266, %dma_start3A_1377] : memref<8192x8192xf32, #tpu.memory_space<hbm>> -> memref<1x8192xf32, #tpu.memory_space<hbm>>
      tpu.enqueue_dma source(%dma_start3A_1378 : memref<1x8192xf32, #tpu.memory_space<hbm>>) target(%dma_start3A_1376 : memref<1x8192xf32, #tpu.memory_space<vmem>>) target_semaphore(%arg14 : memref<!tpu.dma_semaphore, #tpu.memory_space<semaphore_mem>>)
    } else {
    }
    %eq3A_1277 = arith.constant 15 : i32
    %eq3A_1278 = vector.broadcast %eq3A_1277 : i32 to vector<16xi32>
    %eq3A_1279 = arith.cmpi eq, %iota3A, %eq3A_1278 : vector<16xi32>
    %jit3A_1280 = arith.constant -2147483648 : i32
    %broadcast_in_dim3A_1281 = vector.broadcast %jit3A_1280 : i32 to vector<16xi32>
    %select_n3A_1282 = arith.select %eq3A_1279, %gather3A_18, %broadcast_in_dim3A_1281 : vector<16xi1>, vector<16xi32>
    %reduce_max3A_1283 = arith.constant true
    %reduce_max3A_1284 = vector.broadcast %reduce_max3A_1283 : i1 to vector<16xi1>
    %reduce_max3A_1285 = arith.constant -2147483648 : i32
    %reduce_max3A_1286 = vector.broadcast %reduce_max3A_1285 : i32 to vector<16xi32>
    %reduce_max3A_1287 = arith.xori %select_n3A_1282, %reduce_max3A_1286 : vector<16xi32>
    %reduce_max3A_1288 = tpu.scan <max>, %reduce_max3A_1287 masked %reduce_max3A_1284 : vector<16xi32>, vector<16xi1> -> vector<16xi32>
    %reduce_max3A_1289 = arith.xori %reduce_max3A_1288, %reduce_max3A_1286 : vector<16xi32>
    %reduce_max3A_1290 = vector.extract %reduce_max3A_1289[15] : i32 from vector<16xi32>
    %eq3A_1291 = arith.constant 15 : i32
    %eq3A_1292 = vector.broadcast %eq3A_1291 : i32 to vector<16xi32>
    %eq3A_1293 = arith.cmpi eq, %iota3A, %eq3A_1292 : vector<16xi32>
    %jit3A_1294 = arith.constant -2147483648 : i32
    %broadcast_in_dim3A_1295 = vector.broadcast %jit3A_1294 : i32 to vector<16xi32>
    %select_n3A_1296 = arith.select %eq3A_1293, %get3A_17, %broadcast_in_dim3A_1295 : vector<16xi1>, vector<16xi32>
    %reduce_max3A_1297 = arith.constant true
    %reduce_max3A_1298 = vector.broadcast %reduce_max3A_1297 : i1 to vector<16xi1>
    %reduce_max3A_1299 = arith.constant -2147483648 : i32
    %reduce_max3A_1300 = vector.broadcast %reduce_max3A_1299 : i32 to vector<16xi32>
    %reduce_max3A_1301 = arith.xori %select_n3A_1296, %reduce_max3A_1300 : vector<16xi32>
    %reduce_max3A_1302 = tpu.scan <max>, %reduce_max3A_1301 masked %reduce_max3A_1298 : vector<16xi32>, vector<16xi1> -> vector<16xi32>
    %reduce_max3A_1303 = arith.xori %reduce_max3A_1302, %reduce_max3A_1300 : vector<16xi32>
    %reduce_max3A_1304 = vector.extract %reduce_max3A_1303[15] : i32 from vector<16xi32>
    %ge3A_1305 = arith.constant 0 : i32
    %ge3A_1306 = arith.cmpi sge, %reduce_max3A_1290, %ge3A_1305 : i32
    %convert_element_type3A_1307 = arith.extui %ge3A_1306 : i1 to i32
    %cond3A_1308 = arith.constant 0 : i32
    %cond3A_1309 = arith.cmpi ne, %convert_element_type3A_1307, %cond3A_1308 : i32
    scf.if %cond3A_1309 {
      %dma_start3A_1369 = arith.constant 3 : i32
      %dma_start3A_1370 = arith.constant 0 : i32
      %dma_start3A_1371 = tpu.memref_slice %arg11[%dma_start3A_1369, %dma_start3A_1370] : memref<4x8192xf32, #tpu.memory_space<vmem>> -> memref<1x8192xf32, #tpu.memory_space<vmem>>
      %dma_start3A_1372 = arith.constant 0 : i32
      %dma_start3A_1373 = tpu.memref_slice %arg3[%reduce_max3A_1290, %dma_start3A_1372] : memref<1024x8192xf32, #tpu.memory_space<hbm>> -> memref<1x8192xf32, #tpu.memory_space<hbm>>
      %dma_start3A_1374 = arith.constant 3 : i32
      %dma_start3A_1375 = arith.constant 0 : i32
      %dma_start3A_1376 = tpu.memref_slice %arg11[%dma_start3A_1374, %dma_start3A_1375] : memref<4x8192xf32, #tpu.memory_space<vmem>> -> memref<1x8192xf32, #tpu.memory_space<vmem>>
      %dma_start3A_1377 = arith.constant 0 : i32
      %dma_start3A_1378 = tpu.memref_slice %arg3[%reduce_max3A_1290, %dma_start3A_1377] : memref<1024x8192xf32, #tpu.memory_space<hbm>> -> memref<1x8192xf32, #tpu.memory_space<hbm>>
      tpu.enqueue_dma source(%dma_start3A_1378 : memref<1x8192xf32, #tpu.memory_space<hbm>>) target(%dma_start3A_1376 : memref<1x8192xf32, #tpu.memory_space<vmem>>) target_semaphore(%arg14 : memref<!tpu.dma_semaphore, #tpu.memory_space<semaphore_mem>>)
    } else {
    }
    %lt3A_1310 = arith.constant 0 : i32
    %lt3A_1311 = arith.cmpi slt, %reduce_max3A_1290, %lt3A_1310 : i32
    %convert_element_type3A_1312 = arith.extui %lt3A_1311 : i1 to i32
    %cond3A_1313 = arith.constant 0 : i32
    %cond3A_1314 = arith.cmpi ne, %convert_element_type3A_1312, %cond3A_1313 : i32
    scf.if %cond3A_1314 {
      %dma_start3A_1369 = arith.constant 3 : i32
      %dma_start3A_1370 = arith.constant 0 : i32
      %dma_start3A_1371 = tpu.memref_slice %arg11[%dma_start3A_1369, %dma_start3A_1370] : memref<4x8192xf32, #tpu.memory_space<vmem>> -> memref<1x8192xf32, #tpu.memory_space<vmem>>
      %dma_start3A_1372 = arith.constant 0 : i32
      %dma_start3A_1373 = tpu.memref_slice %arg2[%reduce_max3A_1304, %dma_start3A_1372] : memref<8192x8192xf32, #tpu.memory_space<hbm>> -> memref<1x8192xf32, #tpu.memory_space<hbm>>
      %dma_start3A_1374 = arith.constant 3 : i32
      %dma_start3A_1375 = arith.constant 0 : i32
      %dma_start3A_1376 = tpu.memref_slice %arg11[%dma_start3A_1374, %dma_start3A_1375] : memref<4x8192xf32, #tpu.memory_space<vmem>> -> memref<1x8192xf32, #tpu.memory_space<vmem>>
      %dma_start3A_1377 = arith.constant 0 : i32
      %dma_start3A_1378 = tpu.memref_slice %arg2[%reduce_max3A_1304, %dma_start3A_1377] : memref<8192x8192xf32, #tpu.memory_space<hbm>> -> memref<1x8192xf32, #tpu.memory_space<hbm>>
      tpu.enqueue_dma source(%dma_start3A_1378 : memref<1x8192xf32, #tpu.memory_space<hbm>>) target(%dma_start3A_1376 : memref<1x8192xf32, #tpu.memory_space<vmem>>) target_semaphore(%arg14 : memref<!tpu.dma_semaphore, #tpu.memory_space<semaphore_mem>>)
    } else {
    }
    %dma_wait3A_1315 = arith.constant 0 : i32
    %dma_wait3A_1316 = arith.constant 0 : i32
    %dma_wait3A_1317 = tpu.memref_slice %arg2[%dma_wait3A_1315, %dma_wait3A_1316] : memref<8192x8192xf32, #tpu.memory_space<hbm>> -> memref<4x8192xf32, #tpu.memory_space<hbm>>
    %dma_wait3A_1318 = arith.constant 0 : i32
    %dma_wait3A_1319 = arith.constant 0 : i32
    %dma_wait3A_1320 = tpu.memref_slice %arg2[%dma_wait3A_1318, %dma_wait3A_1319] : memref<8192x8192xf32, #tpu.memory_space<hbm>> -> memref<4x8192xf32, #tpu.memory_space<hbm>>
    tpu.wait_dma2 semaphore(%arg15 : memref<!tpu.dma_semaphore, #tpu.memory_space<semaphore_mem>>) src(%dma_wait3A_1320 : memref<4x8192xf32, #tpu.memory_space<hbm>>) dst(%arg12 : memref<4x8192xf32, #tpu.memory_space<vmem>>)
    %add3A_1321 = arith.constant 20 : i32
    %add3A_1322 = arith.addi %mul3A_2, %add3A_1321 : i32
    %dma_start3A_1323 = arith.constant 0 : i32
    %dma_start3A_1324 = tpu.memref_slice %arg6[%add3A_1322, %dma_start3A_1323] : memref<1024x8192xf32, #tpu.memory_space<hbm>> -> memref<4x8192xf32, #tpu.memory_space<hbm>>
    %dma_start3A_1325 = arith.constant 0 : i32
    %dma_start3A_1326 = tpu.memref_slice %arg6[%add3A_1322, %dma_start3A_1325] : memref<1024x8192xf32, #tpu.memory_space<hbm>> -> memref<4x8192xf32, #tpu.memory_space<hbm>>
    tpu.enqueue_dma source(%arg12 : memref<4x8192xf32, #tpu.memory_space<vmem>>) target(%dma_start3A_1326 : memref<4x8192xf32, #tpu.memory_space<hbm>>) target_semaphore(%arg18 : memref<!tpu.dma_semaphore, #tpu.memory_space<semaphore_mem>>)
    %dma_wait3A_1327 = arith.constant 0 : i32
    %dma_wait3A_1328 = arith.constant 0 : i32
    %dma_wait3A_1329 = tpu.memref_slice %arg2[%dma_wait3A_1327, %dma_wait3A_1328] : memref<8192x8192xf32, #tpu.memory_space<hbm>> -> memref<4x8192xf32, #tpu.memory_space<hbm>>
    %dma_wait3A_1330 = arith.constant 0 : i32
    %dma_wait3A_1331 = arith.constant 0 : i32
    %dma_wait3A_1332 = tpu.memref_slice %arg2[%dma_wait3A_1330, %dma_wait3A_1331] : memref<8192x8192xf32, #tpu.memory_space<hbm>> -> memref<4x8192xf32, #tpu.memory_space<hbm>>
    tpu.wait_dma2 semaphore(%arg13 : memref<!tpu.dma_semaphore, #tpu.memory_space<semaphore_mem>>) src(%dma_wait3A_1332 : memref<4x8192xf32, #tpu.memory_space<hbm>>) dst(%arg10 : memref<4x8192xf32, #tpu.memory_space<vmem>>)
    %add3A_1333 = arith.constant 24 : i32
    %add3A_1334 = arith.addi %mul3A_2, %add3A_1333 : i32
    %dma_start3A_1335 = arith.constant 0 : i32
    %dma_start3A_1336 = tpu.memref_slice %arg6[%add3A_1334, %dma_start3A_1335] : memref<1024x8192xf32, #tpu.memory_space<hbm>> -> memref<4x8192xf32, #tpu.memory_space<hbm>>
    %dma_start3A_1337 = arith.constant 0 : i32
    %dma_start3A_1338 = tpu.memref_slice %arg6[%add3A_1334, %dma_start3A_1337] : memref<1024x8192xf32, #tpu.memory_space<hbm>> -> memref<4x8192xf32, #tpu.memory_space<hbm>>
    tpu.enqueue_dma source(%arg10 : memref<4x8192xf32, #tpu.memory_space<vmem>>) target(%dma_start3A_1338 : memref<4x8192xf32, #tpu.memory_space<hbm>>) target_semaphore(%arg16 : memref<!tpu.dma_semaphore, #tpu.memory_space<semaphore_mem>>)
    %dma_wait3A_1339 = arith.constant 0 : i32
    %dma_wait3A_1340 = arith.constant 0 : i32
    %dma_wait3A_1341 = tpu.memref_slice %arg2[%dma_wait3A_1339, %dma_wait3A_1340] : memref<8192x8192xf32, #tpu.memory_space<hbm>> -> memref<4x8192xf32, #tpu.memory_space<hbm>>
    %dma_wait3A_1342 = arith.constant 0 : i32
    %dma_wait3A_1343 = arith.constant 0 : i32
    %dma_wait3A_1344 = tpu.memref_slice %arg2[%dma_wait3A_1342, %dma_wait3A_1343] : memref<8192x8192xf32, #tpu.memory_space<hbm>> -> memref<4x8192xf32, #tpu.memory_space<hbm>>
    tpu.wait_dma2 semaphore(%arg14 : memref<!tpu.dma_semaphore, #tpu.memory_space<semaphore_mem>>) src(%dma_wait3A_1344 : memref<4x8192xf32, #tpu.memory_space<hbm>>) dst(%arg11 : memref<4x8192xf32, #tpu.memory_space<vmem>>)
    %add3A_1345 = arith.constant 28 : i32
    %add3A_1346 = arith.addi %mul3A_2, %add3A_1345 : i32
    %dma_start3A_1347 = arith.constant 0 : i32
    %dma_start3A_1348 = tpu.memref_slice %arg6[%add3A_1346, %dma_start3A_1347] : memref<1024x8192xf32, #tpu.memory_space<hbm>> -> memref<4x8192xf32, #tpu.memory_space<hbm>>
    %dma_start3A_1349 = arith.constant 0 : i32
    %dma_start3A_1350 = tpu.memref_slice %arg6[%add3A_1346, %dma_start3A_1349] : memref<1024x8192xf32, #tpu.memory_space<hbm>> -> memref<4x8192xf32, #tpu.memory_space<hbm>>
    tpu.enqueue_dma source(%arg11 : memref<4x8192xf32, #tpu.memory_space<vmem>>) target(%dma_start3A_1350 : memref<4x8192xf32, #tpu.memory_space<hbm>>) target_semaphore(%arg17 : memref<!tpu.dma_semaphore, #tpu.memory_space<semaphore_mem>>)
    %dma_wait3A_1351 = arith.constant 0 : i32
    %dma_wait3A_1352 = arith.constant 0 : i32
    %dma_wait3A_1353 = tpu.memref_slice %arg6[%dma_wait3A_1351, %dma_wait3A_1352] : memref<1024x8192xf32, #tpu.memory_space<hbm>> -> memref<4x8192xf32, #tpu.memory_space<hbm>>
    %dma_wait3A_1354 = arith.constant 0 : i32
    %dma_wait3A_1355 = arith.constant 0 : i32
    %dma_wait3A_1356 = tpu.memref_slice %arg6[%dma_wait3A_1354, %dma_wait3A_1355] : memref<1024x8192xf32, #tpu.memory_space<hbm>> -> memref<4x8192xf32, #tpu.memory_space<hbm>>
    tpu.wait_dma2 semaphore(%arg17 : memref<!tpu.dma_semaphore, #tpu.memory_space<semaphore_mem>>) src(%dma_wait3A_1356 : memref<4x8192xf32, #tpu.memory_space<hbm>>) dst(%arg11 : memref<4x8192xf32, #tpu.memory_space<vmem>>)
    %dma_wait3A_1357 = arith.constant 0 : i32
    %dma_wait3A_1358 = arith.constant 0 : i32
    %dma_wait3A_1359 = tpu.memref_slice %arg6[%dma_wait3A_1357, %dma_wait3A_1358] : memref<1024x8192xf32, #tpu.memory_space<hbm>> -> memref<4x8192xf32, #tpu.memory_space<hbm>>
    %dma_wait3A_1360 = arith.constant 0 : i32
    %dma_wait3A_1361 = arith.constant 0 : i32
    %dma_wait3A_1362 = tpu.memref_slice %arg6[%dma_wait3A_1360, %dma_wait3A_1361] : memref<1024x8192xf32, #tpu.memory_space<hbm>> -> memref<4x8192xf32, #tpu.memory_space<hbm>>
    tpu.wait_dma2 semaphore(%arg16 : memref<!tpu.dma_semaphore, #tpu.memory_space<semaphore_mem>>) src(%dma_wait3A_1362 : memref<4x8192xf32, #tpu.memory_space<hbm>>) dst(%arg10 : memref<4x8192xf32, #tpu.memory_space<vmem>>)
    %dma_wait3A_1363 = arith.constant 0 : i32
    %dma_wait3A_1364 = arith.constant 0 : i32
    %dma_wait3A_1365 = tpu.memref_slice %arg6[%dma_wait3A_1363, %dma_wait3A_1364] : memref<1024x8192xf32, #tpu.memory_space<hbm>> -> memref<4x8192xf32, #tpu.memory_space<hbm>>
    %dma_wait3A_1366 = arith.constant 0 : i32
    %dma_wait3A_1367 = arith.constant 0 : i32
    %dma_wait3A_1368 = tpu.memref_slice %arg6[%dma_wait3A_1366, %dma_wait3A_1367] : memref<1024x8192xf32, #tpu.memory_space<hbm>> -> memref<4x8192xf32, #tpu.memory_space<hbm>>
    tpu.wait_dma2 semaphore(%arg18 : memref<!tpu.dma_semaphore, #tpu.memory_space<semaphore_mem>>) src(%dma_wait3A_1368 : memref<4x8192xf32, #tpu.memory_space<hbm>>) dst(%arg12 : memref<4x8192xf32, #tpu.memory_space<vmem>>)
    return
  }
}

</mosaic_0001>

<sc_bundles>
// kernel: kernel.3.cloned.1.call-start
scs
__scs_entry_jumppad:
0x0: {  	(pc) =	sbr.rel $0x88, $3  }
0x1: {  	(tag) =	ssettag $0x0;
	lr =	simm.s32 $0x1  }
0x2: {  	[smem:$0x3F9D] =	sst lr;
	_ =	strace $0xD0000000  }
0x3: {  	_ = 	snop  }
0x4: {  	_ = 	snop  }
0x5: {  	_ = 	snop  }
0x6: {  	_ = 	snop  }
0x7: {  	_ = 	snop  }
__scs_overlays_trampoline_lowered:
0x8: {  	[smem:$0x3FAC] =	sst s0  }
0x9: {  	[smem:$0x3FAD] =	sst s1  }
0xa: {  	[smem:$0x3FAE] =	sst s2  }
0xb: {  	[smem:$0x3FAF] =	sst s3  }
0xc: {  	[smem:$0x3FB0] =	sst s4  }
0xd: {  	[smem:$0x3FB1] =	sst s5  }
0xe: {  	[smem:$0x3FB2] =	sst s6  }
0xf: {  	[smem:$0x3FB3] =	sst s7  }
0x10: {  	[smem:$0x3FB4] =	sst s8  }
0x11: {  	[smem:$0x3FB5] =	sst s9;
	s0 =	simm.s32 @!p0 $0x0  }
0x12: {  	s1 =	sld [smem:$0x3F9B];
	s0 =	simm.s32 @p0 $0x1  }
0x13: {  	[smem:$0x3FB6] =	sst s0;
	s0 =	simm.s32 @!p1 $0x0  }
0x14: {  	s2 =	sld [smem:$0x3F9A];
	s0 =	simm.s32 @p1 $0x1  }
0x15: {  	[smem:$0x3FB7] =	sst s0;
	s0 =	simm.s32 @!p2 $0x0  }
0x16: {  	s3 =	sld [smem:$0x3FDB];
	s0 =	simm.s32 @p2 $0x1  }
0x17: {  	s4 =	simm.s32 $0x1BF5;
	[smem:$0x3FB9] =	sst s0  }
0x18: {  	s0 =	sld [smem:$0x3F9C];
	_ =	swait.ge [sflag:s4], $0x0  }
0x19: {  	s7 =	sld [smem:$0x3F9D]  }
0x1a: {  	s8 =	sadd.s32 $0xFFFFE003, lr  }
0x1b: {  	s9 =	sadd.s32 $0xFFFFFEF7, lr;
	s5 =	simm.s32 $0xFFFFFFFF;
	p2 =	slt.u32 s8, $0xFFFFF086  }
0x1c: {  	p1 =	slt.u32 s9, $0xF7A;
	s5 =	simm.s32 @!p2 $0x0  }
0x1d: {  	s5 =	simm.s32 @p1 $0x1;
	p0 =	seq.s32 s7, s2  }
0x1e: {  	s7 =	smul.u32 @!p0 $0xF7A, s2;
	p2 =	seq.s32 @!p0 s5, $0x0  }
0x1f: {  	s9 =	smul.u32 $0xF7A, s1;
	s8 =	simm.s32 @!p0 $0x1BF5;
	p2 =	por !p2, p0  }
0x20: {  	[sflag:s8] =	ssyncset.s32 @!p0 $0xFFFFF086;
	s6 =	sadd.s32 @!p0 s3, s7;
	s7 =	simm.s32 @!p0 $0x108  }
0x21: {  	s3 =	sadd.s32 s3, s9;
	s6 =	sadd.s32 @!p0 $0x88, s6;
	s7 =	simm.s32 @p2 $0x1082  }
0x22: {  	[simem:s7], [sflag:s8] =	dma.local @!p0 [hbm:s6], $0xF7A  }
0x23: {  	s9 =	sor.u32 $0xD0000000, s2;
	s6 =	simm.s32 $0x108;
	_ =	swait.ge @!p0 [sflag:s8], $0x0  }
0x24: {  	s3 =	sadd.s32 $0x88, s3;
	s6 =	simm.s32 @!p1 $0x1082;
	[sflag:s4] =	ssyncset.s32 $0xFFFFF086  }
0x25: {  	[simem:s6], [sflag:s4] =	dma.local [hbm:s3], $0xF7A  }
0x26: {  	[smem:$0x3F9D] =	sst s1;
	(tag) =	ssettag s2;
	_ =	strace s9  }
0x27: {  	s1 =	sld [smem:$0x3FAD]  }
0x28: {  	s2 =	sld [smem:$0x3FAE]  }
0x29: {  	s4 =	sld [smem:$0x3FB0]  }
0x2a: {  	p0 =	seq.s32 s5, $0x0;
	s5 =	sld [smem:$0x3FB1]  }
0x2b: {  	s6 =	sld [smem:$0x3FB2]  }
0x2c: {  	s7 =	sld [smem:$0x3FB3]  }
0x2d: {  	s3 =	simm.s32 $0x108;
	s8 =	sld [smem:$0x3FB4]  }
0x2e: {  	s3 =	simm.s32 @!p0 $0x1082;
	s9 =	sld [smem:$0x3FB5]  }
0x2f: {  	lr =	sadd.s32 s0, s3;
	s0 =	sld [smem:$0x3FAC]  }
0x30: {  	s3 =	sld [smem:$0x3FAF]  }
0x31: {  	[smem:$0x3FB8] =	sst s10  }
0x32: {  	s10 =	sld [smem:$0x3FB6];
	_ =	sdelay $0x3  }
0x33: {  	p0 =	seq.s32 s10, $0x1;
	s10 =	sld [smem:$0x3FB8];
	_ =	sdelay $0x3  }
0x34: {  	[smem:$0x3FB8] =	sst s10  }
0x35: {  	s10 =	sld [smem:$0x3FB7];
	_ =	sdelay $0x3  }
0x36: {  	p1 =	seq.s32 s10, $0x1;
	s10 =	sld [smem:$0x3FB8];
	_ =	sdelay $0x3  }
0x37: {  	[smem:$0x3FB8] =	sst s10  }
0x38: {  	s10 =	sld [smem:$0x3FB9]  }
0x39: {  	_ = 	snop;
	(pc) =	sbr.ind lr, $3  }
0x3a: {  	_ = 	snop  }
0x3b: {  	_ = 	snop  }
0x3c: {  	p2 =	seq.s32 s10, $0x1;
	s10 =	sld [smem:$0x3FB8]  }
0x3d: {  	_ =	shalt  }
0x3e: {  	_ =	shalt  }
0x3f: {  	_ =	shalt  }
0x40: {  	_ =	shalt  }
0x41: {  	_ =	shalt  }
0x42: {  	_ =	shalt  }
0x43: {  	_ =	shalt  }
0x44: {  	_ =	shalt  }
0x45: {  	_ =	shalt  }
0x46: {  	_ =	shalt  }
0x47: {  	_ =	shalt  }
0x48: {  	_ =	shalt  }
0x49: {  	_ =	shalt  }
0x4a: {  	_ =	shalt  }
0x4b: {  	_ =	shalt  }
0x4c: {  	_ =	shalt  }
0x4d: {  	_ =	shalt  }
0x4e: {  	_ =	shalt  }
0x4f: {  	_ =	shalt  }
0x50: {  	_ =	shalt  }
0x51: {  	_ =	shalt  }
0x52: {  	_ =	shalt  }
0x53: {  	_ =	shalt  }
0x54: {  	_ =	shalt  }
0x55: {  	_ =	shalt  }
0x56: {  	_ =	shalt  }
0x57: {  	_ =	shalt  }
0x58: {  	_ =	shalt  }
0x59: {  	_ =	shalt  }
0x5a: {  	_ =	shalt  }
0x5b: {  	_ =	shalt  }
0x5c: {  	_ =	shalt  }
0x5d: {  	_ =	shalt  }
0x5e: {  	_ =	shalt  }
0x5f: {  	_ =	shalt  }
0x60: {  	_ =	shalt  }
0x61: {  	_ =	shalt  }
0x62: {  	_ =	shalt  }
0x63: {  	_ =	shalt  }
0x64: {  	_ =	shalt  }
0x65: {  	_ =	shalt  }
0x66: {  	_ =	shalt  }
0x67: {  	_ =	shalt  }
0x68: {  	_ =	shalt  }
0x69: {  	_ =	shalt  }
0x6a: {  	_ =	shalt  }
0x6b: {  	_ =	shalt  }
0x6c: {  	_ =	shalt  }
0x6d: {  	_ =	shalt  }
0x6e: {  	_ =	shalt  }
0x6f: {  	_ =	shalt  }
0x70: {  	_ =	shalt  }
0x71: {  	_ =	shalt  }
0x72: {  	_ =	shalt  }
0x73: {  	_ =	shalt  }
0x74: {  	_ =	shalt  }
0x75: {  	_ =	shalt  }
0x76: {  	_ =	shalt  }
0x77: {  	_ =	shalt  }
0x78: {  	_ =	shalt  }
0x79: {  	_ =	shalt  }
0x7a: {  	_ =	shalt  }
0x7b: {  	_ =	shalt  }
0x7c: {  	_ =	shalt  }
0x7d: {  	_ =	shalt  }
0x7e: {  	_ =	shalt  }
0x7f: {  	_ =	shalt  }
0x80: {  	_ =	shalt  }
0x81: {  	_ =	shalt  }
0x82: {  	_ =	shalt  }
0x83: {  	_ =	shalt  }
0x84: {  	_ =	shalt  }
0x85: {  	_ =	shalt  }
0x86: {  	_ =	shalt  }
0x87: {  	_ =	shalt  }
.Lfunc_end0:
.L_simem_size_0:
called_computation_lowered:
.L_overlay_start_0:
0x88: {  	s2 =	sld [smem:$0x3FD9]  }
0x89: {  	s3 =	sld [smem:$0x3FFE];
	_ =	sdelay $0x1  }
0x8a: {  	s1 =	srdreg.scid  }
0x8b: {  	s0 =	sand.u32 $0x1, s1  }
0x8c: {  	s18 =	sshll.u32 s0, $0xA;
	s2 =	sadd.s32 s3, s2  }
0x8d: {  	s2 =	sadd.s32 s2, s18  }
0x8e: {  	[smem:$0x3FC4] =	sst s2  }
0x8f: {  	_ = 	snop  }
0x90: {  	s2 =	sld [smem:$0x3FC9]  }
0x91: {  	s19 =	sld [smem:$0x3FC8]  }
0x92: {  	s4 =	sld [smem:$0x3FC7]  }
0x93: {  	s5 =	sld [smem:$0x3FC6]  }
0x94: {  	s6 =	sld [smem:$0x3FD0];
	(tm) =	ssettm $0x1  }
0x95: {  	s7 =	sld [smem:$0x3FFB];
	_ =	sdelay $0x3  }
0x96: {  	_ =	strace s7  }
0x97: {  	s7 =	sld [smem:$0x3FFC];
	_ =	sdelay $0x3  }
0x98: {  	_ =	strace s7  }
0x99: {  	s7 =	sld [smem:$0x3FFD];
	_ =	sdelay $0x3  }
0x9a: {  	_ =	strace s7  }
0x9b: {  	_ =	strace $0x8FFFFFFF  }
0x9c: {  	s20 =	sld [smem:$0x3FDB];
	_ =	sdelay $0x1  }
0x9d: {  	s8 =	simm.s32 $_scs_section_size  }
0x9e: {  	s9 =	simm.s32 $_size__tile_overlayer_lowered;
	s10 =	simm.s32 $_tile_overlayer_lowered  }
0x9f: {  	s23 =	simm.s32 $0x1BFF;
	s22 =	sshll.u32 s10, $0x1;
	s7 =	sadd.s32 s8, s20  }
0xa0: {  	s11 =	simm.s32 $0x0;
	s21 =	sshll.u32 s9, $0x1;
	s9 =	sadd.s32 s22, s7  }
0xa1: {  	[timem:s11], [sflag:s23] =	dma.local [hbm:s9], s21  }
0xa2: {  	_ =	swait.ge [sflag:s23], s21  }
0xa3: {  	s8 =	ssub.s32 $0x0, s21;
	[sflag:s23] =	ssyncset.done $0x0  }
0xa4: {  	[sflag:s23] =	ssyncadd.s32 s8;
	_ =	sdelay $0x1  }
0xa5: {  	s24 =	simm.s32 $0x1B8B  }
0xa6: {  	_ =	swait.ge [sflag:s24], $0x1  }
0xa7: {  	[sflag:s24] =	ssyncset.done $0x0  }
0xa8: {  	s25 =	simm.s32 $0x1B8E;
	[sflag:s24] =	ssyncadd.s32 $0xFFFFFFFF  }
0xa9: {  	s26 =	simm.s32 $execute0_lowered;
	[smem:$0x3FD2] =	sst s25  }
0xaa: {  	s8 =	sshll.u32 s26, $0x1;
	_ =	strace $0x80000046;
	[dreg:$0x1] =	wrdreg $0xFFFFFFFF  }
0xab: {  	s28 =	simm.s32 $_size_execute0_lowered;
	s7 =	sadd.s32 s7, s8;
	[dreg:$0x0] =	wrdreg $0x0  }
0xac: {  	s8 =	sshll.u32 s28, $0x1;
	[dreg:$0x2] =	wrdreg s7  }
0xad: {  	[dreg:$0x3] =	wrdreg s8  }
0xae: {  	[dreg:$0x4] =	wrdreg $0xC0  }
0xaf: {  	_ =	task [dreg:s11], $0x5FFFF  }
0xb0: {  	[dreg:$0x1] =	wrdreg $0xFFFFFFFF  }
0xb1: {  	[dreg:$0x0] =	wrdreg $0x60  }
0xb2: {  	[dreg:$0x2] =	wrdreg s2  }
0xb3: {  	[dreg:$0x3] =	wrdreg s19  }
0xb4: {  	[dreg:$0x4] =	wrdreg s4  }
0xb5: {  	[dreg:$0x5] =	wrdreg s5  }
0xb6: {  	[dreg:$0x6] =	wrdreg s6  }
0xb7: {  	[dreg:$0x7] =	wrdreg $0x9  }
0xb8: {  	_ =	task.clear_ibuf [dreg:s11], $0x8FFFF;
	_ =	strace $0x90000046  }
0xb9: {  	s29 =	simm.s32 $0x9;
	_ =	strace $0x80000048  }
0xba: {  	_ =	swait.ge [sflag:s29], $0x1  }
0xbb: {  	[sflag:s29] =	ssyncadd.s32 $0xFFFFFFFF  }
0xbc: {  	_ =	strace $0x90000048  }
0xbd: {  	_ =	sfence  }
0xbe: {  	s30 =	sld [smem:$0x0];
	_ =	sdelay $0x2  }
0xbf: {  	s31 =	sshll.u32 s1, $0xD;
	s1 =	sshrl.u32 s1, $0x2  }
0xc0: {  	s3 =	sand.u32 $0x4000, s31;
	s1 =	sadd.s32 s1, s30  }
0xc1: {  	s0 =	sor.u32 s3, s0;
	s1 =	sshll.u32 s1, $0x11  }
0xc2: {  	s0 =	sor.u32 s1, s0  }
0xc3: {  	s0 =	sadd.s32 $0x8F2B, s0  }
0xc4: {  	[sflag:s0] =	ssyncadd.remote.s32 $0x1  }
0xc5: {  	_ =	sfence.sel $0xFFFF  }
0xc6: {  	[dreg:$0x0] =	wrdreg $0xFFFFFFFF;
	(pc) =	sbr.abs _section_cstart, $3  }
0xc7: {  	[dreg:$0x1] =	wrdreg $0xFFFFFFFF  }
0xc8: {  	_ =	task.clear_ibuf [dreg:s11], $0x2FFFF;
	_ =	strace $0x9FFFFFFF  }
0xc9: {  	(tm) =	ssettm $0x7FFFFFFF  }
tec
execute0_lowered:
.L_overlay_start_1:
0x0: {  	(tag) =	ssettag $0x1  }
0x1: {  	v0 =	vimm.s32 $0xFEDCBA9;
	v1 =	vimm.s32 $0x87654321;
	s0 =	rddreg [dreg:$0x0];
	v2 =	vimm.s32 $0x10FEDCBA  }
0x2: {  	s1 =	rddreg [dreg:$0x1];
	v4 =	vimm.s32 $0xBA987654;
	v5 =	vimm.s32 $0xFEDCBA98;
	v6 =	vimm.s32 $0x76543210  }
0x3: {  	s2 =	rddreg [dreg:$0x3];
	vm0 =	vmmov $0x1;
	vm1 =	vcmask $0x308;
	vm2 =	vcmask $0x70C  }
0x4: {  	s3 =	rddreg [dreg:$0x4];
	s4 =	srdreg.scid;
	vm3 =	vcmask $0xB10;
	vm4 =	vcmask $0xF14;
	vm5 =	vcmask $0x1318  }
0x5: {  	s6 =	stileid.u32;
	s5 =	simm.s32 $0x0;
	s16 =	simm.s32 $0x7;
	vm6 =	vcmask $0x171C;
	v0 =	vunpack.c.l.s4.s8 v0;
	v1 =	vunpack.c.l.s4.s8 v1  }
0x6: {  	s18 =	simm.s32 $0x480;
	s19 =	simm.s32 $0x1;
	s20 =	simm.s32 $0x200;
	vm7 =	vcmask $0x1B20;
	vm8 =	vcmask $0x1F24;
	vm9 =	vcmask $0x2328  }
0x7: {  	s21 =	simm.s32 $0x400;
	s22 =	simm.s32 $0x2480;
	s23 =	simm.s32 $0x4;
	vm10 =	vcmask $0x272C;
	v0 =	vunpack.c.0.s8.s32 v0;
	v1 =	vunpack.c.0.s8.s32 v1  }
0x8: {  	s24 =	simm.s32 $0x2;
	vm11 =	vcmask $0x2B30;
	s28 =	simm.s32 $0x3;
	s29 =	simm.s32 $0x12480;
	v2 =	vunpack.c.l.s4.s8 v2;
	v4 =	vunpack.c.l.s4.s8 v4  }
0x9: {  	s30 =	simm.s32 $0x6;
	s31 =	simm.s32 $0x0;
	s4 =	sand.u32 $0x1, s4;
	v5 =	vunpack.c.l.s4.s8 v5;
	v6 =	vunpack.c.l.s4.s8 v6;
	v3 =	vcombine.low v1, v0  }
0xa: {  	s6 =	sshll.u32 s6, $0x6;
	s7 =	sshll.u32 s4, $0x5;
	s4 =	ssub.s32 $0x2, s4;
	v0 =	vunpack.c.0.s8.s32 v2;
	v1 =	vimm.s32 $0x98765432;
	v2 =	vimm.s32 $0x3210FEDC  }
0xb: {  	[smem:$0x7FF] =	sst s5;
	s6 =	sor.u32 s7, s6;
	s25 =	sshrl.u32 s4, $0x1;
	v5 =	vunpack.c.0.s8.s32 v5;
	v1 =	vunpack.c.l.s4.s8 v1;
	v2 =	vunpack.c.l.s4.s8 v2  }
0xc: {  	vm12 =	vcmask $0x2F34;
	_ =	strace $0x80000047;
	v4 =	vunpack.c.0.s8.s32 v4;
	v6 =	vunpack.c.0.s8.s32 v6;
	s8 =	sshll.u32 s6, $0xA;
	s4 =	ssub.s32 s4, s25  }
.Ltmp0:
0xd: {  	s26 =	sshrl.u32 s6, $0x3;
	s25 =	simm.s32 $0xA480;
	v5 =	vand.u32 $0xF, v5;
	v1 =	vunpack.c.0.s8.s32 v1;
	v2 =	vunpack.c.0.s8.s32 v2;
	(pc) =	sbr.rel .LBB2_1-.Ltmp0, $4  }
0xe: {  	vm13 =	vcmask $0x3338;
	vm15 =	vmmov $0x7fff;
	s6 =	sadd.s32 s3, s8;
	s2 =	sadd.s32 s2, s26;
	s15 =	smax.u32 s4, $0x1;
	v5 =	vcombine.low v5, v6  }
0xf: {  	s26 =	simm.s32 $0x5;
	[dreg:$0x6] =	wrdreg s2;
	s8 =	sadd.s32 $0x40, s6;
	v6 =	vimm.s32 $0x0;
	v7 =	vcombine.low v1, v0;
	v4 =	vcombine.low v4, v2  }
0x10: {  	s9 =	sadd.s32 $0x2000, s6;
	s10 =	sadd.s32 $0x2040, s6;
	s11 =	sadd.s32 $0x4000, s6;
	v6 =	vsel vm15, $0xFFFFFFFF, v6;
	v0 =	vimm.s32 $0xFFFFFFFF;
	v1 =	vlaneseq.u32  }
0x11: {  	s12 =	sadd.s32 $0x4040, s6;
	s13 =	sadd.s32 $0x6000, s6;
	s14 =	sadd.s32 $0x6040, s6;
	[tilespmem:$0x1FFF0] =	vst v6;
	v2 =	vand.u32 $0xF, v3;
	v3 =	vand.u32 $0xF, v7;
	v4 =	vand.u32 $0xF, v4  }
.LBB2_228:
0x12: {  	[tilespmem:s3], [sflag:$0x2] =	stream.linear.gather [hbm4b:s7+s5], $0x80, $0x38;
	[tilespmem:$0x1A480] =	vst v63  }
.LBB2_229:
0x13: {  	_ =	swait.ge [sflag:s28], $0x8000  }
0x14: {  	[sflag:s28] =	ssyncset.done $0x0  }
0x15: {  	[sflag:s28] =	ssyncadd.s32 $0xFFFF8000  }
0x16: {  	[hbm4b:s12+s20] =	stream.strided.scatter [tilespmem:s29], [sflag:$0x6], $0x8000, s21, s20, $0x38;
	[tilespmem:$0x1A480] =	vst v63  }
0x17: {  	_ =	swait.ge [sflag:s19], $0x8000  }
0x18: {  	[sflag:s19] =	ssyncset.done $0x0  }
0x19: {  	[sflag:s19] =	ssyncadd.s32 $0xFFFF8000  }
0x1a: {  	[hbm4b:s13+s20] =	stream.strided.scatter [tilespmem:s22], [sflag:$0x4], $0x8000, s21, s20, $0x38;
	[tilespmem:$0x1A480] =	vst v63  }
0x1b: {  	_ =	swait.ge [sflag:s24], $0x8000  }
0x1c: {  	[sflag:s24] =	ssyncset.done $0x0  }
0x1d: {  	[sflag:s24] =	ssyncadd.s32 $0xFFFF8000  }
0x1e: {  	[hbm4b:s14+s20] =	stream.strided.scatter [tilespmem:s25], [sflag:$0x5], $0x8000, s21, s20, $0x38;
	[tilespmem:$0x1A480] =	vst v63  }
0x1f: {  	_ =	swait.ge [sflag:s26], $0x8000  }
0x20: {  	[sflag:s26] =	ssyncset.done $0x0  }
0x21: {  	s31 =	sadd.s32 $0x1, s31;
	[sflag:s26] =	ssyncadd.s32 $0xFFFF8000  }
0x22: {  	p0 =	sne.s32 s31, s15;
	_ =	swait.ge [sflag:s23], $0x8000  }
.Ltmp1:
0x23: {  	[sflag:s23] =	ssyncset.done $0x0;
	(pc) =	sbr.rel @!p0 .LBB2_230-.Ltmp1, $4  }
0x24: {  	[sflag:s23] =	ssyncadd.s32 $0xFFFF8000  }
0x25: {  	_ =	swait.ge [sflag:s30], $0x8000  }
0x26: {  	[sflag:s30] =	ssyncset.done $0x0  }
0x27: {  	[sflag:s30] =	ssyncadd.s32 $0xFFFF8000  }
.LBB2_1:
0x28: {  	s2 =	rddreg [dreg:$0x6]  }
0x29: {  	[tilespmem:s5], [sflag:$0x7] =	stream.linear.gather [hbm4b:s2+s5], $0x20, $0x38;
	[tilespmem:$0x1A480] =	vst v63  }
0x2a: {  	_ =	swait.ge [sflag:s16], $0x20  }
0x2b: {  	[sflag:s16] =	ssyncset.done $0x0  }
0x2c: {  	[sflag:s16] =	ssyncadd.s32 $0xFFFFFFE0  }
0x2d: {  	vm15 =	vmmov vm13;
	s3 =	simm.s32 $0x80;
	s17 =	rddreg [dreg:$0x2]  }
0x2e: {  	vm14 =	vmmov vm12;
	vm13 =	vmmov vm11;
	vm12 =	vmmov vm10;
	[tilespmem:s3], [sflag:$0x7] =	stream.linear.gather [hbm4b:s17+s5], $0x400, $0x38;
	[tilespmem:$0x1A480] =	vst v63  }
0x2f: {  	vm11 =	vmmov vm9;
	vm10 =	vmmov vm8;
	vm9 =	vmmov vm7;
	_ =	swait.ge [sflag:s16], $0x400  }
0x30: {  	vm8 =	vmmov vm6;
	vm7 =	vmmov vm5;
	vm6 =	vmmov vm4;
	[sflag:s16] =	ssyncset.done $0x0  }
0x31: {  	vm5 =	vmmov vm3;
	vm4 =	vmmov vm2;
	vm3 =	vmmov vm1;
	s2 =	simm.s32 $0x0;
	[sflag:s16] =	ssyncadd.s32 $0xFFFFFC00  }
.LBB2_2:
0x32: {  	p0 =	sne.s32 s2, $0x7F00  }
.Ltmp2:
0x33: {  	s3 =	sshra.s32 s2, $0x2;
	(pc) =	sbr.rel @p0 .LBB2_2-.Ltmp2, $4  }
0x34: {  	[tilespmem:s3+$0x480] =	vst v0  }
0x35: {  	[tilespmem:s3+$0x490] =	vst v0  }
0x36: {  	[tilespmem:s3+$0x4A0] =	vst v0  }
0x37: {  	s2 =	sadd.s32 $0x100, s2;
	[tilespmem:s3+$0x4B0] =	vst v0  }
0x38: {  	s3 =	simm.s32 $0x80  }
0x39: {  	s4 =	simm.s32 $0x0;
	s2 =	simm.s32 $0x10;
	v6 =	vld [tilespmem:s3+$0x0]  }
.LBB2_4:
0x3a: {  	p0 =	sne.s32 s2, $0x3F0;
	_ =	sdelay $0x1  }
0x3b: {  	v7 =	vor.u32 s4, v1;
	s4 =	smov.u32 s2  }
0x3c: {  	v8 =	vperm.xlane v7, v2  }
0x3d: {  	v9 =	vperm.xlane v6, v2  }
0x3e: {  	vm1 =	vgt.s32 v7, v8  }
0x3f: {  	v8 =	vsel vm1, v7, v8;
	vm2 =	veq.s32 v9, v6  }
0x40: {  	v8 =	vsel vm2, v8, v7  }
0x41: {  	v9 =	vperm.xlane v8, v3  }
0x42: {  	v10 =	vperm.xlane v6, v3  }
0x43: {  	vm1 =	vgt.s32 v8, v9  }
0x44: {  	vm2 =	veq.s32 v10, v6;
	v9 =	vsel vm1, v8, v9  }
0x45: {  	v8 =	vsel vm2, v9, v8  }
0x46: {  	v9 =	vperm.xlane v8, v4  }
0x47: {  	v10 =	vperm.xlane v6, v4  }
0x48: {  	vm1 =	vgt.s32 v8, v9  }
0x49: {  	vm2 =	veq.s32 v10, v6;
	v9 =	vsel vm1, v8, v9  }
0x4a: {  	v8 =	vsel vm2, v9, v8  }
0x4b: {  	v9 =	vperm.xlane v8, v5  }
0x4c: {  	v10 =	vperm.xlane v6, v5  }
0x4d: {  	vm1 =	vgt.s32 v8, v9  }
0x4e: {  	vm2 =	veq.s32 v10, v6;
	v9 =	vsel vm1, v8, v9  }
0x4f: {  	v8 =	vsel vm2, v9, v8  }
0x50: {  	vm1 =	veq.s32 v7, v8;
	_ =	sdelay $0x2  }
.Ltmp3:
0x51: {  	(pc) =	sbr.rel @p0 .LBB2_4-.Ltmp3, $3  }
0x52: {  	_ =	sdelay $0x1  }
0x53: {  	s3 =	sadd.s32 $0x10, s3;
	[tilespmem:v6+s18+$0x0] =	vst.idx.msk vm1, v7  }
0x54: {  	s2 =	sadd.s32 $0x10, s2;
	v6 =	vld [tilespmem:s3+$0x0]  }
0x55: {  	_ =	sdelay $0x1  }
0x56: {  	v7 =	vor.u32 s4, v1  }
0x57: {  	v8 =	vperm.xlane v7, v2  }
0x58: {  	v9 =	vperm.xlane v6, v2  }
0x59: {  	vm1 =	vgt.s32 v7, v8  }
0x5a: {  	v8 =	vsel vm1, v7, v8;
	vm2 =	veq.s32 v9, v6  }
0x5b: {  	v8 =	vsel vm2, v8, v7  }
0x5c: {  	v9 =	vperm.xlane v8, v3  }
0x5d: {  	v10 =	vperm.xlane v6, v3  }
0x5e: {  	vm1 =	vgt.s32 v8, v9  }
0x5f: {  	vm2 =	veq.s32 v10, v6;
	v9 =	vsel vm1, v8, v9  }
0x60: {  	v8 =	vsel vm2, v9, v8  }
0x61: {  	v9 =	vperm.xlane v8, v4  }
0x62: {  	v10 =	vperm.xlane v6, v4  }
0x63: {  	vm1 =	vgt.s32 v8, v9  }
0x64: {  	vm2 =	veq.s32 v10, v6;
	v9 =	vsel vm1, v8, v9  }
0x65: {  	v8 =	vsel vm2, v9, v8  }
0x66: {  	v9 =	vperm.xlane v8, v5  }
0x67: {  	v10 =	vperm.xlane v6, v5  }
0x68: {  	vm1 =	vgt.s32 v8, v9  }
0x69: {  	vm2 =	veq.s32 v10, v6;
	v9 =	vsel vm1, v8, v9  }
0x6a: {  	v8 =	vsel vm2, v9, v8  }
0x6b: {  	vm1 =	veq.s32 v7, v8;
	_ =	sdelay $0x5  }
0x6c: {  	[tilespmem:v6+s18+$0x0] =	vst.idx.msk vm1, v7  }
0x6d: {  	v8 =	vld [tilespmem:$0x0];
	_ =	sdelay $0x7  }
0x6e: {  	v9 =	vld.idx.msk [tilespmem:v8+s18+$0x0], $0xffff;
	_ =	sdelay $0x4  }
0x6f: {  	v6 =	vnsel vm0, $0x80000000, v9  }
0x70: {  	v6 =	vxor.u32 $0x80000000, v6  }
0x71: {  	(xrf0) =	vmax.scan.msk.u32 $0xffff, v6;
	_ =	sdelay $0x5  }
0x72: {  	v6, _, _ =	vpop (xrf0)  }
0x73: {  	(v2sf) =	vpush v6, $0xF;
	_ =	sdelay $0xc  }
0x74: {  	v6 =	vld [tilespmem:$0x10];
	_ =	sdelay $0x1  }
0x75: {  	s2 =	spop (v2sf)  }
0x76: {  	p0 =	sgt.s32 s2, $0xFFFFFFFF  }
.Ltmp4:
0x77: {  	_ = 	snop;
	(pc) =	sbr.rel @!p0 .LBB2_6-.Ltmp4, $2  }
0x78: {  	_ =	sdelay $0x2  }
0x79: {  	v7 =	vld.idx.msk [tilespmem:v6+s18+$0x0], $0xffff  }
0x7a: {  	v10 =	vnsel vm0, $0x80000000, v8  }
0x7b: {  	v10 =	vxor.u32 $0x80000000, v10  }
0x7c: {  	(xrf0) =	vmax.scan.msk.u32 $0xffff, v10;
	_ =	sdelay $0x5  }
0x7d: {  	v10, _, _ =	vpop (xrf0)  }
0x7e: {  	(v2sf) =	vpush v10, $0xF;
	_ =	sdelay $0xe  }
0x7f: {  	s2 =	spop (v2sf)  }
0x80: {  	s3 =	sshll.u32 s2, $0xD;
	s2 =	sshll.u32 s2, $0x7  }
0x81: {  	s3 =	sand.u32 $0xFFFF0000, s3;
	s2 =	sand.u32 $0x380, s2  }
0x82: {  	s2 =	sor.u32 s2, s3  }
0x83: {  	s2 =	sshrl.u32 s2, $0x3  }
0x84: {  	s4 =	simm.s32 $0x80;
	s2 =	sadd.s32 s0, s2  }
0x85: {  	s17 =	simm.s32 $0x2680;
	vm1 =	vmmov vm3;
	s3 =	simm.s32 $0x2480;
	s7 =	sadd.s32 $0x0, s2  }
.LBB2_10:
0x86: {  	[tilespmem:s3], [sflag:$0x1] =	stream.linear.gather [hbm4b:s7+s5], $0x80, $0x38;
	[tilespmem:$0x1A480] =	vst v63  }
0x87: {  	s7 =	smov.u32 s4;
	s3 =	smov.u32 s17;
	p0 =	sne.s32 s4, $0x1F80  }
.Ltmp5:
0x88: {  	s4 =	sadd.s32 $0x80, s4;
	(pc) =	sbr.rel @p0 .LBB2_10-.Ltmp5, $2  }
0x89: {  	_ =	sdelay $0x2  }
0x8a: {  	s17 =	sadd.s32 $0x200, s17;
	s7 =	sadd.s32 s7, s2  }
.Ltmp6:
0x8b: {  	(pc) =	sbr.rel .LBB2_12-.Ltmp6, $2  }
0x8c: {  	_ =	sdelay $0x2  }
0x8d: {  	[tilespmem:s3], [sflag:$0x1] =	stream.linear.gather [hbm4b:s7+s5], $0x80, $0x38;
	vm2 =	vmmov vm4;
	vm3 =	vmmov vm5;
	[tilespmem:$0x1A480] =	vst v63  }
.LBB2_6:
0x8e: {  	s3 =	sshll.u32 s2, $0xD;
	s17 =	sshll.u32 s2, $0x7  }
0x8f: {  	s3 =	sand.u32 $0xFFFF0000, s3;
	s2 =	sand.u32 $0x380, s17  }
0x90: {  	s2 =	sor.u32 s2, s3  }
0x91: {  	s2 =	sshrl.u32 s2, $0x3  }
0x92: {  	s4 =	simm.s32 $0x80;
	s2 =	sadd.s32 s1, s2  }
0x93: {  	vm1 =	vmmov vm3;
	s17 =	simm.s32 $0x2680;
	s3 =	simm.s32 $0x2480;
	s7 =	sadd.s32 $0x0, s2  }
.LBB2_7:
0x94: {  	[tilespmem:s3], [sflag:$0x1] =	stream.linear.gather [hbm4b:s7+s5], $0x80, $0x38;
	[tilespmem:$0x1A480] =	vst v63  }
0x95: {  	s7 =	smov.u32 s4;
	s3 =	smov.u32 s17;
	p0 =	seq.s32 s4, $0x1F80  }
.Ltmp7:
0x96: {  	s4 =	sadd.s32 $0x80, s4;
	(pc) =	sbr.rel @!p0 .LBB2_7-.Ltmp7, $2  }
0x97: {  	_ =	sdelay $0x2  }
0x98: {  	s17 =	sadd.s32 $0x200, s17;
	s7 =	sadd.s32 s7, s2  }
0x99: {  	[tilespmem:s3], [sflag:$0x1] =	stream.linear.gather [hbm4b:s7+s5], $0x80, $0x38;
	vm2 =	vmmov vm4;
	vm3 =	vmmov vm5;
	[tilespmem:$0x1A480] =	vst v63  }
.LBB2_12:
0x9a: {  	v10 =	vsel vm1, $0x80000000, v9  }
0x9b: {  	v10 =	vxor.u32 $0x80000000, v10  }
0x9c: {  	(xrf0) =	vmax.scan.msk.u32 $0xffff, v10;
	_ =	sdelay $0x5  }
0x9d: {  	v10, _, _ =	vpop (xrf0)  }
0x9e: {  	(v2sf) =	vpush v10, $0xF;
	_ =	sdelay $0xe  }
0x9f: {  	s2 =	spop (v2sf)  }
0xa0: {  	p0 =	sgt.s32 s2, $0xFFFFFFFF  }
.Ltmp8:
0xa1: {  	_ = 	snop;
	(pc) =	sbr.rel @!p0 .LBB2_13-.Ltmp8, $2  }
0xa2: {  	_ =	sdelay $0x2  }
0xa3: {  	vm4 =	vmmov vm6;
	vm5 =	vmmov vm7  }
0xa4: {  	v10 =	vsel vm1, $0x80000000, v8  }
0xa5: {  	v10 =	vxor.u32 $0x80000000, v10  }
0xa6: {  	(xrf0) =	vmax.scan.msk.u32 $0xffff, v10;
	_ =	sdelay $0x5  }
0xa7: {  	v10, _, _ =	vpop (xrf0)  }
0xa8: {  	(v2sf) =	vpush v10, $0xF;
	_ =	sdelay $0xe  }
0xa9: {  	s2 =	spop (v2sf)  }
0xaa: {  	s3 =	sshll.u32 s2, $0xD;
	s2 =	sshll.u32 s2, $0x7  }
0xab: {  	s3 =	sand.u32 $0xFFFF0000, s3;
	s2 =	sand.u32 $0x380, s2  }
0xac: {  	s2 =	sor.u32 s2, s3  }
0xad: {  	s2 =	sshrl.u32 s2, $0x3  }
0xae: {  	s4 =	simm.s32 $0x80;
	s2 =	sadd.s32 s0, s2  }
0xaf: {  	s17 =	simm.s32 $0x2700;
	vm6 =	vmmov vm8;
	vm7 =	vmmov vm9;
	s3 =	simm.s32 $0x2500;
	s7 =	sadd.s32 $0x0, s2  }
.LBB2_17:
0xb0: {  	[tilespmem:s3], [sflag:$0x1] =	stream.linear.gather [hbm4b:s7+s5], $0x80, $0x38;
	[tilespmem:$0x1A480] =	vst v63  }
0xb1: {  	s7 =	smov.u32 s4;
	s3 =	smov.u32 s17;
	p0 =	sne.s32 s4, $0x1F80  }
.Ltmp9:
0xb2: {  	s4 =	sadd.s32 $0x80, s4;
	(pc) =	sbr.rel @p0 .LBB2_17-.Ltmp9, $2  }
0xb3: {  	_ =	sdelay $0x2  }
0xb4: {  	s17 =	sadd.s32 $0x200, s17;
	s7 =	sadd.s32 s7, s2  }
.Ltmp10:
0xb5: {  	(pc) =	sbr.rel .LBB2_19-.Ltmp10, $2  }
0xb6: {  	_ =	sdelay $0x2  }
0xb7: {  	[tilespmem:s3], [sflag:$0x1] =	stream.linear.gather [hbm4b:s7+s5], $0x80, $0x38;
	vm8 =	vmmov vm10;
	vm9 =	vmmov vm11;
	[tilespmem:$0x1A480] =	vst v63  }
.LBB2_13:
0xb8: {  	s3 =	sshll.u32 s2, $0xD;
	s17 =	sshll.u32 s2, $0x7  }
0xb9: {  	s3 =	sand.u32 $0xFFFF0000, s3;
	s2 =	sand.u32 $0x380, s17  }
0xba: {  	s2 =	sor.u32 s2, s3  }
0xbb: {  	s2 =	sshrl.u32 s2, $0x3  }
0xbc: {  	s4 =	simm.s32 $0x80;
	s2 =	sadd.s32 s1, s2  }
0xbd: {  	vm6 =	vmmov vm8;
	vm7 =	vmmov vm9;
	s17 =	simm.s32 $0x2700;
	s3 =	simm.s32 $0x2500;
	s7 =	sadd.s32 $0x0, s2  }
.LBB2_14:
0xbe: {  	[tilespmem:s3], [sflag:$0x1] =	stream.linear.gather [hbm4b:s7+s5], $0x80, $0x38;
	[tilespmem:$0x1A480] =	vst v63  }
0xbf: {  	s7 =	smov.u32 s4;
	s3 =	smov.u32 s17;
	p0 =	seq.s32 s4, $0x1F80  }
.Ltmp11:
0xc0: {  	s4 =	sadd.s32 $0x80, s4;
	(pc) =	sbr.rel @!p0 .LBB2_14-.Ltmp11, $2  }
0xc1: {  	_ =	sdelay $0x2  }
0xc2: {  	s17 =	sadd.s32 $0x200, s17;
	s7 =	sadd.s32 s7, s2  }
0xc3: {  	[tilespmem:s3], [sflag:$0x1] =	stream.linear.gather [hbm4b:s7+s5], $0x80, $0x38;
	vm8 =	vmmov vm10;
	vm9 =	vmmov vm11;
	[tilespmem:$0x1A480] =	vst v63  }
.LBB2_19:
0xc4: {  	v10 =	vsel vm2, $0x80000000, v9  }
0xc5: {  	v10 =	vxor.u32 $0x80000000, v10  }
0xc6: {  	(xrf0) =	vmax.scan.msk.u32 $0xffff, v10;
	_ =	sdelay $0x5  }
0xc7: {  	v10, _, _ =	vpop (xrf0)  }
0xc8: {  	(v2sf) =	vpush v10, $0xF;
	_ =	sdelay $0xe  }
0xc9: {  	s2 =	spop (v2sf)  }
0xca: {  	p0 =	sgt.s32 s2, $0xFFFFFFFF  }
.Ltmp12:
0xcb: {  	_ = 	snop;
	(pc) =	sbr.rel @!p0 .LBB2_20-.Ltmp12, $2  }
0xcc: {  	_ =	sdelay $0x2  }
0xcd: {  	vm10 =	vmmov vm12;
	vm11 =	vmmov vm13  }
0xce: {  	v10 =	vsel vm2, $0x80000000, v8  }
0xcf: {  	v10 =	vxor.u32 $0x80000000, v10  }
0xd0: {  	(xrf0) =	vmax.scan.msk.u32 $0xffff, v10;
	_ =	sdelay $0x5  }
0xd1: {  	v10, _, _ =	vpop (xrf0)  }
0xd2: {  	(v2sf) =	vpush v10, $0xF;
	_ =	sdelay $0xe  }
0xd3: {  	s2 =	spop (v2sf)  }
0xd4: {  	s3 =	sshll.u32 s2, $0xD;
	s2 =	sshll.u32 s2, $0x7  }
0xd5: {  	s3 =	sand.u32 $0xFFFF0000, s3;
	s2 =	sand.u32 $0x380, s2  }
0xd6: {  	s2 =	sor.u32 s2, s3  }
0xd7: {  	s2 =	sshrl.u32 s2, $0x3  }
0xd8: {  	s4 =	simm.s32 $0x80;
	s2 =	sadd.s32 s0, s2  }
0xd9: {  	s17 =	simm.s32 $0x2780;
	vm12 =	vmmov vm14;
	vm13 =	vmmov vm15;
	s3 =	simm.s32 $0x2580;
	s7 =	sadd.s32 $0x0, s2  }
.LBB2_24:
0xda: {  	[tilespmem:s3], [sflag:$0x1] =	stream.linear.gather [hbm4b:s7+s5], $0x80, $0x38;
	[tilespmem:$0x1A480] =	vst v63  }
0xdb: {  	s7 =	smov.u32 s4;
	s3 =	smov.u32 s17;
	p0 =	sne.s32 s4, $0x1F80  }
.Ltmp13:
0xdc: {  	s4 =	sadd.s32 $0x80, s4;
	(pc) =	sbr.rel @p0 .LBB2_24-.Ltmp13, $2  }
0xdd: {  	_ =	sdelay $0x2  }
0xde: {  	s17 =	sadd.s32 $0x200, s17;
	s7 =	sadd.s32 s7, s2  }
0xdf: {  	v10 =	vld [tilespmem:$0x1FFF0]  }
.Ltmp14:
0xe0: {  	_ = 	snop;
	(pc) =	sbr.rel .LBB2_26-.Ltmp14, $2  }
0xe1: {  	_ =	sdelay $0x2  }
0xe2: {  	[tilespmem:s3], [sflag:$0x1] =	stream.linear.gather [hbm4b:s7+s5], $0x80, $0x38;
	vm14 =	vcmask $0x373C;
	vm15 =	vnez.u8 v10;
	[tilespmem:$0x1A480] =	vst v63  }
.LBB2_20:
0xe3: {  	s3 =	sshll.u32 s2, $0xD;
	s17 =	sshll.u32 s2, $0x7  }
0xe4: {  	s3 =	sand.u32 $0xFFFF0000, s3;
	s2 =	sand.u32 $0x380, s17  }
0xe5: {  	s2 =	sor.u32 s2, s3  }
0xe6: {  	s2 =	sshrl.u32 s2, $0x3  }
0xe7: {  	s4 =	simm.s32 $0x80;
	s2 =	sadd.s32 s1, s2  }
0xe8: {  	vm12 =	vmmov vm14;
	vm13 =	vmmov vm15;
	s17 =	simm.s32 $0x2780;
	s3 =	simm.s32 $0x2580;
	s7 =	sadd.s32 $0x0, s2  }
.LBB2_21:
0xe9: {  	[tilespmem:s3], [sflag:$0x1] =	stream.linear.gather [hbm4b:s7+s5], $0x80, $0x38;
	[tilespmem:$0x1A480] =	vst v63  }
0xea: {  	s7 =	smov.u32 s4;
	s3 =	smov.u32 s17;
	p0 =	seq.s32 s4, $0x1F80  }
.Ltmp15:
0xeb: {  	s4 =	sadd.s32 $0x80, s4;
	(pc) =	sbr.rel @!p0 .LBB2_21-.Ltmp15, $2  }
0xec: {  	_ =	sdelay $0x2  }
0xed: {  	s17 =	sadd.s32 $0x200, s17;
	s7 =	sadd.s32 s7, s2  }
0xee: {  	v10 =	vld [tilespmem:$0x1FFF0];
	_ =	sdelay $0x4  }
0xef: {  	[tilespmem:s3], [sflag:$0x1] =	stream.linear.gather [hbm4b:s7+s5], $0x80, $0x38;
	vm14 =	vcmask $0x373C;
	vm15 =	vnez.u8 v10;
	[tilespmem:$0x1A480] =	vst v63  }
.LBB2_26:
0xf0: {  	v10 =	vsel vm3, $0x80000000, v9  }
0xf1: {  	v10 =	vxor.u32 $0x80000000, v10  }
0xf2: {  	(xrf0) =	vmax.scan.msk.u32 $0xffff, v10;
	_ =	sdelay $0x5  }
0xf3: {  	v10, _, _ =	vpop (xrf0)  }
0xf4: {  	(v2sf) =	vpush v10, $0xF;
	_ =	sdelay $0xe  }
0xf5: {  	s2 =	spop (v2sf)  }
0xf6: {  	p0 =	sgt.s32 s2, $0xFFFFFFFF  }
.Ltmp16:
0xf7: {  	_ = 	snop;
	(pc) =	sbr.rel @!p0 .LBB2_27-.Ltmp16, $1  }
0xf8: {  	_ =	sdelay $0x3  }
0xf9: {  	v10 =	vsel vm3, $0x80000000, v8  }
0xfa: {  	v10 =	vxor.u32 $0x80000000, v10  }
0xfb: {  	(xrf0) =	vmax.scan.msk.u32 $0xffff, v10;
	_ =	sdelay $0x5  }
0xfc: {  	v10, _, _ =	vpop (xrf0)  }
0xfd: {  	(v2sf) =	vpush v10, $0xF;
	_ =	sdelay $0xe  }
0xfe: {  	s2 =	spop (v2sf)  }
0xff: {  	s3 =	sshll.u32 s2, $0xD;
	s2 =	sshll.u32 s2, $0x7  }
0x100: {  	s3 =	sand.u32 $0xFFFF0000, s3;
	s2 =	sand.u32 $0x380, s2  }
0x101: {  	s2 =	sor.u32 s2, s3  }
0x102: {  	s2 =	sshrl.u32 s2, $0x3  }
0x103: {  	s4 =	simm.s32 $0x80;
	s2 =	sadd.s32 s0, s2  }
0x104: {  	s17 =	simm.s32 $0x2800;
	s3 =	simm.s32 $0x2600;
	s7 =	sadd.s32 $0x0, s2  }
.LBB2_31:
0x105: {  	[tilespmem:s3], [sflag:$0x1] =	stream.linear.gather [hbm4b:s7+s5], $0x80, $0x38;
	[tilespmem:$0x1A480] =	vst v63  }
0x106: {  	s7 =	smov.u32 s4;
	s3 =	smov.u32 s17;
	p0 =	sne.s32 s4, $0x1F80  }
.Ltmp17:
0x107: {  	s4 =	sadd.s32 $0x80, s4;
	(pc) =	sbr.rel @p0 .LBB2_31-.Ltmp17, $2  }
0x108: {  	_ =	sdelay $0x2  }
0x109: {  	s17 =	sadd.s32 $0x200, s17;
	s7 =	sadd.s32 s7, s2  }
.Ltmp18:
0x10a: {  	(pc) =	sbr.rel .LBB2_33-.Ltmp18, $2  }
0x10b: {  	_ =	sdelay $0x2  }
0x10c: {  	[tilespmem:s3], [sflag:$0x1] =	stream.linear.gather [hbm4b:s7+s5], $0x80, $0x38;
	[tilespmem:$0x1A480] =	vst v63  }
.LBB2_27:
0x10d: {  	s3 =	sshll.u32 s2, $0xD;
	s17 =	sshll.u32 s2, $0x7  }
0x10e: {  	s3 =	sand.u32 $0xFFFF0000, s3;
	s2 =	sand.u32 $0x380, s17  }
0x10f: {  	s2 =	sor.u32 s2, s3  }
0x110: {  	s2 =	sshrl.u32 s2, $0x3  }
0x111: {  	s4 =	simm.s32 $0x80;
	s2 =	sadd.s32 s1, s2  }
0x112: {  	s17 =	simm.s32 $0x2800;
	s3 =	simm.s32 $0x2600;
	s7 =	sadd.s32 $0x0, s2  }
.LBB2_28:
0x113: {  	[tilespmem:s3], [sflag:$0x1] =	stream.linear.gather [hbm4b:s7+s5], $0x80, $0x38;
	[tilespmem:$0x1A480] =	vst v63  }
0x114: {  	s7 =	smov.u32 s4;
	s3 =	smov.u32 s17;
	p0 =	seq.s32 s4, $0x1F80  }
.Ltmp19:
0x115: {  	s4 =	sadd.s32 $0x80, s4;
	(pc) =	sbr.rel @!p0 .LBB2_28-.Ltmp19, $2  }
0x116: {  	_ =	sdelay $0x2  }
0x117: {  	s17 =	sadd.s32 $0x200, s17;
	s7 =	sadd.s32 s7, s2  }
0x118: {  	[tilespmem:s3], [sflag:$0x1] =	stream.linear.gather [hbm4b:s7+s5], $0x80, $0x38;
	[tilespmem:$0x1A480] =	vst v63  }
.LBB2_33:
0x119: {  	v10 =	vsel vm4, $0x80000000, v9  }
0x11a: {  	v10 =	vxor.u32 $0x80000000, v10  }
0x11b: {  	(xrf0) =	vmax.scan.msk.u32 $0xffff, v10;
	_ =	sdelay $0x5  }
0x11c: {  	v10, _, _ =	vpop (xrf0)  }
0x11d: {  	(v2sf) =	vpush v10, $0xF;
	_ =	sdelay $0xe  }
0x11e: {  	s2 =	spop (v2sf)  }
0x11f: {  	p0 =	sgt.s32 s2, $0xFFFFFFFF  }
.Ltmp20:
0x120: {  	_ = 	snop;
	(pc) =	sbr.rel @!p0 .LBB2_34-.Ltmp20, $1  }
0x121: {  	_ =	sdelay $0x3  }
0x122: {  	v10 =	vsel vm4, $0x80000000, v8  }
0x123: {  	v10 =	vxor.u32 $0x80000000, v10  }
0x124: {  	(xrf0) =	vmax.scan.msk.u32 $0xffff, v10;
	_ =	sdelay $0x5  }
0x125: {  	v10, _, _ =	vpop (xrf0)  }
0x126: {  	(v2sf) =	vpush v10, $0xF;
	_ =	sdelay $0xe  }
0x127: {  	s2 =	spop (v2sf)  }
0x128: {  	s3 =	sshll.u32 s2, $0xD;
	s2 =	sshll.u32 s2, $0x7  }
0x129: {  	s3 =	sand.u32 $0xFFFF0000, s3;
	s2 =	sand.u32 $0x380, s2  }
0x12a: {  	s2 =	sor.u32 s2, s3  }
0x12b: {  	s2 =	sshrl.u32 s2, $0x3  }
0x12c: {  	s4 =	simm.s32 $0x80;
	s2 =	sadd.s32 s0, s2  }
0x12d: {  	s17 =	simm.s32 $0xA680;
	s3 =	simm.s32 $0xA480;
	s7 =	sadd.s32 $0x0, s2  }
.LBB2_38:
0x12e: {  	[tilespmem:s3], [sflag:$0x2] =	stream.linear.gather [hbm4b:s7+s5], $0x80, $0x38;
	[tilespmem:$0x1A480] =	vst v63  }
0x12f: {  	s7 =	smov.u32 s4;
	s3 =	smov.u32 s17;
	p0 =	sne.s32 s4, $0x1F80  }
.Ltmp21:
0x130: {  	s4 =	sadd.s32 $0x80, s4;
	(pc) =	sbr.rel @p0 .LBB2_38-.Ltmp21, $2  }
0x131: {  	_ =	sdelay $0x2  }
0x132: {  	s17 =	sadd.s32 $0x200, s17;
	s7 =	sadd.s32 s7, s2  }
.Ltmp22:
0x133: {  	(pc) =	sbr.rel .LBB2_40-.Ltmp22, $2  }
0x134: {  	_ =	sdelay $0x2  }
0x135: {  	[tilespmem:s3], [sflag:$0x2] =	stream.linear.gather [hbm4b:s7+s5], $0x80, $0x38;
	[tilespmem:$0x1A480] =	vst v63  }
.LBB2_34:
0x136: {  	s3 =	sshll.u32 s2, $0xD;
	s17 =	sshll.u32 s2, $0x7  }
0x137: {  	s3 =	sand.u32 $0xFFFF0000, s3;
	s2 =	sand.u32 $0x380, s17  }
0x138: {  	s2 =	sor.u32 s2, s3  }
0x139: {  	s2 =	sshrl.u32 s2, $0x3  }
0x13a: {  	s4 =	simm.s32 $0x80;
	s2 =	sadd.s32 s1, s2  }
0x13b: {  	s17 =	simm.s32 $0xA680;
	s3 =	simm.s32 $0xA480;
	s7 =	sadd.s32 $0x0, s2  }
.LBB2_35:
0x13c: {  	[tilespmem:s3], [sflag:$0x2] =	stream.linear.gather [hbm4b:s7+s5], $0x80, $0x38;
	[tilespmem:$0x1A480] =	vst v63  }
0x13d: {  	s7 =	smov.u32 s4;
	s3 =	smov.u32 s17;
	p0 =	seq.s32 s4, $0x1F80  }
.Ltmp23:
0x13e: {  	s4 =	sadd.s32 $0x80, s4;
	(pc) =	sbr.rel @!p0 .LBB2_35-.Ltmp23, $2  }
0x13f: {  	_ =	sdelay $0x2  }
0x140: {  	s17 =	sadd.s32 $0x200, s17;
	s7 =	sadd.s32 s7, s2  }
0x141: {  	[tilespmem:s3], [sflag:$0x2] =	stream.linear.gather [hbm4b:s7+s5], $0x80, $0x38;
	[tilespmem:$0x1A480] =	vst v63  }
.LBB2_40:
0x142: {  	v10 =	vsel vm5, $0x80000000, v9  }
0x143: {  	v10 =	vxor.u32 $0x80000000, v10  }
0x144: {  	(xrf0) =	vmax.scan.msk.u32 $0xffff, v10;
	_ =	sdelay $0x5  }
0x145: {  	v10, _, _ =	vpop (xrf0)  }
0x146: {  	(v2sf) =	vpush v10, $0xF;
	_ =	sdelay $0xe  }
0x147: {  	s2 =	spop (v2sf)  }
0x148: {  	p0 =	sgt.s32 s2, $0xFFFFFFFF  }
.Ltmp24:
0x149: {  	_ = 	snop;
	(pc) =	sbr.rel @!p0 .LBB2_41-.Ltmp24, $1  }
0x14a: {  	_ =	sdelay $0x3  }
0x14b: {  	v10 =	vsel vm5, $0x80000000, v8  }
0x14c: {  	v10 =	vxor.u32 $0x80000000, v10  }
0x14d: {  	(xrf0) =	vmax.scan.msk.u32 $0xffff, v10;
	_ =	sdelay $0x5  }
0x14e: {  	v10, _, _ =	vpop (xrf0)  }
0x14f: {  	(v2sf) =	vpush v10, $0xF;
	_ =	sdelay $0xe  }
0x150: {  	s2 =	spop (v2sf)  }
0x151: {  	s3 =	sshll.u32 s2, $0xD;
	s2 =	sshll.u32 s2, $0x7  }
0x152: {  	s3 =	sand.u32 $0xFFFF0000, s3;
	s2 =	sand.u32 $0x380, s2  }
0x153: {  	s2 =	sor.u32 s2, s3  }
0x154: {  	s2 =	sshrl.u32 s2, $0x3  }
0x155: {  	s4 =	simm.s32 $0x80;
	s2 =	sadd.s32 s0, s2  }
0x156: {  	s17 =	simm.s32 $0xA700;
	s3 =	simm.s32 $0xA500;
	s7 =	sadd.s32 $0x0, s2  }
.LBB2_45:
0x157: {  	[tilespmem:s3], [sflag:$0x2] =	stream.linear.gather [hbm4b:s7+s5], $0x80, $0x38;
	[tilespmem:$0x1A480] =	vst v63  }
0x158: {  	s7 =	smov.u32 s4;
	s3 =	smov.u32 s17;
	p0 =	sne.s32 s4, $0x1F80  }
.Ltmp25:
0x159: {  	s4 =	sadd.s32 $0x80, s4;
	(pc) =	sbr.rel @p0 .LBB2_45-.Ltmp25, $2  }
0x15a: {  	_ =	sdelay $0x2  }
0x15b: {  	s17 =	sadd.s32 $0x200, s17;
	s7 =	sadd.s32 s7, s2  }
.Ltmp26:
0x15c: {  	(pc) =	sbr.rel .LBB2_47-.Ltmp26, $2  }
0x15d: {  	_ =	sdelay $0x2  }
0x15e: {  	[tilespmem:s3], [sflag:$0x2] =	stream.linear.gather [hbm4b:s7+s5], $0x80, $0x38;
	[tilespmem:$0x1A480] =	vst v63  }
.LBB2_41:
0x15f: {  	s3 =	sshll.u32 s2, $0xD;
	s17 =	sshll.u32 s2, $0x7  }
0x160: {  	s3 =	sand.u32 $0xFFFF0000, s3;
	s2 =	sand.u32 $0x380, s17  }
0x161: {  	s2 =	sor.u32 s2, s3  }
0x162: {  	s2 =	sshrl.u32 s2, $0x3  }
0x163: {  	s4 =	simm.s32 $0x80;
	s2 =	sadd.s32 s1, s2  }
0x164: {  	s17 =	simm.s32 $0xA700;
	s3 =	simm.s32 $0xA500;
	s7 =	sadd.s32 $0x0, s2  }
.LBB2_42:
0x165: {  	[tilespmem:s3], [sflag:$0x2] =	stream.linear.gather [hbm4b:s7+s5], $0x80, $0x38;
	[tilespmem:$0x1A480] =	vst v63  }
0x166: {  	s7 =	smov.u32 s4;
	s3 =	smov.u32 s17;
	p0 =	seq.s32 s4, $0x1F80  }
.Ltmp27:
0x167: {  	s4 =	sadd.s32 $0x80, s4;
	(pc) =	sbr.rel @!p0 .LBB2_42-.Ltmp27, $2  }
0x168: {  	_ =	sdelay $0x2  }
0x169: {  	s17 =	sadd.s32 $0x200, s17;
	s7 =	sadd.s32 s7, s2  }
0x16a: {  	[tilespmem:s3], [sflag:$0x2] =	stream.linear.gather [hbm4b:s7+s5], $0x80, $0x38;
	[tilespmem:$0x1A480] =	vst v63  }
.LBB2_47:
0x16b: {  	v10 =	vsel vm6, $0x80000000, v9  }
0x16c: {  	v10 =	vxor.u32 $0x80000000, v10  }
0x16d: {  	(xrf0) =	vmax.scan.msk.u32 $0xffff, v10;
	_ =	sdelay $0x5  }
0x16e: {  	v10, _, _ =	vpop (xrf0)  }
0x16f: {  	(v2sf) =	vpush v10, $0xF;
	_ =	sdelay $0xe  }
0x170: {  	s2 =	spop (v2sf)  }
0x171: {  	p0 =	sgt.s32 s2, $0xFFFFFFFF  }
.Ltmp28:
0x172: {  	_ = 	snop;
	(pc) =	sbr.rel @!p0 .LBB2_48-.Ltmp28, $1  }
0x173: {  	_ =	sdelay $0x3  }
0x174: {  	v10 =	vsel vm6, $0x80000000, v8  }
0x175: {  	v10 =	vxor.u32 $0x80000000, v10  }
0x176: {  	(xrf0) =	vmax.scan.msk.u32 $0xffff, v10;
	_ =	sdelay $0x5  }
0x177: {  	v10, _, _ =	vpop (xrf0)  }
0x178: {  	(v2sf) =	vpush v10, $0xF;
	_ =	sdelay $0xe  }
0x179: {  	s2 =	spop (v2sf)  }
0x17a: {  	s3 =	sshll.u32 s2, $0xD;
	s2 =	sshll.u32 s2, $0x7  }
0x17b: {  	s3 =	sand.u32 $0xFFFF0000, s3;
	s2 =	sand.u32 $0x380, s2  }
0x17c: {  	s2 =	sor.u32 s2, s3  }
0x17d: {  	s2 =	sshrl.u32 s2, $0x3  }
0x17e: {  	s4 =	simm.s32 $0x80;
	s2 =	sadd.s32 s0, s2  }
0x17f: {  	s17 =	simm.s32 $0xA780;
	s3 =	simm.s32 $0xA580;
	s7 =	sadd.s32 $0x0, s2  }
.LBB2_52:
0x180: {  	[tilespmem:s3], [sflag:$0x2] =	stream.linear.gather [hbm4b:s7+s5], $0x80, $0x38;
	[tilespmem:$0x1A480] =	vst v63  }
0x181: {  	s7 =	smov.u32 s4;
	s3 =	smov.u32 s17;
	p0 =	sne.s32 s4, $0x1F80  }
.Ltmp29:
0x182: {  	s4 =	sadd.s32 $0x80, s4;
	(pc) =	sbr.rel @p0 .LBB2_52-.Ltmp29, $2  }
0x183: {  	_ =	sdelay $0x2  }
0x184: {  	s17 =	sadd.s32 $0x200, s17;
	s7 =	sadd.s32 s7, s2  }
.Ltmp30:
0x185: {  	(pc) =	sbr.rel .LBB2_54-.Ltmp30, $2  }
0x186: {  	_ =	sdelay $0x2  }
0x187: {  	[tilespmem:s3], [sflag:$0x2] =	stream.linear.gather [hbm4b:s7+s5], $0x80, $0x38;
	[tilespmem:$0x1A480] =	vst v63  }
.LBB2_48:
0x188: {  	s3 =	sshll.u32 s2, $0xD;
	s17 =	sshll.u32 s2, $0x7  }
0x189: {  	s3 =	sand.u32 $0xFFFF0000, s3;
	s2 =	sand.u32 $0x380, s17  }
0x18a: {  	s2 =	sor.u32 s2, s3  }
0x18b: {  	s2 =	sshrl.u32 s2, $0x3  }
0x18c: {  	s4 =	simm.s32 $0x80;
	s2 =	sadd.s32 s1, s2  }
0x18d: {  	s17 =	simm.s32 $0xA780;
	s3 =	simm.s32 $0xA580;
	s7 =	sadd.s32 $0x0, s2  }
.LBB2_49:
0x18e: {  	[tilespmem:s3], [sflag:$0x2] =	stream.linear.gather [hbm4b:s7+s5], $0x80, $0x38;
	[tilespmem:$0x1A480] =	vst v63  }
0x18f: {  	s7 =	smov.u32 s4;
	s3 =	smov.u32 s17;
	p0 =	seq.s32 s4, $0x1F80  }
.Ltmp31:
0x190: {  	s4 =	sadd.s32 $0x80, s4;
	(pc) =	sbr.rel @!p0 .LBB2_49-.Ltmp31, $2  }
0x191: {  	_ =	sdelay $0x2  }
0x192: {  	s17 =	sadd.s32 $0x200, s17;
	s7 =	sadd.s32 s7, s2  }
0x193: {  	[tilespmem:s3], [sflag:$0x2] =	stream.linear.gather [hbm4b:s7+s5], $0x80, $0x38;
	[tilespmem:$0x1A480] =	vst v63  }
.LBB2_54:
0x194: {  	v10 =	vsel vm7, $0x80000000, v9  }
0x195: {  	v10 =	vxor.u32 $0x80000000, v10  }
0x196: {  	(xrf0) =	vmax.scan.msk.u32 $0xffff, v10;
	_ =	sdelay $0x5  }
0x197: {  	v10, _, _ =	vpop (xrf0)  }
0x198: {  	(v2sf) =	vpush v10, $0xF;
	_ =	sdelay $0xe  }
0x199: {  	s2 =	spop (v2sf)  }
0x19a: {  	p0 =	sgt.s32 s2, $0xFFFFFFFF  }
.Ltmp32:
0x19b: {  	_ = 	snop;
	(pc) =	sbr.rel @!p0 .LBB2_55-.Ltmp32, $1  }
0x19c: {  	_ =	sdelay $0x3  }
0x19d: {  	v10 =	vsel vm7, $0x80000000, v8  }
0x19e: {  	v10 =	vxor.u32 $0x80000000, v10  }
0x19f: {  	(xrf0) =	vmax.scan.msk.u32 $0xffff, v10;
	_ =	sdelay $0x5  }
0x1a0: {  	v10, _, _ =	vpop (xrf0)  }
0x1a1: {  	(v2sf) =	vpush v10, $0xF;
	_ =	sdelay $0xe  }
0x1a2: {  	s2 =	spop (v2sf)  }
0x1a3: {  	s3 =	sshll.u32 s2, $0xD;
	s2 =	sshll.u32 s2, $0x7  }
0x1a4: {  	s3 =	sand.u32 $0xFFFF0000, s3;
	s2 =	sand.u32 $0x380, s2  }
0x1a5: {  	s2 =	sor.u32 s2, s3  }
0x1a6: {  	s2 =	sshrl.u32 s2, $0x3  }
0x1a7: {  	s4 =	simm.s32 $0x80;
	s2 =	sadd.s32 s0, s2  }
0x1a8: {  	s17 =	simm.s32 $0xA800;
	s3 =	simm.s32 $0xA600;
	s7 =	sadd.s32 $0x0, s2  }
.LBB2_59:
0x1a9: {  	[tilespmem:s3], [sflag:$0x2] =	stream.linear.gather [hbm4b:s7+s5], $0x80, $0x38;
	[tilespmem:$0x1A480] =	vst v63  }
0x1aa: {  	s7 =	smov.u32 s4;
	s3 =	smov.u32 s17;
	p0 =	sne.s32 s4, $0x1F80  }
.Ltmp33:
0x1ab: {  	s4 =	sadd.s32 $0x80, s4;
	(pc) =	sbr.rel @p0 .LBB2_59-.Ltmp33, $2  }
0x1ac: {  	_ =	sdelay $0x2  }
0x1ad: {  	s17 =	sadd.s32 $0x200, s17;
	s7 =	sadd.s32 s7, s2  }
.Ltmp34:
0x1ae: {  	(pc) =	sbr.rel .LBB2_61-.Ltmp34, $2  }
0x1af: {  	_ =	sdelay $0x2  }
0x1b0: {  	[tilespmem:s3], [sflag:$0x2] =	stream.linear.gather [hbm4b:s7+s5], $0x80, $0x38;
	[tilespmem:$0x1A480] =	vst v63  }
.LBB2_55:
0x1b1: {  	s3 =	sshll.u32 s2, $0xD;
	s17 =	sshll.u32 s2, $0x7  }
0x1b2: {  	s3 =	sand.u32 $0xFFFF0000, s3;
	s2 =	sand.u32 $0x380, s17  }
0x1b3: {  	s2 =	sor.u32 s2, s3  }
0x1b4: {  	s2 =	sshrl.u32 s2, $0x3  }
0x1b5: {  	s4 =	simm.s32 $0x80;
	s2 =	sadd.s32 s1, s2  }
0x1b6: {  	s17 =	simm.s32 $0xA800;
	s3 =	simm.s32 $0xA600;
	s7 =	sadd.s32 $0x0, s2  }
.LBB2_56:
0x1b7: {  	[tilespmem:s3], [sflag:$0x2] =	stream.linear.gather [hbm4b:s7+s5], $0x80, $0x38;
	[tilespmem:$0x1A480] =	vst v63  }
0x1b8: {  	s7 =	smov.u32 s4;
	s3 =	smov.u32 s17;
	p0 =	seq.s32 s4, $0x1F80  }
.Ltmp35:
0x1b9: {  	s4 =	sadd.s32 $0x80, s4;
	(pc) =	sbr.rel @!p0 .LBB2_56-.Ltmp35, $2  }
0x1ba: {  	_ =	sdelay $0x2  }
0x1bb: {  	s17 =	sadd.s32 $0x200, s17;
	s7 =	sadd.s32 s7, s2  }
0x1bc: {  	[tilespmem:s3], [sflag:$0x2] =	stream.linear.gather [hbm4b:s7+s5], $0x80, $0x38;
	[tilespmem:$0x1A480] =	vst v63  }
.LBB2_61:
0x1bd: {  	v10 =	vsel vm8, $0x80000000, v9  }
0x1be: {  	v10 =	vxor.u32 $0x80000000, v10  }
0x1bf: {  	(xrf0) =	vmax.scan.msk.u32 $0xffff, v10;
	_ =	sdelay $0x5  }
0x1c0: {  	v10, _, _ =	vpop (xrf0)  }
0x1c1: {  	(v2sf) =	vpush v10, $0xF;
	_ =	sdelay $0xe  }
0x1c2: {  	s2 =	spop (v2sf)  }
0x1c3: {  	p0 =	sgt.s32 s2, $0xFFFFFFFF  }
.Ltmp36:
0x1c4: {  	_ = 	snop;
	(pc) =	sbr.rel @!p0 .LBB2_62-.Ltmp36, $1  }
0x1c5: {  	_ =	sdelay $0x3  }
0x1c6: {  	v10 =	vsel vm8, $0x80000000, v8  }
0x1c7: {  	v10 =	vxor.u32 $0x80000000, v10  }
0x1c8: {  	(xrf0) =	vmax.scan.msk.u32 $0xffff, v10;
	_ =	sdelay $0x5  }
0x1c9: {  	v10, _, _ =	vpop (xrf0)  }
0x1ca: {  	(v2sf) =	vpush v10, $0xF;
	_ =	sdelay $0xe  }
0x1cb: {  	s2 =	spop (v2sf)  }
0x1cc: {  	s3 =	sshll.u32 s2, $0xD;
	s2 =	sshll.u32 s2, $0x7  }
0x1cd: {  	s3 =	sand.u32 $0xFFFF0000, s3;
	s2 =	sand.u32 $0x380, s2  }
0x1ce: {  	s2 =	sor.u32 s2, s3  }
0x1cf: {  	s2 =	sshrl.u32 s2, $0x3  }
0x1d0: {  	s4 =	simm.s32 $0x80;
	s2 =	sadd.s32 s0, s2  }
0x1d1: {  	s17 =	simm.s32 $0x12680;
	s3 =	simm.s32 $0x12480;
	s7 =	sadd.s32 $0x0, s2  }
.LBB2_66:
0x1d2: {  	[tilespmem:s3], [sflag:$0x3] =	stream.linear.gather [hbm4b:s7+s5], $0x80, $0x38;
	[tilespmem:$0x1A480] =	vst v63  }
0x1d3: {  	s7 =	smov.u32 s4;
	s3 =	smov.u32 s17;
	p0 =	sne.s32 s4, $0x1F80  }
.Ltmp37:
0x1d4: {  	s4 =	sadd.s32 $0x80, s4;
	(pc) =	sbr.rel @p0 .LBB2_66-.Ltmp37, $2  }
0x1d5: {  	_ =	sdelay $0x2  }
0x1d6: {  	s17 =	sadd.s32 $0x200, s17;
	s7 =	sadd.s32 s7, s2  }
.Ltmp38:
0x1d7: {  	(pc) =	sbr.rel .LBB2_68-.Ltmp38, $2  }
0x1d8: {  	_ =	sdelay $0x2  }
0x1d9: {  	[tilespmem:s3], [sflag:$0x3] =	stream.linear.gather [hbm4b:s7+s5], $0x80, $0x38;
	[tilespmem:$0x1A480] =	vst v63  }
.LBB2_62:
0x1da: {  	s3 =	sshll.u32 s2, $0xD;
	s17 =	sshll.u32 s2, $0x7  }
0x1db: {  	s3 =	sand.u32 $0xFFFF0000, s3;
	s2 =	sand.u32 $0x380, s17  }
0x1dc: {  	s2 =	sor.u32 s2, s3  }
0x1dd: {  	s2 =	sshrl.u32 s2, $0x3  }
0x1de: {  	s4 =	simm.s32 $0x80;
	s2 =	sadd.s32 s1, s2  }
0x1df: {  	s17 =	simm.s32 $0x12680;
	s3 =	simm.s32 $0x12480;
	s7 =	sadd.s32 $0x0, s2  }
.LBB2_63:
0x1e0: {  	[tilespmem:s3], [sflag:$0x3] =	stream.linear.gather [hbm4b:s7+s5], $0x80, $0x38;
	[tilespmem:$0x1A480] =	vst v63  }
0x1e1: {  	s7 =	smov.u32 s4;
	s3 =	smov.u32 s17;
	p0 =	seq.s32 s4, $0x1F80  }
.Ltmp39:
0x1e2: {  	s4 =	sadd.s32 $0x80, s4;
	(pc) =	sbr.rel @!p0 .LBB2_63-.Ltmp39, $2  }
0x1e3: {  	_ =	sdelay $0x2  }
0x1e4: {  	s17 =	sadd.s32 $0x200, s17;
	s7 =	sadd.s32 s7, s2  }
0x1e5: {  	[tilespmem:s3], [sflag:$0x3] =	stream.linear.gather [hbm4b:s7+s5], $0x80, $0x38;
	[tilespmem:$0x1A480] =	vst v63  }
.LBB2_68:
0x1e6: {  	v10 =	vsel vm9, $0x80000000, v9  }
0x1e7: {  	v10 =	vxor.u32 $0x80000000, v10  }
0x1e8: {  	(xrf0) =	vmax.scan.msk.u32 $0xffff, v10;
	_ =	sdelay $0x5  }
0x1e9: {  	v10, _, _ =	vpop (xrf0)  }
0x1ea: {  	(v2sf) =	vpush v10, $0xF;
	_ =	sdelay $0xe  }
0x1eb: {  	s2 =	spop (v2sf)  }
0x1ec: {  	p0 =	sgt.s32 s2, $0xFFFFFFFF  }
.Ltmp40:
0x1ed: {  	_ = 	snop;
	(pc) =	sbr.rel @!p0 .LBB2_69-.Ltmp40, $1  }
0x1ee: {  	_ =	sdelay $0x3  }
0x1ef: {  	v10 =	vsel vm9, $0x80000000, v8  }
0x1f0: {  	v10 =	vxor.u32 $0x80000000, v10  }
0x1f1: {  	(xrf0) =	vmax.scan.msk.u32 $0xffff, v10;
	_ =	sdelay $0x5  }
0x1f2: {  	v10, _, _ =	vpop (xrf0)  }
0x1f3: {  	(v2sf) =	vpush v10, $0xF;
	_ =	sdelay $0xe  }
0x1f4: {  	s2 =	spop (v2sf)  }
0x1f5: {  	s3 =	sshll.u32 s2, $0xD;
	s2 =	sshll.u32 s2, $0x7  }
0x1f6: {  	s3 =	sand.u32 $0xFFFF0000, s3;
	s2 =	sand.u32 $0x380, s2  }
0x1f7: {  	s2 =	sor.u32 s2, s3  }
0x1f8: {  	s2 =	sshrl.u32 s2, $0x3  }
0x1f9: {  	s4 =	simm.s32 $0x80;
	s2 =	sadd.s32 s0, s2  }
0x1fa: {  	s17 =	simm.s32 $0x12700;
	s3 =	simm.s32 $0x12500;
	s7 =	sadd.s32 $0x0, s2  }
.LBB2_73:
0x1fb: {  	[tilespmem:s3], [sflag:$0x3] =	stream.linear.gather [hbm4b:s7+s5], $0x80, $0x38;
	[tilespmem:$0x1A480] =	vst v63  }
0x1fc: {  	s7 =	smov.u32 s4;
	s3 =	smov.u32 s17;
	p0 =	sne.s32 s4, $0x1F80  }
.Ltmp41:
0x1fd: {  	s4 =	sadd.s32 $0x80, s4;
	(pc) =	sbr.rel @p0 .LBB2_73-.Ltmp41, $2  }
0x1fe: {  	_ =	sdelay $0x2  }
0x1ff: {  	s17 =	sadd.s32 $0x200, s17;
	s7 =	sadd.s32 s7, s2  }
.Ltmp42:
0x200: {  	(pc) =	sbr.rel .LBB2_75-.Ltmp42, $2  }
0x201: {  	_ =	sdelay $0x2  }
0x202: {  	[tilespmem:s3], [sflag:$0x3] =	stream.linear.gather [hbm4b:s7+s5], $0x80, $0x38;
	[tilespmem:$0x1A480] =	vst v63  }
.LBB2_69:
0x203: {  	s3 =	sshll.u32 s2, $0xD;
	s17 =	sshll.u32 s2, $0x7  }
0x204: {  	s3 =	sand.u32 $0xFFFF0000, s3;
	s2 =	sand.u32 $0x380, s17  }
0x205: {  	s2 =	sor.u32 s2, s3  }
0x206: {  	s2 =	sshrl.u32 s2, $0x3  }
0x207: {  	s4 =	simm.s32 $0x80;
	s2 =	sadd.s32 s1, s2  }
0x208: {  	s17 =	simm.s32 $0x12700;
	s3 =	simm.s32 $0x12500;
	s7 =	sadd.s32 $0x0, s2  }
.LBB2_70:
0x209: {  	[tilespmem:s3], [sflag:$0x3] =	stream.linear.gather [hbm4b:s7+s5], $0x80, $0x38;
	[tilespmem:$0x1A480] =	vst v63  }
0x20a: {  	s7 =	smov.u32 s4;
	s3 =	smov.u32 s17;
	p0 =	seq.s32 s4, $0x1F80  }
.Ltmp43:
0x20b: {  	s4 =	sadd.s32 $0x80, s4;
	(pc) =	sbr.rel @!p0 .LBB2_70-.Ltmp43, $2  }
0x20c: {  	_ =	sdelay $0x2  }
0x20d: {  	s17 =	sadd.s32 $0x200, s17;
	s7 =	sadd.s32 s7, s2  }
0x20e: {  	[tilespmem:s3], [sflag:$0x3] =	stream.linear.gather [hbm4b:s7+s5], $0x80, $0x38;
	[tilespmem:$0x1A480] =	vst v63  }
.LBB2_75:
0x20f: {  	v10 =	vsel vm10, $0x80000000, v9  }
0x210: {  	v10 =	vxor.u32 $0x80000000, v10  }
0x211: {  	(xrf0) =	vmax.scan.msk.u32 $0xffff, v10;
	_ =	sdelay $0x5  }
0x212: {  	v10, _, _ =	vpop (xrf0)  }
0x213: {  	(v2sf) =	vpush v10, $0xF;
	_ =	sdelay $0xe  }
0x214: {  	s2 =	spop (v2sf)  }
0x215: {  	p0 =	sgt.s32 s2, $0xFFFFFFFF  }
.Ltmp44:
0x216: {  	_ = 	snop;
	(pc) =	sbr.rel @!p0 .LBB2_76-.Ltmp44, $1  }
0x217: {  	_ =	sdelay $0x3  }
0x218: {  	v10 =	vsel vm10, $0x80000000, v8  }
0x219: {  	v10 =	vxor.u32 $0x80000000, v10  }
0x21a: {  	(xrf0) =	vmax.scan.msk.u32 $0xffff, v10;
	_ =	sdelay $0x5  }
0x21b: {  	v10, _, _ =	vpop (xrf0)  }
0x21c: {  	(v2sf) =	vpush v10, $0xF;
	_ =	sdelay $0xe  }
0x21d: {  	s2 =	spop (v2sf)  }
0x21e: {  	s3 =	sshll.u32 s2, $0xD;
	s2 =	sshll.u32 s2, $0x7  }
0x21f: {  	s3 =	sand.u32 $0xFFFF0000, s3;
	s2 =	sand.u32 $0x380, s2  }
0x220: {  	s2 =	sor.u32 s2, s3  }
0x221: {  	s2 =	sshrl.u32 s2, $0x3  }
0x222: {  	s4 =	simm.s32 $0x80;
	s2 =	sadd.s32 s0, s2  }
0x223: {  	s17 =	simm.s32 $0x12780;
	s3 =	simm.s32 $0x12580;
	s7 =	sadd.s32 $0x0, s2  }
.LBB2_80:
0x224: {  	[tilespmem:s3], [sflag:$0x3] =	stream.linear.gather [hbm4b:s7+s5], $0x80, $0x38;
	[tilespmem:$0x1A480] =	vst v63  }
0x225: {  	s7 =	smov.u32 s4;
	s3 =	smov.u32 s17;
	p0 =	sne.s32 s4, $0x1F80  }
.Ltmp45:
0x226: {  	s4 =	sadd.s32 $0x80, s4;
	(pc) =	sbr.rel @p0 .LBB2_80-.Ltmp45, $2  }
0x227: {  	_ =	sdelay $0x2  }
0x228: {  	s17 =	sadd.s32 $0x200, s17;
	s7 =	sadd.s32 s7, s2  }
.Ltmp46:
0x229: {  	(pc) =	sbr.rel .LBB2_82-.Ltmp46, $2  }
0x22a: {  	_ =	sdelay $0x2  }
0x22b: {  	[tilespmem:s3], [sflag:$0x3] =	stream.linear.gather [hbm4b:s7+s5], $0x80, $0x38;
	[tilespmem:$0x1A480] =	vst v63  }
.LBB2_76:
0x22c: {  	s3 =	sshll.u32 s2, $0xD;
	s17 =	sshll.u32 s2, $0x7  }
0x22d: {  	s3 =	sand.u32 $0xFFFF0000, s3;
	s2 =	sand.u32 $0x380, s17  }
0x22e: {  	s2 =	sor.u32 s2, s3  }
0x22f: {  	s2 =	sshrl.u32 s2, $0x3  }
0x230: {  	s4 =	simm.s32 $0x80;
	s2 =	sadd.s32 s1, s2  }
0x231: {  	s17 =	simm.s32 $0x12780;
	s3 =	simm.s32 $0x12580;
	s7 =	sadd.s32 $0x0, s2  }
.LBB2_77:
0x232: {  	[tilespmem:s3], [sflag:$0x3] =	stream.linear.gather [hbm4b:s7+s5], $0x80, $0x38;
	[tilespmem:$0x1A480] =	vst v63  }
0x233: {  	s7 =	smov.u32 s4;
	s3 =	smov.u32 s17;
	p0 =	seq.s32 s4, $0x1F80  }
.Ltmp47:
0x234: {  	s4 =	sadd.s32 $0x80, s4;
	(pc) =	sbr.rel @!p0 .LBB2_77-.Ltmp47, $2  }
0x235: {  	_ =	sdelay $0x2  }
0x236: {  	s17 =	sadd.s32 $0x200, s17;
	s7 =	sadd.s32 s7, s2  }
0x237: {  	[tilespmem:s3], [sflag:$0x3] =	stream.linear.gather [hbm4b:s7+s5], $0x80, $0x38;
	[tilespmem:$0x1A480] =	vst v63  }
.LBB2_82:
0x238: {  	v10 =	vsel vm11, $0x80000000, v9  }
0x239: {  	v10 =	vxor.u32 $0x80000000, v10  }
0x23a: {  	(xrf0) =	vmax.scan.msk.u32 $0xffff, v10;
	_ =	sdelay $0x5  }
0x23b: {  	v10, _, _ =	vpop (xrf0)  }
0x23c: {  	(v2sf) =	vpush v10, $0xF;
	_ =	sdelay $0xe  }
0x23d: {  	s2 =	spop (v2sf)  }
0x23e: {  	p0 =	sgt.s32 s2, $0xFFFFFFFF  }
.Ltmp48:
0x23f: {  	_ = 	snop;
	(pc) =	sbr.rel @!p0 .LBB2_83-.Ltmp48, $1  }
0x240: {  	_ =	sdelay $0x3  }
0x241: {  	v10 =	vsel vm11, $0x80000000, v8  }
0x242: {  	v10 =	vxor.u32 $0x80000000, v10  }
0x243: {  	(xrf0) =	vmax.scan.msk.u32 $0xffff, v10;
	_ =	sdelay $0x5  }
0x244: {  	v10, _, _ =	vpop (xrf0)  }
0x245: {  	(v2sf) =	vpush v10, $0xF;
	_ =	sdelay $0xe  }
0x246: {  	s2 =	spop (v2sf)  }
0x247: {  	s3 =	sshll.u32 s2, $0xD;
	s2 =	sshll.u32 s2, $0x7  }
0x248: {  	s3 =	sand.u32 $0xFFFF0000, s3;
	s2 =	sand.u32 $0x380, s2  }
0x249: {  	s2 =	sor.u32 s2, s3  }
0x24a: {  	s2 =	sshrl.u32 s2, $0x3  }
0x24b: {  	s4 =	simm.s32 $0x80;
	s2 =	sadd.s32 s0, s2  }
0x24c: {  	s17 =	simm.s32 $0x12800;
	s3 =	simm.s32 $0x12600;
	s7 =	sadd.s32 $0x0, s2  }
.LBB2_87:
0x24d: {  	[tilespmem:s3], [sflag:$0x3] =	stream.linear.gather [hbm4b:s7+s5], $0x80, $0x38;
	[tilespmem:$0x1A480] =	vst v63  }
0x24e: {  	s7 =	smov.u32 s4;
	s3 =	smov.u32 s17;
	p0 =	sne.s32 s4, $0x1F80  }
.Ltmp49:
0x24f: {  	s4 =	sadd.s32 $0x80, s4;
	(pc) =	sbr.rel @p0 .LBB2_87-.Ltmp49, $2  }
0x250: {  	_ =	sdelay $0x2  }
0x251: {  	s17 =	sadd.s32 $0x200, s17;
	s7 =	sadd.s32 s7, s2  }
.Ltmp50:
0x252: {  	(pc) =	sbr.rel .LBB2_89-.Ltmp50, $2  }
0x253: {  	_ =	sdelay $0x2  }
0x254: {  	[tilespmem:s3], [sflag:$0x3] =	stream.linear.gather [hbm4b:s7+s5], $0x80, $0x38;
	[tilespmem:$0x1A480] =	vst v63  }
.LBB2_83:
0x255: {  	s3 =	sshll.u32 s2, $0xD;
	s17 =	sshll.u32 s2, $0x7  }
0x256: {  	s3 =	sand.u32 $0xFFFF0000, s3;
	s2 =	sand.u32 $0x380, s17  }
0x257: {  	s2 =	sor.u32 s2, s3  }
0x258: {  	s2 =	sshrl.u32 s2, $0x3  }
0x259: {  	s4 =	simm.s32 $0x80;
	s2 =	sadd.s32 s1, s2  }
0x25a: {  	s17 =	simm.s32 $0x12800;
	s3 =	simm.s32 $0x12600;
	s7 =	sadd.s32 $0x0, s2  }
.LBB2_84:
0x25b: {  	[tilespmem:s3], [sflag:$0x3] =	stream.linear.gather [hbm4b:s7+s5], $0x80, $0x38;
	[tilespmem:$0x1A480] =	vst v63  }
0x25c: {  	s7 =	smov.u32 s4;
	s3 =	smov.u32 s17;
	p0 =	seq.s32 s4, $0x1F80  }
.Ltmp51:
0x25d: {  	s4 =	sadd.s32 $0x80, s4;
	(pc) =	sbr.rel @!p0 .LBB2_84-.Ltmp51, $2  }
0x25e: {  	_ =	sdelay $0x2  }
0x25f: {  	s17 =	sadd.s32 $0x200, s17;
	s7 =	sadd.s32 s7, s2  }
0x260: {  	[tilespmem:s3], [sflag:$0x3] =	stream.linear.gather [hbm4b:s7+s5], $0x80, $0x38;
	[tilespmem:$0x1A480] =	vst v63  }
.LBB2_89:
0x261: {  	_ =	swait.ge [sflag:s19], $0x8000  }
0x262: {  	[sflag:s19] =	ssyncset.done $0x0  }
0x263: {  	[sflag:s19] =	ssyncadd.s32 $0xFFFF8000  }
0x264: {  	v10 =	vsel vm12, $0x80000000, v9;
	[hbm4b:s6+s20] =	stream.strided.scatter [tilespmem:s22], [sflag:$0x4], $0x8000, s21, s20, $0x38;
	[tilespmem:$0x1A480] =	vst v63  }
0x265: {  	v10 =	vxor.u32 $0x80000000, v10;
	_ =	swait.ge [sflag:s23], $0x8000  }
0x266: {  	(xrf0) =	vmax.scan.msk.u32 $0xffff, v10;
	_ =	sdelay $0x5  }
0x267: {  	v10, _, _ =	vpop (xrf0)  }
0x268: {  	(v2sf) =	vpush v10, $0xF;
	_ =	sdelay $0xe  }
0x269: {  	s2 =	spop (v2sf)  }
0x26a: {  	p0 =	sgt.s32 s2, $0xFFFFFFFF  }
.Ltmp52:
0x26b: {  	_ = 	snop;
	(pc) =	sbr.rel @!p0 .LBB2_90-.Ltmp52, $3  }
0x26c: {  	_ =	sdelay $0x1  }
0x26d: {  	[sflag:s23] =	ssyncset.done $0x0  }
0x26e: {  	[sflag:s23] =	ssyncadd.s32 $0xFFFF8000  }
0x26f: {  	v10 =	vsel vm12, $0x80000000, v8  }
0x270: {  	v10 =	vxor.u32 $0x80000000, v10  }
0x271: {  	(xrf0) =	vmax.scan.msk.u32 $0xffff, v10;
	_ =	sdelay $0x5  }
0x272: {  	v10, _, _ =	vpop (xrf0)  }
0x273: {  	(v2sf) =	vpush v10, $0xF;
	_ =	sdelay $0xe  }
0x274: {  	s2 =	spop (v2sf)  }
0x275: {  	s3 =	sshll.u32 s2, $0xD;
	s2 =	sshll.u32 s2, $0x7  }
0x276: {  	s3 =	sand.u32 $0xFFFF0000, s3;
	s2 =	sand.u32 $0x380, s2  }
0x277: {  	s2 =	sor.u32 s2, s3  }
0x278: {  	s2 =	sshrl.u32 s2, $0x3  }
0x279: {  	s4 =	simm.s32 $0x80;
	s2 =	sadd.s32 s0, s2  }
0x27a: {  	s17 =	simm.s32 $0x2680;
	s3 =	simm.s32 $0x2480;
	s7 =	sadd.s32 $0x0, s2  }
.LBB2_94:
0x27b: {  	[tilespmem:s3], [sflag:$0x1] =	stream.linear.gather [hbm4b:s7+s5], $0x80, $0x38;
	[tilespmem:$0x1A480] =	vst v63  }
0x27c: {  	s7 =	smov.u32 s4;
	s3 =	smov.u32 s17;
	p0 =	sne.s32 s4, $0x1F80  }
.Ltmp53:
0x27d: {  	s4 =	sadd.s32 $0x80, s4;
	(pc) =	sbr.rel @p0 .LBB2_94-.Ltmp53, $2  }
0x27e: {  	_ =	sdelay $0x2  }
0x27f: {  	s17 =	sadd.s32 $0x200, s17;
	s7 =	sadd.s32 s7, s2  }
.Ltmp54:
0x280: {  	(pc) =	sbr.rel .LBB2_96-.Ltmp54, $2  }
0x281: {  	_ =	sdelay $0x2  }
0x282: {  	[tilespmem:s3], [sflag:$0x1] =	stream.linear.gather [hbm4b:s7+s5], $0x80, $0x38;
	[tilespmem:$0x1A480] =	vst v63  }
.LBB2_90:
0x283: {  	s3 =	sshll.u32 s2, $0xD;
	s17 =	sshll.u32 s2, $0x7  }
0x284: {  	s3 =	sand.u32 $0xFFFF0000, s3;
	s2 =	sand.u32 $0x380, s17  }
0x285: {  	s2 =	sor.u32 s2, s3  }
0x286: {  	s2 =	sshrl.u32 s2, $0x3  }
0x287: {  	s4 =	simm.s32 $0x80;
	s2 =	sadd.s32 s1, s2  }
0x288: {  	s17 =	simm.s32 $0x2680;
	s3 =	simm.s32 $0x2480;
	s7 =	sadd.s32 $0x0, s2  }
.LBB2_91:
0x289: {  	[tilespmem:s3], [sflag:$0x1] =	stream.linear.gather [hbm4b:s7+s5], $0x80, $0x38;
	[tilespmem:$0x1A480] =	vst v63  }
0x28a: {  	s7 =	smov.u32 s4;
	s3 =	smov.u32 s17;
	p0 =	seq.s32 s4, $0x1F80  }
.Ltmp55:
0x28b: {  	s4 =	sadd.s32 $0x80, s4;
	(pc) =	sbr.rel @!p0 .LBB2_91-.Ltmp55, $2  }
0x28c: {  	_ =	sdelay $0x2  }
0x28d: {  	s17 =	sadd.s32 $0x200, s17;
	s7 =	sadd.s32 s7, s2  }
0x28e: {  	[tilespmem:s3], [sflag:$0x1] =	stream.linear.gather [hbm4b:s7+s5], $0x80, $0x38;
	[tilespmem:$0x1A480] =	vst v63  }
.LBB2_96:
0x28f: {  	v10 =	vsel vm13, $0x80000000, v9  }
0x290: {  	v10 =	vxor.u32 $0x80000000, v10  }
0x291: {  	(xrf0) =	vmax.scan.msk.u32 $0xffff, v10;
	_ =	sdelay $0x5  }
0x292: {  	v10, _, _ =	vpop (xrf0)  }
0x293: {  	(v2sf) =	vpush v10, $0xF;
	_ =	sdelay $0xe  }
0x294: {  	s2 =	spop (v2sf)  }
0x295: {  	p0 =	sgt.s32 s2, $0xFFFFFFFF  }
.Ltmp56:
0x296: {  	_ = 	snop;
	(pc) =	sbr.rel @!p0 .LBB2_97-.Ltmp56, $1  }
0x297: {  	_ =	sdelay $0x3  }
0x298: {  	v10 =	vsel vm13, $0x80000000, v8  }
0x299: {  	v10 =	vxor.u32 $0x80000000, v10  }
0x29a: {  	(xrf0) =	vmax.scan.msk.u32 $0xffff, v10;
	_ =	sdelay $0x5  }
0x29b: {  	v10, _, _ =	vpop (xrf0)  }
0x29c: {  	(v2sf) =	vpush v10, $0xF;
	_ =	sdelay $0xe  }
0x29d: {  	s2 =	spop (v2sf)  }
0x29e: {  	s3 =	sshll.u32 s2, $0xD;
	s2 =	sshll.u32 s2, $0x7  }
0x29f: {  	s3 =	sand.u32 $0xFFFF0000, s3;
	s2 =	sand.u32 $0x380, s2  }
0x2a0: {  	s2 =	sor.u32 s2, s3  }
0x2a1: {  	s2 =	sshrl.u32 s2, $0x3  }
0x2a2: {  	s4 =	simm.s32 $0x80;
	s2 =	sadd.s32 s0, s2  }
0x2a3: {  	s17 =	simm.s32 $0x2700;
	s3 =	simm.s32 $0x2500;
	s7 =	sadd.s32 $0x0, s2  }
.LBB2_101:
0x2a4: {  	[tilespmem:s3], [sflag:$0x1] =	stream.linear.gather [hbm4b:s7+s5], $0x80, $0x38;
	[tilespmem:$0x1A480] =	vst v63  }
0x2a5: {  	s7 =	smov.u32 s4;
	s3 =	smov.u32 s17;
	p0 =	sne.s32 s4, $0x1F80  }
.Ltmp57:
0x2a6: {  	s4 =	sadd.s32 $0x80, s4;
	(pc) =	sbr.rel @p0 .LBB2_101-.Ltmp57, $2  }
0x2a7: {  	_ =	sdelay $0x2  }
0x2a8: {  	s17 =	sadd.s32 $0x200, s17;
	s7 =	sadd.s32 s7, s2  }
.Ltmp58:
0x2a9: {  	(pc) =	sbr.rel .LBB2_103-.Ltmp58, $2  }
0x2aa: {  	_ =	sdelay $0x2  }
0x2ab: {  	[tilespmem:s3], [sflag:$0x1] =	stream.linear.gather [hbm4b:s7+s5], $0x80, $0x38;
	[tilespmem:$0x1A480] =	vst v63  }
.LBB2_97:
0x2ac: {  	s3 =	sshll.u32 s2, $0xD;
	s17 =	sshll.u32 s2, $0x7  }
0x2ad: {  	s3 =	sand.u32 $0xFFFF0000, s3;
	s2 =	sand.u32 $0x380, s17  }
0x2ae: {  	s2 =	sor.u32 s2, s3  }
0x2af: {  	s2 =	sshrl.u32 s2, $0x3  }
0x2b0: {  	s4 =	simm.s32 $0x80;
	s2 =	sadd.s32 s1, s2  }
0x2b1: {  	s17 =	simm.s32 $0x2700;
	s3 =	simm.s32 $0x2500;
	s7 =	sadd.s32 $0x0, s2  }
.LBB2_98:
0x2b2: {  	[tilespmem:s3], [sflag:$0x1] =	stream.linear.gather [hbm4b:s7+s5], $0x80, $0x38;
	[tilespmem:$0x1A480] =	vst v63  }
0x2b3: {  	s7 =	smov.u32 s4;
	s3 =	smov.u32 s17;
	p0 =	seq.s32 s4, $0x1F80  }
.Ltmp59:
0x2b4: {  	s4 =	sadd.s32 $0x80, s4;
	(pc) =	sbr.rel @!p0 .LBB2_98-.Ltmp59, $2  }
0x2b5: {  	_ =	sdelay $0x2  }
0x2b6: {  	s17 =	sadd.s32 $0x200, s17;
	s7 =	sadd.s32 s7, s2  }
0x2b7: {  	[tilespmem:s3], [sflag:$0x1] =	stream.linear.gather [hbm4b:s7+s5], $0x80, $0x38;
	[tilespmem:$0x1A480] =	vst v63  }
.LBB2_103:
0x2b8: {  	v10 =	vsel vm14, $0x80000000, v9  }
0x2b9: {  	v10 =	vxor.u32 $0x80000000, v10  }
0x2ba: {  	(xrf0) =	vmax.scan.msk.u32 $0xffff, v10;
	_ =	sdelay $0x5  }
0x2bb: {  	v10, _, _ =	vpop (xrf0)  }
0x2bc: {  	(v2sf) =	vpush v10, $0xF;
	_ =	sdelay $0xe  }
0x2bd: {  	s2 =	spop (v2sf)  }
0x2be: {  	p0 =	sgt.s32 s2, $0xFFFFFFFF  }
.Ltmp60:
0x2bf: {  	_ = 	snop;
	(pc) =	sbr.rel @!p0 .LBB2_104-.Ltmp60, $1  }
0x2c0: {  	_ =	sdelay $0x3  }
0x2c1: {  	v10 =	vsel vm14, $0x80000000, v8  }
0x2c2: {  	v10 =	vxor.u32 $0x80000000, v10  }
0x2c3: {  	(xrf0) =	vmax.scan.msk.u32 $0xffff, v10;
	_ =	sdelay $0x5  }
0x2c4: {  	v10, _, _ =	vpop (xrf0)  }
0x2c5: {  	(v2sf) =	vpush v10, $0xF;
	_ =	sdelay $0xe  }
0x2c6: {  	s2 =	spop (v2sf)  }
0x2c7: {  	s3 =	sshll.u32 s2, $0xD;
	s2 =	sshll.u32 s2, $0x7  }
0x2c8: {  	s3 =	sand.u32 $0xFFFF0000, s3;
	s2 =	sand.u32 $0x380, s2  }
0x2c9: {  	s2 =	sor.u32 s2, s3  }
0x2ca: {  	s2 =	sshrl.u32 s2, $0x3  }
0x2cb: {  	s4 =	simm.s32 $0x80;
	s2 =	sadd.s32 s0, s2  }
0x2cc: {  	s17 =	simm.s32 $0x2780;
	s3 =	simm.s32 $0x2580;
	s7 =	sadd.s32 $0x0, s2  }
.LBB2_108:
0x2cd: {  	[tilespmem:s3], [sflag:$0x1] =	stream.linear.gather [hbm4b:s7+s5], $0x80, $0x38;
	[tilespmem:$0x1A480] =	vst v63  }
0x2ce: {  	s7 =	smov.u32 s4;
	s3 =	smov.u32 s17;
	p0 =	sne.s32 s4, $0x1F80  }
.Ltmp61:
0x2cf: {  	s4 =	sadd.s32 $0x80, s4;
	(pc) =	sbr.rel @p0 .LBB2_108-.Ltmp61, $2  }
0x2d0: {  	_ =	sdelay $0x2  }
0x2d1: {  	s17 =	sadd.s32 $0x200, s17;
	s7 =	sadd.s32 s7, s2  }
.Ltmp62:
0x2d2: {  	(pc) =	sbr.rel .LBB2_110-.Ltmp62, $2  }
0x2d3: {  	_ =	sdelay $0x2  }
0x2d4: {  	[tilespmem:s3], [sflag:$0x1] =	stream.linear.gather [hbm4b:s7+s5], $0x80, $0x38;
	[tilespmem:$0x1A480] =	vst v63  }
.LBB2_104:
0x2d5: {  	s3 =	sshll.u32 s2, $0xD;
	s17 =	sshll.u32 s2, $0x7  }
0x2d6: {  	s3 =	sand.u32 $0xFFFF0000, s3;
	s2 =	sand.u32 $0x380, s17  }
0x2d7: {  	s2 =	sor.u32 s2, s3  }
0x2d8: {  	s2 =	sshrl.u32 s2, $0x3  }
0x2d9: {  	s4 =	simm.s32 $0x80;
	s2 =	sadd.s32 s1, s2  }
0x2da: {  	s17 =	simm.s32 $0x2780;
	s3 =	simm.s32 $0x2580;
	s7 =	sadd.s32 $0x0, s2  }
.LBB2_105:
0x2db: {  	[tilespmem:s3], [sflag:$0x1] =	stream.linear.gather [hbm4b:s7+s5], $0x80, $0x38;
	[tilespmem:$0x1A480] =	vst v63  }
0x2dc: {  	s7 =	smov.u32 s4;
	s3 =	smov.u32 s17;
	p0 =	seq.s32 s4, $0x1F80  }
.Ltmp63:
0x2dd: {  	s4 =	sadd.s32 $0x80, s4;
	(pc) =	sbr.rel @!p0 .LBB2_105-.Ltmp63, $2  }
0x2de: {  	_ =	sdelay $0x2  }
0x2df: {  	s17 =	sadd.s32 $0x200, s17;
	s7 =	sadd.s32 s7, s2  }
0x2e0: {  	[tilespmem:s3], [sflag:$0x1] =	stream.linear.gather [hbm4b:s7+s5], $0x80, $0x38;
	[tilespmem:$0x1A480] =	vst v63  }
.LBB2_110:
0x2e1: {  	v9 =	vsel vm15, $0x80000000, v9  }
0x2e2: {  	v9 =	vxor.u32 $0x80000000, v9  }
0x2e3: {  	(xrf0) =	vmax.scan.msk.u32 $0xffff, v9;
	_ =	sdelay $0x5  }
0x2e4: {  	v9, _, _ =	vpop (xrf0)  }
0x2e5: {  	(v2sf) =	vpush v9, $0xF;
	_ =	sdelay $0xe  }
0x2e6: {  	s2 =	spop (v2sf)  }
0x2e7: {  	p0 =	sgt.s32 s2, $0xFFFFFFFF  }
.Ltmp64:
0x2e8: {  	_ = 	snop;
	(pc) =	sbr.rel @!p0 .LBB2_111-.Ltmp64, $1  }
0x2e9: {  	_ =	sdelay $0x3  }
0x2ea: {  	v8 =	vsel vm15, $0x80000000, v8  }
0x2eb: {  	v8 =	vxor.u32 $0x80000000, v8  }
0x2ec: {  	(xrf0) =	vmax.scan.msk.u32 $0xffff, v8;
	_ =	sdelay $0x5  }
0x2ed: {  	v8, _, _ =	vpop (xrf0)  }
0x2ee: {  	(v2sf) =	vpush v8, $0xF;
	_ =	sdelay $0xe  }
0x2ef: {  	s2 =	spop (v2sf)  }
0x2f0: {  	s3 =	sshll.u32 s2, $0xD;
	s2 =	sshll.u32 s2, $0x7  }
0x2f1: {  	s3 =	sand.u32 $0xFFFF0000, s3;
	s2 =	sand.u32 $0x380, s2  }
0x2f2: {  	s2 =	sor.u32 s2, s3  }
0x2f3: {  	s2 =	sshrl.u32 s2, $0x3  }
0x2f4: {  	s4 =	simm.s32 $0x80;
	s2 =	sadd.s32 s0, s2  }
0x2f5: {  	s17 =	simm.s32 $0x2800;
	s3 =	simm.s32 $0x2600;
	s7 =	sadd.s32 $0x0, s2  }
.LBB2_115:
0x2f6: {  	[tilespmem:s3], [sflag:$0x1] =	stream.linear.gather [hbm4b:s7+s5], $0x80, $0x38;
	[tilespmem:$0x1A480] =	vst v63  }
0x2f7: {  	s7 =	smov.u32 s4;
	s3 =	smov.u32 s17;
	p0 =	sne.s32 s4, $0x1F80  }
.Ltmp65:
0x2f8: {  	s4 =	sadd.s32 $0x80, s4;
	(pc) =	sbr.rel @p0 .LBB2_115-.Ltmp65, $2  }
0x2f9: {  	_ =	sdelay $0x2  }
0x2fa: {  	s17 =	sadd.s32 $0x200, s17;
	s7 =	sadd.s32 s7, s2  }
.Ltmp66:
0x2fb: {  	(pc) =	sbr.rel .LBB2_117-.Ltmp66, $2  }
0x2fc: {  	_ =	sdelay $0x2  }
0x2fd: {  	[tilespmem:s3], [sflag:$0x1] =	stream.linear.gather [hbm4b:s7+s5], $0x80, $0x38;
	[tilespmem:$0x1A480] =	vst v63  }
.LBB2_111:
0x2fe: {  	s3 =	sshll.u32 s2, $0xD;
	s17 =	sshll.u32 s2, $0x7  }
0x2ff: {  	s3 =	sand.u32 $0xFFFF0000, s3;
	s2 =	sand.u32 $0x380, s17  }
0x300: {  	s2 =	sor.u32 s2, s3  }
0x301: {  	s2 =	sshrl.u32 s2, $0x3  }
0x302: {  	s4 =	simm.s32 $0x80;
	s2 =	sadd.s32 s1, s2  }
0x303: {  	s17 =	simm.s32 $0x2800;
	s3 =	simm.s32 $0x2600;
	s7 =	sadd.s32 $0x0, s2  }
.LBB2_112:
0x304: {  	[tilespmem:s3], [sflag:$0x1] =	stream.linear.gather [hbm4b:s7+s5], $0x80, $0x38;
	[tilespmem:$0x1A480] =	vst v63  }
0x305: {  	s7 =	smov.u32 s4;
	s3 =	smov.u32 s17;
	p0 =	seq.s32 s4, $0x1F80  }
.Ltmp67:
0x306: {  	s4 =	sadd.s32 $0x80, s4;
	(pc) =	sbr.rel @!p0 .LBB2_112-.Ltmp67, $2  }
0x307: {  	_ =	sdelay $0x2  }
0x308: {  	s17 =	sadd.s32 $0x200, s17;
	s7 =	sadd.s32 s7, s2  }
0x309: {  	[tilespmem:s3], [sflag:$0x1] =	stream.linear.gather [hbm4b:s7+s5], $0x80, $0x38;
	[tilespmem:$0x1A480] =	vst v63  }
.LBB2_117:
0x30a: {  	_ =	swait.ge [sflag:s24], $0x8000  }
0x30b: {  	[sflag:s24] =	ssyncset.done $0x0  }
0x30c: {  	[sflag:s24] =	ssyncadd.s32 $0xFFFF8000  }
0x30d: {  	v8 =	vnsel vm0, $0x80000000, v7;
	[hbm4b:s8+s20] =	stream.strided.scatter [tilespmem:s25], [sflag:$0x5], $0x8000, s21, s20, $0x38;
	[tilespmem:$0x1A480] =	vst v63  }
0x30e: {  	v8 =	vxor.u32 $0x80000000, v8;
	_ =	swait.ge [sflag:s26], $0x8000  }
0x30f: {  	(xrf0) =	vmax.scan.msk.u32 $0xffff, v8;
	_ =	sdelay $0x5  }
0x310: {  	v8, _, _ =	vpop (xrf0)  }
0x311: {  	(v2sf) =	vpush v8, $0xF;
	_ =	sdelay $0xe  }
0x312: {  	s2 =	spop (v2sf)  }
0x313: {  	p0 =	sgt.s32 s2, $0xFFFFFFFF  }
.Ltmp68:
0x314: {  	_ = 	snop;
	(pc) =	sbr.rel @!p0 .LBB2_118-.Ltmp68, $3  }
0x315: {  	_ =	sdelay $0x1  }
0x316: {  	[sflag:s26] =	ssyncset.done $0x0  }
0x317: {  	[sflag:s26] =	ssyncadd.s32 $0xFFFF8000  }
0x318: {  	v8 =	vnsel vm0, $0x80000000, v6  }
0x319: {  	v8 =	vxor.u32 $0x80000000, v8  }
0x31a: {  	(xrf0) =	vmax.scan.msk.u32 $0xffff, v8;
	_ =	sdelay $0x5  }
0x31b: {  	v8, _, _ =	vpop (xrf0)  }
0x31c: {  	(v2sf) =	vpush v8, $0xF;
	_ =	sdelay $0xe  }
0x31d: {  	s2 =	spop (v2sf)  }
0x31e: {  	s3 =	sshll.u32 s2, $0xD;
	s2 =	sshll.u32 s2, $0x7  }
0x31f: {  	s3 =	sand.u32 $0xFFFF0000, s3;
	s2 =	sand.u32 $0x380, s2  }
0x320: {  	s2 =	sor.u32 s2, s3  }
0x321: {  	s2 =	sshrl.u32 s2, $0x3  }
0x322: {  	s4 =	simm.s32 $0x80;
	s2 =	sadd.s32 s0, s2  }
0x323: {  	s17 =	simm.s32 $0xA680;
	s3 =	simm.s32 $0xA480;
	s7 =	sadd.s32 $0x0, s2  }
.LBB2_122:
0x324: {  	[tilespmem:s3], [sflag:$0x2] =	stream.linear.gather [hbm4b:s7+s5], $0x80, $0x38;
	[tilespmem:$0x1A480] =	vst v63  }
0x325: {  	s7 =	smov.u32 s4;
	s3 =	smov.u32 s17;
	p0 =	sne.s32 s4, $0x1F80  }
.Ltmp69:
0x326: {  	s4 =	sadd.s32 $0x80, s4;
	(pc) =	sbr.rel @p0 .LBB2_122-.Ltmp69, $2  }
0x327: {  	_ =	sdelay $0x2  }
0x328: {  	s17 =	sadd.s32 $0x200, s17;
	s7 =	sadd.s32 s7, s2  }
.Ltmp70:
0x329: {  	(pc) =	sbr.rel .LBB2_124-.Ltmp70, $2  }
0x32a: {  	_ =	sdelay $0x2  }
0x32b: {  	[tilespmem:s3], [sflag:$0x2] =	stream.linear.gather [hbm4b:s7+s5], $0x80, $0x38;
	[tilespmem:$0x1A480] =	vst v63  }
.LBB2_118:
0x32c: {  	s3 =	sshll.u32 s2, $0xD;
	s17 =	sshll.u32 s2, $0x7  }
0x32d: {  	s3 =	sand.u32 $0xFFFF0000, s3;
	s2 =	sand.u32 $0x380, s17  }
0x32e: {  	s2 =	sor.u32 s2, s3  }
0x32f: {  	s2 =	sshrl.u32 s2, $0x3  }
0x330: {  	s4 =	simm.s32 $0x80;
	s2 =	sadd.s32 s1, s2  }
0x331: {  	s17 =	simm.s32 $0xA680;
	s3 =	simm.s32 $0xA480;
	s7 =	sadd.s32 $0x0, s2  }
.LBB2_119:
0x332: {  	[tilespmem:s3], [sflag:$0x2] =	stream.linear.gather [hbm4b:s7+s5], $0x80, $0x38;
	[tilespmem:$0x1A480] =	vst v63  }
0x333: {  	s7 =	smov.u32 s4;
	s3 =	smov.u32 s17;
	p0 =	seq.s32 s4, $0x1F80  }
.Ltmp71:
0x334: {  	s4 =	sadd.s32 $0x80, s4;
	(pc) =	sbr.rel @!p0 .LBB2_119-.Ltmp71, $2  }
0x335: {  	_ =	sdelay $0x2  }
0x336: {  	s17 =	sadd.s32 $0x200, s17;
	s7 =	sadd.s32 s7, s2  }
0x337: {  	[tilespmem:s3], [sflag:$0x2] =	stream.linear.gather [hbm4b:s7+s5], $0x80, $0x38;
	[tilespmem:$0x1A480] =	vst v63  }
.LBB2_124:
0x338: {  	v8 =	vsel vm1, $0x80000000, v7  }
0x339: {  	v8 =	vxor.u32 $0x80000000, v8  }
0x33a: {  	(xrf0) =	vmax.scan.msk.u32 $0xffff, v8;
	_ =	sdelay $0x5  }
0x33b: {  	v8, _, _ =	vpop (xrf0)  }
0x33c: {  	(v2sf) =	vpush v8, $0xF;
	_ =	sdelay $0xe  }
0x33d: {  	s2 =	spop (v2sf)  }
0x33e: {  	p0 =	sgt.s32 s2, $0xFFFFFFFF  }
.Ltmp72:
0x33f: {  	_ = 	snop;
	(pc) =	sbr.rel @!p0 .LBB2_125-.Ltmp72, $1  }
0x340: {  	_ =	sdelay $0x3  }
0x341: {  	v8 =	vsel vm1, $0x80000000, v6  }
0x342: {  	v8 =	vxor.u32 $0x80000000, v8  }
0x343: {  	(xrf0) =	vmax.scan.msk.u32 $0xffff, v8;
	_ =	sdelay $0x5  }
0x344: {  	v8, _, _ =	vpop (xrf0)  }
0x345: {  	(v2sf) =	vpush v8, $0xF;
	_ =	sdelay $0xe  }
0x346: {  	s2 =	spop (v2sf)  }
0x347: {  	s3 =	sshll.u32 s2, $0xD;
	s2 =	sshll.u32 s2, $0x7  }
0x348: {  	s3 =	sand.u32 $0xFFFF0000, s3;
	s2 =	sand.u32 $0x380, s2  }
0x349: {  	s2 =	sor.u32 s2, s3  }
0x34a: {  	s2 =	sshrl.u32 s2, $0x3  }
0x34b: {  	s4 =	simm.s32 $0x80;
	s2 =	sadd.s32 s0, s2  }
0x34c: {  	s17 =	simm.s32 $0xA700;
	s3 =	simm.s32 $0xA500;
	s7 =	sadd.s32 $0x0, s2  }
.LBB2_129:
0x34d: {  	[tilespmem:s3], [sflag:$0x2] =	stream.linear.gather [hbm4b:s7+s5], $0x80, $0x38;
	[tilespmem:$0x1A480] =	vst v63  }
0x34e: {  	s7 =	smov.u32 s4;
	s3 =	smov.u32 s17;
	p0 =	sne.s32 s4, $0x1F80  }
.Ltmp73:
0x34f: {  	s4 =	sadd.s32 $0x80, s4;
	(pc) =	sbr.rel @p0 .LBB2_129-.Ltmp73, $2  }
0x350: {  	_ =	sdelay $0x2  }
0x351: {  	s17 =	sadd.s32 $0x200, s17;
	s7 =	sadd.s32 s7, s2  }
.Ltmp74:
0x352: {  	(pc) =	sbr.rel .LBB2_131-.Ltmp74, $2  }
0x353: {  	_ =	sdelay $0x2  }
0x354: {  	[tilespmem:s3], [sflag:$0x2] =	stream.linear.gather [hbm4b:s7+s5], $0x80, $0x38;
	[tilespmem:$0x1A480] =	vst v63  }
.LBB2_125:
0x355: {  	s3 =	sshll.u32 s2, $0xD;
	s17 =	sshll.u32 s2, $0x7  }
0x356: {  	s3 =	sand.u32 $0xFFFF0000, s3;
	s2 =	sand.u32 $0x380, s17  }
0x357: {  	s2 =	sor.u32 s2, s3  }
0x358: {  	s2 =	sshrl.u32 s2, $0x3  }
0x359: {  	s4 =	simm.s32 $0x80;
	s2 =	sadd.s32 s1, s2  }
0x35a: {  	s17 =	simm.s32 $0xA700;
	s3 =	simm.s32 $0xA500;
	s7 =	sadd.s32 $0x0, s2  }
.LBB2_126:
0x35b: {  	[tilespmem:s3], [sflag:$0x2] =	stream.linear.gather [hbm4b:s7+s5], $0x80, $0x38;
	[tilespmem:$0x1A480] =	vst v63  }
0x35c: {  	s7 =	smov.u32 s4;
	s3 =	smov.u32 s17;
	p0 =	seq.s32 s4, $0x1F80  }
.Ltmp75:
0x35d: {  	s4 =	sadd.s32 $0x80, s4;
	(pc) =	sbr.rel @!p0 .LBB2_126-.Ltmp75, $2  }
0x35e: {  	_ =	sdelay $0x2  }
0x35f: {  	s17 =	sadd.s32 $0x200, s17;
	s7 =	sadd.s32 s7, s2  }
0x360: {  	[tilespmem:s3], [sflag:$0x2] =	stream.linear.gather [hbm4b:s7+s5], $0x80, $0x38;
	[tilespmem:$0x1A480] =	vst v63  }
.LBB2_131:
0x361: {  	v8 =	vsel vm2, $0x80000000, v7  }
0x362: {  	v8 =	vxor.u32 $0x80000000, v8  }
0x363: {  	(xrf0) =	vmax.scan.msk.u32 $0xffff, v8;
	_ =	sdelay $0x5  }
0x364: {  	v8, _, _ =	vpop (xrf0)  }
0x365: {  	(v2sf) =	vpush v8, $0xF;
	_ =	sdelay $0xe  }
0x366: {  	s2 =	spop (v2sf)  }
0x367: {  	p0 =	sgt.s32 s2, $0xFFFFFFFF  }
.Ltmp76:
0x368: {  	_ = 	snop;
	(pc) =	sbr.rel @!p0 .LBB2_132-.Ltmp76, $1  }
0x369: {  	_ =	sdelay $0x3  }
0x36a: {  	v8 =	vsel vm2, $0x80000000, v6  }
0x36b: {  	v8 =	vxor.u32 $0x80000000, v8  }
0x36c: {  	(xrf0) =	vmax.scan.msk.u32 $0xffff, v8;
	_ =	sdelay $0x5  }
0x36d: {  	v8, _, _ =	vpop (xrf0)  }
0x36e: {  	(v2sf) =	vpush v8, $0xF;
	_ =	sdelay $0xe  }
0x36f: {  	s2 =	spop (v2sf)  }
0x370: {  	s3 =	sshll.u32 s2, $0xD;
	s2 =	sshll.u32 s2, $0x7  }
0x371: {  	s3 =	sand.u32 $0xFFFF0000, s3;
	s2 =	sand.u32 $0x380, s2  }
0x372: {  	s2 =	sor.u32 s2, s3  }
0x373: {  	s2 =	sshrl.u32 s2, $0x3  }
0x374: {  	s4 =	simm.s32 $0x80;
	s2 =	sadd.s32 s0, s2  }
0x375: {  	s17 =	simm.s32 $0xA780;
	s3 =	simm.s32 $0xA580;
	s7 =	sadd.s32 $0x0, s2  }
.LBB2_136:
0x376: {  	[tilespmem:s3], [sflag:$0x2] =	stream.linear.gather [hbm4b:s7+s5], $0x80, $0x38;
	[tilespmem:$0x1A480] =	vst v63  }
0x377: {  	s7 =	smov.u32 s4;
	s3 =	smov.u32 s17;
	p0 =	sne.s32 s4, $0x1F80  }
.Ltmp77:
0x378: {  	s4 =	sadd.s32 $0x80, s4;
	(pc) =	sbr.rel @p0 .LBB2_136-.Ltmp77, $2  }
0x379: {  	_ =	sdelay $0x2  }
0x37a: {  	s17 =	sadd.s32 $0x200, s17;
	s7 =	sadd.s32 s7, s2  }
.Ltmp78:
0x37b: {  	(pc) =	sbr.rel .LBB2_138-.Ltmp78, $2  }
0x37c: {  	_ =	sdelay $0x2  }
0x37d: {  	[tilespmem:s3], [sflag:$0x2] =	stream.linear.gather [hbm4b:s7+s5], $0x80, $0x38;
	[tilespmem:$0x1A480] =	vst v63  }
.LBB2_132:
0x37e: {  	s3 =	sshll.u32 s2, $0xD;
	s17 =	sshll.u32 s2, $0x7  }
0x37f: {  	s3 =	sand.u32 $0xFFFF0000, s3;
	s2 =	sand.u32 $0x380, s17  }
0x380: {  	s2 =	sor.u32 s2, s3  }
0x381: {  	s2 =	sshrl.u32 s2, $0x3  }
0x382: {  	s4 =	simm.s32 $0x80;
	s2 =	sadd.s32 s1, s2  }
0x383: {  	s17 =	simm.s32 $0xA780;
	s3 =	simm.s32 $0xA580;
	s7 =	sadd.s32 $0x0, s2  }
.LBB2_133:
0x384: {  	[tilespmem:s3], [sflag:$0x2] =	stream.linear.gather [hbm4b:s7+s5], $0x80, $0x38;
	[tilespmem:$0x1A480] =	vst v63  }
0x385: {  	s7 =	smov.u32 s4;
	s3 =	smov.u32 s17;
	p0 =	seq.s32 s4, $0x1F80  }
.Ltmp79:
0x386: {  	s4 =	sadd.s32 $0x80, s4;
	(pc) =	sbr.rel @!p0 .LBB2_133-.Ltmp79, $2  }
0x387: {  	_ =	sdelay $0x2  }
0x388: {  	s17 =	sadd.s32 $0x200, s17;
	s7 =	sadd.s32 s7, s2  }
0x389: {  	[tilespmem:s3], [sflag:$0x2] =	stream.linear.gather [hbm4b:s7+s5], $0x80, $0x38;
	[tilespmem:$0x1A480] =	vst v63  }
.LBB2_138:
0x38a: {  	v8 =	vsel vm3, $0x80000000, v7  }
0x38b: {  	v8 =	vxor.u32 $0x80000000, v8  }
0x38c: {  	(xrf0) =	vmax.scan.msk.u32 $0xffff, v8;
	_ =	sdelay $0x5  }
0x38d: {  	v8, _, _ =	vpop (xrf0)  }
0x38e: {  	(v2sf) =	vpush v8, $0xF;
	_ =	sdelay $0xe  }
0x38f: {  	s2 =	spop (v2sf)  }
0x390: {  	p0 =	sgt.s32 s2, $0xFFFFFFFF  }
.Ltmp80:
0x391: {  	_ = 	snop;
	(pc) =	sbr.rel @!p0 .LBB2_139-.Ltmp80, $1  }
0x392: {  	_ =	sdelay $0x3  }
0x393: {  	v8 =	vsel vm3, $0x80000000, v6  }
0x394: {  	v8 =	vxor.u32 $0x80000000, v8  }
0x395: {  	(xrf0) =	vmax.scan.msk.u32 $0xffff, v8;
	_ =	sdelay $0x5  }
0x396: {  	v8, _, _ =	vpop (xrf0)  }
0x397: {  	(v2sf) =	vpush v8, $0xF;
	_ =	sdelay $0xe  }
0x398: {  	s2 =	spop (v2sf)  }
0x399: {  	s3 =	sshll.u32 s2, $0xD;
	s2 =	sshll.u32 s2, $0x7  }
0x39a: {  	s3 =	sand.u32 $0xFFFF0000, s3;
	s2 =	sand.u32 $0x380, s2  }
0x39b: {  	s2 =	sor.u32 s2, s3  }
0x39c: {  	s2 =	sshrl.u32 s2, $0x3  }
0x39d: {  	s4 =	simm.s32 $0x80;
	s2 =	sadd.s32 s0, s2  }
0x39e: {  	s17 =	simm.s32 $0xA800;
	s3 =	simm.s32 $0xA600;
	s7 =	sadd.s32 $0x0, s2  }
.LBB2_143:
0x39f: {  	[tilespmem:s3], [sflag:$0x2] =	stream.linear.gather [hbm4b:s7+s5], $0x80, $0x38;
	[tilespmem:$0x1A480] =	vst v63  }
0x3a0: {  	s7 =	smov.u32 s4;
	s3 =	smov.u32 s17;
	p0 =	sne.s32 s4, $0x1F80  }
.Ltmp81:
0x3a1: {  	s4 =	sadd.s32 $0x80, s4;
	(pc) =	sbr.rel @p0 .LBB2_143-.Ltmp81, $2  }
0x3a2: {  	_ =	sdelay $0x2  }
0x3a3: {  	s17 =	sadd.s32 $0x200, s17;
	s7 =	sadd.s32 s7, s2  }
.Ltmp82:
0x3a4: {  	(pc) =	sbr.rel .LBB2_145-.Ltmp82, $2  }
0x3a5: {  	_ =	sdelay $0x2  }
0x3a6: {  	[tilespmem:s3], [sflag:$0x2] =	stream.linear.gather [hbm4b:s7+s5], $0x80, $0x38;
	[tilespmem:$0x1A480] =	vst v63  }
.LBB2_139:
0x3a7: {  	s3 =	sshll.u32 s2, $0xD;
	s17 =	sshll.u32 s2, $0x7  }
0x3a8: {  	s3 =	sand.u32 $0xFFFF0000, s3;
	s2 =	sand.u32 $0x380, s17  }
0x3a9: {  	s2 =	sor.u32 s2, s3  }
0x3aa: {  	s2 =	sshrl.u32 s2, $0x3  }
0x3ab: {  	s4 =	simm.s32 $0x80;
	s2 =	sadd.s32 s1, s2  }
0x3ac: {  	s17 =	simm.s32 $0xA800;
	s3 =	simm.s32 $0xA600;
	s7 =	sadd.s32 $0x0, s2  }
.LBB2_140:
0x3ad: {  	[tilespmem:s3], [sflag:$0x2] =	stream.linear.gather [hbm4b:s7+s5], $0x80, $0x38;
	[tilespmem:$0x1A480] =	vst v63  }
0x3ae: {  	s7 =	smov.u32 s4;
	s3 =	smov.u32 s17;
	p0 =	seq.s32 s4, $0x1F80  }
.Ltmp83:
0x3af: {  	s4 =	sadd.s32 $0x80, s4;
	(pc) =	sbr.rel @!p0 .LBB2_140-.Ltmp83, $2  }
0x3b0: {  	_ =	sdelay $0x2  }
0x3b1: {  	s17 =	sadd.s32 $0x200, s17;
	s7 =	sadd.s32 s7, s2  }
0x3b2: {  	[tilespmem:s3], [sflag:$0x2] =	stream.linear.gather [hbm4b:s7+s5], $0x80, $0x38;
	[tilespmem:$0x1A480] =	vst v63  }
.LBB2_145:
0x3b3: {  	_ =	swait.ge [sflag:s28], $0x8000  }
0x3b4: {  	[sflag:s28] =	ssyncset.done $0x0  }
0x3b5: {  	[sflag:s28] =	ssyncadd.s32 $0xFFFF8000  }
0x3b6: {  	v8 =	vsel vm4, $0x80000000, v7;
	[hbm4b:s9+s20] =	stream.strided.scatter [tilespmem:s29], [sflag:$0x6], $0x8000, s21, s20, $0x38;
	[tilespmem:$0x1A480] =	vst v63  }
0x3b7: {  	v8 =	vxor.u32 $0x80000000, v8;
	_ =	swait.ge [sflag:s30], $0x8000  }
0x3b8: {  	(xrf0) =	vmax.scan.msk.u32 $0xffff, v8;
	_ =	sdelay $0x5  }
0x3b9: {  	v8, _, _ =	vpop (xrf0)  }
0x3ba: {  	(v2sf) =	vpush v8, $0xF;
	_ =	sdelay $0xe  }
0x3bb: {  	s2 =	spop (v2sf)  }
0x3bc: {  	p0 =	sgt.s32 s2, $0xFFFFFFFF  }
.Ltmp84:
0x3bd: {  	_ = 	snop;
	(pc) =	sbr.rel @!p0 .LBB2_146-.Ltmp84, $3  }
0x3be: {  	_ =	sdelay $0x1  }
0x3bf: {  	[sflag:s30] =	ssyncset.done $0x0  }
0x3c0: {  	[sflag:s30] =	ssyncadd.s32 $0xFFFF8000  }
0x3c1: {  	v8 =	vsel vm4, $0x80000000, v6  }
0x3c2: {  	v8 =	vxor.u32 $0x80000000, v8  }
0x3c3: {  	(xrf0) =	vmax.scan.msk.u32 $0xffff, v8;
	_ =	sdelay $0x5  }
0x3c4: {  	v8, _, _ =	vpop (xrf0)  }
0x3c5: {  	(v2sf) =	vpush v8, $0xF;
	_ =	sdelay $0xe  }
0x3c6: {  	s2 =	spop (v2sf)  }
0x3c7: {  	s3 =	sshll.u32 s2, $0xD;
	s2 =	sshll.u32 s2, $0x7  }
0x3c8: {  	s3 =	sand.u32 $0xFFFF0000, s3;
	s2 =	sand.u32 $0x380, s2  }
0x3c9: {  	s2 =	sor.u32 s2, s3  }
0x3ca: {  	s2 =	sshrl.u32 s2, $0x3  }
0x3cb: {  	s4 =	simm.s32 $0x80;
	s2 =	sadd.s32 s0, s2  }
0x3cc: {  	s17 =	simm.s32 $0x12680;
	s3 =	simm.s32 $0x12480;
	s7 =	sadd.s32 $0x0, s2  }
.LBB2_150:
0x3cd: {  	[tilespmem:s3], [sflag:$0x3] =	stream.linear.gather [hbm4b:s7+s5], $0x80, $0x38;
	[tilespmem:$0x1A480] =	vst v63  }
0x3ce: {  	s7 =	smov.u32 s4;
	s3 =	smov.u32 s17;
	p0 =	sne.s32 s4, $0x1F80  }
.Ltmp85:
0x3cf: {  	s4 =	sadd.s32 $0x80, s4;
	(pc) =	sbr.rel @p0 .LBB2_150-.Ltmp85, $2  }
0x3d0: {  	_ =	sdelay $0x2  }
0x3d1: {  	s17 =	sadd.s32 $0x200, s17;
	s7 =	sadd.s32 s7, s2  }
.Ltmp86:
0x3d2: {  	(pc) =	sbr.rel .LBB2_152-.Ltmp86, $2  }
0x3d3: {  	_ =	sdelay $0x2  }
0x3d4: {  	[tilespmem:s3], [sflag:$0x3] =	stream.linear.gather [hbm4b:s7+s5], $0x80, $0x38;
	[tilespmem:$0x1A480] =	vst v63  }
.LBB2_146:
0x3d5: {  	s3 =	sshll.u32 s2, $0xD;
	s17 =	sshll.u32 s2, $0x7  }
0x3d6: {  	s3 =	sand.u32 $0xFFFF0000, s3;
	s2 =	sand.u32 $0x380, s17  }
0x3d7: {  	s2 =	sor.u32 s2, s3  }
0x3d8: {  	s2 =	sshrl.u32 s2, $0x3  }
0x3d9: {  	s4 =	simm.s32 $0x80;
	s2 =	sadd.s32 s1, s2  }
0x3da: {  	s17 =	simm.s32 $0x12680;
	s3 =	simm.s32 $0x12480;
	s7 =	sadd.s32 $0x0, s2  }
.LBB2_147:
0x3db: {  	[tilespmem:s3], [sflag:$0x3] =	stream.linear.gather [hbm4b:s7+s5], $0x80, $0x38;
	[tilespmem:$0x1A480] =	vst v63  }
0x3dc: {  	s7 =	smov.u32 s4;
	s3 =	smov.u32 s17;
	p0 =	seq.s32 s4, $0x1F80  }
.Ltmp87:
0x3dd: {  	s4 =	sadd.s32 $0x80, s4;
	(pc) =	sbr.rel @!p0 .LBB2_147-.Ltmp87, $2  }
0x3de: {  	_ =	sdelay $0x2  }
0x3df: {  	s17 =	sadd.s32 $0x200, s17;
	s7 =	sadd.s32 s7, s2  }
0x3e0: {  	[tilespmem:s3], [sflag:$0x3] =	stream.linear.gather [hbm4b:s7+s5], $0x80, $0x38;
	[tilespmem:$0x1A480] =	vst v63  }
.LBB2_152:
0x3e1: {  	v8 =	vsel vm5, $0x80000000, v7  }
0x3e2: {  	v8 =	vxor.u32 $0x80000000, v8  }
0x3e3: {  	(xrf0) =	vmax.scan.msk.u32 $0xffff, v8;
	_ =	sdelay $0x5  }
0x3e4: {  	v8, _, _ =	vpop (xrf0)  }
0x3e5: {  	(v2sf) =	vpush v8, $0xF;
	_ =	sdelay $0xe  }
0x3e6: {  	s2 =	spop (v2sf)  }
0x3e7: {  	p0 =	sgt.s32 s2, $0xFFFFFFFF  }
.Ltmp88:
0x3e8: {  	_ = 	snop;
	(pc) =	sbr.rel @!p0 .LBB2_153-.Ltmp88, $1  }
0x3e9: {  	_ =	sdelay $0x3  }
0x3ea: {  	v8 =	vsel vm5, $0x80000000, v6  }
0x3eb: {  	v8 =	vxor.u32 $0x80000000, v8  }
0x3ec: {  	(xrf0) =	vmax.scan.msk.u32 $0xffff, v8;
	_ =	sdelay $0x5  }
0x3ed: {  	v8, _, _ =	vpop (xrf0)  }
0x3ee: {  	(v2sf) =	vpush v8, $0xF;
	_ =	sdelay $0xe  }
0x3ef: {  	s2 =	spop (v2sf)  }
0x3f0: {  	s3 =	sshll.u32 s2, $0xD;
	s2 =	sshll.u32 s2, $0x7  }
0x3f1: {  	s3 =	sand.u32 $0xFFFF0000, s3;
	s2 =	sand.u32 $0x380, s2  }
0x3f2: {  	s2 =	sor.u32 s2, s3  }
0x3f3: {  	s2 =	sshrl.u32 s2, $0x3  }
0x3f4: {  	s4 =	simm.s32 $0x80;
	s2 =	sadd.s32 s0, s2  }
0x3f5: {  	s17 =	simm.s32 $0x12700;
	s3 =	simm.s32 $0x12500;
	s7 =	sadd.s32 $0x0, s2  }
.LBB2_157:
0x3f6: {  	[tilespmem:s3], [sflag:$0x3] =	stream.linear.gather [hbm4b:s7+s5], $0x80, $0x38;
	[tilespmem:$0x1A480] =	vst v63  }
0x3f7: {  	s7 =	smov.u32 s4;
	s3 =	smov.u32 s17;
	p0 =	sne.s32 s4, $0x1F80  }
.Ltmp89:
0x3f8: {  	s4 =	sadd.s32 $0x80, s4;
	(pc) =	sbr.rel @p0 .LBB2_157-.Ltmp89, $2  }
0x3f9: {  	_ =	sdelay $0x2  }
0x3fa: {  	s17 =	sadd.s32 $0x200, s17;
	s7 =	sadd.s32 s7, s2  }
.Ltmp90:
0x3fb: {  	(pc) =	sbr.rel .LBB2_159-.Ltmp90, $2  }
0x3fc: {  	_ =	sdelay $0x2  }
0x3fd: {  	[tilespmem:s3], [sflag:$0x3] =	stream.linear.gather [hbm4b:s7+s5], $0x80, $0x38;
	[tilespmem:$0x1A480] =	vst v63  }
.LBB2_153:
0x3fe: {  	s3 =	sshll.u32 s2, $0xD;
	s17 =	sshll.u32 s2, $0x7  }
0x3ff: {  	s3 =	sand.u32 $0xFFFF0000, s3;
	s2 =	sand.u32 $0x380, s17  }
0x400: {  	s2 =	sor.u32 s2, s3  }
0x401: {  	s2 =	sshrl.u32 s2, $0x3  }
0x402: {  	s4 =	simm.s32 $0x80;
	s2 =	sadd.s32 s1, s2  }
0x403: {  	s17 =	simm.s32 $0x12700;
	s3 =	simm.s32 $0x12500;
	s7 =	sadd.s32 $0x0, s2  }
.LBB2_154:
0x404: {  	[tilespmem:s3], [sflag:$0x3] =	stream.linear.gather [hbm4b:s7+s5], $0x80, $0x38;
	[tilespmem:$0x1A480] =	vst v63  }
0x405: {  	s7 =	smov.u32 s4;
	s3 =	smov.u32 s17;
	p0 =	seq.s32 s4, $0x1F80  }
.Ltmp91:
0x406: {  	s4 =	sadd.s32 $0x80, s4;
	(pc) =	sbr.rel @!p0 .LBB2_154-.Ltmp91, $2  }
0x407: {  	_ =	sdelay $0x2  }
0x408: {  	s17 =	sadd.s32 $0x200, s17;
	s7 =	sadd.s32 s7, s2  }
0x409: {  	[tilespmem:s3], [sflag:$0x3] =	stream.linear.gather [hbm4b:s7+s5], $0x80, $0x38;
	[tilespmem:$0x1A480] =	vst v63  }
.LBB2_159:
0x40a: {  	v8 =	vsel vm6, $0x80000000, v7  }
0x40b: {  	v8 =	vxor.u32 $0x80000000, v8  }
0x40c: {  	(xrf0) =	vmax.scan.msk.u32 $0xffff, v8;
	_ =	sdelay $0x5  }
0x40d: {  	v8, _, _ =	vpop (xrf0)  }
0x40e: {  	(v2sf) =	vpush v8, $0xF;
	_ =	sdelay $0xe  }
0x40f: {  	s2 =	spop (v2sf)  }
0x410: {  	p0 =	sgt.s32 s2, $0xFFFFFFFF  }
.Ltmp92:
0x411: {  	_ = 	snop;
	(pc) =	sbr.rel @!p0 .LBB2_160-.Ltmp92, $1  }
0x412: {  	_ =	sdelay $0x3  }
0x413: {  	v8 =	vsel vm6, $0x80000000, v6  }
0x414: {  	v8 =	vxor.u32 $0x80000000, v8  }
0x415: {  	(xrf0) =	vmax.scan.msk.u32 $0xffff, v8;
	_ =	sdelay $0x5  }
0x416: {  	v8, _, _ =	vpop (xrf0)  }
0x417: {  	(v2sf) =	vpush v8, $0xF;
	_ =	sdelay $0xe  }
0x418: {  	s2 =	spop (v2sf)  }
0x419: {  	s3 =	sshll.u32 s2, $0xD;
	s2 =	sshll.u32 s2, $0x7  }
0x41a: {  	s3 =	sand.u32 $0xFFFF0000, s3;
	s2 =	sand.u32 $0x380, s2  }
0x41b: {  	s2 =	sor.u32 s2, s3  }
0x41c: {  	s2 =	sshrl.u32 s2, $0x3  }
0x41d: {  	s4 =	simm.s32 $0x80;
	s2 =	sadd.s32 s0, s2  }
0x41e: {  	s17 =	simm.s32 $0x12780;
	s3 =	simm.s32 $0x12580;
	s7 =	sadd.s32 $0x0, s2  }
.LBB2_164:
0x41f: {  	[tilespmem:s3], [sflag:$0x3] =	stream.linear.gather [hbm4b:s7+s5], $0x80, $0x38;
	[tilespmem:$0x1A480] =	vst v63  }
0x420: {  	s7 =	smov.u32 s4;
	s3 =	smov.u32 s17;
	p0 =	sne.s32 s4, $0x1F80  }
.Ltmp93:
0x421: {  	s4 =	sadd.s32 $0x80, s4;
	(pc) =	sbr.rel @p0 .LBB2_164-.Ltmp93, $2  }
0x422: {  	_ =	sdelay $0x2  }
0x423: {  	s17 =	sadd.s32 $0x200, s17;
	s7 =	sadd.s32 s7, s2  }
.Ltmp94:
0x424: {  	(pc) =	sbr.rel .LBB2_166-.Ltmp94, $2  }
0x425: {  	_ =	sdelay $0x2  }
0x426: {  	[tilespmem:s3], [sflag:$0x3] =	stream.linear.gather [hbm4b:s7+s5], $0x80, $0x38;
	[tilespmem:$0x1A480] =	vst v63  }
.LBB2_160:
0x427: {  	s3 =	sshll.u32 s2, $0xD;
	s17 =	sshll.u32 s2, $0x7  }
0x428: {  	s3 =	sand.u32 $0xFFFF0000, s3;
	s2 =	sand.u32 $0x380, s17  }
0x429: {  	s2 =	sor.u32 s2, s3  }
0x42a: {  	s2 =	sshrl.u32 s2, $0x3  }
0x42b: {  	s4 =	simm.s32 $0x80;
	s2 =	sadd.s32 s1, s2  }
0x42c: {  	s17 =	simm.s32 $0x12780;
	s3 =	simm.s32 $0x12580;
	s7 =	sadd.s32 $0x0, s2  }
.LBB2_161:
0x42d: {  	[tilespmem:s3], [sflag:$0x3] =	stream.linear.gather [hbm4b:s7+s5], $0x80, $0x38;
	[tilespmem:$0x1A480] =	vst v63  }
0x42e: {  	s7 =	smov.u32 s4;
	s3 =	smov.u32 s17;
	p0 =	seq.s32 s4, $0x1F80  }
.Ltmp95:
0x42f: {  	s4 =	sadd.s32 $0x80, s4;
	(pc) =	sbr.rel @!p0 .LBB2_161-.Ltmp95, $2  }
0x430: {  	_ =	sdelay $0x2  }
0x431: {  	s17 =	sadd.s32 $0x200, s17;
	s7 =	sadd.s32 s7, s2  }
0x432: {  	[tilespmem:s3], [sflag:$0x3] =	stream.linear.gather [hbm4b:s7+s5], $0x80, $0x38;
	[tilespmem:$0x1A480] =	vst v63  }
.LBB2_166:
0x433: {  	v8 =	vsel vm7, $0x80000000, v7  }
0x434: {  	v8 =	vxor.u32 $0x80000000, v8  }
0x435: {  	(xrf0) =	vmax.scan.msk.u32 $0xffff, v8;
	_ =	sdelay $0x5  }
0x436: {  	v8, _, _ =	vpop (xrf0)  }
0x437: {  	(v2sf) =	vpush v8, $0xF;
	_ =	sdelay $0xe  }
0x438: {  	s2 =	spop (v2sf)  }
0x439: {  	p0 =	sgt.s32 s2, $0xFFFFFFFF  }
.Ltmp96:
0x43a: {  	_ = 	snop;
	(pc) =	sbr.rel @!p0 .LBB2_167-.Ltmp96, $1  }
0x43b: {  	_ =	sdelay $0x3  }
0x43c: {  	v8 =	vsel vm7, $0x80000000, v6  }
0x43d: {  	v8 =	vxor.u32 $0x80000000, v8  }
0x43e: {  	(xrf0) =	vmax.scan.msk.u32 $0xffff, v8;
	_ =	sdelay $0x5  }
0x43f: {  	v8, _, _ =	vpop (xrf0)  }
0x440: {  	(v2sf) =	vpush v8, $0xF;
	_ =	sdelay $0xe  }
0x441: {  	s2 =	spop (v2sf)  }
0x442: {  	s3 =	sshll.u32 s2, $0xD;
	s2 =	sshll.u32 s2, $0x7  }
0x443: {  	s3 =	sand.u32 $0xFFFF0000, s3;
	s2 =	sand.u32 $0x380, s2  }
0x444: {  	s2 =	sor.u32 s2, s3  }
0x445: {  	s2 =	sshrl.u32 s2, $0x3  }
0x446: {  	s4 =	simm.s32 $0x80;
	s2 =	sadd.s32 s0, s2  }
0x447: {  	s17 =	simm.s32 $0x12800;
	s3 =	simm.s32 $0x12600;
	s7 =	sadd.s32 $0x0, s2  }
.LBB2_171:
0x448: {  	[tilespmem:s3], [sflag:$0x3] =	stream.linear.gather [hbm4b:s7+s5], $0x80, $0x38;
	[tilespmem:$0x1A480] =	vst v63  }
0x449: {  	s7 =	smov.u32 s4;
	s3 =	smov.u32 s17;
	p0 =	sne.s32 s4, $0x1F80  }
.Ltmp97:
0x44a: {  	s4 =	sadd.s32 $0x80, s4;
	(pc) =	sbr.rel @p0 .LBB2_171-.Ltmp97, $2  }
0x44b: {  	_ =	sdelay $0x2  }
0x44c: {  	s17 =	sadd.s32 $0x200, s17;
	s7 =	sadd.s32 s7, s2  }
.Ltmp98:
0x44d: {  	(pc) =	sbr.rel .LBB2_173-.Ltmp98, $2  }
0x44e: {  	_ =	sdelay $0x2  }
0x44f: {  	[tilespmem:s3], [sflag:$0x3] =	stream.linear.gather [hbm4b:s7+s5], $0x80, $0x38;
	[tilespmem:$0x1A480] =	vst v63  }
.LBB2_167:
0x450: {  	s3 =	sshll.u32 s2, $0xD;
	s17 =	sshll.u32 s2, $0x7  }
0x451: {  	s3 =	sand.u32 $0xFFFF0000, s3;
	s2 =	sand.u32 $0x380, s17  }
0x452: {  	s2 =	sor.u32 s2, s3  }
0x453: {  	s2 =	sshrl.u32 s2, $0x3  }
0x454: {  	s4 =	simm.s32 $0x80;
	s2 =	sadd.s32 s1, s2  }
0x455: {  	s17 =	simm.s32 $0x12800;
	s3 =	simm.s32 $0x12600;
	s7 =	sadd.s32 $0x0, s2  }
.LBB2_168:
0x456: {  	[tilespmem:s3], [sflag:$0x3] =	stream.linear.gather [hbm4b:s7+s5], $0x80, $0x38;
	[tilespmem:$0x1A480] =	vst v63  }
0x457: {  	s7 =	smov.u32 s4;
	s3 =	smov.u32 s17;
	p0 =	seq.s32 s4, $0x1F80  }
.Ltmp99:
0x458: {  	s4 =	sadd.s32 $0x80, s4;
	(pc) =	sbr.rel @!p0 .LBB2_168-.Ltmp99, $2  }
0x459: {  	_ =	sdelay $0x2  }
0x45a: {  	s17 =	sadd.s32 $0x200, s17;
	s7 =	sadd.s32 s7, s2  }
0x45b: {  	[tilespmem:s3], [sflag:$0x3] =	stream.linear.gather [hbm4b:s7+s5], $0x80, $0x38;
	[tilespmem:$0x1A480] =	vst v63  }
.LBB2_173:
0x45c: {  	_ =	swait.ge [sflag:s19], $0x8000  }
0x45d: {  	[sflag:s19] =	ssyncset.done $0x0  }
0x45e: {  	[sflag:s19] =	ssyncadd.s32 $0xFFFF8000  }
0x45f: {  	v8 =	vsel vm8, $0x80000000, v7;
	[hbm4b:s10+s20] =	stream.strided.scatter [tilespmem:s22], [sflag:$0x4], $0x8000, s21, s20, $0x38;
	[tilespmem:$0x1A480] =	vst v63  }
0x460: {  	v8 =	vxor.u32 $0x80000000, v8;
	_ =	swait.ge [sflag:s23], $0x8000  }
0x461: {  	(xrf0) =	vmax.scan.msk.u32 $0xffff, v8;
	_ =	sdelay $0x5  }
0x462: {  	v8, _, _ =	vpop (xrf0)  }
0x463: {  	(v2sf) =	vpush v8, $0xF;
	_ =	sdelay $0xe  }
0x464: {  	s2 =	spop (v2sf)  }
0x465: {  	p0 =	sgt.s32 s2, $0xFFFFFFFF  }
.Ltmp100:
0x466: {  	_ = 	snop;
	(pc) =	sbr.rel @!p0 .LBB2_174-.Ltmp100, $3  }
0x467: {  	_ =	sdelay $0x1  }
0x468: {  	[sflag:s23] =	ssyncset.done $0x0  }
0x469: {  	[sflag:s23] =	ssyncadd.s32 $0xFFFF8000  }
0x46a: {  	v8 =	vsel vm8, $0x80000000, v6  }
0x46b: {  	v8 =	vxor.u32 $0x80000000, v8  }
0x46c: {  	(xrf0) =	vmax.scan.msk.u32 $0xffff, v8;
	_ =	sdelay $0x5  }
0x46d: {  	v8, _, _ =	vpop (xrf0)  }
0x46e: {  	(v2sf) =	vpush v8, $0xF;
	_ =	sdelay $0xe  }
0x46f: {  	s2 =	spop (v2sf)  }
0x470: {  	s3 =	sshll.u32 s2, $0xD;
	s2 =	sshll.u32 s2, $0x7  }
0x471: {  	s3 =	sand.u32 $0xFFFF0000, s3;
	s2 =	sand.u32 $0x380, s2  }
0x472: {  	s2 =	sor.u32 s2, s3  }
0x473: {  	s2 =	sshrl.u32 s2, $0x3  }
0x474: {  	s4 =	simm.s32 $0x80;
	s2 =	sadd.s32 s0, s2  }
0x475: {  	s17 =	simm.s32 $0x2680;
	s3 =	simm.s32 $0x2480;
	s7 =	sadd.s32 $0x0, s2  }
.LBB2_178:
0x476: {  	[tilespmem:s3], [sflag:$0x1] =	stream.linear.gather [hbm4b:s7+s5], $0x80, $0x38;
	[tilespmem:$0x1A480] =	vst v63  }
0x477: {  	s7 =	smov.u32 s4;
	s3 =	smov.u32 s17;
	p0 =	sne.s32 s4, $0x1F80  }
.Ltmp101:
0x478: {  	s4 =	sadd.s32 $0x80, s4;
	(pc) =	sbr.rel @p0 .LBB2_178-.Ltmp101, $2  }
0x479: {  	_ =	sdelay $0x2  }
0x47a: {  	s17 =	sadd.s32 $0x200, s17;
	s7 =	sadd.s32 s7, s2  }
.Ltmp102:
0x47b: {  	(pc) =	sbr.rel .LBB2_180-.Ltmp102, $2  }
0x47c: {  	_ =	sdelay $0x2  }
0x47d: {  	[tilespmem:s3], [sflag:$0x1] =	stream.linear.gather [hbm4b:s7+s5], $0x80, $0x38;
	[tilespmem:$0x1A480] =	vst v63  }
.LBB2_174:
0x47e: {  	s3 =	sshll.u32 s2, $0xD;
	s17 =	sshll.u32 s2, $0x7  }
0x47f: {  	s3 =	sand.u32 $0xFFFF0000, s3;
	s2 =	sand.u32 $0x380, s17  }
0x480: {  	s2 =	sor.u32 s2, s3  }
0x481: {  	s2 =	sshrl.u32 s2, $0x3  }
0x482: {  	s4 =	simm.s32 $0x80;
	s2 =	sadd.s32 s1, s2  }
0x483: {  	s17 =	simm.s32 $0x2680;
	s3 =	simm.s32 $0x2480;
	s7 =	sadd.s32 $0x0, s2  }
.LBB2_175:
0x484: {  	[tilespmem:s3], [sflag:$0x1] =	stream.linear.gather [hbm4b:s7+s5], $0x80, $0x38;
	[tilespmem:$0x1A480] =	vst v63  }
0x485: {  	s7 =	smov.u32 s4;
	s3 =	smov.u32 s17;
	p0 =	seq.s32 s4, $0x1F80  }
.Ltmp103:
0x486: {  	s4 =	sadd.s32 $0x80, s4;
	(pc) =	sbr.rel @!p0 .LBB2_175-.Ltmp103, $2  }
0x487: {  	_ =	sdelay $0x2  }
0x488: {  	s17 =	sadd.s32 $0x200, s17;
	s7 =	sadd.s32 s7, s2  }
0x489: {  	[tilespmem:s3], [sflag:$0x1] =	stream.linear.gather [hbm4b:s7+s5], $0x80, $0x38;
	[tilespmem:$0x1A480] =	vst v63  }
.LBB2_180:
0x48a: {  	v8 =	vsel vm9, $0x80000000, v7  }
0x48b: {  	v8 =	vxor.u32 $0x80000000, v8  }
0x48c: {  	(xrf0) =	vmax.scan.msk.u32 $0xffff, v8;
	_ =	sdelay $0x5  }
0x48d: {  	v8, _, _ =	vpop (xrf0)  }
0x48e: {  	(v2sf) =	vpush v8, $0xF;
	_ =	sdelay $0xe  }
0x48f: {  	s2 =	spop (v2sf)  }
0x490: {  	p0 =	sgt.s32 s2, $0xFFFFFFFF  }
.Ltmp104:
0x491: {  	_ = 	snop;
	(pc) =	sbr.rel @!p0 .LBB2_181-.Ltmp104, $1  }
0x492: {  	_ =	sdelay $0x3  }
0x493: {  	v8 =	vsel vm9, $0x80000000, v6  }
0x494: {  	v8 =	vxor.u32 $0x80000000, v8  }
0x495: {  	(xrf0) =	vmax.scan.msk.u32 $0xffff, v8;
	_ =	sdelay $0x5  }
0x496: {  	v8, _, _ =	vpop (xrf0)  }
0x497: {  	(v2sf) =	vpush v8, $0xF;
	_ =	sdelay $0xe  }
0x498: {  	s2 =	spop (v2sf)  }
0x499: {  	s3 =	sshll.u32 s2, $0xD;
	s2 =	sshll.u32 s2, $0x7  }
0x49a: {  	s3 =	sand.u32 $0xFFFF0000, s3;
	s2 =	sand.u32 $0x380, s2  }
0x49b: {  	s2 =	sor.u32 s2, s3  }
0x49c: {  	s2 =	sshrl.u32 s2, $0x3  }
0x49d: {  	s4 =	simm.s32 $0x80;
	s2 =	sadd.s32 s0, s2  }
0x49e: {  	s17 =	simm.s32 $0x2700;
	s3 =	simm.s32 $0x2500;
	s7 =	sadd.s32 $0x0, s2  }
.LBB2_185:
0x49f: {  	[tilespmem:s3], [sflag:$0x1] =	stream.linear.gather [hbm4b:s7+s5], $0x80, $0x38;
	[tilespmem:$0x1A480] =	vst v63  }
0x4a0: {  	s7 =	smov.u32 s4;
	s3 =	smov.u32 s17;
	p0 =	sne.s32 s4, $0x1F80  }
.Ltmp105:
0x4a1: {  	s4 =	sadd.s32 $0x80, s4;
	(pc) =	sbr.rel @p0 .LBB2_185-.Ltmp105, $2  }
0x4a2: {  	_ =	sdelay $0x2  }
0x4a3: {  	s17 =	sadd.s32 $0x200, s17;
	s7 =	sadd.s32 s7, s2  }
.Ltmp106:
0x4a4: {  	(pc) =	sbr.rel .LBB2_187-.Ltmp106, $2  }
0x4a5: {  	_ =	sdelay $0x2  }
0x4a6: {  	[tilespmem:s3], [sflag:$0x1] =	stream.linear.gather [hbm4b:s7+s5], $0x80, $0x38;
	[tilespmem:$0x1A480] =	vst v63  }
.LBB2_181:
0x4a7: {  	s3 =	sshll.u32 s2, $0xD;
	s17 =	sshll.u32 s2, $0x7  }
0x4a8: {  	s3 =	sand.u32 $0xFFFF0000, s3;
	s2 =	sand.u32 $0x380, s17  }
0x4a9: {  	s2 =	sor.u32 s2, s3  }
0x4aa: {  	s2 =	sshrl.u32 s2, $0x3  }
0x4ab: {  	s4 =	simm.s32 $0x80;
	s2 =	sadd.s32 s1, s2  }
0x4ac: {  	s17 =	simm.s32 $0x2700;
	s3 =	simm.s32 $0x2500;
	s7 =	sadd.s32 $0x0, s2  }
.LBB2_182:
0x4ad: {  	[tilespmem:s3], [sflag:$0x1] =	stream.linear.gather [hbm4b:s7+s5], $0x80, $0x38;
	[tilespmem:$0x1A480] =	vst v63  }
0x4ae: {  	s7 =	smov.u32 s4;
	s3 =	smov.u32 s17;
	p0 =	seq.s32 s4, $0x1F80  }
.Ltmp107:
0x4af: {  	s4 =	sadd.s32 $0x80, s4;
	(pc) =	sbr.rel @!p0 .LBB2_182-.Ltmp107, $2  }
0x4b0: {  	_ =	sdelay $0x2  }
0x4b1: {  	s17 =	sadd.s32 $0x200, s17;
	s7 =	sadd.s32 s7, s2  }
0x4b2: {  	[tilespmem:s3], [sflag:$0x1] =	stream.linear.gather [hbm4b:s7+s5], $0x80, $0x38;
	[tilespmem:$0x1A480] =	vst v63  }
.LBB2_187:
0x4b3: {  	v8 =	vsel vm10, $0x80000000, v7  }
0x4b4: {  	v8 =	vxor.u32 $0x80000000, v8  }
0x4b5: {  	(xrf0) =	vmax.scan.msk.u32 $0xffff, v8;
	_ =	sdelay $0x5  }
0x4b6: {  	v8, _, _ =	vpop (xrf0)  }
0x4b7: {  	(v2sf) =	vpush v8, $0xF;
	_ =	sdelay $0xe  }
0x4b8: {  	s2 =	spop (v2sf)  }
0x4b9: {  	p0 =	sgt.s32 s2, $0xFFFFFFFF  }
.Ltmp108:
0x4ba: {  	_ = 	snop;
	(pc) =	sbr.rel @!p0 .LBB2_188-.Ltmp108, $1  }
0x4bb: {  	_ =	sdelay $0x3  }
0x4bc: {  	v8 =	vsel vm10, $0x80000000, v6  }
0x4bd: {  	v8 =	vxor.u32 $0x80000000, v8  }
0x4be: {  	(xrf0) =	vmax.scan.msk.u32 $0xffff, v8;
	_ =	sdelay $0x5  }
0x4bf: {  	v8, _, _ =	vpop (xrf0)  }
0x4c0: {  	(v2sf) =	vpush v8, $0xF;
	_ =	sdelay $0xe  }
0x4c1: {  	s2 =	spop (v2sf)  }
0x4c2: {  	s3 =	sshll.u32 s2, $0xD;
	s2 =	sshll.u32 s2, $0x7  }
0x4c3: {  	s3 =	sand.u32 $0xFFFF0000, s3;
	s2 =	sand.u32 $0x380, s2  }
0x4c4: {  	s2 =	sor.u32 s2, s3  }
0x4c5: {  	s2 =	sshrl.u32 s2, $0x3  }
0x4c6: {  	s4 =	simm.s32 $0x80;
	s2 =	sadd.s32 s0, s2  }
0x4c7: {  	s17 =	simm.s32 $0x2780;
	s3 =	simm.s32 $0x2580;
	s7 =	sadd.s32 $0x0, s2  }
.LBB2_192:
0x4c8: {  	[tilespmem:s3], [sflag:$0x1] =	stream.linear.gather [hbm4b:s7+s5], $0x80, $0x38;
	[tilespmem:$0x1A480] =	vst v63  }
0x4c9: {  	s7 =	smov.u32 s4;
	s3 =	smov.u32 s17;
	p0 =	sne.s32 s4, $0x1F80  }
.Ltmp109:
0x4ca: {  	s4 =	sadd.s32 $0x80, s4;
	(pc) =	sbr.rel @p0 .LBB2_192-.Ltmp109, $2  }
0x4cb: {  	_ =	sdelay $0x2  }
0x4cc: {  	s17 =	sadd.s32 $0x200, s17;
	s7 =	sadd.s32 s7, s2  }
.Ltmp110:
0x4cd: {  	(pc) =	sbr.rel .LBB2_194-.Ltmp110, $2  }
0x4ce: {  	_ =	sdelay $0x2  }
0x4cf: {  	[tilespmem:s3], [sflag:$0x1] =	stream.linear.gather [hbm4b:s7+s5], $0x80, $0x38;
	[tilespmem:$0x1A480] =	vst v63  }
.LBB2_188:
0x4d0: {  	s3 =	sshll.u32 s2, $0xD;
	s17 =	sshll.u32 s2, $0x7  }
0x4d1: {  	s3 =	sand.u32 $0xFFFF0000, s3;
	s2 =	sand.u32 $0x380, s17  }
0x4d2: {  	s2 =	sor.u32 s2, s3  }
0x4d3: {  	s2 =	sshrl.u32 s2, $0x3  }
0x4d4: {  	s4 =	simm.s32 $0x80;
	s2 =	sadd.s32 s1, s2  }
0x4d5: {  	s17 =	simm.s32 $0x2780;
	s3 =	simm.s32 $0x2580;
	s7 =	sadd.s32 $0x0, s2  }
.LBB2_189:
0x4d6: {  	[tilespmem:s3], [sflag:$0x1] =	stream.linear.gather [hbm4b:s7+s5], $0x80, $0x38;
	[tilespmem:$0x1A480] =	vst v63  }
0x4d7: {  	s7 =	smov.u32 s4;
	s3 =	smov.u32 s17;
	p0 =	seq.s32 s4, $0x1F80  }
.Ltmp111:
0x4d8: {  	s4 =	sadd.s32 $0x80, s4;
	(pc) =	sbr.rel @!p0 .LBB2_189-.Ltmp111, $2  }
0x4d9: {  	_ =	sdelay $0x2  }
0x4da: {  	s17 =	sadd.s32 $0x200, s17;
	s7 =	sadd.s32 s7, s2  }
0x4db: {  	[tilespmem:s3], [sflag:$0x1] =	stream.linear.gather [hbm4b:s7+s5], $0x80, $0x38;
	[tilespmem:$0x1A480] =	vst v63  }
.LBB2_194:
0x4dc: {  	v8 =	vsel vm11, $0x80000000, v7  }
0x4dd: {  	v8 =	vxor.u32 $0x80000000, v8  }
0x4de: {  	(xrf0) =	vmax.scan.msk.u32 $0xffff, v8;
	_ =	sdelay $0x5  }
0x4df: {  	v8, _, _ =	vpop (xrf0)  }
0x4e0: {  	(v2sf) =	vpush v8, $0xF;
	_ =	sdelay $0xe  }
0x4e1: {  	s2 =	spop (v2sf)  }
0x4e2: {  	p0 =	sgt.s32 s2, $0xFFFFFFFF  }
.Ltmp112:
0x4e3: {  	_ = 	snop;
	(pc) =	sbr.rel @!p0 .LBB2_195-.Ltmp112, $1  }
0x4e4: {  	_ =	sdelay $0x3  }
0x4e5: {  	v8 =	vsel vm11, $0x80000000, v6  }
0x4e6: {  	v8 =	vxor.u32 $0x80000000, v8  }
0x4e7: {  	(xrf0) =	vmax.scan.msk.u32 $0xffff, v8;
	_ =	sdelay $0x5  }
0x4e8: {  	v8, _, _ =	vpop (xrf0)  }
0x4e9: {  	(v2sf) =	vpush v8, $0xF;
	_ =	sdelay $0xe  }
0x4ea: {  	s2 =	spop (v2sf)  }
0x4eb: {  	s3 =	sshll.u32 s2, $0xD;
	s2 =	sshll.u32 s2, $0x7  }
0x4ec: {  	s3 =	sand.u32 $0xFFFF0000, s3;
	s2 =	sand.u32 $0x380, s2  }
0x4ed: {  	s2 =	sor.u32 s2, s3  }
0x4ee: {  	s2 =	sshrl.u32 s2, $0x3  }
0x4ef: {  	s4 =	simm.s32 $0x80;
	s2 =	sadd.s32 s0, s2  }
0x4f0: {  	s17 =	simm.s32 $0x2800;
	s3 =	simm.s32 $0x2600;
	s7 =	sadd.s32 $0x0, s2  }
.LBB2_199:
0x4f1: {  	[tilespmem:s3], [sflag:$0x1] =	stream.linear.gather [hbm4b:s7+s5], $0x80, $0x38;
	[tilespmem:$0x1A480] =	vst v63  }
0x4f2: {  	s7 =	smov.u32 s4;
	s3 =	smov.u32 s17;
	p0 =	sne.s32 s4, $0x1F80  }
.Ltmp113:
0x4f3: {  	s4 =	sadd.s32 $0x80, s4;
	(pc) =	sbr.rel @p0 .LBB2_199-.Ltmp113, $2  }
0x4f4: {  	_ =	sdelay $0x2  }
0x4f5: {  	s17 =	sadd.s32 $0x200, s17;
	s7 =	sadd.s32 s7, s2  }
.Ltmp114:
0x4f6: {  	(pc) =	sbr.rel .LBB2_201-.Ltmp114, $2  }
0x4f7: {  	_ =	sdelay $0x2  }
0x4f8: {  	[tilespmem:s3], [sflag:$0x1] =	stream.linear.gather [hbm4b:s7+s5], $0x80, $0x38;
	[tilespmem:$0x1A480] =	vst v63  }
.LBB2_195:
0x4f9: {  	s3 =	sshll.u32 s2, $0xD;
	s17 =	sshll.u32 s2, $0x7  }
0x4fa: {  	s3 =	sand.u32 $0xFFFF0000, s3;
	s2 =	sand.u32 $0x380, s17  }
0x4fb: {  	s2 =	sor.u32 s2, s3  }
0x4fc: {  	s2 =	sshrl.u32 s2, $0x3  }
0x4fd: {  	s4 =	simm.s32 $0x80;
	s2 =	sadd.s32 s1, s2  }
0x4fe: {  	s17 =	simm.s32 $0x2800;
	s3 =	simm.s32 $0x2600;
	s7 =	sadd.s32 $0x0, s2  }
.LBB2_196:
0x4ff: {  	[tilespmem:s3], [sflag:$0x1] =	stream.linear.gather [hbm4b:s7+s5], $0x80, $0x38;
	[tilespmem:$0x1A480] =	vst v63  }
0x500: {  	s7 =	smov.u32 s4;
	s3 =	smov.u32 s17;
	p0 =	seq.s32 s4, $0x1F80  }
.Ltmp115:
0x501: {  	s4 =	sadd.s32 $0x80, s4;
	(pc) =	sbr.rel @!p0 .LBB2_196-.Ltmp115, $2  }
0x502: {  	_ =	sdelay $0x2  }
0x503: {  	s17 =	sadd.s32 $0x200, s17;
	s7 =	sadd.s32 s7, s2  }
0x504: {  	[tilespmem:s3], [sflag:$0x1] =	stream.linear.gather [hbm4b:s7+s5], $0x80, $0x38;
	[tilespmem:$0x1A480] =	vst v63  }
.LBB2_201:
0x505: {  	_ =	swait.ge [sflag:s24], $0x8000  }
0x506: {  	[sflag:s24] =	ssyncset.done $0x0  }
0x507: {  	[sflag:s24] =	ssyncadd.s32 $0xFFFF8000  }
0x508: {  	v8 =	vsel vm12, $0x80000000, v7;
	[hbm4b:s11+s20] =	stream.strided.scatter [tilespmem:s25], [sflag:$0x5], $0x8000, s21, s20, $0x38;
	[tilespmem:$0x1A480] =	vst v63  }
0x509: {  	v8 =	vxor.u32 $0x80000000, v8;
	_ =	swait.ge [sflag:s26], $0x8000  }
0x50a: {  	(xrf0) =	vmax.scan.msk.u32 $0xffff, v8;
	_ =	sdelay $0x5  }
0x50b: {  	v8, _, _ =	vpop (xrf0)  }
0x50c: {  	(v2sf) =	vpush v8, $0xF;
	_ =	sdelay $0xe  }
0x50d: {  	s2 =	spop (v2sf)  }
0x50e: {  	p0 =	sgt.s32 s2, $0xFFFFFFFF  }
.Ltmp116:
0x50f: {  	_ = 	snop;
	(pc) =	sbr.rel @!p0 .LBB2_202-.Ltmp116, $3  }
0x510: {  	_ =	sdelay $0x1  }
0x511: {  	[sflag:s26] =	ssyncset.done $0x0  }
0x512: {  	[sflag:s26] =	ssyncadd.s32 $0xFFFF8000  }
0x513: {  	v8 =	vsel vm12, $0x80000000, v6  }
0x514: {  	v8 =	vxor.u32 $0x80000000, v8  }
0x515: {  	(xrf0) =	vmax.scan.msk.u32 $0xffff, v8;
	_ =	sdelay $0x5  }
0x516: {  	v8, _, _ =	vpop (xrf0)  }
0x517: {  	(v2sf) =	vpush v8, $0xF;
	_ =	sdelay $0xe  }
0x518: {  	s2 =	spop (v2sf)  }
0x519: {  	s3 =	sshll.u32 s2, $0xD;
	s2 =	sshll.u32 s2, $0x7  }
0x51a: {  	s3 =	sand.u32 $0xFFFF0000, s3;
	s2 =	sand.u32 $0x380, s2  }
0x51b: {  	s2 =	sor.u32 s2, s3  }
0x51c: {  	s2 =	sshrl.u32 s2, $0x3  }
0x51d: {  	s4 =	simm.s32 $0x80;
	s2 =	sadd.s32 s0, s2  }
0x51e: {  	s17 =	simm.s32 $0xA680;
	s3 =	simm.s32 $0xA480;
	s7 =	sadd.s32 $0x0, s2  }
.LBB2_206:
0x51f: {  	[tilespmem:s3], [sflag:$0x2] =	stream.linear.gather [hbm4b:s7+s5], $0x80, $0x38;
	[tilespmem:$0x1A480] =	vst v63  }
0x520: {  	s7 =	smov.u32 s4;
	s3 =	smov.u32 s17;
	p0 =	sne.s32 s4, $0x1F80  }
.Ltmp117:
0x521: {  	s4 =	sadd.s32 $0x80, s4;
	(pc) =	sbr.rel @p0 .LBB2_206-.Ltmp117, $2  }
0x522: {  	_ =	sdelay $0x2  }
0x523: {  	s17 =	sadd.s32 $0x200, s17;
	s7 =	sadd.s32 s7, s2  }
.Ltmp118:
0x524: {  	(pc) =	sbr.rel .LBB2_208-.Ltmp118, $2  }
0x525: {  	_ =	sdelay $0x2  }
0x526: {  	[tilespmem:s3], [sflag:$0x2] =	stream.linear.gather [hbm4b:s7+s5], $0x80, $0x38;
	[tilespmem:$0x1A480] =	vst v63  }
.LBB2_202:
0x527: {  	s3 =	sshll.u32 s2, $0xD;
	s17 =	sshll.u32 s2, $0x7  }
0x528: {  	s3 =	sand.u32 $0xFFFF0000, s3;
	s2 =	sand.u32 $0x380, s17  }
0x529: {  	s2 =	sor.u32 s2, s3  }
0x52a: {  	s2 =	sshrl.u32 s2, $0x3  }
0x52b: {  	s4 =	simm.s32 $0x80;
	s2 =	sadd.s32 s1, s2  }
0x52c: {  	s17 =	simm.s32 $0xA680;
	s3 =	simm.s32 $0xA480;
	s7 =	sadd.s32 $0x0, s2  }
.LBB2_203:
0x52d: {  	[tilespmem:s3], [sflag:$0x2] =	stream.linear.gather [hbm4b:s7+s5], $0x80, $0x38;
	[tilespmem:$0x1A480] =	vst v63  }
0x52e: {  	s7 =	smov.u32 s4;
	s3 =	smov.u32 s17;
	p0 =	seq.s32 s4, $0x1F80  }
.Ltmp119:
0x52f: {  	s4 =	sadd.s32 $0x80, s4;
	(pc) =	sbr.rel @!p0 .LBB2_203-.Ltmp119, $2  }
0x530: {  	_ =	sdelay $0x2  }
0x531: {  	s17 =	sadd.s32 $0x200, s17;
	s7 =	sadd.s32 s7, s2  }
0x532: {  	[tilespmem:s3], [sflag:$0x2] =	stream.linear.gather [hbm4b:s7+s5], $0x80, $0x38;
	[tilespmem:$0x1A480] =	vst v63  }
.LBB2_208:
0x533: {  	v8 =	vsel vm13, $0x80000000, v7  }
0x534: {  	v8 =	vxor.u32 $0x80000000, v8  }
0x535: {  	(xrf0) =	vmax.scan.msk.u32 $0xffff, v8;
	_ =	sdelay $0x5  }
0x536: {  	v8, _, _ =	vpop (xrf0)  }
0x537: {  	(v2sf) =	vpush v8, $0xF;
	_ =	sdelay $0xe  }
0x538: {  	s2 =	spop (v2sf)  }
0x539: {  	p0 =	sgt.s32 s2, $0xFFFFFFFF  }
.Ltmp120:
0x53a: {  	_ = 	snop;
	(pc) =	sbr.rel @!p0 .LBB2_209-.Ltmp120, $1  }
0x53b: {  	_ =	sdelay $0x3  }
0x53c: {  	v8 =	vsel vm13, $0x80000000, v6  }
0x53d: {  	v8 =	vxor.u32 $0x80000000, v8  }
0x53e: {  	(xrf0) =	vmax.scan.msk.u32 $0xffff, v8;
	_ =	sdelay $0x5  }
0x53f: {  	v8, _, _ =	vpop (xrf0)  }
0x540: {  	(v2sf) =	vpush v8, $0xF;
	_ =	sdelay $0xe  }
0x541: {  	s2 =	spop (v2sf)  }
0x542: {  	s3 =	sshll.u32 s2, $0xD;
	s2 =	sshll.u32 s2, $0x7  }
0x543: {  	s3 =	sand.u32 $0xFFFF0000, s3;
	s2 =	sand.u32 $0x380, s2  }
0x544: {  	s2 =	sor.u32 s2, s3  }
0x545: {  	s2 =	sshrl.u32 s2, $0x3  }
0x546: {  	s4 =	simm.s32 $0x80;
	s2 =	sadd.s32 s0, s2  }
0x547: {  	s17 =	simm.s32 $0xA700;
	s3 =	simm.s32 $0xA500;
	s7 =	sadd.s32 $0x0, s2  }
.LBB2_213:
0x548: {  	[tilespmem:s3], [sflag:$0x2] =	stream.linear.gather [hbm4b:s7+s5], $0x80, $0x38;
	[tilespmem:$0x1A480] =	vst v63  }
0x549: {  	s7 =	smov.u32 s4;
	s3 =	smov.u32 s17;
	p0 =	sne.s32 s4, $0x1F80  }
.Ltmp121:
0x54a: {  	s4 =	sadd.s32 $0x80, s4;
	(pc) =	sbr.rel @p0 .LBB2_213-.Ltmp121, $2  }
0x54b: {  	_ =	sdelay $0x2  }
0x54c: {  	s17 =	sadd.s32 $0x200, s17;
	s7 =	sadd.s32 s7, s2  }
.Ltmp122:
0x54d: {  	(pc) =	sbr.rel .LBB2_215-.Ltmp122, $2  }
0x54e: {  	_ =	sdelay $0x2  }
0x54f: {  	[tilespmem:s3], [sflag:$0x2] =	stream.linear.gather [hbm4b:s7+s5], $0x80, $0x38;
	[tilespmem:$0x1A480] =	vst v63  }
.LBB2_209:
0x550: {  	s3 =	sshll.u32 s2, $0xD;
	s17 =	sshll.u32 s2, $0x7  }
0x551: {  	s3 =	sand.u32 $0xFFFF0000, s3;
	s2 =	sand.u32 $0x380, s17  }
0x552: {  	s2 =	sor.u32 s2, s3  }
0x553: {  	s2 =	sshrl.u32 s2, $0x3  }
0x554: {  	s4 =	simm.s32 $0x80;
	s2 =	sadd.s32 s1, s2  }
0x555: {  	s17 =	simm.s32 $0xA700;
	s3 =	simm.s32 $0xA500;
	s7 =	sadd.s32 $0x0, s2  }
.LBB2_210:
0x556: {  	[tilespmem:s3], [sflag:$0x2] =	stream.linear.gather [hbm4b:s7+s5], $0x80, $0x38;
	[tilespmem:$0x1A480] =	vst v63  }
0x557: {  	s7 =	smov.u32 s4;
	s3 =	smov.u32 s17;
	p0 =	seq.s32 s4, $0x1F80  }
.Ltmp123:
0x558: {  	s4 =	sadd.s32 $0x80, s4;
	(pc) =	sbr.rel @!p0 .LBB2_210-.Ltmp123, $2  }
0x559: {  	_ =	sdelay $0x2  }
0x55a: {  	s17 =	sadd.s32 $0x200, s17;
	s7 =	sadd.s32 s7, s2  }
0x55b: {  	[tilespmem:s3], [sflag:$0x2] =	stream.linear.gather [hbm4b:s7+s5], $0x80, $0x38;
	[tilespmem:$0x1A480] =	vst v63  }
.LBB2_215:
0x55c: {  	v8 =	vsel vm14, $0x80000000, v7  }
0x55d: {  	v8 =	vxor.u32 $0x80000000, v8  }
0x55e: {  	(xrf0) =	vmax.scan.msk.u32 $0xffff, v8;
	_ =	sdelay $0x5  }
0x55f: {  	v8, _, _ =	vpop (xrf0)  }
0x560: {  	(v2sf) =	vpush v8, $0xF;
	_ =	sdelay $0xe  }
0x561: {  	s2 =	spop (v2sf)  }
0x562: {  	p0 =	sgt.s32 s2, $0xFFFFFFFF  }
.Ltmp124:
0x563: {  	_ = 	snop;
	(pc) =	sbr.rel @!p0 .LBB2_216-.Ltmp124, $1  }
0x564: {  	_ =	sdelay $0x3  }
0x565: {  	v8 =	vsel vm14, $0x80000000, v6  }
0x566: {  	v8 =	vxor.u32 $0x80000000, v8  }
0x567: {  	(xrf0) =	vmax.scan.msk.u32 $0xffff, v8;
	_ =	sdelay $0x5  }
0x568: {  	v8, _, _ =	vpop (xrf0)  }
0x569: {  	(v2sf) =	vpush v8, $0xF;
	_ =	sdelay $0xe  }
0x56a: {  	s2 =	spop (v2sf)  }
0x56b: {  	s3 =	sshll.u32 s2, $0xD;
	s2 =	sshll.u32 s2, $0x7  }
0x56c: {  	s3 =	sand.u32 $0xFFFF0000, s3;
	s2 =	sand.u32 $0x380, s2  }
0x56d: {  	s2 =	sor.u32 s2, s3  }
0x56e: {  	s2 =	sshrl.u32 s2, $0x3  }
0x56f: {  	s4 =	simm.s32 $0x80;
	s2 =	sadd.s32 s0, s2  }
0x570: {  	s17 =	simm.s32 $0xA780;
	s3 =	simm.s32 $0xA580;
	s7 =	sadd.s32 $0x0, s2  }
.LBB2_220:
0x571: {  	[tilespmem:s3], [sflag:$0x2] =	stream.linear.gather [hbm4b:s7+s5], $0x80, $0x38;
	[tilespmem:$0x1A480] =	vst v63  }
0x572: {  	s7 =	smov.u32 s4;
	s3 =	smov.u32 s17;
	p0 =	sne.s32 s4, $0x1F80  }
.Ltmp125:
0x573: {  	s4 =	sadd.s32 $0x80, s4;
	(pc) =	sbr.rel @p0 .LBB2_220-.Ltmp125, $2  }
0x574: {  	_ =	sdelay $0x2  }
0x575: {  	s17 =	sadd.s32 $0x200, s17;
	s7 =	sadd.s32 s7, s2  }
.Ltmp126:
0x576: {  	(pc) =	sbr.rel .LBB2_222-.Ltmp126, $2  }
0x577: {  	_ =	sdelay $0x2  }
0x578: {  	[tilespmem:s3], [sflag:$0x2] =	stream.linear.gather [hbm4b:s7+s5], $0x80, $0x38;
	[tilespmem:$0x1A480] =	vst v63  }
.LBB2_216:
0x579: {  	s3 =	sshll.u32 s2, $0xD;
	s17 =	sshll.u32 s2, $0x7  }
0x57a: {  	s3 =	sand.u32 $0xFFFF0000, s3;
	s2 =	sand.u32 $0x380, s17  }
0x57b: {  	s2 =	sor.u32 s2, s3  }
0x57c: {  	s2 =	sshrl.u32 s2, $0x3  }
0x57d: {  	s4 =	simm.s32 $0x80;
	s2 =	sadd.s32 s1, s2  }
0x57e: {  	s17 =	simm.s32 $0xA780;
	s3 =	simm.s32 $0xA580;
	s7 =	sadd.s32 $0x0, s2  }
.LBB2_217:
0x57f: {  	[tilespmem:s3], [sflag:$0x2] =	stream.linear.gather [hbm4b:s7+s5], $0x80, $0x38;
	[tilespmem:$0x1A480] =	vst v63  }
0x580: {  	s7 =	smov.u32 s4;
	s3 =	smov.u32 s17;
	p0 =	seq.s32 s4, $0x1F80  }
.Ltmp127:
0x581: {  	s4 =	sadd.s32 $0x80, s4;
	(pc) =	sbr.rel @!p0 .LBB2_217-.Ltmp127, $2  }
0x582: {  	_ =	sdelay $0x2  }
0x583: {  	s17 =	sadd.s32 $0x200, s17;
	s7 =	sadd.s32 s7, s2  }
0x584: {  	[tilespmem:s3], [sflag:$0x2] =	stream.linear.gather [hbm4b:s7+s5], $0x80, $0x38;
	[tilespmem:$0x1A480] =	vst v63  }
.LBB2_222:
0x585: {  	v7 =	vsel vm15, $0x80000000, v7  }
0x586: {  	v7 =	vxor.u32 $0x80000000, v7  }
0x587: {  	(xrf0) =	vmax.scan.msk.u32 $0xffff, v7;
	_ =	sdelay $0x5  }
0x588: {  	v7, _, _ =	vpop (xrf0)  }
0x589: {  	(v2sf) =	vpush v7, $0xF;
	_ =	sdelay $0xe  }
0x58a: {  	s2 =	spop (v2sf)  }
0x58b: {  	p0 =	sgt.s32 s2, $0xFFFFFFFF  }
.Ltmp128:
0x58c: {  	_ = 	snop;
	(pc) =	sbr.rel @!p0 .LBB2_223-.Ltmp128, $1  }
0x58d: {  	_ =	sdelay $0x3  }
0x58e: {  	v6 =	vsel vm15, $0x80000000, v6  }
0x58f: {  	v6 =	vxor.u32 $0x80000000, v6  }
0x590: {  	(xrf0) =	vmax.scan.msk.u32 $0xffff, v6;
	_ =	sdelay $0x5  }
0x591: {  	v6, _, _ =	vpop (xrf0)  }
0x592: {  	(v2sf) =	vpush v6, $0xF;
	_ =	sdelay $0xe  }
0x593: {  	s2 =	spop (v2sf)  }
0x594: {  	s3 =	sshll.u32 s2, $0xD;
	s2 =	sshll.u32 s2, $0x7  }
0x595: {  	s3 =	sand.u32 $0xFFFF0000, s3;
	s2 =	sand.u32 $0x380, s2  }
0x596: {  	s2 =	sor.u32 s2, s3  }
0x597: {  	s2 =	sshrl.u32 s2, $0x3  }
0x598: {  	s4 =	simm.s32 $0x80;
	s2 =	sadd.s32 s0, s2  }
0x599: {  	s17 =	simm.s32 $0xA800;
	s3 =	simm.s32 $0xA600;
	s7 =	sadd.s32 $0x0, s2  }
.LBB2_227:
0x59a: {  	[tilespmem:s3], [sflag:$0x2] =	stream.linear.gather [hbm4b:s7+s5], $0x80, $0x38;
	[tilespmem:$0x1A480] =	vst v63  }
0x59b: {  	s7 =	smov.u32 s4;
	s3 =	smov.u32 s17;
	p0 =	sne.s32 s4, $0x1F80  }
.Ltmp129:
0x59c: {  	s4 =	sadd.s32 $0x80, s4;
	(pc) =	sbr.rel @p0 .LBB2_227-.Ltmp129, $2  }
0x59d: {  	_ =	sdelay $0x2  }
0x59e: {  	s17 =	sadd.s32 $0x200, s17;
	s7 =	sadd.s32 s7, s2  }
.Ltmp130:
0x59f: {  	_ = 	snop;
	(pc) =	sbr.rel .LBB2_228-.Ltmp130, $1  }
0x5a0: {  	_ =	sdelay $0x3  }
.LBB2_223:
0x5a1: {  	s3 =	sshll.u32 s2, $0xD;
	s17 =	sshll.u32 s2, $0x7  }
0x5a2: {  	s3 =	sand.u32 $0xFFFF0000, s3;
	s2 =	sand.u32 $0x380, s17  }
0x5a3: {  	s2 =	sor.u32 s2, s3  }
0x5a4: {  	s2 =	sshrl.u32 s2, $0x3  }
0x5a5: {  	s4 =	simm.s32 $0x80;
	s2 =	sadd.s32 s1, s2  }
0x5a6: {  	s17 =	simm.s32 $0xA800;
	s3 =	simm.s32 $0xA600;
	s7 =	sadd.s32 $0x0, s2  }
.LBB2_224:
0x5a7: {  	[tilespmem:s3], [sflag:$0x2] =	stream.linear.gather [hbm4b:s7+s5], $0x80, $0x38;
	[tilespmem:$0x1A480] =	vst v63  }
0x5a8: {  	s7 =	smov.u32 s4;
	s3 =	smov.u32 s17;
	p0 =	seq.s32 s4, $0x1F80  }
.Ltmp131:
0x5a9: {  	s4 =	sadd.s32 $0x80, s4;
	(pc) =	sbr.rel @!p0 .LBB2_224-.Ltmp131, $2  }
0x5aa: {  	_ =	sdelay $0x2  }
0x5ab: {  	s17 =	sadd.s32 $0x200, s17;
	s7 =	sadd.s32 s7, s2  }
.Ltmp132:
0x5ac: {  	(pc) =	sbr.rel .LBB2_229-.Ltmp132, $2  }
0x5ad: {  	_ =	sdelay $0x2  }
0x5ae: {  	[tilespmem:s3], [sflag:$0x2] =	stream.linear.gather [hbm4b:s7+s5], $0x80, $0x38;
	[tilespmem:$0x1A480] =	vst v63  }
.LBB2_230:
0x5af: {  	_ =	sfence.sel $0x180000  }
0x5b0: {  	[bflag:$0x0] =	sbarrier.arrive $0xFFFF  }
0x5b1: {  	_ =	strace $0x90000047  }
0x5b2: {  	s0 =	stileid.u32;
	[bflag:$0x2] =	sbarrier.arrive $0xFFFF  }
0x5b3: {  	p0 =	sne.s32 s0, $0x0;
	s0 =	rddreg [dreg:$0x5]  }
0x5b4: {  	s0 =	sadd.s32 @!p0 $0x100000, s0  }
0x5b5: {  	[sflag:s0] =	ssyncadd.tile.s32 @!p0 $0x1;
	_ =	shalt  }
.Lfunc_end2:
_tile_overlayer_lowered:
.L_overlay_start_2:
0x5b6: {  	(tag) =	ssettag $0x2  }
0x5b7: {  	s0 =	rddreg [dreg:$0x0];
	s2 =	stileid.u32  }
0x5b8: {  	s1 =	rddreg [dreg:$0x1];
	p0 =	sne.s32 s2, $0x0  }
0x5b9: {  	s3 =	rddreg [dreg:$0x2];
	[bflag:$0x3] =	sbarrier.arrive $0xFFFF;
	s2 =	simm.s32 @!p0 $0x1C07  }
0x5ba: {  	[timem:s3], [sflag:s2] =	dma.local @!p0 [hbm:s0], s1  }
0x5bb: {  	s0 =	simm.s32 @!p0 $0x7  }
0x5bc: {  	_ =	swait.ge @!p0 [sflag:s0], s1  }
0x5bd: {  	s1 =	ssub.s32 @!p0 $0x0, s1;
	[sflag:s0] =	ssyncset.done @!p0 $0x0  }
0x5be: {  	[sflag:s0] =	ssyncadd.s32 @!p0 s1  }
0x5bf: {  	[bflag:$0x3] =	sbarrier.arrive $0xFFFF  }
0x5c0: {  	_ =	shalt  }

</sc_bundles>
